<compile_context>
chip_gen: v7x
topology: tpu7x:2x2x1
jax: 0.10.2.dev20260603
libtpu: 0.0.44.dev20260713+nightly
codegen_flags: <defaults>
</compile_context>

<pallas_src>
import functools

import jax
import jax.numpy as jnp
from jax import lax
from jax.experimental import pallas as pl
from jax.experimental.pallas import tpu as pltpu
from jax.experimental.pallas import tpu_sc as plsc

TOP_K_PER_ROW = 64

NW = 32
NB1 = 4096
NB2 = 2048
NB3 = 256
SUBCAP = 2048
CAP = 16 * SUBCAP
SUBCAP2 = 256
CAP2 = 16 * SUBCAP2
SAMPLE_WIN_STRIDE = 8
SAMPLE_VREG_STRIDE = 4
MARGIN = 3

_mesh = functools.partial(
    plsc.VectorSubcoreMesh, core_axis_name="c", subcore_axis_name="s",
    num_cores=2)

_sc_params = pltpu.CompilerParams(needs_layout_passes=False)


def _wid():
    return lax.axis_index("s") * 2 + lax.axis_index("c")


def _zero_i32(ref, n):
    def body(i, _):
        ref[pl.ds(i * 16, 16)] = jnp.zeros((16,), jnp.int32)
        return 0
    lax.fori_loop(0, n // 16, body, 0)


def _zero_f32(ref, n):
    def body(i, _):
        ref[pl.ds(i * 16, 16)] = jnp.zeros((16,), jnp.float32)
        return 0
    lax.fori_loop(0, n // 16, body, 0)


def _extract(vec, lane):
    lanes = lax.iota(jnp.int32, 16)
    return jnp.sum(jnp.where(lanes == lane, vec, 0))


def _rank_search(href, nb, rank):
    nv = nb // 16
    lanes = lax.iota(jnp.int32, 16)

    def body(j, carry):
        found_bin, found_gt, cum_above = carry
        i = nv - 1 - j
        v = href[pl.ds(i * 16, 16)]
        incl = jnp.cumsum(v)
        s = jnp.sum(v)
        gt = cum_above + (s - incl)
        m = (gt < rank) & (gt + v >= rank)
        mi = jnp.where(m, 1, 0)
        hit = jnp.sum(mi)
        lane = jnp.sum(jnp.where(m, lanes, 0))
        gt_at = jnp.sum(jnp.where(m, gt, 0))
        found_bin = jnp.where(hit > 0, i * 16 + lane, found_bin)
        found_gt = jnp.where(hit > 0, gt_at, found_gt)
        return found_bin, found_gt, cum_above + s

    out = lax.fori_loop(0, nv, body,
                        (jnp.int32(0), jnp.int32(0), jnp.int32(0)))
    return out[0], out[1]


def _sc_compact(acts, k):
    B, D = acts.shape
    n = B * D
    rows = B // NW
    WR, WC = 8, 2048
    nwg_r = rows // WR
    nwg_c = D // WC
    nwin = nwg_r * nwg_c
    assert nwin % 2 == 0 or nwin == 1
    wsz = WR * WC
    samp_wins = list(range(0, nwin, SAMPLE_WIN_STRIDE))
    samp_elems = len(samp_wins) * (wsz // (16 * SAMPLE_VREG_STRIDE)) * 16
    r_samp = max(1, -(-(MARGIN * k * samp_elems) // n))

    @functools.partial(
        pl.kernel, mesh=_mesh(),
        compiler_params=pltpu.CompilerParams(needs_layout_passes=False,
                                             use_tc_tiling_on_sc=True),
        out_type=(jax.ShapeDtypeStruct((NW, CAP), jnp.float32),
                  jax.ShapeDtypeStruct((NW, NB1), jnp.int32)),
        scratch_types=[pltpu.VMEM((WR, WC), jnp.float32),
                       pltpu.VMEM((WR, WC), jnp.float32),
                       pltpu.VMEM((CAP,), jnp.float32),
                       pltpu.VMEM((NB1,), jnp.int32),
                       pltpu.SemaphoreType.DMA,
                       pltpu.SemaphoreType.DMA],
    )
    def compact_kernel(acts_hbm, cands_hbm, hist_hbm, win0, win1, vals,
                       hist, sem0, sem1):
        w = _wid()
        row_base = w * rows
        ones = jnp.ones((16,), jnp.int32)
        lanes = lax.iota(jnp.int32, 16)

        def src(g):
            gr = g // nwg_c
            gc = g % nwg_c
            return acts_hbm.at[pl.ds(row_base + gr * WR, WR),
                               pl.ds(gc * WC, WC)]

        _zero_i32(hist, NB1)

        def samp_win(gs, _):
            pltpu.sync_copy(src(gs * SAMPLE_WIN_STRIDE), win0)

            def samp_row(r, _):
                def samp_body(i, _):
                    for u in range(4):
                        c = (i * 4 + u) * SAMPLE_VREG_STRIDE * 16
                        v = win0[r, pl.ds(c, 16)]
                        bits = lax.bitcast_convert_type(v, jnp.int32)
                        b = jnp.right_shift(bits, 19)
                        plsc.addupdate_scatter(hist, [b], ones,
                                               mask=v > 0.0)
                    return 0
                lax.fori_loop(0, WC // (16 * SAMPLE_VREG_STRIDE * 4),
                              samp_body, 0)
                return 0
            lax.fori_loop(0, WR, samp_row, 0)
            return 0
        lax.fori_loop(0, len(samp_wins), samp_win, 0)
        bf, _gt = _rank_search(hist, NB1, jnp.int32(r_samp))
        floor_f = lax.bitcast_convert_type(
            jnp.full((16,), bf * 524288, jnp.int32), jnp.float32)

        _zero_f32(vals, CAP)
        lane_base = lanes * SUBCAP

        def start(g, buf, sem):
            pltpu.async_copy(src(g), buf, sem)

        def wait(g, buf, sem):
            pltpu.make_async_copy(src(g), buf, sem).wait()

        def process(buf, cnt_vec):
            unroll = 8

            def row_step(r, cnt):
                def vec_body(i, cnt):
                    vs, ms, mis = [], [], []
                    for u in range(unroll):
                        v = buf[r, pl.ds(i * (16 * unroll) + u * 16, 16)]
                        m = v >= floor_f
                        vs.append(v)
                        ms.append(m)
                        mis.append(jnp.where(m, 1, 0))
                    base = lane_base + jnp.minimum(cnt,
                                                   SUBCAP - 1 - unroll)
                    pre = base
                    for u in range(unroll):
                        plsc.store_scatter(vals, [pre], vs[u], mask=ms[u])
                        pre = pre + mis[u]
                    return cnt + (pre - base)
                return lax.fori_loop(0, WC // (16 * unroll), vec_body, cnt)
            return lax.fori_loop(0, WR, row_step, cnt_vec)

        start(0, win0, sem0)
        if nwin > 1:
            start(1, win1, sem1)

        def pair_body(h, cnt_vec):
            g0 = h * 2
            wait(g0, win0, sem0)
            cnt_vec = process(win0, cnt_vec)

            @pl.when(g0 + 2 < nwin)
            def _():
                start(g0 + 2, win0, sem0)
            wait(g0 + 1, win1, sem1)
            cnt_vec = process(win1, cnt_vec)

            @pl.when(g0 + 3 < nwin)
            def _():
                start(g0 + 3, win1, sem1)
            return cnt_vec

        cnt0 = jnp.zeros((16,), jnp.int32)
        if nwin == 1:
            wait(0, win0, sem0)
            process(win0, cnt0)
        else:
            lax.fori_loop(0, nwin // 2, pair_body, cnt0)

        _zero_i32(hist, NB1)

        def chist_body(i, _):
            for u in range(4):
                v = vals[pl.ds((i * 4 + u) * 16, 16)]
                bits = lax.bitcast_convert_type(v, jnp.int32)
                b = jnp.right_shift(bits, 19)
                plsc.addupdate_scatter(hist, [b], ones, mask=v >= floor_f)
            return 0
        lax.fori_loop(0, CAP // 64, chist_body, 0)

        pltpu.sync_copy(vals, cands_hbm.at[w])
        pltpu.sync_copy(hist, hist_hbm.at[w])

    return compact_kernel(acts)


def _rows_pipelined(hbm, buf0, buf1, sem0, sem1, nrows, process):
    def start(r, buf, sem):
        pltpu.async_copy(hbm.at[r], buf, sem)

    def wait(r, buf, sem):
        pltpu.make_async_copy(hbm.at[r], buf, sem).wait()

    start(0, buf0, sem0)
    if nrows > 1:
        start(1, buf1, sem1)

    def pair(h, _):
        r0 = h * 2
        wait(r0, buf0, sem0)
        process(buf0)

        @pl.when(r0 + 2 < nrows)
        def _():
            start(r0 + 2, buf0, sem0)
        wait(r0 + 1, buf1, sem1)
        process(buf1)

        @pl.when(r0 + 3 < nrows)
        def _():
            start(r0 + 3, buf1, sem1)
        return 0
    lax.fori_loop(0, nrows // 2, pair, 0)


def _add_rows(acc, row, nb):
    def body(i, _):
        for u in range(4):
            sl = pl.ds((i * 4 + u) * 16, 16)
            acc[sl] = acc[sl] + row[sl]
        return 0
    lax.fori_loop(0, nb // 64, body, 0)


def _sc_bracket(hists, k):
    @functools.partial(
        pl.kernel, mesh=_mesh(), compiler_params=_sc_params,
        out_type=jax.ShapeDtypeStruct((16,), jnp.int32),
        scratch_types=[pltpu.VMEM((NB1,), jnp.int32),
                       pltpu.VMEM((NB1,), jnp.int32),
                       pltpu.VMEM((NB1,), jnp.int32),
                       pltpu.VMEM((16,), jnp.int32),
                       pltpu.SemaphoreType.DMA,
                       pltpu.SemaphoreType.DMA],
    )
    def bracket_kernel(hists_hbm, out_hbm, acc, row0, row1, res, sem0,
                       sem1):
        w = _wid()

        @pl.when(w == 0)
        def _():
            _zero_i32(acc, NB1)
            _rows_pipelined(hists_hbm, row0, row1, sem0, sem1, NW,
                            lambda row: _add_rows(acc, row, NB1))

            b1, gt1 = _rank_search(acc, NB1, jnp.int32(k))
            lanes = lax.iota(jnp.int32, 16)
            res[...] = jnp.where(lanes == 0, b1,
                                 jnp.where(lanes == 1, gt1, 0))
            pltpu.sync_copy(res, out_hbm)

    return bracket_kernel(hists)


def _sc_filter(cands, bracket):
    @functools.partial(
        pl.kernel, mesh=_mesh(), compiler_params=_sc_params,
        out_type=(jax.ShapeDtypeStruct((NW, CAP2), jnp.float32),
                  jax.ShapeDtypeStruct((NW, NB2), jnp.int32)),
        scratch_types=[pltpu.VMEM((CAP,), jnp.float32),
                       pltpu.VMEM((CAP2,), jnp.float32),
                       pltpu.VMEM((NB2,), jnp.int32),
                       pltpu.VMEM((16,), jnp.int32)],
    )
    def filter_kernel(cands_hbm, brk_hbm, inbin_hbm, h2_hbm, cbuf, inbin,
                      h2, binfo):
        w = _wid()
        pltpu.sync_copy(cands_hbm.at[w], cbuf)
        pltpu.sync_copy(brk_hbm, binfo)
        b1 = _extract(binfo[...], 0)
        b1v = jnp.full((16,), b1, jnp.int32)
        lanes = lax.iota(jnp.int32, 16)
        lane_base = lanes * SUBCAP2
        ones = jnp.ones((16,), jnp.int32)

        _zero_f32(inbin, CAP2)

        def body(i, cnt):
            for u in range(4):
                v = cbuf[pl.ds((i * 4 + u) * 16, 16)]
                bits = lax.bitcast_convert_type(v, jnp.int32)
                m = jnp.right_shift(bits, 19) == b1v
                mi = jnp.where(m, 1, 0)
                idx = lane_base + jnp.minimum(cnt, SUBCAP2 - 1)
                plsc.store_scatter(inbin, [idx], v, mask=m)
                cnt = cnt + mi
            return cnt
        lax.fori_loop(0, CAP // 64, body, jnp.zeros((16,), jnp.int32))

        _zero_i32(h2, NB2)

        def h2_body(i, _):
            v = inbin[pl.ds(i * 16, 16)]
            bits = lax.bitcast_convert_type(v, jnp.int32)
            m = jnp.right_shift(bits, 19) == b1v
            b2 = jnp.right_shift(bits, 8) & 0x7FF
            plsc.addupdate_scatter(h2, [b2], ones, mask=m)
            return 0
        lax.fori_loop(0, CAP2 // 16, h2_body, 0)

        pltpu.sync_copy(inbin, inbin_hbm.at[w])
        pltpu.sync_copy(h2, h2_hbm.at[w])

    return filter_kernel(cands, bracket)


def _sc_final(inbin, h2s, bracket, k):
    @functools.partial(
        pl.kernel, mesh=_mesh(), compiler_params=_sc_params,
        out_type=jax.ShapeDtypeStruct((16,), jnp.float32),
        scratch_types=[pltpu.VMEM((NB2,), jnp.int32),
                       pltpu.VMEM((NB2,), jnp.int32),
                       pltpu.VMEM((NB2,), jnp.int32),
                       pltpu.VMEM((CAP2,), jnp.float32),
                       pltpu.VMEM((CAP2,), jnp.float32),
                       pltpu.VMEM((NB3,), jnp.int32),
                       pltpu.VMEM((16,), jnp.int32),
                       pltpu.VMEM((16,), jnp.float32),
                       pltpu.SemaphoreType.DMA,
                       pltpu.SemaphoreType.DMA],
    )
    def final_kernel(inbin_hbm, h2s_hbm, brk_hbm, out_hbm, acc, row0, row1,
                     cbuf0, cbuf1, h3, binfo, res, sem0, sem1):
        w = _wid()

        @pl.when(w == 0)
        def _():
            pltpu.sync_copy(brk_hbm, binfo)
            b1 = _extract(binfo[...], 0)
            gt1 = _extract(binfo[...], 1)
            rank1 = jnp.int32(k) - gt1
            b1v = jnp.full((16,), b1, jnp.int32)
            ones = jnp.ones((16,), jnp.int32)

            _zero_i32(acc, NB2)
            _rows_pipelined(h2s_hbm, row0, row1, sem0, sem1, NW,
                            lambda row: _add_rows(acc, row, NB2))

            b2, gt2 = _rank_search(acc, NB2, rank1)
            rank2 = rank1 - gt2
            b2v = jnp.full((16,), b2, jnp.int32)

            _zero_i32(h3, NB3)

            def h3_rows(cbuf):
                def h3_body(i, _):
                    for u in range(4):
                        v = cbuf[pl.ds((i * 4 + u) * 16, 16)]
                        bits = lax.bitcast_convert_type(v, jnp.int32)
                        m = ((jnp.right_shift(bits, 19) == b1v)
                             & ((jnp.right_shift(bits, 8) & 0x7FF) == b2v))
                        b3 = bits & 0xFF
                        plsc.addupdate_scatter(h3, [b3], ones, mask=m)
                    return 0
                lax.fori_loop(0, CAP2 // 64, h3_body, 0)
            _rows_pipelined(inbin_hbm, cbuf0, cbuf1, sem0, sem1, NW,
                            h3_rows)

            b3, _gt3 = _rank_search(h3, NB3, rank2)
            tbits = (b1 * 524288) + (b2 * 256) + b3
            res[...] = lax.bitcast_convert_type(
                jnp.full((16,), tbits, jnp.int32), jnp.float32)
            pltpu.sync_copy(res, out_hbm)

    return final_kernel(inbin, h2s, bracket)


def _select_threshold(acts, k):
    cands, hists = _sc_compact(acts, k)
    bracket = _sc_bracket(hists, k)
    inbin, h2s = _sc_filter(cands, bracket)
    tvec = _sc_final(inbin, h2s, bracket, k)
    return tvec[0:1]


def _encode_body(x_ref, w_ref, b_ref, out_ref):
    acc = jnp.dot(x_ref[...], w_ref[...],
                  preferred_element_type=jnp.float32,
                  precision=jax.lax.Precision.DEFAULT)
    out_ref[...] = jnp.maximum(acc + b_ref[...], 0.0)


def _encode(x, w_enc, b_enc, bn=1024):
    B, d_src = x.shape
    D = w_enc.shape[1]
    grid = (D // bn,)
    return pl.pallas_call(
        _encode_body,
        grid=grid,
        in_specs=[
            pl.BlockSpec((B, d_src), lambda j: (0, 0)),
            pl.BlockSpec((d_src, bn), lambda j: (0, j)),
            pl.BlockSpec((1, bn), lambda j: (0, j)),
        ],
        out_specs=pl.BlockSpec((B, bn), lambda j: (0, j)),
        out_shape=jax.ShapeDtypeStruct((B, D), jnp.float32),
    )(x, w_enc, b_enc.reshape(1, D))


def _decode_body(t_ref, a_ref, w_ref, bd_ref, out_ref):
    kstep = pl.program_id(1)
    t = t_ref[0]
    a = a_ref[...]
    a = jnp.where(a >= t, a, 0.0)
    contrib = jnp.dot(a, w_ref[...],
                      preferred_element_type=jnp.float32,
                      precision=jax.lax.Precision.DEFAULT)

    @pl.when(kstep == 0)
    def _():
        out_ref[...] = contrib + bd_ref[...]

    @pl.when(kstep > 0)
    def _():
        out_ref[...] += contrib


def _decode(threshold, acts, w_dec, b_dec, bm=2048, bk=512):
    B, D = acts.shape
    d_tgt = w_dec.shape[1]
    bm = min(bm, B)
    grid = (B // bm, D // bk)
    return pl.pallas_call(
        _decode_body,
        grid=grid,
        in_specs=[
            pl.BlockSpec(memory_space=pltpu.SMEM),
            pl.BlockSpec((bm, bk), lambda i, j: (i, j)),
            pl.BlockSpec((bk, d_tgt), lambda i, j: (j, 0)),
            pl.BlockSpec((1, d_tgt), lambda i, j: (0, 0)),
        ],
        out_specs=pl.BlockSpec((bm, d_tgt), lambda i, j: (i, 0)),
        out_shape=jax.ShapeDtypeStruct((B, d_tgt), jnp.float32),
    )(threshold, acts, w_dec, b_dec.reshape(1, d_tgt))


def kernel(x_source, x_target, W_enc, b_enc, W_dec, b_dec):
    B = x_source.shape[0]
    D = W_enc.shape[1]
    bn = min(1024, D)
    acts = _encode(x_source, W_enc, b_enc, bn=bn)
    k = TOP_K_PER_ROW * B
    threshold = _select_threshold(acts, k)
    return _decode(threshold, acts, W_dec, b_dec, bk=min(512, D))

# --- scband reference (transcript-rebuilt; emitter-appended) ---
"""Pipeline reference for scband-matryoshka-transcoder-80315888435999 (READ-ONLY COPY).

The authoritative reference and input builder live on the scoring server;
editing this copy changes nothing except your own understanding.
"""

import jax, jax.numpy as jnp
import numpy as np

GROUP_SIZES = [2048, 4096, 8192, 16384]
TOP_K = 64
D_SRC = 768
D_TGT = 768
B = 2048


def setup_inputs(seed: int = 0) -> dict:
    key = jax.random.key(seed)
    ks = jax.random.split(key, 6)
    D = int(sum(GROUP_SIZES))
    x_source = jax.random.normal(ks[0], (B, D_SRC), dtype=jnp.float32)
    x_target = jax.random.normal(ks[1], (B, D_TGT), dtype=jnp.float32)
    # kaiming-uniform style init for encoder
    bound_enc = float(np.sqrt(6.0 / D_SRC))
    W_enc = jax.random.uniform(ks[2], (D_SRC, D), minval=-bound_enc, maxval=bound_enc, dtype=jnp.float32)
    b_enc = jnp.zeros((D,), dtype=jnp.float32)
    # decoder init then unit-norm rows (as in __init__)
    bound_dec = float(np.sqrt(6.0 / D))
    W_dec = jax.random.uniform(ks[3], (D, D_TGT), minval=-bound_dec, maxval=bound_dec, dtype=jnp.float32)
    W_dec = W_dec / jnp.linalg.norm(W_dec, axis=-1, keepdims=True)
    b_dec = jnp.zeros((D_TGT,), dtype=jnp.float32)
    return {"x_source": x_source, "x_target": x_target, "W_enc": W_enc, "b_enc": b_enc, "W_dec": W_dec, "b_dec": b_dec}


def reference(x_source, x_target, W_enc, b_enc, W_dec, b_dec):
    # compute_activations (training path): relu pre-acts, global batch-level top-k, scatter back
    pre_acts = x_source @ W_enc + b_enc
    acts = jax.nn.relu(pre_acts)
    flat = acts.reshape(-1)
    k = TOP_K * x_source.shape[0]
    vals, idx = jax.lax.top_k(flat, k)
    flat_topk = jnp.zeros_like(flat).at[idx].set(vals)
    acts_topk = flat_topk.reshape(acts.shape)
    # matryoshka hierarchical decode: cumulative reconstruction over nested groups
    bounds = np.cumsum([0] + GROUP_SIZES)
    x_reconstruct = b_dec
    for i in range(len(GROUP_SIZES)):
        s, e = int(bounds[i]), int(bounds[i + 1])
        x_reconstruct = acts_topk[:, s:e] @ W_dec[s:e, :] + x_reconstruct
    return x_reconstruct

if __name__ == "__main__":
    import jax
    _d = setup_inputs()
    print(jax.jit(kernel)(*tuple(_d.values())))

</pallas_src>

<mosaic_0001>
#map = affine_map<(d0, d1) -> (0, 0)>
module attributes {stable_mosaic.version = 14 : i64} {
  func.func @compact_kernel(%arg0: i32, %arg1: i32, %arg2: memref<2048x30720xf32, #tpu.memory_space<hbm>>, %arg3: memref<32x32768xf32, #tpu.memory_space<hbm>>, %arg4: memref<32x4096xi32, #tpu.memory_space<hbm>>, %arg5: memref<8x2048xf32, #tpu.memory_space<vmem>>, %arg6: memref<8x2048xf32, #tpu.memory_space<vmem>>, %arg7: memref<32768xf32, #tpu.memory_space<vmem>>, %arg8: memref<4096xi32, #tpu.memory_space<vmem>>, %arg9: memref<!tpu.dma_semaphore, #tpu.memory_space<semaphore_mem>>, %arg10: memref<!tpu.dma_semaphore, #tpu.memory_space<semaphore_mem>>) attributes {dimension_semantics = [#tpu.dimension_semantics<core_parallel>, #tpu.dimension_semantics<subcore_parallel>], iteration_bounds = array<i64: 2, 16>, scalar_prefetch = 0 : i64, scratch_operands = 6 : i64, tpu.core_type = #tpu.core_type<sc_vector_subcore>, window_params = [{transform_indices = #map}, {transform_indices = #map}, {transform_indices = #map}]} {
    %mul3A = arith.constant 2 : i32
    %mul3A_0 = arith.muli %arg1, %mul3A : i32
    %add3A = arith.addi %mul3A_0, %arg0 : i32
    %mul3A_1 = arith.constant 64 : i32
    %mul3A_2 = arith.muli %add3A, %mul3A_1 : i32
    %broadcast_in_dim3A = arith.constant 1 : i32
    %broadcast_in_dim3A_3 = vector.broadcast %broadcast_in_dim3A : i32 to vector<16xi32>
    %iota3A = tpu.iota {dimensions = array<i32: 0>} : vector<16xi32>
    %scan3A = arith.constant 0 : i32
    %scan3A_4 = arith.constant 0 : i32
    %scan3A_5 = arith.constant 256 : i32
    %scan3A_6 = arith.addi %scan3A_4, %scan3A_5 : i32
    %scan3A_7 = arith.constant 1 : i32
    %scan3A_8 = scf.for %scan3A_74 = %scan3A_4 to %scan3A_6 step %scan3A_7 iter_args(%scan3A_75 = %scan3A) -> (i32)  : i32 {
      %broadcast_in_dim3A_76 = arith.constant 0 : i32
      %broadcast_in_dim3A_77 = vector.broadcast %broadcast_in_dim3A_76 : i32 to vector<16xi32>
      %mul3A_78 = arith.constant 16 : i32
      %mul3A_79 = arith.muli %scan3A_74, %mul3A_78 : i32
      %swap3A = arith.index_cast %mul3A_79 : i32 to index
      %swap3A_80 = tpu.vector_load %arg8[%swap3A] {strides = array<i32>} : memref<4096xi32, #tpu.memory_space<vmem>>, vector<16xi32>,
      tpu.vector_store %arg8[%swap3A], %broadcast_in_dim3A_77 {strides = array<i32>} : memref<4096xi32, #tpu.memory_space<vmem>>, vector<16xi32>,
      %scan3A_81 = arith.constant 0 : i32
      scf.yield %scan3A_81 : i32
    }
    %scan3A_9 = arith.constant 256 : i32
    %scan3A_10 = arith.constant 0 : i32
    %scan3A_11 = arith.constant 0 : i32
    %scan3A_12 = arith.constant 15 : i32
    %scan3A_13 = arith.addi %scan3A_11, %scan3A_12 : i32
    %scan3A_14 = arith.constant 1 : i32
    %scan3A_15 = scf.for %scan3A_74 = %scan3A_11 to %scan3A_13 step %scan3A_14 iter_args(%scan3A_75 = %scan3A_10) -> (i32)  : i32 {
      %mul3A_76 = arith.constant 8 : i32
      %mul3A_77 = arith.muli %scan3A_74, %mul3A_76 : i32
      %jit3A = arith.constant 15 : i32
      %div3A = arith.divsi %mul3A_77, %jit3A : i32
      %sign3A = arith.constant 0 : i32
      %sign3A_78 = arith.cmpi sgt, %mul3A_77, %sign3A : i32
      %sign3A_79 = arith.extui %sign3A_78 : i1 to i32
      %sign3A_80 = arith.constant 0 : i32
      %sign3A_81 = arith.cmpi slt, %mul3A_77, %sign3A_80 : i32
      %sign3A_82 = arith.extui %sign3A_81 : i1 to i32
      %sign3A_83 = arith.subi %sign3A_79, %sign3A_82 : i32
      %sign3A_84 = arith.constant 0 : i32
      %sign3A_85 = arith.cmpi sgt, %jit3A, %sign3A_84 : i32
      %sign3A_86 = arith.extui %sign3A_85 : i1 to i32
      %sign3A_87 = arith.constant 0 : i32
      %sign3A_88 = arith.cmpi slt, %jit3A, %sign3A_87 : i32
      %sign3A_89 = arith.extui %sign3A_88 : i1 to i32
      %sign3A_90 = arith.subi %sign3A_86, %sign3A_89 : i32
      %ne3A = arith.cmpi ne, %sign3A_83, %sign3A_90 : i32
      %rem3A = arith.remsi %mul3A_77, %jit3A : i32
      %ne3A_91 = arith.constant 0 : i32
      %ne3A_92 = arith.cmpi ne, %rem3A, %ne3A_91 : i32
      %and3A = arith.andi %ne3A, %ne3A_92 : i1
      %sub3A = arith.constant 1 : i32
      %sub3A_93 = arith.subi %div3A, %sub3A : i32
      %select_n3A = arith.select %and3A, %sub3A_93, %div3A : i32
      %jit3A_94 = arith.constant 15 : i32
      %eq3A = arith.constant 0 : i32
      %eq3A_95 = arith.cmpi eq, %jit3A_94, %eq3A : i32
      %jit3A_96 = arith.constant 1 : i32
      %select_n3A_97 = arith.select %eq3A_95, %jit3A_96, %jit3A_94 : i32
      %rem3A_98 = arith.remsi %mul3A_77, %select_n3A_97 : i32
      %ne3A_99 = arith.constant 0 : i32
      %ne3A_100 = arith.cmpi ne, %rem3A_98, %ne3A_99 : i32
      %lt3A = arith.constant 0 : i32
      %lt3A_101 = arith.cmpi slt, %rem3A_98, %lt3A : i32
      %lt3A_102 = arith.constant 0 : i32
      %lt3A_103 = arith.cmpi slt, %select_n3A_97, %lt3A_102 : i32
      %ne3A_104 = arith.xori %lt3A_101, %lt3A_103 : i1
      %and3A_105 = arith.andi %ne3A_104, %ne3A_100 : i1
      %add3A_106 = arith.addi %rem3A_98, %select_n3A_97 : i32
      %select_n3A_107 = arith.select %and3A_105, %add3A_106, %rem3A_98 : i32
      %mul3A_108 = arith.constant 8 : i32
      %mul3A_109 = arith.muli %select_n3A, %mul3A_108 : i32
      %add3A_110 = arith.addi %mul3A_2, %mul3A_109 : i32
      %mul3A_111 = arith.constant 2048 : i32
      %mul3A_112 = arith.muli %select_n3A_107, %mul3A_111 : i32
      "tpu.region"() ({
        %run_scoped3A = tpu.sem_alloc : memref<!tpu.dma_semaphore, #tpu.memory_space<semaphore_mem>>
        %dma_start3A_121 = tpu.memref_slice %arg2[%add3A_110, %mul3A_112] : memref<2048x30720xf32, #tpu.memory_space<hbm>> -> memref<8x2048xf32, #tpu.memory_space<hbm>>
        %dma_start3A_122 = tpu.memref_slice %arg2[%add3A_110, %mul3A_112] : memref<2048x30720xf32, #tpu.memory_space<hbm>> -> memref<8x2048xf32, #tpu.memory_space<hbm>>
        tpu.enqueue_dma source(%dma_start3A_122 : memref<8x2048xf32, #tpu.memory_space<hbm>>) target(%arg5 : memref<8x2048xf32, #tpu.memory_space<vmem>>) target_semaphore(%run_scoped3A : memref<!tpu.dma_semaphore, #tpu.memory_space<semaphore_mem>>)
        %dma_wait3A = tpu.memref_slice %arg2[%add3A_110, %mul3A_112] : memref<2048x30720xf32, #tpu.memory_space<hbm>> -> memref<8x2048xf32, #tpu.memory_space<hbm>>
        %dma_wait3A_123 = tpu.memref_slice %arg2[%add3A_110, %mul3A_112] : memref<2048x30720xf32, #tpu.memory_space<hbm>> -> memref<8x2048xf32, #tpu.memory_space<hbm>>
        tpu.wait_dma2 semaphore(%run_scoped3A : memref<!tpu.dma_semaphore, #tpu.memory_space<semaphore_mem>>) src(%dma_wait3A_123 : memref<8x2048xf32, #tpu.memory_space<hbm>>) dst(%arg5 : memref<8x2048xf32, #tpu.memory_space<vmem>>)
        tpu.yield
      }) : () -> ()
      %scan3A_113 = arith.constant 0 : i32
      %scan3A_114 = arith.constant 0 : i32
      %scan3A_115 = arith.constant 8 : i32
      %scan3A_116 = arith.addi %scan3A_114, %scan3A_115 : i32
      %scan3A_117 = arith.constant 1 : i32
      %scan3A_118 = scf.for %scan3A_121 = %scan3A_114 to %scan3A_116 step %scan3A_117 iter_args(%scan3A_122 = %scan3A_113) -> (i32)  : i32 {
        %scan3A_123 = arith.constant 0 : i32
        %scan3A_124 = arith.constant 0 : i32
        %scan3A_125 = arith.constant 8 : i32
        %scan3A_126 = arith.addi %scan3A_124, %scan3A_125 : i32
        %scan3A_127 = arith.constant 1 : i32
        %scan3A_128 = scf.for %scan3A_131 = %scan3A_124 to %scan3A_126 step %scan3A_127 iter_args(%scan3A_132 = %scan3A_123) -> (i32)  : i32 {
          %mul3A_133 = arith.constant 4 : i32
          %mul3A_134 = arith.muli %scan3A_131, %mul3A_133 : i32
          %add3A_135 = arith.constant 0 : i32
          %add3A_136 = arith.addi %mul3A_134, %add3A_135 : i32
          %mul3A_137 = arith.constant 4 : i32
          %mul3A_138 = arith.muli %add3A_136, %mul3A_137 : i32
          %mul3A_139 = arith.constant 16 : i32
          %mul3A_140 = arith.muli %mul3A_138, %mul3A_139 : i32
          %get3A = arith.index_cast %scan3A_121 : i32 to index
          %get3A_141 = arith.index_cast %mul3A_140 : i32 to index
          %get3A_142 = tpu.vector_load %arg5[%get3A, %get3A_141] {strides = array<i32>} : memref<8x2048xf32, #tpu.memory_space<vmem>>, vector<16xf32>,
          %bitcast_convert_type3A_143 = tpu.bitcast %get3A_142 : vector<16xf32> -> vector<16xi32>
          %shift_right_arithmetic3A = arith.constant 19 : i32
          %shift_right_arithmetic3A_144 = vector.broadcast %shift_right_arithmetic3A : i32 to vector<16xi32>
          %shift_right_arithmetic3A_145 = arith.shrsi %bitcast_convert_type3A_143, %shift_right_arithmetic3A_144 : vector<16xi32>
          %gt3A = arith.constant 0.000000e+00 : f32
          %gt3A_146 = vector.broadcast %gt3A : f32 to vector<16xf32>
          %gt3A_147 = arith.cmpf ogt, %get3A_142, %gt3A_146 : vector<16xf32>
          tpu.vector_store_idx %arg8[%shift_right_arithmetic3A_145], %broadcast_in_dim3A_3 masked %gt3A_147 {add = true} : memref<4096xi32, #tpu.memory_space<vmem>>[vector<16xi32>], vector<16xi32>, vector<16xi1>
          %mul3A_148 = arith.constant 4 : i32
          %mul3A_149 = arith.muli %scan3A_131, %mul3A_148 : i32
          %add3A_150 = arith.constant 1 : i32
          %add3A_151 = arith.addi %mul3A_149, %add3A_150 : i32
          %mul3A_152 = arith.constant 4 : i32
          %mul3A_153 = arith.muli %add3A_151, %mul3A_152 : i32
          %mul3A_154 = arith.constant 16 : i32
          %mul3A_155 = arith.muli %mul3A_153, %mul3A_154 : i32
          %get3A_156 = arith.index_cast %scan3A_121 : i32 to index
          %get3A_157 = arith.index_cast %mul3A_155 : i32 to index
          %get3A_158 = tpu.vector_load %arg5[%get3A_156, %get3A_157] {strides = array<i32>} : memref<8x2048xf32, #tpu.memory_space<vmem>>, vector<16xf32>,
          %bitcast_convert_type3A_159 = tpu.bitcast %get3A_158 : vector<16xf32> -> vector<16xi32>
          %shift_right_arithmetic3A_160 = arith.constant 19 : i32
          %shift_right_arithmetic3A_161 = vector.broadcast %shift_right_arithmetic3A_160 : i32 to vector<16xi32>
          %shift_right_arithmetic3A_162 = arith.shrsi %bitcast_convert_type3A_159, %shift_right_arithmetic3A_161 : vector<16xi32>
          %gt3A_163 = arith.constant 0.000000e+00 : f32
          %gt3A_164 = vector.broadcast %gt3A_163 : f32 to vector<16xf32>
          %gt3A_165 = arith.cmpf ogt, %get3A_158, %gt3A_164 : vector<16xf32>
          tpu.vector_store_idx %arg8[%shift_right_arithmetic3A_162], %broadcast_in_dim3A_3 masked %gt3A_165 {add = true} : memref<4096xi32, #tpu.memory_space<vmem>>[vector<16xi32>], vector<16xi32>, vector<16xi1>
          %mul3A_166 = arith.constant 4 : i32
          %mul3A_167 = arith.muli %scan3A_131, %mul3A_166 : i32
          %add3A_168 = arith.constant 2 : i32
          %add3A_169 = arith.addi %mul3A_167, %add3A_168 : i32
          %mul3A_170 = arith.constant 4 : i32
          %mul3A_171 = arith.muli %add3A_169, %mul3A_170 : i32
          %mul3A_172 = arith.constant 16 : i32
          %mul3A_173 = arith.muli %mul3A_171, %mul3A_172 : i32
          %get3A_174 = arith.index_cast %scan3A_121 : i32 to index
          %get3A_175 = arith.index_cast %mul3A_173 : i32 to index
          %get3A_176 = tpu.vector_load %arg5[%get3A_174, %get3A_175] {strides = array<i32>} : memref<8x2048xf32, #tpu.memory_space<vmem>>, vector<16xf32>,
          %bitcast_convert_type3A_177 = tpu.bitcast %get3A_176 : vector<16xf32> -> vector<16xi32>
          %shift_right_arithmetic3A_178 = arith.constant 19 : i32
          %shift_right_arithmetic3A_179 = vector.broadcast %shift_right_arithmetic3A_178 : i32 to vector<16xi32>
          %shift_right_arithmetic3A_180 = arith.shrsi %bitcast_convert_type3A_177, %shift_right_arithmetic3A_179 : vector<16xi32>
          %gt3A_181 = arith.constant 0.000000e+00 : f32
          %gt3A_182 = vector.broadcast %gt3A_181 : f32 to vector<16xf32>
          %gt3A_183 = arith.cmpf ogt, %get3A_176, %gt3A_182 : vector<16xf32>
          tpu.vector_store_idx %arg8[%shift_right_arithmetic3A_180], %broadcast_in_dim3A_3 masked %gt3A_183 {add = true} : memref<4096xi32, #tpu.memory_space<vmem>>[vector<16xi32>], vector<16xi32>, vector<16xi1>
          %mul3A_184 = arith.constant 4 : i32
          %mul3A_185 = arith.muli %scan3A_131, %mul3A_184 : i32
          %add3A_186 = arith.constant 3 : i32
          %add3A_187 = arith.addi %mul3A_185, %add3A_186 : i32
          %mul3A_188 = arith.constant 4 : i32
          %mul3A_189 = arith.muli %add3A_187, %mul3A_188 : i32
          %mul3A_190 = arith.constant 16 : i32
          %mul3A_191 = arith.muli %mul3A_189, %mul3A_190 : i32
          %get3A_192 = arith.index_cast %scan3A_121 : i32 to index
          %get3A_193 = arith.index_cast %mul3A_191 : i32 to index
          %get3A_194 = tpu.vector_load %arg5[%get3A_192, %get3A_193] {strides = array<i32>} : memref<8x2048xf32, #tpu.memory_space<vmem>>, vector<16xf32>,
          %bitcast_convert_type3A_195 = tpu.bitcast %get3A_194 : vector<16xf32> -> vector<16xi32>
          %shift_right_arithmetic3A_196 = arith.constant 19 : i32
          %shift_right_arithmetic3A_197 = vector.broadcast %shift_right_arithmetic3A_196 : i32 to vector<16xi32>
          %shift_right_arithmetic3A_198 = arith.shrsi %bitcast_convert_type3A_195, %shift_right_arithmetic3A_197 : vector<16xi32>
          %gt3A_199 = arith.constant 0.000000e+00 : f32
          %gt3A_200 = vector.broadcast %gt3A_199 : f32 to vector<16xf32>
          %gt3A_201 = arith.cmpf ogt, %get3A_194, %gt3A_200 : vector<16xf32>
          tpu.vector_store_idx %arg8[%shift_right_arithmetic3A_198], %broadcast_in_dim3A_3 masked %gt3A_201 {add = true} : memref<4096xi32, #tpu.memory_space<vmem>>[vector<16xi32>], vector<16xi32>, vector<16xi1>
          %scan3A_202 = arith.constant 0 : i32
          scf.yield %scan3A_202 : i32
        }
        %scan3A_129 = arith.constant 8 : i32
        %scan3A_130 = arith.constant 0 : i32
        scf.yield %scan3A_130 : i32
      }
      %scan3A_119 = arith.constant 8 : i32
      %scan3A_120 = arith.constant 0 : i32
      scf.yield %scan3A_120 : i32
    }
    %scan3A_16 = arith.constant 15 : i32
    %iota3A_17 = tpu.iota {dimensions = array<i32: 0>} : vector<16xi32>
    %scan3A_18 = arith.constant 384 : i32
    %scan3A_19 = arith.constant 0 : i32
    %scan3A_20 = arith.constant 0 : i32
    %scan3A_21 = arith.constant 0 : i32
    %scan3A_22 = arith.constant 0 : i32
    %scan3A_23 = arith.constant 256 : i32
    %scan3A_24 = arith.addi %scan3A_22, %scan3A_23 : i32
    %scan3A_25 = arith.constant 1 : i32
    %scan3A_26:3 = scf.for %scan3A_74 = %scan3A_22 to %scan3A_24 step %scan3A_25 iter_args(%scan3A_75 = %scan3A_19, %scan3A_76 = %scan3A_20, %scan3A_77 = %scan3A_21) -> (i32, i32, i32)  : i32 {
      %sub3A = arith.constant 255 : i32
      %sub3A_78 = arith.subi %sub3A, %scan3A_74 : i32
      %mul3A_79 = arith.constant 16 : i32
      %mul3A_80 = arith.muli %sub3A_78, %mul3A_79 : i32
      %get3A = arith.index_cast %mul3A_80 : i32 to index
      %get3A_81 = tpu.vector_load %arg8[%get3A] {strides = array<i32>} : memref<4096xi32, #tpu.memory_space<vmem>>, vector<16xi32>,
      %cumsum3A = arith.constant true
      %cumsum3A_82 = vector.broadcast %cumsum3A : i1 to vector<16xi1>
      %cumsum3A_83 = tpu.scan <sum>, %get3A_81 masked %cumsum3A_82 : vector<16xi32>, vector<16xi1> -> vector<16xi32>
      %reduce_sum3A = arith.constant true
      %reduce_sum3A_84 = vector.broadcast %reduce_sum3A : i1 to vector<16xi1>
      %reduce_sum3A_85 = tpu.scan <sum>, %get3A_81 masked %reduce_sum3A_84 : vector<16xi32>, vector<16xi1> -> vector<16xi32>
      %reduce_sum3A_86 = vector.extract %reduce_sum3A_85[15] : i32 from vector<16xi32>
      %sub3A_87 = vector.broadcast %reduce_sum3A_86 : i32 to vector<16xi32>
      %sub3A_88 = arith.subi %sub3A_87, %cumsum3A_83 : vector<16xi32>
      %add3A_89 = vector.broadcast %scan3A_77 : i32 to vector<16xi32>
      %add3A_90 = arith.addi %add3A_89, %sub3A_88 : vector<16xi32>
      %lt3A = vector.broadcast %scan3A_18 : i32 to vector<16xi32>
      %lt3A_91 = arith.cmpi slt, %add3A_90, %lt3A : vector<16xi32>
      %add3A_92 = arith.addi %add3A_90, %get3A_81 : vector<16xi32>
      %ge3A = vector.broadcast %scan3A_18 : i32 to vector<16xi32>
      %ge3A_93 = arith.cmpi sge, %add3A_92, %ge3A : vector<16xi32>
      %and3A = arith.andi %lt3A_91, %ge3A_93 : vector<16xi1>
      %jit3A = arith.constant 1 : i32
      %jit3A_94 = arith.constant 0 : i32
      %broadcast_in_dim3A_95 = vector.broadcast %jit3A : i32 to vector<16xi32>
      %broadcast_in_dim3A_96 = vector.broadcast %jit3A_94 : i32 to vector<16xi32>
      %select_n3A = arith.select %and3A, %broadcast_in_dim3A_95, %broadcast_in_dim3A_96 : vector<16xi1>, vector<16xi32>
      %reduce_sum3A_97 = arith.constant true
      %reduce_sum3A_98 = vector.broadcast %reduce_sum3A_97 : i1 to vector<16xi1>
      %reduce_sum3A_99 = tpu.scan <sum>, %select_n3A masked %reduce_sum3A_98 : vector<16xi32>, vector<16xi1> -> vector<16xi32>
      %reduce_sum3A_100 = vector.extract %reduce_sum3A_99[15] : i32 from vector<16xi32>
      %jit3A_101 = arith.constant 0 : i32
      %broadcast_in_dim3A_102 = vector.broadcast %jit3A_101 : i32 to vector<16xi32>
      %select_n3A_103 = arith.select %and3A, %iota3A_17, %broadcast_in_dim3A_102 : vector<16xi1>, vector<16xi32>
      %reduce_sum3A_104 = arith.constant true
      %reduce_sum3A_105 = vector.broadcast %reduce_sum3A_104 : i1 to vector<16xi1>
      %reduce_sum3A_106 = tpu.scan <sum>, %select_n3A_103 masked %reduce_sum3A_105 : vector<16xi32>, vector<16xi1> -> vector<16xi32>
      %reduce_sum3A_107 = vector.extract %reduce_sum3A_106[15] : i32 from vector<16xi32>
      %jit3A_108 = arith.constant 0 : i32
      %broadcast_in_dim3A_109 = vector.broadcast %jit3A_108 : i32 to vector<16xi32>
      %select_n3A_110 = arith.select %and3A, %add3A_90, %broadcast_in_dim3A_109 : vector<16xi1>, vector<16xi32>
      %reduce_sum3A_111 = arith.constant true
      %reduce_sum3A_112 = vector.broadcast %reduce_sum3A_111 : i1 to vector<16xi1>
      %reduce_sum3A_113 = tpu.scan <sum>, %select_n3A_110 masked %reduce_sum3A_112 : vector<16xi32>, vector<16xi1> -> vector<16xi32>
      %reduce_sum3A_114 = vector.extract %reduce_sum3A_113[15] : i32 from vector<16xi32>
      %gt3A = arith.constant 0 : i32
      %gt3A_115 = arith.cmpi sgt, %reduce_sum3A_100, %gt3A : i32
      %mul3A_116 = arith.constant 16 : i32
      %mul3A_117 = arith.muli %sub3A_78, %mul3A_116 : i32
      %add3A_118 = arith.addi %mul3A_117, %reduce_sum3A_107 : i32
      %select_n3A_119 = arith.select %gt3A_115, %add3A_118, %scan3A_75 : i32
      %gt3A_120 = arith.constant 0 : i32
      %gt3A_121 = arith.cmpi sgt, %reduce_sum3A_100, %gt3A_120 : i32
      %select_n3A_122 = arith.select %gt3A_121, %reduce_sum3A_114, %scan3A_76 : i32
      %add3A_123 = arith.addi %scan3A_77, %reduce_sum3A_86 : i32
      scf.yield %select_n3A_119, %select_n3A_122, %add3A_123 : i32, i32, i32
    }
    %scan3A_27 = arith.constant 256 : i32
    %mul3A_28 = arith.constant 524288 : i32
    %mul3A_29 = arith.muli %scan3A_26#0, %mul3A_28 : i32
    %broadcast_in_dim3A_30 = vector.broadcast %mul3A_29 : i32 to vector<16xi32>
    %bitcast_convert_type3A = tpu.bitcast %broadcast_in_dim3A_30 : vector<16xi32> -> vector<16xf32>
    %scan3A_31 = arith.constant 0 : i32
    %scan3A_32 = arith.constant 0 : i32
    %scan3A_33 = arith.constant 2048 : i32
    %scan3A_34 = arith.addi %scan3A_32, %scan3A_33 : i32
    %scan3A_35 = arith.constant 1 : i32
    %scan3A_36 = scf.for %scan3A_74 = %scan3A_32 to %scan3A_34 step %scan3A_35 iter_args(%scan3A_75 = %scan3A_31) -> (i32)  : i32 {
      %broadcast_in_dim3A_76 = arith.constant 0.000000e+00 : f32
      %broadcast_in_dim3A_77 = vector.broadcast %broadcast_in_dim3A_76 : f32 to vector<16xf32>
      %mul3A_78 = arith.constant 16 : i32
      %mul3A_79 = arith.muli %scan3A_74, %mul3A_78 : i32
      %swap3A = arith.index_cast %mul3A_79 : i32 to index
      %swap3A_80 = tpu.vector_load %arg7[%swap3A] {strides = array<i32>} : memref<32768xf32, #tpu.memory_space<vmem>>, vector<16xf32>,
      tpu.vector_store %arg7[%swap3A], %broadcast_in_dim3A_77 {strides = array<i32>} : memref<32768xf32, #tpu.memory_space<vmem>>, vector<16xf32>,
      %scan3A_81 = arith.constant 0 : i32
      scf.yield %scan3A_81 : i32
    }
    %scan3A_37 = arith.constant 2048 : i32
    %mul3A_38 = arith.constant 2048 : i32
    %mul3A_39 = vector.broadcast %mul3A_38 : i32 to vector<16xi32>
    %mul3A_40 = arith.muli %iota3A, %mul3A_39 : vector<16xi32>
    %add3A_41 = arith.constant 0 : i32
    %add3A_42 = arith.addi %mul3A_2, %add3A_41 : i32
    %dma_start3A = arith.constant 0 : i32
    %dma_start3A_43 = tpu.memref_slice %arg2[%add3A_42, %dma_start3A] : memref<2048x30720xf32, #tpu.memory_space<hbm>> -> memref<8x2048xf32, #tpu.memory_space<hbm>>
    %dma_start3A_44 = arith.constant 0 : i32
    %dma_start3A_45 = tpu.memref_slice %arg2[%add3A_42, %dma_start3A_44] : memref<2048x30720xf32, #tpu.memory_space<hbm>> -> memref<8x2048xf32, #tpu.memory_space<hbm>>
    tpu.enqueue_dma source(%dma_start3A_45 : memref<8x2048xf32, #tpu.memory_space<hbm>>) target(%arg5 : memref<8x2048xf32, #tpu.memory_space<vmem>>) target_semaphore(%arg9 : memref<!tpu.dma_semaphore, #tpu.memory_space<semaphore_mem>>)
    %add3A_46 = arith.constant 0 : i32
    %add3A_47 = arith.addi %mul3A_2, %add3A_46 : i32
    %dma_start3A_48 = arith.constant 2048 : i32
    %dma_start3A_49 = tpu.memref_slice %arg2[%add3A_47, %dma_start3A_48] : memref<2048x30720xf32, #tpu.memory_space<hbm>> -> memref<8x2048xf32, #tpu.memory_space<hbm>>
    %dma_start3A_50 = arith.constant 2048 : i32
    %dma_start3A_51 = tpu.memref_slice %arg2[%add3A_47, %dma_start3A_50] : memref<2048x30720xf32, #tpu.memory_space<hbm>> -> memref<8x2048xf32, #tpu.memory_space<hbm>>
    tpu.enqueue_dma source(%dma_start3A_51 : memref<8x2048xf32, #tpu.memory_space<hbm>>) target(%arg6 : memref<8x2048xf32, #tpu.memory_space<vmem>>) target_semaphore(%arg10 : memref<!tpu.dma_semaphore, #tpu.memory_space<semaphore_mem>>)
    %broadcast_in_dim3A_52 = arith.constant 0 : i32
    %broadcast_in_dim3A_53 = vector.broadcast %broadcast_in_dim3A_52 : i32 to vector<16xi32>
    %scan3A_54 = arith.constant 0 : i32
    %scan3A_55 = arith.constant 60 : i32
    %scan3A_56 = arith.addi %scan3A_54, %scan3A_55 : i32
    %scan3A_57 = arith.constant 1 : i32
    %scan3A_58 = scf.for %scan3A_74 = %scan3A_54 to %scan3A_56 step %scan3A_57 iter_args(%scan3A_75 = %broadcast_in_dim3A_53) -> (vector<16xi32>)  : i32 {
      %mul3A_76 = arith.constant 2 : i32
      %mul3A_77 = arith.muli %scan3A_74, %mul3A_76 : i32
      %jit3A = arith.constant 15 : i32
      %div3A = arith.divsi %mul3A_77, %jit3A : i32
      %sign3A = arith.constant 0 : i32
      %sign3A_78 = arith.cmpi sgt, %mul3A_77, %sign3A : i32
      %sign3A_79 = arith.extui %sign3A_78 : i1 to i32
      %sign3A_80 = arith.constant 0 : i32
      %sign3A_81 = arith.cmpi slt, %mul3A_77, %sign3A_80 : i32
      %sign3A_82 = arith.extui %sign3A_81 : i1 to i32
      %sign3A_83 = arith.subi %sign3A_79, %sign3A_82 : i32
      %sign3A_84 = arith.constant 0 : i32
      %sign3A_85 = arith.cmpi sgt, %jit3A, %sign3A_84 : i32
      %sign3A_86 = arith.extui %sign3A_85 : i1 to i32
      %sign3A_87 = arith.constant 0 : i32
      %sign3A_88 = arith.cmpi slt, %jit3A, %sign3A_87 : i32
      %sign3A_89 = arith.extui %sign3A_88 : i1 to i32
      %sign3A_90 = arith.subi %sign3A_86, %sign3A_89 : i32
      %ne3A = arith.cmpi ne, %sign3A_83, %sign3A_90 : i32
      %rem3A = arith.remsi %mul3A_77, %jit3A : i32
      %ne3A_91 = arith.constant 0 : i32
      %ne3A_92 = arith.cmpi ne, %rem3A, %ne3A_91 : i32
      %and3A = arith.andi %ne3A, %ne3A_92 : i1
      %sub3A = arith.constant 1 : i32
      %sub3A_93 = arith.subi %div3A, %sub3A : i32
      %select_n3A = arith.select %and3A, %sub3A_93, %div3A : i32
      %jit3A_94 = arith.constant 15 : i32
      %eq3A = arith.constant 0 : i32
      %eq3A_95 = arith.cmpi eq, %jit3A_94, %eq3A : i32
      %jit3A_96 = arith.constant 1 : i32
      %select_n3A_97 = arith.select %eq3A_95, %jit3A_96, %jit3A_94 : i32
      %rem3A_98 = arith.remsi %mul3A_77, %select_n3A_97 : i32
      %ne3A_99 = arith.constant 0 : i32
      %ne3A_100 = arith.cmpi ne, %rem3A_98, %ne3A_99 : i32
      %lt3A = arith.constant 0 : i32
      %lt3A_101 = arith.cmpi slt, %rem3A_98, %lt3A : i32
      %lt3A_102 = arith.constant 0 : i32
      %lt3A_103 = arith.cmpi slt, %select_n3A_97, %lt3A_102 : i32
      %ne3A_104 = arith.xori %lt3A_101, %lt3A_103 : i1
      %and3A_105 = arith.andi %ne3A_104, %ne3A_100 : i1
      %add3A_106 = arith.addi %rem3A_98, %select_n3A_97 : i32
      %select_n3A_107 = arith.select %and3A_105, %add3A_106, %rem3A_98 : i32
      %mul3A_108 = arith.constant 8 : i32
      %mul3A_109 = arith.muli %select_n3A, %mul3A_108 : i32
      %add3A_110 = arith.addi %mul3A_2, %mul3A_109 : i32
      %mul3A_111 = arith.constant 2048 : i32
      %mul3A_112 = arith.muli %select_n3A_107, %mul3A_111 : i32
      %dma_wait3A = tpu.memref_slice %arg2[%add3A_110, %mul3A_112] : memref<2048x30720xf32, #tpu.memory_space<hbm>> -> memref<8x2048xf32, #tpu.memory_space<hbm>>
      %dma_wait3A_113 = tpu.memref_slice %arg2[%add3A_110, %mul3A_112] : memref<2048x30720xf32, #tpu.memory_space<hbm>> -> memref<8x2048xf32, #tpu.memory_space<hbm>>
      tpu.wait_dma2 semaphore(%arg9 : memref<!tpu.dma_semaphore, #tpu.memory_space<semaphore_mem>>) src(%dma_wait3A_113 : memref<8x2048xf32, #tpu.memory_space<hbm>>) dst(%arg5 : memref<8x2048xf32, #tpu.memory_space<vmem>>)
      %scan3A_114 = arith.constant 0 : i32
      %scan3A_115 = arith.constant 8 : i32
      %scan3A_116 = arith.addi %scan3A_114, %scan3A_115 : i32
      %scan3A_117 = arith.constant 1 : i32
      %scan3A_118 = scf.for %scan3A_187 = %scan3A_114 to %scan3A_116 step %scan3A_117 iter_args(%scan3A_188 = %scan3A_75) -> (vector<16xi32>)  : i32 {
        %scan3A_189 = arith.constant 0 : i32
        %scan3A_190 = arith.constant 16 : i32
        %scan3A_191 = arith.addi %scan3A_189, %scan3A_190 : i32
        %scan3A_192 = arith.constant 1 : i32
        %scan3A_193 = scf.for %scan3A_195 = %scan3A_189 to %scan3A_191 step %scan3A_192 iter_args(%scan3A_196 = %scan3A_188) -> (vector<16xi32>)  : i32 {
          %mul3A_197 = arith.constant 128 : i32
          %mul3A_198 = arith.muli %scan3A_195, %mul3A_197 : i32
          %add3A_199 = arith.constant 0 : i32
          %add3A_200 = arith.addi %mul3A_198, %add3A_199 : i32
          %get3A = arith.index_cast %scan3A_187 : i32 to index
          %get3A_201 = arith.index_cast %add3A_200 : i32 to index
          %get3A_202 = tpu.vector_load %arg5[%get3A, %get3A_201] {strides = array<i32>} : memref<8x2048xf32, #tpu.memory_space<vmem>>, vector<16xf32>,
          %ge3A = arith.cmpf oge, %get3A_202, %bitcast_convert_type3A : vector<16xf32>
          %jit3A_203 = arith.constant 1 : i32
          %jit3A_204 = arith.constant 0 : i32
          %broadcast_in_dim3A_205 = vector.broadcast %jit3A_203 : i32 to vector<16xi32>
          %broadcast_in_dim3A_206 = vector.broadcast %jit3A_204 : i32 to vector<16xi32>
          %select_n3A_207 = arith.select %ge3A, %broadcast_in_dim3A_205, %broadcast_in_dim3A_206 : vector<16xi1>, vector<16xi32>
          %mul3A_208 = arith.constant 128 : i32
          %mul3A_209 = arith.muli %scan3A_195, %mul3A_208 : i32
          %add3A_210 = arith.constant 16 : i32
          %add3A_211 = arith.addi %mul3A_209, %add3A_210 : i32
          %get3A_212 = arith.index_cast %scan3A_187 : i32 to index
          %get3A_213 = arith.index_cast %add3A_211 : i32 to index
          %get3A_214 = tpu.vector_load %arg5[%get3A_212, %get3A_213] {strides = array<i32>} : memref<8x2048xf32, #tpu.memory_space<vmem>>, vector<16xf32>,
          %ge3A_215 = arith.cmpf oge, %get3A_214, %bitcast_convert_type3A : vector<16xf32>
          %jit3A_216 = arith.constant 1 : i32
          %jit3A_217 = arith.constant 0 : i32
          %broadcast_in_dim3A_218 = vector.broadcast %jit3A_216 : i32 to vector<16xi32>
          %broadcast_in_dim3A_219 = vector.broadcast %jit3A_217 : i32 to vector<16xi32>
          %select_n3A_220 = arith.select %ge3A_215, %broadcast_in_dim3A_218, %broadcast_in_dim3A_219 : vector<16xi1>, vector<16xi32>
          %mul3A_221 = arith.constant 128 : i32
          %mul3A_222 = arith.muli %scan3A_195, %mul3A_221 : i32
          %add3A_223 = arith.constant 32 : i32
          %add3A_224 = arith.addi %mul3A_222, %add3A_223 : i32
          %get3A_225 = arith.index_cast %scan3A_187 : i32 to index
          %get3A_226 = arith.index_cast %add3A_224 : i32 to index
          %get3A_227 = tpu.vector_load %arg5[%get3A_225, %get3A_226] {strides = array<i32>} : memref<8x2048xf32, #tpu.memory_space<vmem>>, vector<16xf32>,
          %ge3A_228 = arith.cmpf oge, %get3A_227, %bitcast_convert_type3A : vector<16xf32>
          %jit3A_229 = arith.constant 1 : i32
          %jit3A_230 = arith.constant 0 : i32
          %broadcast_in_dim3A_231 = vector.broadcast %jit3A_229 : i32 to vector<16xi32>
          %broadcast_in_dim3A_232 = vector.broadcast %jit3A_230 : i32 to vector<16xi32>
          %select_n3A_233 = arith.select %ge3A_228, %broadcast_in_dim3A_231, %broadcast_in_dim3A_232 : vector<16xi1>, vector<16xi32>
          %mul3A_234 = arith.constant 128 : i32
          %mul3A_235 = arith.muli %scan3A_195, %mul3A_234 : i32
          %add3A_236 = arith.constant 48 : i32
          %add3A_237 = arith.addi %mul3A_235, %add3A_236 : i32
          %get3A_238 = arith.index_cast %scan3A_187 : i32 to index
          %get3A_239 = arith.index_cast %add3A_237 : i32 to index
          %get3A_240 = tpu.vector_load %arg5[%get3A_238, %get3A_239] {strides = array<i32>} : memref<8x2048xf32, #tpu.memory_space<vmem>>, vector<16xf32>,
          %ge3A_241 = arith.cmpf oge, %get3A_240, %bitcast_convert_type3A : vector<16xf32>
          %jit3A_242 = arith.constant 1 : i32
          %jit3A_243 = arith.constant 0 : i32
          %broadcast_in_dim3A_244 = vector.broadcast %jit3A_242 : i32 to vector<16xi32>
          %broadcast_in_dim3A_245 = vector.broadcast %jit3A_243 : i32 to vector<16xi32>
          %select_n3A_246 = arith.select %ge3A_241, %broadcast_in_dim3A_244, %broadcast_in_dim3A_245 : vector<16xi1>, vector<16xi32>
          %mul3A_247 = arith.constant 128 : i32
          %mul3A_248 = arith.muli %scan3A_195, %mul3A_247 : i32
          %add3A_249 = arith.constant 64 : i32
          %add3A_250 = arith.addi %mul3A_248, %add3A_249 : i32
          %get3A_251 = arith.index_cast %scan3A_187 : i32 to index
          %get3A_252 = arith.index_cast %add3A_250 : i32 to index
          %get3A_253 = tpu.vector_load %arg5[%get3A_251, %get3A_252] {strides = array<i32>} : memref<8x2048xf32, #tpu.memory_space<vmem>>, vector<16xf32>,
          %ge3A_254 = arith.cmpf oge, %get3A_253, %bitcast_convert_type3A : vector<16xf32>
          %jit3A_255 = arith.constant 1 : i32
          %jit3A_256 = arith.constant 0 : i32
          %broadcast_in_dim3A_257 = vector.broadcast %jit3A_255 : i32 to vector<16xi32>
          %broadcast_in_dim3A_258 = vector.broadcast %jit3A_256 : i32 to vector<16xi32>
          %select_n3A_259 = arith.select %ge3A_254, %broadcast_in_dim3A_257, %broadcast_in_dim3A_258 : vector<16xi1>, vector<16xi32>
          %mul3A_260 = arith.constant 128 : i32
          %mul3A_261 = arith.muli %scan3A_195, %mul3A_260 : i32
          %add3A_262 = arith.constant 80 : i32
          %add3A_263 = arith.addi %mul3A_261, %add3A_262 : i32
          %get3A_264 = arith.index_cast %scan3A_187 : i32 to index
          %get3A_265 = arith.index_cast %add3A_263 : i32 to index
          %get3A_266 = tpu.vector_load %arg5[%get3A_264, %get3A_265] {strides = array<i32>} : memref<8x2048xf32, #tpu.memory_space<vmem>>, vector<16xf32>,
          %ge3A_267 = arith.cmpf oge, %get3A_266, %bitcast_convert_type3A : vector<16xf32>
          %jit3A_268 = arith.constant 1 : i32
          %jit3A_269 = arith.constant 0 : i32
          %broadcast_in_dim3A_270 = vector.broadcast %jit3A_268 : i32 to vector<16xi32>
          %broadcast_in_dim3A_271 = vector.broadcast %jit3A_269 : i32 to vector<16xi32>
          %select_n3A_272 = arith.select %ge3A_267, %broadcast_in_dim3A_270, %broadcast_in_dim3A_271 : vector<16xi1>, vector<16xi32>
          %mul3A_273 = arith.constant 128 : i32
          %mul3A_274 = arith.muli %scan3A_195, %mul3A_273 : i32
          %add3A_275 = arith.constant 96 : i32
          %add3A_276 = arith.addi %mul3A_274, %add3A_275 : i32
          %get3A_277 = arith.index_cast %scan3A_187 : i32 to index
          %get3A_278 = arith.index_cast %add3A_276 : i32 to index
          %get3A_279 = tpu.vector_load %arg5[%get3A_277, %get3A_278] {strides = array<i32>} : memref<8x2048xf32, #tpu.memory_space<vmem>>, vector<16xf32>,
          %ge3A_280 = arith.cmpf oge, %get3A_279, %bitcast_convert_type3A : vector<16xf32>
          %jit3A_281 = arith.constant 1 : i32
          %jit3A_282 = arith.constant 0 : i32
          %broadcast_in_dim3A_283 = vector.broadcast %jit3A_281 : i32 to vector<16xi32>
          %broadcast_in_dim3A_284 = vector.broadcast %jit3A_282 : i32 to vector<16xi32>
          %select_n3A_285 = arith.select %ge3A_280, %broadcast_in_dim3A_283, %broadcast_in_dim3A_284 : vector<16xi1>, vector<16xi32>
          %mul3A_286 = arith.constant 128 : i32
          %mul3A_287 = arith.muli %scan3A_195, %mul3A_286 : i32
          %add3A_288 = arith.constant 112 : i32
          %add3A_289 = arith.addi %mul3A_287, %add3A_288 : i32
          %get3A_290 = arith.index_cast %scan3A_187 : i32 to index
          %get3A_291 = arith.index_cast %add3A_289 : i32 to index
          %get3A_292 = tpu.vector_load %arg5[%get3A_290, %get3A_291] {strides = array<i32>} : memref<8x2048xf32, #tpu.memory_space<vmem>>, vector<16xf32>,
          %ge3A_293 = arith.cmpf oge, %get3A_292, %bitcast_convert_type3A : vector<16xf32>
          %jit3A_294 = arith.constant 1 : i32
          %jit3A_295 = arith.constant 0 : i32
          %broadcast_in_dim3A_296 = vector.broadcast %jit3A_294 : i32 to vector<16xi32>
          %broadcast_in_dim3A_297 = vector.broadcast %jit3A_295 : i32 to vector<16xi32>
          %select_n3A_298 = arith.select %ge3A_293, %broadcast_in_dim3A_296, %broadcast_in_dim3A_297 : vector<16xi1>, vector<16xi32>
          %min3A = arith.constant 2039 : i32
          %min3A_299 = vector.broadcast %min3A : i32 to vector<16xi32>
          %min3A_300 = arith.minsi %scan3A_196, %min3A_299 : vector<16xi32>
          %add3A_301 = arith.addi %mul3A_40, %min3A_300 : vector<16xi32>
          tpu.vector_store_idx %arg7[%add3A_301], %get3A_202 masked %ge3A : memref<32768xf32, #tpu.memory_space<vmem>>[vector<16xi32>], vector<16xf32>, vector<16xi1>
          %add3A_302 = arith.addi %add3A_301, %select_n3A_207 : vector<16xi32>
          tpu.vector_store_idx %arg7[%add3A_302], %get3A_214 masked %ge3A_215 : memref<32768xf32, #tpu.memory_space<vmem>>[vector<16xi32>], vector<16xf32>, vector<16xi1>
          %add3A_303 = arith.addi %add3A_302, %select_n3A_220 : vector<16xi32>
          tpu.vector_store_idx %arg7[%add3A_303], %get3A_227 masked %ge3A_228 : memref<32768xf32, #tpu.memory_space<vmem>>[vector<16xi32>], vector<16xf32>, vector<16xi1>
          %add3A_304 = arith.addi %add3A_303, %select_n3A_233 : vector<16xi32>
          tpu.vector_store_idx %arg7[%add3A_304], %get3A_240 masked %ge3A_241 : memref<32768xf32, #tpu.memory_space<vmem>>[vector<16xi32>], vector<16xf32>, vector<16xi1>
          %add3A_305 = arith.addi %add3A_304, %select_n3A_246 : vector<16xi32>
          tpu.vector_store_idx %arg7[%add3A_305], %get3A_253 masked %ge3A_254 : memref<32768xf32, #tpu.memory_space<vmem>>[vector<16xi32>], vector<16xf32>, vector<16xi1>
          %add3A_306 = arith.addi %add3A_305, %select_n3A_259 : vector<16xi32>
          tpu.vector_store_idx %arg7[%add3A_306], %get3A_266 masked %ge3A_267 : memref<32768xf32, #tpu.memory_space<vmem>>[vector<16xi32>], vector<16xf32>, vector<16xi1>
          %add3A_307 = arith.addi %add3A_306, %select_n3A_272 : vector<16xi32>
          tpu.vector_store_idx %arg7[%add3A_307], %get3A_279 masked %ge3A_280 : memref<32768xf32, #tpu.memory_space<vmem>>[vector<16xi32>], vector<16xf32>, vector<16xi1>
          %add3A_308 = arith.addi %add3A_307, %select_n3A_285 : vector<16xi32>
          tpu.vector_store_idx %arg7[%add3A_308], %get3A_292 masked %ge3A_293 : memref<32768xf32, #tpu.memory_space<vmem>>[vector<16xi32>], vector<16xf32>, vector<16xi1>
          %add3A_309 = arith.addi %add3A_308, %select_n3A_298 : vector<16xi32>
          %sub3A_310 = arith.subi %add3A_309, %add3A_301 : vector<16xi32>
          %add3A_311 = arith.addi %scan3A_196, %sub3A_310 : vector<16xi32>
          scf.yield %add3A_311 : vector<16xi32>
        }
        %scan3A_194 = arith.constant 16 : i32
        scf.yield %scan3A_193 : vector<16xi32>
      }
      %scan3A_119 = arith.constant 8 : i32
      %add3A_120 = arith.constant 2 : i32
      %add3A_121 = arith.addi %mul3A_77, %add3A_120 : i32
      %lt3A_122 = arith.constant 120 : i32
      %lt3A_123 = arith.cmpi slt, %add3A_121, %lt3A_122 : i32
      %convert_element_type3A = arith.extui %lt3A_123 : i1 to i32
      %cond3A = arith.constant 0 : i32
      %cond3A_124 = arith.cmpi ne, %convert_element_type3A, %cond3A : i32
      scf.if %cond3A_124 {
        %add3A_187 = arith.constant 2 : i32
        %add3A_188 = arith.addi %mul3A_77, %add3A_187 : i32
        %jit3A_189 = arith.constant 15 : i32
        %div3A_190 = arith.divsi %add3A_188, %jit3A_189 : i32
        %sign3A_191 = arith.constant 0 : i32
        %sign3A_192 = arith.cmpi sgt, %add3A_188, %sign3A_191 : i32
        %sign3A_193 = arith.extui %sign3A_192 : i1 to i32
        %sign3A_194 = arith.constant 0 : i32
        %sign3A_195 = arith.cmpi slt, %add3A_188, %sign3A_194 : i32
        %sign3A_196 = arith.extui %sign3A_195 : i1 to i32
        %sign3A_197 = arith.subi %sign3A_193, %sign3A_196 : i32
        %sign3A_198 = arith.constant 0 : i32
        %sign3A_199 = arith.cmpi sgt, %jit3A_189, %sign3A_198 : i32
        %sign3A_200 = arith.extui %sign3A_199 : i1 to i32
        %sign3A_201 = arith.constant 0 : i32
        %sign3A_202 = arith.cmpi slt, %jit3A_189, %sign3A_201 : i32
        %sign3A_203 = arith.extui %sign3A_202 : i1 to i32
        %sign3A_204 = arith.subi %sign3A_200, %sign3A_203 : i32
        %ne3A_205 = arith.cmpi ne, %sign3A_197, %sign3A_204 : i32
        %rem3A_206 = arith.remsi %add3A_188, %jit3A_189 : i32
        %ne3A_207 = arith.constant 0 : i32
        %ne3A_208 = arith.cmpi ne, %rem3A_206, %ne3A_207 : i32
        %and3A_209 = arith.andi %ne3A_205, %ne3A_208 : i1
        %sub3A_210 = arith.constant 1 : i32
        %sub3A_211 = arith.subi %div3A_190, %sub3A_210 : i32
        %select_n3A_212 = arith.select %and3A_209, %sub3A_211, %div3A_190 : i32
        %jit3A_213 = arith.constant 15 : i32
        %eq3A_214 = arith.constant 0 : i32
        %eq3A_215 = arith.cmpi eq, %jit3A_213, %eq3A_214 : i32
        %jit3A_216 = arith.constant 1 : i32
        %select_n3A_217 = arith.select %eq3A_215, %jit3A_216, %jit3A_213 : i32
        %rem3A_218 = arith.remsi %add3A_188, %select_n3A_217 : i32
        %ne3A_219 = arith.constant 0 : i32
        %ne3A_220 = arith.cmpi ne, %rem3A_218, %ne3A_219 : i32
        %lt3A_221 = arith.constant 0 : i32
        %lt3A_222 = arith.cmpi slt, %rem3A_218, %lt3A_221 : i32
        %lt3A_223 = arith.constant 0 : i32
        %lt3A_224 = arith.cmpi slt, %select_n3A_217, %lt3A_223 : i32
        %ne3A_225 = arith.xori %lt3A_222, %lt3A_224 : i1
        %and3A_226 = arith.andi %ne3A_225, %ne3A_220 : i1
        %add3A_227 = arith.addi %rem3A_218, %select_n3A_217 : i32
        %select_n3A_228 = arith.select %and3A_226, %add3A_227, %rem3A_218 : i32
        %mul3A_229 = arith.constant 8 : i32
        %mul3A_230 = arith.muli %select_n3A_212, %mul3A_229 : i32
        %add3A_231 = arith.addi %mul3A_2, %mul3A_230 : i32
        %mul3A_232 = arith.constant 2048 : i32
        %mul3A_233 = arith.muli %select_n3A_228, %mul3A_232 : i32
        %dma_start3A_234 = tpu.memref_slice %arg2[%add3A_231, %mul3A_233] : memref<2048x30720xf32, #tpu.memory_space<hbm>> -> memref<8x2048xf32, #tpu.memory_space<hbm>>
        %dma_start3A_235 = tpu.memref_slice %arg2[%add3A_231, %mul3A_233] : memref<2048x30720xf32, #tpu.memory_space<hbm>> -> memref<8x2048xf32, #tpu.memory_space<hbm>>
        tpu.enqueue_dma source(%dma_start3A_235 : memref<8x2048xf32, #tpu.memory_space<hbm>>) target(%arg5 : memref<8x2048xf32, #tpu.memory_space<vmem>>) target_semaphore(%arg9 : memref<!tpu.dma_semaphore, #tpu.memory_space<semaphore_mem>>)
      } else {
      }
      %add3A_125 = arith.constant 1 : i32
      %add3A_126 = arith.addi %mul3A_77, %add3A_125 : i32
      %jit3A_127 = arith.constant 15 : i32
      %div3A_128 = arith.divsi %add3A_126, %jit3A_127 : i32
      %sign3A_129 = arith.constant 0 : i32
      %sign3A_130 = arith.cmpi sgt, %add3A_126, %sign3A_129 : i32
      %sign3A_131 = arith.extui %sign3A_130 : i1 to i32
      %sign3A_132 = arith.constant 0 : i32
      %sign3A_133 = arith.cmpi slt, %add3A_126, %sign3A_132 : i32
      %sign3A_134 = arith.extui %sign3A_133 : i1 to i32
      %sign3A_135 = arith.subi %sign3A_131, %sign3A_134 : i32
      %sign3A_136 = arith.constant 0 : i32
      %sign3A_137 = arith.cmpi sgt, %jit3A_127, %sign3A_136 : i32
      %sign3A_138 = arith.extui %sign3A_137 : i1 to i32
      %sign3A_139 = arith.constant 0 : i32
      %sign3A_140 = arith.cmpi slt, %jit3A_127, %sign3A_139 : i32
      %sign3A_141 = arith.extui %sign3A_140 : i1 to i32
      %sign3A_142 = arith.subi %sign3A_138, %sign3A_141 : i32
      %ne3A_143 = arith.cmpi ne, %sign3A_135, %sign3A_142 : i32
      %rem3A_144 = arith.remsi %add3A_126, %jit3A_127 : i32
      %ne3A_145 = arith.constant 0 : i32
      %ne3A_146 = arith.cmpi ne, %rem3A_144, %ne3A_145 : i32
      %and3A_147 = arith.andi %ne3A_143, %ne3A_146 : i1
      %sub3A_148 = arith.constant 1 : i32
      %sub3A_149 = arith.subi %div3A_128, %sub3A_148 : i32
      %select_n3A_150 = arith.select %and3A_147, %sub3A_149, %div3A_128 : i32
      %jit3A_151 = arith.constant 15 : i32
      %eq3A_152 = arith.constant 0 : i32
      %eq3A_153 = arith.cmpi eq, %jit3A_151, %eq3A_152 : i32
      %jit3A_154 = arith.constant 1 : i32
      %select_n3A_155 = arith.select %eq3A_153, %jit3A_154, %jit3A_151 : i32
      %rem3A_156 = arith.remsi %add3A_126, %select_n3A_155 : i32
      %ne3A_157 = arith.constant 0 : i32
      %ne3A_158 = arith.cmpi ne, %rem3A_156, %ne3A_157 : i32
      %lt3A_159 = arith.constant 0 : i32
      %lt3A_160 = arith.cmpi slt, %rem3A_156, %lt3A_159 : i32
      %lt3A_161 = arith.constant 0 : i32
      %lt3A_162 = arith.cmpi slt, %select_n3A_155, %lt3A_161 : i32
      %ne3A_163 = arith.xori %lt3A_160, %lt3A_162 : i1
      %and3A_164 = arith.andi %ne3A_163, %ne3A_158 : i1
      %add3A_165 = arith.addi %rem3A_156, %select_n3A_155 : i32
      %select_n3A_166 = arith.select %and3A_164, %add3A_165, %rem3A_156 : i32
      %mul3A_167 = arith.constant 8 : i32
      %mul3A_168 = arith.muli %select_n3A_150, %mul3A_167 : i32
      %add3A_169 = arith.addi %mul3A_2, %mul3A_168 : i32
      %mul3A_170 = arith.constant 2048 : i32
      %mul3A_171 = arith.muli %select_n3A_166, %mul3A_170 : i32
      %dma_wait3A_172 = tpu.memref_slice %arg2[%add3A_169, %mul3A_171] : memref<2048x30720xf32, #tpu.memory_space<hbm>> -> memref<8x2048xf32, #tpu.memory_space<hbm>>
      %dma_wait3A_173 = tpu.memref_slice %arg2[%add3A_169, %mul3A_171] : memref<2048x30720xf32, #tpu.memory_space<hbm>> -> memref<8x2048xf32, #tpu.memory_space<hbm>>
      tpu.wait_dma2 semaphore(%arg10 : memref<!tpu.dma_semaphore, #tpu.memory_space<semaphore_mem>>) src(%dma_wait3A_173 : memref<8x2048xf32, #tpu.memory_space<hbm>>) dst(%arg6 : memref<8x2048xf32, #tpu.memory_space<vmem>>)
      %scan3A_174 = arith.constant 0 : i32
      %scan3A_175 = arith.constant 8 : i32
      %scan3A_176 = arith.addi %scan3A_174, %scan3A_175 : i32
      %scan3A_177 = arith.constant 1 : i32
      %scan3A_178 = scf.for %scan3A_187 = %scan3A_174 to %scan3A_176 step %scan3A_177 iter_args(%scan3A_188 = %scan3A_118) -> (vector<16xi32>)  : i32 {
        %scan3A_189 = arith.constant 0 : i32
        %scan3A_190 = arith.constant 16 : i32
        %scan3A_191 = arith.addi %scan3A_189, %scan3A_190 : i32
        %scan3A_192 = arith.constant 1 : i32
        %scan3A_193 = scf.for %scan3A_195 = %scan3A_189 to %scan3A_191 step %scan3A_192 iter_args(%scan3A_196 = %scan3A_188) -> (vector<16xi32>)  : i32 {
          %mul3A_197 = arith.constant 128 : i32
          %mul3A_198 = arith.muli %scan3A_195, %mul3A_197 : i32
          %add3A_199 = arith.constant 0 : i32
          %add3A_200 = arith.addi %mul3A_198, %add3A_199 : i32
          %get3A = arith.index_cast %scan3A_187 : i32 to index
          %get3A_201 = arith.index_cast %add3A_200 : i32 to index
          %get3A_202 = tpu.vector_load %arg6[%get3A, %get3A_201] {strides = array<i32>} : memref<8x2048xf32, #tpu.memory_space<vmem>>, vector<16xf32>,
          %ge3A = arith.cmpf oge, %get3A_202, %bitcast_convert_type3A : vector<16xf32>
          %jit3A_203 = arith.constant 1 : i32
          %jit3A_204 = arith.constant 0 : i32
          %broadcast_in_dim3A_205 = vector.broadcast %jit3A_203 : i32 to vector<16xi32>
          %broadcast_in_dim3A_206 = vector.broadcast %jit3A_204 : i32 to vector<16xi32>
          %select_n3A_207 = arith.select %ge3A, %broadcast_in_dim3A_205, %broadcast_in_dim3A_206 : vector<16xi1>, vector<16xi32>
          %mul3A_208 = arith.constant 128 : i32
          %mul3A_209 = arith.muli %scan3A_195, %mul3A_208 : i32
          %add3A_210 = arith.constant 16 : i32
          %add3A_211 = arith.addi %mul3A_209, %add3A_210 : i32
          %get3A_212 = arith.index_cast %scan3A_187 : i32 to index
          %get3A_213 = arith.index_cast %add3A_211 : i32 to index
          %get3A_214 = tpu.vector_load %arg6[%get3A_212, %get3A_213] {strides = array<i32>} : memref<8x2048xf32, #tpu.memory_space<vmem>>, vector<16xf32>,
          %ge3A_215 = arith.cmpf oge, %get3A_214, %bitcast_convert_type3A : vector<16xf32>
          %jit3A_216 = arith.constant 1 : i32
          %jit3A_217 = arith.constant 0 : i32
          %broadcast_in_dim3A_218 = vector.broadcast %jit3A_216 : i32 to vector<16xi32>
          %broadcast_in_dim3A_219 = vector.broadcast %jit3A_217 : i32 to vector<16xi32>
          %select_n3A_220 = arith.select %ge3A_215, %broadcast_in_dim3A_218, %broadcast_in_dim3A_219 : vector<16xi1>, vector<16xi32>
          %mul3A_221 = arith.constant 128 : i32
          %mul3A_222 = arith.muli %scan3A_195, %mul3A_221 : i32
          %add3A_223 = arith.constant 32 : i32
          %add3A_224 = arith.addi %mul3A_222, %add3A_223 : i32
          %get3A_225 = arith.index_cast %scan3A_187 : i32 to index
          %get3A_226 = arith.index_cast %add3A_224 : i32 to index
          %get3A_227 = tpu.vector_load %arg6[%get3A_225, %get3A_226] {strides = array<i32>} : memref<8x2048xf32, #tpu.memory_space<vmem>>, vector<16xf32>,
          %ge3A_228 = arith.cmpf oge, %get3A_227, %bitcast_convert_type3A : vector<16xf32>
          %jit3A_229 = arith.constant 1 : i32
          %jit3A_230 = arith.constant 0 : i32
          %broadcast_in_dim3A_231 = vector.broadcast %jit3A_229 : i32 to vector<16xi32>
          %broadcast_in_dim3A_232 = vector.broadcast %jit3A_230 : i32 to vector<16xi32>
          %select_n3A_233 = arith.select %ge3A_228, %broadcast_in_dim3A_231, %broadcast_in_dim3A_232 : vector<16xi1>, vector<16xi32>
          %mul3A_234 = arith.constant 128 : i32
          %mul3A_235 = arith.muli %scan3A_195, %mul3A_234 : i32
          %add3A_236 = arith.constant 48 : i32
          %add3A_237 = arith.addi %mul3A_235, %add3A_236 : i32
          %get3A_238 = arith.index_cast %scan3A_187 : i32 to index
          %get3A_239 = arith.index_cast %add3A_237 : i32 to index
          %get3A_240 = tpu.vector_load %arg6[%get3A_238, %get3A_239] {strides = array<i32>} : memref<8x2048xf32, #tpu.memory_space<vmem>>, vector<16xf32>,
          %ge3A_241 = arith.cmpf oge, %get3A_240, %bitcast_convert_type3A : vector<16xf32>
          %jit3A_242 = arith.constant 1 : i32
          %jit3A_243 = arith.constant 0 : i32
          %broadcast_in_dim3A_244 = vector.broadcast %jit3A_242 : i32 to vector<16xi32>
          %broadcast_in_dim3A_245 = vector.broadcast %jit3A_243 : i32 to vector<16xi32>
          %select_n3A_246 = arith.select %ge3A_241, %broadcast_in_dim3A_244, %broadcast_in_dim3A_245 : vector<16xi1>, vector<16xi32>
          %mul3A_247 = arith.constant 128 : i32
          %mul3A_248 = arith.muli %scan3A_195, %mul3A_247 : i32
          %add3A_249 = arith.constant 64 : i32
          %add3A_250 = arith.addi %mul3A_248, %add3A_249 : i32
          %get3A_251 = arith.index_cast %scan3A_187 : i32 to index
          %get3A_252 = arith.index_cast %add3A_250 : i32 to index
          %get3A_253 = tpu.vector_load %arg6[%get3A_251, %get3A_252] {strides = array<i32>} : memref<8x2048xf32, #tpu.memory_space<vmem>>, vector<16xf32>,
          %ge3A_254 = arith.cmpf oge, %get3A_253, %bitcast_convert_type3A : vector<16xf32>
          %jit3A_255 = arith.constant 1 : i32
          %jit3A_256 = arith.constant 0 : i32
          %broadcast_in_dim3A_257 = vector.broadcast %jit3A_255 : i32 to vector<16xi32>
          %broadcast_in_dim3A_258 = vector.broadcast %jit3A_256 : i32 to vector<16xi32>
          %select_n3A_259 = arith.select %ge3A_254, %broadcast_in_dim3A_257, %broadcast_in_dim3A_258 : vector<16xi1>, vector<16xi32>
          %mul3A_260 = arith.constant 128 : i32
          %mul3A_261 = arith.muli %scan3A_195, %mul3A_260 : i32
          %add3A_262 = arith.constant 80 : i32
          %add3A_263 = arith.addi %mul3A_261, %add3A_262 : i32
          %get3A_264 = arith.index_cast %scan3A_187 : i32 to index
          %get3A_265 = arith.index_cast %add3A_263 : i32 to index
          %get3A_266 = tpu.vector_load %arg6[%get3A_264, %get3A_265] {strides = array<i32>} : memref<8x2048xf32, #tpu.memory_space<vmem>>, vector<16xf32>,
          %ge3A_267 = arith.cmpf oge, %get3A_266, %bitcast_convert_type3A : vector<16xf32>
          %jit3A_268 = arith.constant 1 : i32
          %jit3A_269 = arith.constant 0 : i32
          %broadcast_in_dim3A_270 = vector.broadcast %jit3A_268 : i32 to vector<16xi32>
          %broadcast_in_dim3A_271 = vector.broadcast %jit3A_269 : i32 to vector<16xi32>
          %select_n3A_272 = arith.select %ge3A_267, %broadcast_in_dim3A_270, %broadcast_in_dim3A_271 : vector<16xi1>, vector<16xi32>
          %mul3A_273 = arith.constant 128 : i32
          %mul3A_274 = arith.muli %scan3A_195, %mul3A_273 : i32
          %add3A_275 = arith.constant 96 : i32
          %add3A_276 = arith.addi %mul3A_274, %add3A_275 : i32
          %get3A_277 = arith.index_cast %scan3A_187 : i32 to index
          %get3A_278 = arith.index_cast %add3A_276 : i32 to index
          %get3A_279 = tpu.vector_load %arg6[%get3A_277, %get3A_278] {strides = array<i32>} : memref<8x2048xf32, #tpu.memory_space<vmem>>, vector<16xf32>,
          %ge3A_280 = arith.cmpf oge, %get3A_279, %bitcast_convert_type3A : vector<16xf32>
          %jit3A_281 = arith.constant 1 : i32
          %jit3A_282 = arith.constant 0 : i32
          %broadcast_in_dim3A_283 = vector.broadcast %jit3A_281 : i32 to vector<16xi32>
          %broadcast_in_dim3A_284 = vector.broadcast %jit3A_282 : i32 to vector<16xi32>
          %select_n3A_285 = arith.select %ge3A_280, %broadcast_in_dim3A_283, %broadcast_in_dim3A_284 : vector<16xi1>, vector<16xi32>
          %mul3A_286 = arith.constant 128 : i32
          %mul3A_287 = arith.muli %scan3A_195, %mul3A_286 : i32
          %add3A_288 = arith.constant 112 : i32
          %add3A_289 = arith.addi %mul3A_287, %add3A_288 : i32
          %get3A_290 = arith.index_cast %scan3A_187 : i32 to index
          %get3A_291 = arith.index_cast %add3A_289 : i32 to index
          %get3A_292 = tpu.vector_load %arg6[%get3A_290, %get3A_291] {strides = array<i32>} : memref<8x2048xf32, #tpu.memory_space<vmem>>, vector<16xf32>,
          %ge3A_293 = arith.cmpf oge, %get3A_292, %bitcast_convert_type3A : vector<16xf32>
          %jit3A_294 = arith.constant 1 : i32
          %jit3A_295 = arith.constant 0 : i32
          %broadcast_in_dim3A_296 = vector.broadcast %jit3A_294 : i32 to vector<16xi32>
          %broadcast_in_dim3A_297 = vector.broadcast %jit3A_295 : i32 to vector<16xi32>
          %select_n3A_298 = arith.select %ge3A_293, %broadcast_in_dim3A_296, %broadcast_in_dim3A_297 : vector<16xi1>, vector<16xi32>
          %min3A = arith.constant 2039 : i32
          %min3A_299 = vector.broadcast %min3A : i32 to vector<16xi32>
          %min3A_300 = arith.minsi %scan3A_196, %min3A_299 : vector<16xi32>
          %add3A_301 = arith.addi %mul3A_40, %min3A_300 : vector<16xi32>
          tpu.vector_store_idx %arg7[%add3A_301], %get3A_202 masked %ge3A : memref<32768xf32, #tpu.memory_space<vmem>>[vector<16xi32>], vector<16xf32>, vector<16xi1>
          %add3A_302 = arith.addi %add3A_301, %select_n3A_207 : vector<16xi32>
          tpu.vector_store_idx %arg7[%add3A_302], %get3A_214 masked %ge3A_215 : memref<32768xf32, #tpu.memory_space<vmem>>[vector<16xi32>], vector<16xf32>, vector<16xi1>
          %add3A_303 = arith.addi %add3A_302, %select_n3A_220 : vector<16xi32>
          tpu.vector_store_idx %arg7[%add3A_303], %get3A_227 masked %ge3A_228 : memref<32768xf32, #tpu.memory_space<vmem>>[vector<16xi32>], vector<16xf32>, vector<16xi1>
          %add3A_304 = arith.addi %add3A_303, %select_n3A_233 : vector<16xi32>
          tpu.vector_store_idx %arg7[%add3A_304], %get3A_240 masked %ge3A_241 : memref<32768xf32, #tpu.memory_space<vmem>>[vector<16xi32>], vector<16xf32>, vector<16xi1>
          %add3A_305 = arith.addi %add3A_304, %select_n3A_246 : vector<16xi32>
          tpu.vector_store_idx %arg7[%add3A_305], %get3A_253 masked %ge3A_254 : memref<32768xf32, #tpu.memory_space<vmem>>[vector<16xi32>], vector<16xf32>, vector<16xi1>
          %add3A_306 = arith.addi %add3A_305, %select_n3A_259 : vector<16xi32>
          tpu.vector_store_idx %arg7[%add3A_306], %get3A_266 masked %ge3A_267 : memref<32768xf32, #tpu.memory_space<vmem>>[vector<16xi32>], vector<16xf32>, vector<16xi1>
          %add3A_307 = arith.addi %add3A_306, %select_n3A_272 : vector<16xi32>
          tpu.vector_store_idx %arg7[%add3A_307], %get3A_279 masked %ge3A_280 : memref<32768xf32, #tpu.memory_space<vmem>>[vector<16xi32>], vector<16xf32>, vector<16xi1>
          %add3A_308 = arith.addi %add3A_307, %select_n3A_285 : vector<16xi32>
          tpu.vector_store_idx %arg7[%add3A_308], %get3A_292 masked %ge3A_293 : memref<32768xf32, #tpu.memory_space<vmem>>[vector<16xi32>], vector<16xf32>, vector<16xi1>
          %add3A_309 = arith.addi %add3A_308, %select_n3A_298 : vector<16xi32>
          %sub3A_310 = arith.subi %add3A_309, %add3A_301 : vector<16xi32>
          %add3A_311 = arith.addi %scan3A_196, %sub3A_310 : vector<16xi32>
          scf.yield %add3A_311 : vector<16xi32>
        }
        %scan3A_194 = arith.constant 16 : i32
        scf.yield %scan3A_193 : vector<16xi32>
      }
      %scan3A_179 = arith.constant 8 : i32
      %add3A_180 = arith.constant 3 : i32
      %add3A_181 = arith.addi %mul3A_77, %add3A_180 : i32
      %lt3A_182 = arith.constant 120 : i32
      %lt3A_183 = arith.cmpi slt, %add3A_181, %lt3A_182 : i32
      %convert_element_type3A_184 = arith.extui %lt3A_183 : i1 to i32
      %cond3A_185 = arith.constant 0 : i32
      %cond3A_186 = arith.cmpi ne, %convert_element_type3A_184, %cond3A_185 : i32
      scf.if %cond3A_186 {
        %add3A_187 = arith.constant 3 : i32
        %add3A_188 = arith.addi %mul3A_77, %add3A_187 : i32
        %jit3A_189 = arith.constant 15 : i32
        %div3A_190 = arith.divsi %add3A_188, %jit3A_189 : i32
        %sign3A_191 = arith.constant 0 : i32
        %sign3A_192 = arith.cmpi sgt, %add3A_188, %sign3A_191 : i32
        %sign3A_193 = arith.extui %sign3A_192 : i1 to i32
        %sign3A_194 = arith.constant 0 : i32
        %sign3A_195 = arith.cmpi slt, %add3A_188, %sign3A_194 : i32
        %sign3A_196 = arith.extui %sign3A_195 : i1 to i32
        %sign3A_197 = arith.subi %sign3A_193, %sign3A_196 : i32
        %sign3A_198 = arith.constant 0 : i32
        %sign3A_199 = arith.cmpi sgt, %jit3A_189, %sign3A_198 : i32
        %sign3A_200 = arith.extui %sign3A_199 : i1 to i32
        %sign3A_201 = arith.constant 0 : i32
        %sign3A_202 = arith.cmpi slt, %jit3A_189, %sign3A_201 : i32
        %sign3A_203 = arith.extui %sign3A_202 : i1 to i32
        %sign3A_204 = arith.subi %sign3A_200, %sign3A_203 : i32
        %ne3A_205 = arith.cmpi ne, %sign3A_197, %sign3A_204 : i32
        %rem3A_206 = arith.remsi %add3A_188, %jit3A_189 : i32
        %ne3A_207 = arith.constant 0 : i32
        %ne3A_208 = arith.cmpi ne, %rem3A_206, %ne3A_207 : i32
        %and3A_209 = arith.andi %ne3A_205, %ne3A_208 : i1
        %sub3A_210 = arith.constant 1 : i32
        %sub3A_211 = arith.subi %div3A_190, %sub3A_210 : i32
        %select_n3A_212 = arith.select %and3A_209, %sub3A_211, %div3A_190 : i32
        %jit3A_213 = arith.constant 15 : i32
        %eq3A_214 = arith.constant 0 : i32
        %eq3A_215 = arith.cmpi eq, %jit3A_213, %eq3A_214 : i32
        %jit3A_216 = arith.constant 1 : i32
        %select_n3A_217 = arith.select %eq3A_215, %jit3A_216, %jit3A_213 : i32
        %rem3A_218 = arith.remsi %add3A_188, %select_n3A_217 : i32
        %ne3A_219 = arith.constant 0 : i32
        %ne3A_220 = arith.cmpi ne, %rem3A_218, %ne3A_219 : i32
        %lt3A_221 = arith.constant 0 : i32
        %lt3A_222 = arith.cmpi slt, %rem3A_218, %lt3A_221 : i32
        %lt3A_223 = arith.constant 0 : i32
        %lt3A_224 = arith.cmpi slt, %select_n3A_217, %lt3A_223 : i32
        %ne3A_225 = arith.xori %lt3A_222, %lt3A_224 : i1
        %and3A_226 = arith.andi %ne3A_225, %ne3A_220 : i1
        %add3A_227 = arith.addi %rem3A_218, %select_n3A_217 : i32
        %select_n3A_228 = arith.select %and3A_226, %add3A_227, %rem3A_218 : i32
        %mul3A_229 = arith.constant 8 : i32
        %mul3A_230 = arith.muli %select_n3A_212, %mul3A_229 : i32
        %add3A_231 = arith.addi %mul3A_2, %mul3A_230 : i32
        %mul3A_232 = arith.constant 2048 : i32
        %mul3A_233 = arith.muli %select_n3A_228, %mul3A_232 : i32
        %dma_start3A_234 = tpu.memref_slice %arg2[%add3A_231, %mul3A_233] : memref<2048x30720xf32, #tpu.memory_space<hbm>> -> memref<8x2048xf32, #tpu.memory_space<hbm>>
        %dma_start3A_235 = tpu.memref_slice %arg2[%add3A_231, %mul3A_233] : memref<2048x30720xf32, #tpu.memory_space<hbm>> -> memref<8x2048xf32, #tpu.memory_space<hbm>>
        tpu.enqueue_dma source(%dma_start3A_235 : memref<8x2048xf32, #tpu.memory_space<hbm>>) target(%arg6 : memref<8x2048xf32, #tpu.memory_space<vmem>>) target_semaphore(%arg10 : memref<!tpu.dma_semaphore, #tpu.memory_space<semaphore_mem>>)
      } else {
      }
      scf.yield %scan3A_178 : vector<16xi32>
    }
    %scan3A_59 = arith.constant 60 : i32
    %scan3A_60 = arith.constant 0 : i32
    %scan3A_61 = arith.constant 0 : i32
    %scan3A_62 = arith.constant 256 : i32
    %scan3A_63 = arith.addi %scan3A_61, %scan3A_62 : i32
    %scan3A_64 = arith.constant 1 : i32
    %scan3A_65 = scf.for %scan3A_74 = %scan3A_61 to %scan3A_63 step %scan3A_64 iter_args(%scan3A_75 = %scan3A_60) -> (i32)  : i32 {
      %broadcast_in_dim3A_76 = arith.constant 0 : i32
      %broadcast_in_dim3A_77 = vector.broadcast %broadcast_in_dim3A_76 : i32 to vector<16xi32>
      %mul3A_78 = arith.constant 16 : i32
      %mul3A_79 = arith.muli %scan3A_74, %mul3A_78 : i32
      %swap3A = arith.index_cast %mul3A_79 : i32 to index
      %swap3A_80 = tpu.vector_load %arg8[%swap3A] {strides = array<i32>} : memref<4096xi32, #tpu.memory_space<vmem>>, vector<16xi32>,
      tpu.vector_store %arg8[%swap3A], %broadcast_in_dim3A_77 {strides = array<i32>} : memref<4096xi32, #tpu.memory_space<vmem>>, vector<16xi32>,
      %scan3A_81 = arith.constant 0 : i32
      scf.yield %scan3A_81 : i32
    }
    %scan3A_66 = arith.constant 256 : i32
    %scan3A_67 = arith.constant 0 : i32
    %scan3A_68 = arith.constant 0 : i32
    %scan3A_69 = arith.constant 512 : i32
    %scan3A_70 = arith.addi %scan3A_68, %scan3A_69 : i32
    %scan3A_71 = arith.constant 1 : i32
    %scan3A_72 = scf.for %scan3A_74 = %scan3A_68 to %scan3A_70 step %scan3A_71 iter_args(%scan3A_75 = %scan3A_67) -> (i32)  : i32 {
      %mul3A_76 = arith.constant 4 : i32
      %mul3A_77 = arith.muli %scan3A_74, %mul3A_76 : i32
      %add3A_78 = arith.constant 0 : i32
      %add3A_79 = arith.addi %mul3A_77, %add3A_78 : i32
      %mul3A_80 = arith.constant 16 : i32
      %mul3A_81 = arith.muli %add3A_79, %mul3A_80 : i32
      %get3A = arith.index_cast %mul3A_81 : i32 to index
      %get3A_82 = tpu.vector_load %arg7[%get3A] {strides = array<i32>} : memref<32768xf32, #tpu.memory_space<vmem>>, vector<16xf32>,
      %bitcast_convert_type3A_83 = tpu.bitcast %get3A_82 : vector<16xf32> -> vector<16xi32>
      %shift_right_arithmetic3A = arith.constant 19 : i32
      %shift_right_arithmetic3A_84 = vector.broadcast %shift_right_arithmetic3A : i32 to vector<16xi32>
      %shift_right_arithmetic3A_85 = arith.shrsi %bitcast_convert_type3A_83, %shift_right_arithmetic3A_84 : vector<16xi32>
      %ge3A = arith.cmpf oge, %get3A_82, %bitcast_convert_type3A : vector<16xf32>
      tpu.vector_store_idx %arg8[%shift_right_arithmetic3A_85], %broadcast_in_dim3A_3 masked %ge3A {add = true} : memref<4096xi32, #tpu.memory_space<vmem>>[vector<16xi32>], vector<16xi32>, vector<16xi1>
      %mul3A_86 = arith.constant 4 : i32
      %mul3A_87 = arith.muli %scan3A_74, %mul3A_86 : i32
      %add3A_88 = arith.constant 1 : i32
      %add3A_89 = arith.addi %mul3A_87, %add3A_88 : i32
      %mul3A_90 = arith.constant 16 : i32
      %mul3A_91 = arith.muli %add3A_89, %mul3A_90 : i32
      %get3A_92 = arith.index_cast %mul3A_91 : i32 to index
      %get3A_93 = tpu.vector_load %arg7[%get3A_92] {strides = array<i32>} : memref<32768xf32, #tpu.memory_space<vmem>>, vector<16xf32>,
      %bitcast_convert_type3A_94 = tpu.bitcast %get3A_93 : vector<16xf32> -> vector<16xi32>
      %shift_right_arithmetic3A_95 = arith.constant 19 : i32
      %shift_right_arithmetic3A_96 = vector.broadcast %shift_right_arithmetic3A_95 : i32 to vector<16xi32>
      %shift_right_arithmetic3A_97 = arith.shrsi %bitcast_convert_type3A_94, %shift_right_arithmetic3A_96 : vector<16xi32>
      %ge3A_98 = arith.cmpf oge, %get3A_93, %bitcast_convert_type3A : vector<16xf32>
      tpu.vector_store_idx %arg8[%shift_right_arithmetic3A_97], %broadcast_in_dim3A_3 masked %ge3A_98 {add = true} : memref<4096xi32, #tpu.memory_space<vmem>>[vector<16xi32>], vector<16xi32>, vector<16xi1>
      %mul3A_99 = arith.constant 4 : i32
      %mul3A_100 = arith.muli %scan3A_74, %mul3A_99 : i32
      %add3A_101 = arith.constant 2 : i32
      %add3A_102 = arith.addi %mul3A_100, %add3A_101 : i32
      %mul3A_103 = arith.constant 16 : i32
      %mul3A_104 = arith.muli %add3A_102, %mul3A_103 : i32
      %get3A_105 = arith.index_cast %mul3A_104 : i32 to index
      %get3A_106 = tpu.vector_load %arg7[%get3A_105] {strides = array<i32>} : memref<32768xf32, #tpu.memory_space<vmem>>, vector<16xf32>,
      %bitcast_convert_type3A_107 = tpu.bitcast %get3A_106 : vector<16xf32> -> vector<16xi32>
      %shift_right_arithmetic3A_108 = arith.constant 19 : i32
      %shift_right_arithmetic3A_109 = vector.broadcast %shift_right_arithmetic3A_108 : i32 to vector<16xi32>
      %shift_right_arithmetic3A_110 = arith.shrsi %bitcast_convert_type3A_107, %shift_right_arithmetic3A_109 : vector<16xi32>
      %ge3A_111 = arith.cmpf oge, %get3A_106, %bitcast_convert_type3A : vector<16xf32>
      tpu.vector_store_idx %arg8[%shift_right_arithmetic3A_110], %broadcast_in_dim3A_3 masked %ge3A_111 {add = true} : memref<4096xi32, #tpu.memory_space<vmem>>[vector<16xi32>], vector<16xi32>, vector<16xi1>
      %mul3A_112 = arith.constant 4 : i32
      %mul3A_113 = arith.muli %scan3A_74, %mul3A_112 : i32
      %add3A_114 = arith.constant 3 : i32
      %add3A_115 = arith.addi %mul3A_113, %add3A_114 : i32
      %mul3A_116 = arith.constant 16 : i32
      %mul3A_117 = arith.muli %add3A_115, %mul3A_116 : i32
      %get3A_118 = arith.index_cast %mul3A_117 : i32 to index
      %get3A_119 = tpu.vector_load %arg7[%get3A_118] {strides = array<i32>} : memref<32768xf32, #tpu.memory_space<vmem>>, vector<16xf32>,
      %bitcast_convert_type3A_120 = tpu.bitcast %get3A_119 : vector<16xf32> -> vector<16xi32>
      %shift_right_arithmetic3A_121 = arith.constant 19 : i32
      %shift_right_arithmetic3A_122 = vector.broadcast %shift_right_arithmetic3A_121 : i32 to vector<16xi32>
      %shift_right_arithmetic3A_123 = arith.shrsi %bitcast_convert_type3A_120, %shift_right_arithmetic3A_122 : vector<16xi32>
      %ge3A_124 = arith.cmpf oge, %get3A_119, %bitcast_convert_type3A : vector<16xf32>
      tpu.vector_store_idx %arg8[%shift_right_arithmetic3A_123], %broadcast_in_dim3A_3 masked %ge3A_124 {add = true} : memref<4096xi32, #tpu.memory_space<vmem>>[vector<16xi32>], vector<16xi32>, vector<16xi1>
      %scan3A_125 = arith.constant 0 : i32
      scf.yield %scan3A_125 : i32
    }
    %scan3A_73 = arith.constant 512 : i32
    "tpu.region"() ({
      %run_scoped3A = tpu.sem_alloc : memref<!tpu.dma_semaphore, #tpu.memory_space<semaphore_mem>>
      %dma_start3A_74 = arith.constant 0 : i32
      %dma_start3A_75 = tpu.memref_slice %arg3[%add3A, %dma_start3A_74] : memref<32x32768xf32, #tpu.memory_space<hbm>> -> memref<1x32768xf32, #tpu.memory_space<hbm>>
      %dma_start3A_76 = tpu.memref_squeeze %dma_start3A_75 : memref<1x32768xf32, #tpu.memory_space<hbm>> -> memref<32768xf32, #tpu.memory_space<hbm>>
      %dma_start3A_77 = arith.constant 0 : i32
      %dma_start3A_78 = tpu.memref_slice %arg3[%add3A, %dma_start3A_77] : memref<32x32768xf32, #tpu.memory_space<hbm>> -> memref<1x32768xf32, #tpu.memory_space<hbm>>
      %dma_start3A_79 = tpu.memref_squeeze %dma_start3A_78 : memref<1x32768xf32, #tpu.memory_space<hbm>> -> memref<32768xf32, #tpu.memory_space<hbm>>
      tpu.enqueue_dma source(%arg7 : memref<32768xf32, #tpu.memory_space<vmem>>) target(%dma_start3A_79 : memref<32768xf32, #tpu.memory_space<hbm>>) target_semaphore(%run_scoped3A : memref<!tpu.dma_semaphore, #tpu.memory_space<semaphore_mem>>)
      %dma_wait3A = arith.constant 0 : i32
      %dma_wait3A_80 = tpu.memref_slice %arg3[%add3A, %dma_wait3A] : memref<32x32768xf32, #tpu.memory_space<hbm>> -> memref<1x32768xf32, #tpu.memory_space<hbm>>
      %dma_wait3A_81 = tpu.memref_squeeze %dma_wait3A_80 : memref<1x32768xf32, #tpu.memory_space<hbm>> -> memref<32768xf32, #tpu.memory_space<hbm>>
      %dma_wait3A_82 = arith.constant 0 : i32
      %dma_wait3A_83 = tpu.memref_slice %arg3[%add3A, %dma_wait3A_82] : memref<32x32768xf32, #tpu.memory_space<hbm>> -> memref<1x32768xf32, #tpu.memory_space<hbm>>
      %dma_wait3A_84 = tpu.memref_squeeze %dma_wait3A_83 : memref<1x32768xf32, #tpu.memory_space<hbm>> -> memref<32768xf32, #tpu.memory_space<hbm>>
      tpu.wait_dma2 semaphore(%run_scoped3A : memref<!tpu.dma_semaphore, #tpu.memory_space<semaphore_mem>>) src(%arg7 : memref<32768xf32, #tpu.memory_space<vmem>>) dst(%dma_wait3A_84 : memref<32768xf32, #tpu.memory_space<hbm>>)
      tpu.yield
    }) : () -> ()
    "tpu.region"() ({
      %run_scoped3A = tpu.sem_alloc : memref<!tpu.dma_semaphore, #tpu.memory_space<semaphore_mem>>
      %dma_start3A_74 = arith.constant 0 : i32
      %dma_start3A_75 = tpu.memref_slice %arg4[%add3A, %dma_start3A_74] : memref<32x4096xi32, #tpu.memory_space<hbm>> -> memref<1x4096xi32, #tpu.memory_space<hbm>>
      %dma_start3A_76 = tpu.memref_squeeze %dma_start3A_75 : memref<1x4096xi32, #tpu.memory_space<hbm>> -> memref<4096xi32, #tpu.memory_space<hbm>>
      %dma_start3A_77 = arith.constant 0 : i32
      %dma_start3A_78 = tpu.memref_slice %arg4[%add3A, %dma_start3A_77] : memref<32x4096xi32, #tpu.memory_space<hbm>> -> memref<1x4096xi32, #tpu.memory_space<hbm>>
      %dma_start3A_79 = tpu.memref_squeeze %dma_start3A_78 : memref<1x4096xi32, #tpu.memory_space<hbm>> -> memref<4096xi32, #tpu.memory_space<hbm>>
      tpu.enqueue_dma source(%arg8 : memref<4096xi32, #tpu.memory_space<vmem>>) target(%dma_start3A_79 : memref<4096xi32, #tpu.memory_space<hbm>>) target_semaphore(%run_scoped3A : memref<!tpu.dma_semaphore, #tpu.memory_space<semaphore_mem>>)
      %dma_wait3A = arith.constant 0 : i32
      %dma_wait3A_80 = tpu.memref_slice %arg4[%add3A, %dma_wait3A] : memref<32x4096xi32, #tpu.memory_space<hbm>> -> memref<1x4096xi32, #tpu.memory_space<hbm>>
      %dma_wait3A_81 = tpu.memref_squeeze %dma_wait3A_80 : memref<1x4096xi32, #tpu.memory_space<hbm>> -> memref<4096xi32, #tpu.memory_space<hbm>>
      %dma_wait3A_82 = arith.constant 0 : i32
      %dma_wait3A_83 = tpu.memref_slice %arg4[%add3A, %dma_wait3A_82] : memref<32x4096xi32, #tpu.memory_space<hbm>> -> memref<1x4096xi32, #tpu.memory_space<hbm>>
      %dma_wait3A_84 = tpu.memref_squeeze %dma_wait3A_83 : memref<1x4096xi32, #tpu.memory_space<hbm>> -> memref<4096xi32, #tpu.memory_space<hbm>>
      tpu.wait_dma2 semaphore(%run_scoped3A : memref<!tpu.dma_semaphore, #tpu.memory_space<semaphore_mem>>) src(%arg8 : memref<4096xi32, #tpu.memory_space<vmem>>) dst(%dma_wait3A_84 : memref<4096xi32, #tpu.memory_space<hbm>>)
      tpu.yield
    }) : () -> ()
    return
  }
}

#map = affine_map<(d0, d1) -> (0, 0)>
#map1 = affine_map<(d0, d1) -> (0)>
module attributes {stable_mosaic.version = 14 : i64} {
  func.func @bracket_kernel(%arg0: i32, %arg1: i32, %arg2: memref<32x4096xi32, #tpu.memory_space<hbm>>, %arg3: memref<16xi32, #tpu.memory_space<hbm>>, %arg4: memref<4096xi32, #tpu.memory_space<vmem>>, %arg5: memref<4096xi32, #tpu.memory_space<vmem>>, %arg6: memref<4096xi32, #tpu.memory_space<vmem>>, %arg7: memref<16xi32, #tpu.memory_space<vmem>>, %arg8: memref<!tpu.dma_semaphore, #tpu.memory_space<semaphore_mem>>, %arg9: memref<!tpu.dma_semaphore, #tpu.memory_space<semaphore_mem>>) attributes {dimension_semantics = [#tpu.dimension_semantics<core_parallel>, #tpu.dimension_semantics<subcore_parallel>], iteration_bounds = array<i64: 2, 16>, scalar_prefetch = 0 : i64, scratch_operands = 6 : i64, tpu.core_type = #tpu.core_type<sc_vector_subcore>, window_params = [{transform_indices = #map}, {transform_indices = #map1}]} {
    %mul3A = arith.constant 2 : i32
    %mul3A_0 = arith.muli %arg1, %mul3A : i32
    %add3A = arith.addi %mul3A_0, %arg0 : i32
    %eq3A = arith.constant 0 : i32
    %eq3A_1 = arith.cmpi eq, %add3A, %eq3A : i32
    %convert_element_type3A = arith.extui %eq3A_1 : i1 to i32
    %cond3A = arith.constant 0 : i32
    %cond3A_2 = arith.cmpi ne, %convert_element_type3A, %cond3A : i32
    scf.if %cond3A_2 {
      %scan3A = arith.constant 0 : i32
      %scan3A_3 = arith.constant 0 : i32
      %scan3A_4 = arith.constant 256 : i32
      %scan3A_5 = arith.addi %scan3A_3, %scan3A_4 : i32
      %scan3A_6 = arith.constant 1 : i32
      %scan3A_7 = scf.for %scan3A_50 = %scan3A_3 to %scan3A_5 step %scan3A_6 iter_args(%scan3A_51 = %scan3A) -> (i32)  : i32 {
        %broadcast_in_dim3A_52 = arith.constant 0 : i32
        %broadcast_in_dim3A_53 = vector.broadcast %broadcast_in_dim3A_52 : i32 to vector<16xi32>
        %mul3A_54 = arith.constant 16 : i32
        %mul3A_55 = arith.muli %scan3A_50, %mul3A_54 : i32
        %swap3A_56 = arith.index_cast %mul3A_55 : i32 to index
        %swap3A_57 = tpu.vector_load %arg4[%swap3A_56] {strides = array<i32>} : memref<4096xi32, #tpu.memory_space<vmem>>, vector<16xi32>,
        tpu.vector_store %arg4[%swap3A_56], %broadcast_in_dim3A_53 {strides = array<i32>} : memref<4096xi32, #tpu.memory_space<vmem>>, vector<16xi32>,
        %scan3A_58 = arith.constant 0 : i32
        scf.yield %scan3A_58 : i32
      }
      %scan3A_8 = arith.constant 256 : i32
      %dma_start3A = arith.constant 0 : i32
      %dma_start3A_9 = arith.constant 0 : i32
      %dma_start3A_10 = tpu.memref_slice %arg2[%dma_start3A, %dma_start3A_9] : memref<32x4096xi32, #tpu.memory_space<hbm>> -> memref<1x4096xi32, #tpu.memory_space<hbm>>
      %dma_start3A_11 = tpu.memref_squeeze %dma_start3A_10 : memref<1x4096xi32, #tpu.memory_space<hbm>> -> memref<4096xi32, #tpu.memory_space<hbm>>
      %dma_start3A_12 = arith.constant 0 : i32
      %dma_start3A_13 = tpu.memref_slice %arg2[%dma_start3A, %dma_start3A_12] : memref<32x4096xi32, #tpu.memory_space<hbm>> -> memref<1x4096xi32, #tpu.memory_space<hbm>>
      %dma_start3A_14 = tpu.memref_squeeze %dma_start3A_13 : memref<1x4096xi32, #tpu.memory_space<hbm>> -> memref<4096xi32, #tpu.memory_space<hbm>>
      tpu.enqueue_dma source(%dma_start3A_14 : memref<4096xi32, #tpu.memory_space<hbm>>) target(%arg5 : memref<4096xi32, #tpu.memory_space<vmem>>) target_semaphore(%arg8 : memref<!tpu.dma_semaphore, #tpu.memory_space<semaphore_mem>>)
      %dma_start3A_15 = arith.constant 1 : i32
      %dma_start3A_16 = arith.constant 0 : i32
      %dma_start3A_17 = tpu.memref_slice %arg2[%dma_start3A_15, %dma_start3A_16] : memref<32x4096xi32, #tpu.memory_space<hbm>> -> memref<1x4096xi32, #tpu.memory_space<hbm>>
      %dma_start3A_18 = tpu.memref_squeeze %dma_start3A_17 : memref<1x4096xi32, #tpu.memory_space<hbm>> -> memref<4096xi32, #tpu.memory_space<hbm>>
      %dma_start3A_19 = arith.constant 0 : i32
      %dma_start3A_20 = tpu.memref_slice %arg2[%dma_start3A_15, %dma_start3A_19] : memref<32x4096xi32, #tpu.memory_space<hbm>> -> memref<1x4096xi32, #tpu.memory_space<hbm>>
      %dma_start3A_21 = tpu.memref_squeeze %dma_start3A_20 : memref<1x4096xi32, #tpu.memory_space<hbm>> -> memref<4096xi32, #tpu.memory_space<hbm>>
      tpu.enqueue_dma source(%dma_start3A_21 : memref<4096xi32, #tpu.memory_space<hbm>>) target(%arg6 : memref<4096xi32, #tpu.memory_space<vmem>>) target_semaphore(%arg9 : memref<!tpu.dma_semaphore, #tpu.memory_space<semaphore_mem>>)
      %scan3A_22 = arith.constant 0 : i32
      %scan3A_23 = arith.constant 0 : i32
      %scan3A_24 = arith.constant 16 : i32
      %scan3A_25 = arith.addi %scan3A_23, %scan3A_24 : i32
      %scan3A_26 = arith.constant 1 : i32
      %scan3A_27 = scf.for %scan3A_50 = %scan3A_23 to %scan3A_25 step %scan3A_26 iter_args(%scan3A_51 = %scan3A_22) -> (i32)  : i32 {
        %mul3A_52 = arith.constant 2 : i32
        %mul3A_53 = arith.muli %scan3A_50, %mul3A_52 : i32
        %dma_wait3A = arith.constant 0 : i32
        %dma_wait3A_54 = tpu.memref_slice %arg2[%mul3A_53, %dma_wait3A] : memref<32x4096xi32, #tpu.memory_space<hbm>> -> memref<1x4096xi32, #tpu.memory_space<hbm>>
        %dma_wait3A_55 = tpu.memref_squeeze %dma_wait3A_54 : memref<1x4096xi32, #tpu.memory_space<hbm>> -> memref<4096xi32, #tpu.memory_space<hbm>>
        %dma_wait3A_56 = arith.constant 0 : i32
        %dma_wait3A_57 = tpu.memref_slice %arg2[%mul3A_53, %dma_wait3A_56] : memref<32x4096xi32, #tpu.memory_space<hbm>> -> memref<1x4096xi32, #tpu.memory_space<hbm>>
        %dma_wait3A_58 = tpu.memref_squeeze %dma_wait3A_57 : memref<1x4096xi32, #tpu.memory_space<hbm>> -> memref<4096xi32, #tpu.memory_space<hbm>>
        tpu.wait_dma2 semaphore(%arg8 : memref<!tpu.dma_semaphore, #tpu.memory_space<semaphore_mem>>) src(%dma_wait3A_58 : memref<4096xi32, #tpu.memory_space<hbm>>) dst(%arg5 : memref<4096xi32, #tpu.memory_space<vmem>>)
        %scan3A_59 = arith.constant 0 : i32
        %scan3A_60 = arith.constant 0 : i32
        %scan3A_61 = arith.constant 64 : i32
        %scan3A_62 = arith.addi %scan3A_60, %scan3A_61 : i32
        %scan3A_63 = arith.constant 1 : i32
        %scan3A_64 = scf.for %scan3A_95 = %scan3A_60 to %scan3A_62 step %scan3A_63 iter_args(%scan3A_96 = %scan3A_59) -> (i32)  : i32 {
          %mul3A_97 = arith.constant 4 : i32
          %mul3A_98 = arith.muli %scan3A_95, %mul3A_97 : i32
          %add3A_99 = arith.constant 0 : i32
          %add3A_100 = arith.addi %mul3A_98, %add3A_99 : i32
          %mul3A_101 = arith.constant 16 : i32
          %mul3A_102 = arith.muli %add3A_100, %mul3A_101 : i32
          %get3A = arith.index_cast %mul3A_102 : i32 to index
          %get3A_103 = tpu.vector_load %arg4[%get3A] {strides = array<i32>} : memref<4096xi32, #tpu.memory_space<vmem>>, vector<16xi32>,
          %get3A_104 = arith.index_cast %mul3A_102 : i32 to index
          %get3A_105 = tpu.vector_load %arg5[%get3A_104] {strides = array<i32>} : memref<4096xi32, #tpu.memory_space<vmem>>, vector<16xi32>,
          %add3A_106 = arith.addi %get3A_103, %get3A_105 : vector<16xi32>
          %swap3A_107 = arith.index_cast %mul3A_102 : i32 to index
          %swap3A_108 = tpu.vector_load %arg4[%swap3A_107] {strides = array<i32>} : memref<4096xi32, #tpu.memory_space<vmem>>, vector<16xi32>,
          tpu.vector_store %arg4[%swap3A_107], %add3A_106 {strides = array<i32>} : memref<4096xi32, #tpu.memory_space<vmem>>, vector<16xi32>,
          %mul3A_109 = arith.constant 4 : i32
          %mul3A_110 = arith.muli %scan3A_95, %mul3A_109 : i32
          %add3A_111 = arith.constant 1 : i32
          %add3A_112 = arith.addi %mul3A_110, %add3A_111 : i32
          %mul3A_113 = arith.constant 16 : i32
          %mul3A_114 = arith.muli %add3A_112, %mul3A_113 : i32
          %get3A_115 = arith.index_cast %mul3A_114 : i32 to index
          %get3A_116 = tpu.vector_load %arg4[%get3A_115] {strides = array<i32>} : memref<4096xi32, #tpu.memory_space<vmem>>, vector<16xi32>,
          %get3A_117 = arith.index_cast %mul3A_114 : i32 to index
          %get3A_118 = tpu.vector_load %arg5[%get3A_117] {strides = array<i32>} : memref<4096xi32, #tpu.memory_space<vmem>>, vector<16xi32>,
          %add3A_119 = arith.addi %get3A_116, %get3A_118 : vector<16xi32>
          %swap3A_120 = arith.index_cast %mul3A_114 : i32 to index
          %swap3A_121 = tpu.vector_load %arg4[%swap3A_120] {strides = array<i32>} : memref<4096xi32, #tpu.memory_space<vmem>>, vector<16xi32>,
          tpu.vector_store %arg4[%swap3A_120], %add3A_119 {strides = array<i32>} : memref<4096xi32, #tpu.memory_space<vmem>>, vector<16xi32>,
          %mul3A_122 = arith.constant 4 : i32
          %mul3A_123 = arith.muli %scan3A_95, %mul3A_122 : i32
          %add3A_124 = arith.constant 2 : i32
          %add3A_125 = arith.addi %mul3A_123, %add3A_124 : i32
          %mul3A_126 = arith.constant 16 : i32
          %mul3A_127 = arith.muli %add3A_125, %mul3A_126 : i32
          %get3A_128 = arith.index_cast %mul3A_127 : i32 to index
          %get3A_129 = tpu.vector_load %arg4[%get3A_128] {strides = array<i32>} : memref<4096xi32, #tpu.memory_space<vmem>>, vector<16xi32>,
          %get3A_130 = arith.index_cast %mul3A_127 : i32 to index
          %get3A_131 = tpu.vector_load %arg5[%get3A_130] {strides = array<i32>} : memref<4096xi32, #tpu.memory_space<vmem>>, vector<16xi32>,
          %add3A_132 = arith.addi %get3A_129, %get3A_131 : vector<16xi32>
          %swap3A_133 = arith.index_cast %mul3A_127 : i32 to index
          %swap3A_134 = tpu.vector_load %arg4[%swap3A_133] {strides = array<i32>} : memref<4096xi32, #tpu.memory_space<vmem>>, vector<16xi32>,
          tpu.vector_store %arg4[%swap3A_133], %add3A_132 {strides = array<i32>} : memref<4096xi32, #tpu.memory_space<vmem>>, vector<16xi32>,
          %mul3A_135 = arith.constant 4 : i32
          %mul3A_136 = arith.muli %scan3A_95, %mul3A_135 : i32
          %add3A_137 = arith.constant 3 : i32
          %add3A_138 = arith.addi %mul3A_136, %add3A_137 : i32
          %mul3A_139 = arith.constant 16 : i32
          %mul3A_140 = arith.muli %add3A_138, %mul3A_139 : i32
          %get3A_141 = arith.index_cast %mul3A_140 : i32 to index
          %get3A_142 = tpu.vector_load %arg4[%get3A_141] {strides = array<i32>} : memref<4096xi32, #tpu.memory_space<vmem>>, vector<16xi32>,
          %get3A_143 = arith.index_cast %mul3A_140 : i32 to index
          %get3A_144 = tpu.vector_load %arg5[%get3A_143] {strides = array<i32>} : memref<4096xi32, #tpu.memory_space<vmem>>, vector<16xi32>,
          %add3A_145 = arith.addi %get3A_142, %get3A_144 : vector<16xi32>
          %swap3A_146 = arith.index_cast %mul3A_140 : i32 to index
          %swap3A_147 = tpu.vector_load %arg4[%swap3A_146] {strides = array<i32>} : memref<4096xi32, #tpu.memory_space<vmem>>, vector<16xi32>,
          tpu.vector_store %arg4[%swap3A_146], %add3A_145 {strides = array<i32>} : memref<4096xi32, #tpu.memory_space<vmem>>, vector<16xi32>,
          %scan3A_148 = arith.constant 0 : i32
          scf.yield %scan3A_148 : i32
        }
        %scan3A_65 = arith.constant 64 : i32
        %add3A_66 = arith.constant 2 : i32
        %add3A_67 = arith.addi %mul3A_53, %add3A_66 : i32
        %lt3A = arith.constant 32 : i32
        %lt3A_68 = arith.cmpi slt, %add3A_67, %lt3A : i32
        %convert_element_type3A_69 = arith.extui %lt3A_68 : i1 to i32
        %cond3A_70 = arith.constant 0 : i32
        %cond3A_71 = arith.cmpi ne, %convert_element_type3A_69, %cond3A_70 : i32
        scf.if %cond3A_71 {
          %add3A_95 = arith.constant 2 : i32
          %add3A_96 = arith.addi %mul3A_53, %add3A_95 : i32
          %dma_start3A_97 = arith.constant 0 : i32
          %dma_start3A_98 = tpu.memref_slice %arg2[%add3A_96, %dma_start3A_97] : memref<32x4096xi32, #tpu.memory_space<hbm>> -> memref<1x4096xi32, #tpu.memory_space<hbm>>
          %dma_start3A_99 = tpu.memref_squeeze %dma_start3A_98 : memref<1x4096xi32, #tpu.memory_space<hbm>> -> memref<4096xi32, #tpu.memory_space<hbm>>
          %dma_start3A_100 = arith.constant 0 : i32
          %dma_start3A_101 = tpu.memref_slice %arg2[%add3A_96, %dma_start3A_100] : memref<32x4096xi32, #tpu.memory_space<hbm>> -> memref<1x4096xi32, #tpu.memory_space<hbm>>
          %dma_start3A_102 = tpu.memref_squeeze %dma_start3A_101 : memref<1x4096xi32, #tpu.memory_space<hbm>> -> memref<4096xi32, #tpu.memory_space<hbm>>
          tpu.enqueue_dma source(%dma_start3A_102 : memref<4096xi32, #tpu.memory_space<hbm>>) target(%arg5 : memref<4096xi32, #tpu.memory_space<vmem>>) target_semaphore(%arg8 : memref<!tpu.dma_semaphore, #tpu.memory_space<semaphore_mem>>)
        } else {
        }
        %add3A_72 = arith.constant 1 : i32
        %add3A_73 = arith.addi %mul3A_53, %add3A_72 : i32
        %dma_wait3A_74 = arith.constant 0 : i32
        %dma_wait3A_75 = tpu.memref_slice %arg2[%add3A_73, %dma_wait3A_74] : memref<32x4096xi32, #tpu.memory_space<hbm>> -> memref<1x4096xi32, #tpu.memory_space<hbm>>
        %dma_wait3A_76 = tpu.memref_squeeze %dma_wait3A_75 : memref<1x4096xi32, #tpu.memory_space<hbm>> -> memref<4096xi32, #tpu.memory_space<hbm>>
        %dma_wait3A_77 = arith.constant 0 : i32
        %dma_wait3A_78 = tpu.memref_slice %arg2[%add3A_73, %dma_wait3A_77] : memref<32x4096xi32, #tpu.memory_space<hbm>> -> memref<1x4096xi32, #tpu.memory_space<hbm>>
        %dma_wait3A_79 = tpu.memref_squeeze %dma_wait3A_78 : memref<1x4096xi32, #tpu.memory_space<hbm>> -> memref<4096xi32, #tpu.memory_space<hbm>>
        tpu.wait_dma2 semaphore(%arg9 : memref<!tpu.dma_semaphore, #tpu.memory_space<semaphore_mem>>) src(%dma_wait3A_79 : memref<4096xi32, #tpu.memory_space<hbm>>) dst(%arg6 : memref<4096xi32, #tpu.memory_space<vmem>>)
        %scan3A_80 = arith.constant 0 : i32
        %scan3A_81 = arith.constant 0 : i32
        %scan3A_82 = arith.constant 64 : i32
        %scan3A_83 = arith.addi %scan3A_81, %scan3A_82 : i32
        %scan3A_84 = arith.constant 1 : i32
        %scan3A_85 = scf.for %scan3A_95 = %scan3A_81 to %scan3A_83 step %scan3A_84 iter_args(%scan3A_96 = %scan3A_80) -> (i32)  : i32 {
          %mul3A_97 = arith.constant 4 : i32
          %mul3A_98 = arith.muli %scan3A_95, %mul3A_97 : i32
          %add3A_99 = arith.constant 0 : i32
          %add3A_100 = arith.addi %mul3A_98, %add3A_99 : i32
          %mul3A_101 = arith.constant 16 : i32
          %mul3A_102 = arith.muli %add3A_100, %mul3A_101 : i32
          %get3A = arith.index_cast %mul3A_102 : i32 to index
          %get3A_103 = tpu.vector_load %arg4[%get3A] {strides = array<i32>} : memref<4096xi32, #tpu.memory_space<vmem>>, vector<16xi32>,
          %get3A_104 = arith.index_cast %mul3A_102 : i32 to index
          %get3A_105 = tpu.vector_load %arg6[%get3A_104] {strides = array<i32>} : memref<4096xi32, #tpu.memory_space<vmem>>, vector<16xi32>,
          %add3A_106 = arith.addi %get3A_103, %get3A_105 : vector<16xi32>
          %swap3A_107 = arith.index_cast %mul3A_102 : i32 to index
          %swap3A_108 = tpu.vector_load %arg4[%swap3A_107] {strides = array<i32>} : memref<4096xi32, #tpu.memory_space<vmem>>, vector<16xi32>,
          tpu.vector_store %arg4[%swap3A_107], %add3A_106 {strides = array<i32>} : memref<4096xi32, #tpu.memory_space<vmem>>, vector<16xi32>,
          %mul3A_109 = arith.constant 4 : i32
          %mul3A_110 = arith.muli %scan3A_95, %mul3A_109 : i32
          %add3A_111 = arith.constant 1 : i32
          %add3A_112 = arith.addi %mul3A_110, %add3A_111 : i32
          %mul3A_113 = arith.constant 16 : i32
          %mul3A_114 = arith.muli %add3A_112, %mul3A_113 : i32
          %get3A_115 = arith.index_cast %mul3A_114 : i32 to index
          %get3A_116 = tpu.vector_load %arg4[%get3A_115] {strides = array<i32>} : memref<4096xi32, #tpu.memory_space<vmem>>, vector<16xi32>,
          %get3A_117 = arith.index_cast %mul3A_114 : i32 to index
          %get3A_118 = tpu.vector_load %arg6[%get3A_117] {strides = array<i32>} : memref<4096xi32, #tpu.memory_space<vmem>>, vector<16xi32>,
          %add3A_119 = arith.addi %get3A_116, %get3A_118 : vector<16xi32>
          %swap3A_120 = arith.index_cast %mul3A_114 : i32 to index
          %swap3A_121 = tpu.vector_load %arg4[%swap3A_120] {strides = array<i32>} : memref<4096xi32, #tpu.memory_space<vmem>>, vector<16xi32>,
          tpu.vector_store %arg4[%swap3A_120], %add3A_119 {strides = array<i32>} : memref<4096xi32, #tpu.memory_space<vmem>>, vector<16xi32>,
          %mul3A_122 = arith.constant 4 : i32
          %mul3A_123 = arith.muli %scan3A_95, %mul3A_122 : i32
          %add3A_124 = arith.constant 2 : i32
          %add3A_125 = arith.addi %mul3A_123, %add3A_124 : i32
          %mul3A_126 = arith.constant 16 : i32
          %mul3A_127 = arith.muli %add3A_125, %mul3A_126 : i32
          %get3A_128 = arith.index_cast %mul3A_127 : i32 to index
          %get3A_129 = tpu.vector_load %arg4[%get3A_128] {strides = array<i32>} : memref<4096xi32, #tpu.memory_space<vmem>>, vector<16xi32>,
          %get3A_130 = arith.index_cast %mul3A_127 : i32 to index
          %get3A_131 = tpu.vector_load %arg6[%get3A_130] {strides = array<i32>} : memref<4096xi32, #tpu.memory_space<vmem>>, vector<16xi32>,
          %add3A_132 = arith.addi %get3A_129, %get3A_131 : vector<16xi32>
          %swap3A_133 = arith.index_cast %mul3A_127 : i32 to index
          %swap3A_134 = tpu.vector_load %arg4[%swap3A_133] {strides = array<i32>} : memref<4096xi32, #tpu.memory_space<vmem>>, vector<16xi32>,
          tpu.vector_store %arg4[%swap3A_133], %add3A_132 {strides = array<i32>} : memref<4096xi32, #tpu.memory_space<vmem>>, vector<16xi32>,
          %mul3A_135 = arith.constant 4 : i32
          %mul3A_136 = arith.muli %scan3A_95, %mul3A_135 : i32
          %add3A_137 = arith.constant 3 : i32
          %add3A_138 = arith.addi %mul3A_136, %add3A_137 : i32
          %mul3A_139 = arith.constant 16 : i32
          %mul3A_140 = arith.muli %add3A_138, %mul3A_139 : i32
          %get3A_141 = arith.index_cast %mul3A_140 : i32 to index
          %get3A_142 = tpu.vector_load %arg4[%get3A_141] {strides = array<i32>} : memref<4096xi32, #tpu.memory_space<vmem>>, vector<16xi32>,
          %get3A_143 = arith.index_cast %mul3A_140 : i32 to index
          %get3A_144 = tpu.vector_load %arg6[%get3A_143] {strides = array<i32>} : memref<4096xi32, #tpu.memory_space<vmem>>, vector<16xi32>,
          %add3A_145 = arith.addi %get3A_142, %get3A_144 : vector<16xi32>
          %swap3A_146 = arith.index_cast %mul3A_140 : i32 to index
          %swap3A_147 = tpu.vector_load %arg4[%swap3A_146] {strides = array<i32>} : memref<4096xi32, #tpu.memory_space<vmem>>, vector<16xi32>,
          tpu.vector_store %arg4[%swap3A_146], %add3A_145 {strides = array<i32>} : memref<4096xi32, #tpu.memory_space<vmem>>, vector<16xi32>,
          %scan3A_148 = arith.constant 0 : i32
          scf.yield %scan3A_148 : i32
        }
        %scan3A_86 = arith.constant 64 : i32
        %add3A_87 = arith.constant 3 : i32
        %add3A_88 = arith.addi %mul3A_53, %add3A_87 : i32
        %lt3A_89 = arith.constant 32 : i32
        %lt3A_90 = arith.cmpi slt, %add3A_88, %lt3A_89 : i32
        %convert_element_type3A_91 = arith.extui %lt3A_90 : i1 to i32
        %cond3A_92 = arith.constant 0 : i32
        %cond3A_93 = arith.cmpi ne, %convert_element_type3A_91, %cond3A_92 : i32
        scf.if %cond3A_93 {
          %add3A_95 = arith.constant 3 : i32
          %add3A_96 = arith.addi %mul3A_53, %add3A_95 : i32
          %dma_start3A_97 = arith.constant 0 : i32
          %dma_start3A_98 = tpu.memref_slice %arg2[%add3A_96, %dma_start3A_97] : memref<32x4096xi32, #tpu.memory_space<hbm>> -> memref<1x4096xi32, #tpu.memory_space<hbm>>
          %dma_start3A_99 = tpu.memref_squeeze %dma_start3A_98 : memref<1x4096xi32, #tpu.memory_space<hbm>> -> memref<4096xi32, #tpu.memory_space<hbm>>
          %dma_start3A_100 = arith.constant 0 : i32
          %dma_start3A_101 = tpu.memref_slice %arg2[%add3A_96, %dma_start3A_100] : memref<32x4096xi32, #tpu.memory_space<hbm>> -> memref<1x4096xi32, #tpu.memory_space<hbm>>
          %dma_start3A_102 = tpu.memref_squeeze %dma_start3A_101 : memref<1x4096xi32, #tpu.memory_space<hbm>> -> memref<4096xi32, #tpu.memory_space<hbm>>
          tpu.enqueue_dma source(%dma_start3A_102 : memref<4096xi32, #tpu.memory_space<hbm>>) target(%arg6 : memref<4096xi32, #tpu.memory_space<vmem>>) target_semaphore(%arg9 : memref<!tpu.dma_semaphore, #tpu.memory_space<semaphore_mem>>)
        } else {
        }
        %scan3A_94 = arith.constant 0 : i32
        scf.yield %scan3A_94 : i32
      }
      %scan3A_28 = arith.constant 16 : i32
      %iota3A = tpu.iota {dimensions = array<i32: 0>} : vector<16xi32>
      %scan3A_29 = arith.constant 131072 : i32
      %scan3A_30 = arith.constant 0 : i32
      %scan3A_31 = arith.constant 0 : i32
      %scan3A_32 = arith.constant 0 : i32
      %scan3A_33 = arith.constant 0 : i32
      %scan3A_34 = arith.constant 256 : i32
      %scan3A_35 = arith.addi %scan3A_33, %scan3A_34 : i32
      %scan3A_36 = arith.constant 1 : i32
      %scan3A_37:3 = scf.for %scan3A_50 = %scan3A_33 to %scan3A_35 step %scan3A_36 iter_args(%scan3A_51 = %scan3A_30, %scan3A_52 = %scan3A_31, %scan3A_53 = %scan3A_32) -> (i32, i32, i32)  : i32 {
        %sub3A = arith.constant 255 : i32
        %sub3A_54 = arith.subi %sub3A, %scan3A_50 : i32
        %mul3A_55 = arith.constant 16 : i32
        %mul3A_56 = arith.muli %sub3A_54, %mul3A_55 : i32
        %get3A = arith.index_cast %mul3A_56 : i32 to index
        %get3A_57 = tpu.vector_load %arg4[%get3A] {strides = array<i32>} : memref<4096xi32, #tpu.memory_space<vmem>>, vector<16xi32>,
        %cumsum3A = arith.constant true
        %cumsum3A_58 = vector.broadcast %cumsum3A : i1 to vector<16xi1>
        %cumsum3A_59 = tpu.scan <sum>, %get3A_57 masked %cumsum3A_58 : vector<16xi32>, vector<16xi1> -> vector<16xi32>
        %reduce_sum3A = arith.constant true
        %reduce_sum3A_60 = vector.broadcast %reduce_sum3A : i1 to vector<16xi1>
        %reduce_sum3A_61 = tpu.scan <sum>, %get3A_57 masked %reduce_sum3A_60 : vector<16xi32>, vector<16xi1> -> vector<16xi32>
        %reduce_sum3A_62 = vector.extract %reduce_sum3A_61[15] : i32 from vector<16xi32>
        %sub3A_63 = vector.broadcast %reduce_sum3A_62 : i32 to vector<16xi32>
        %sub3A_64 = arith.subi %sub3A_63, %cumsum3A_59 : vector<16xi32>
        %add3A_65 = vector.broadcast %scan3A_53 : i32 to vector<16xi32>
        %add3A_66 = arith.addi %add3A_65, %sub3A_64 : vector<16xi32>
        %lt3A = vector.broadcast %scan3A_29 : i32 to vector<16xi32>
        %lt3A_67 = arith.cmpi slt, %add3A_66, %lt3A : vector<16xi32>
        %add3A_68 = arith.addi %add3A_66, %get3A_57 : vector<16xi32>
        %ge3A = vector.broadcast %scan3A_29 : i32 to vector<16xi32>
        %ge3A_69 = arith.cmpi sge, %add3A_68, %ge3A : vector<16xi32>
        %and3A = arith.andi %lt3A_67, %ge3A_69 : vector<16xi1>
        %jit3A_70 = arith.constant 1 : i32
        %jit3A_71 = arith.constant 0 : i32
        %broadcast_in_dim3A_72 = vector.broadcast %jit3A_70 : i32 to vector<16xi32>
        %broadcast_in_dim3A_73 = vector.broadcast %jit3A_71 : i32 to vector<16xi32>
        %select_n3A_74 = arith.select %and3A, %broadcast_in_dim3A_72, %broadcast_in_dim3A_73 : vector<16xi1>, vector<16xi32>
        %reduce_sum3A_75 = arith.constant true
        %reduce_sum3A_76 = vector.broadcast %reduce_sum3A_75 : i1 to vector<16xi1>
        %reduce_sum3A_77 = tpu.scan <sum>, %select_n3A_74 masked %reduce_sum3A_76 : vector<16xi32>, vector<16xi1> -> vector<16xi32>
        %reduce_sum3A_78 = vector.extract %reduce_sum3A_77[15] : i32 from vector<16xi32>
        %jit3A_79 = arith.constant 0 : i32
        %broadcast_in_dim3A_80 = vector.broadcast %jit3A_79 : i32 to vector<16xi32>
        %select_n3A_81 = arith.select %and3A, %iota3A, %broadcast_in_dim3A_80 : vector<16xi1>, vector<16xi32>
        %reduce_sum3A_82 = arith.constant true
        %reduce_sum3A_83 = vector.broadcast %reduce_sum3A_82 : i1 to vector<16xi1>
        %reduce_sum3A_84 = tpu.scan <sum>, %select_n3A_81 masked %reduce_sum3A_83 : vector<16xi32>, vector<16xi1> -> vector<16xi32>
        %reduce_sum3A_85 = vector.extract %reduce_sum3A_84[15] : i32 from vector<16xi32>
        %jit3A_86 = arith.constant 0 : i32
        %broadcast_in_dim3A_87 = vector.broadcast %jit3A_86 : i32 to vector<16xi32>
        %select_n3A_88 = arith.select %and3A, %add3A_66, %broadcast_in_dim3A_87 : vector<16xi1>, vector<16xi32>
        %reduce_sum3A_89 = arith.constant true
        %reduce_sum3A_90 = vector.broadcast %reduce_sum3A_89 : i1 to vector<16xi1>
        %reduce_sum3A_91 = tpu.scan <sum>, %select_n3A_88 masked %reduce_sum3A_90 : vector<16xi32>, vector<16xi1> -> vector<16xi32>
        %reduce_sum3A_92 = vector.extract %reduce_sum3A_91[15] : i32 from vector<16xi32>
        %gt3A = arith.constant 0 : i32
        %gt3A_93 = arith.cmpi sgt, %reduce_sum3A_78, %gt3A : i32
        %mul3A_94 = arith.constant 16 : i32
        %mul3A_95 = arith.muli %sub3A_54, %mul3A_94 : i32
        %add3A_96 = arith.addi %mul3A_95, %reduce_sum3A_85 : i32
        %select_n3A_97 = arith.select %gt3A_93, %add3A_96, %scan3A_51 : i32
        %gt3A_98 = arith.constant 0 : i32
        %gt3A_99 = arith.cmpi sgt, %reduce_sum3A_78, %gt3A_98 : i32
        %select_n3A_100 = arith.select %gt3A_99, %reduce_sum3A_92, %scan3A_52 : i32
        %add3A_101 = arith.addi %scan3A_53, %reduce_sum3A_62 : i32
        scf.yield %select_n3A_97, %select_n3A_100, %add3A_101 : i32, i32, i32
      }
      %scan3A_38 = arith.constant 256 : i32
      %iota3A_39 = tpu.iota {dimensions = array<i32: 0>} : vector<16xi32>
      %eq3A_40 = arith.constant 0 : i32
      %eq3A_41 = vector.broadcast %eq3A_40 : i32 to vector<16xi32>
      %eq3A_42 = arith.cmpi eq, %iota3A_39, %eq3A_41 : vector<16xi32>
      %eq3A_43 = arith.constant 1 : i32
      %eq3A_44 = vector.broadcast %eq3A_43 : i32 to vector<16xi32>
      %eq3A_45 = arith.cmpi eq, %iota3A_39, %eq3A_44 : vector<16xi32>
      %jit3A = arith.constant 0 : i32
      %broadcast_in_dim3A = vector.broadcast %scan3A_37#1 : i32 to vector<16xi32>
      %broadcast_in_dim3A_46 = vector.broadcast %jit3A : i32 to vector<16xi32>
      %select_n3A = arith.select %eq3A_45, %broadcast_in_dim3A, %broadcast_in_dim3A_46 : vector<16xi1>, vector<16xi32>
      %broadcast_in_dim3A_47 = vector.broadcast %scan3A_37#0 : i32 to vector<16xi32>
      %select_n3A_48 = arith.select %eq3A_42, %broadcast_in_dim3A_47, %select_n3A : vector<16xi1>, vector<16xi32>
      %swap3A = arith.constant 0 : index
      %swap3A_49 = tpu.vector_load %arg7[%swap3A] {strides = array<i32>} : memref<16xi32, #tpu.memory_space<vmem>>, vector<16xi32>,
      tpu.vector_store %arg7[%swap3A], %select_n3A_48 {strides = array<i32>} : memref<16xi32, #tpu.memory_space<vmem>>, vector<16xi32>,
      "tpu.region"() ({
        %run_scoped3A = tpu.sem_alloc : memref<!tpu.dma_semaphore, #tpu.memory_space<semaphore_mem>>
        tpu.enqueue_dma source(%arg7 : memref<16xi32, #tpu.memory_space<vmem>>) target(%arg3 : memref<16xi32, #tpu.memory_space<hbm>>) target_semaphore(%run_scoped3A : memref<!tpu.dma_semaphore, #tpu.memory_space<semaphore_mem>>)
        tpu.wait_dma2 semaphore(%run_scoped3A : memref<!tpu.dma_semaphore, #tpu.memory_space<semaphore_mem>>) src(%arg7 : memref<16xi32, #tpu.memory_space<vmem>>) dst(%arg3 : memref<16xi32, #tpu.memory_space<hbm>>)
        tpu.yield
      }) : () -> ()
    } else {
    }
    return
  }
}

#map = affine_map<(d0, d1) -> (0, 0)>
#map1 = affine_map<(d0, d1) -> (0)>
module attributes {stable_mosaic.version = 14 : i64} {
  func.func @final_kernel(%arg0: i32, %arg1: i32, %arg2: memref<32x4096xf32, #tpu.memory_space<hbm>>, %arg3: memref<32x2048xi32, #tpu.memory_space<hbm>>, %arg4: memref<16xi32, #tpu.memory_space<hbm>>, %arg5: memref<16xf32, #tpu.memory_space<hbm>>, %arg6: memref<2048xi32, #tpu.memory_space<vmem>>, %arg7: memref<2048xi32, #tpu.memory_space<vmem>>, %arg8: memref<2048xi32, #tpu.memory_space<vmem>>, %arg9: memref<4096xf32, #tpu.memory_space<vmem>>, %arg10: memref<4096xf32, #tpu.memory_space<vmem>>, %arg11: memref<256xi32, #tpu.memory_space<vmem>>, %arg12: memref<16xi32, #tpu.memory_space<vmem>>, %arg13: memref<16xf32, #tpu.memory_space<vmem>>, %arg14: memref<!tpu.dma_semaphore, #tpu.memory_space<semaphore_mem>>, %arg15: memref<!tpu.dma_semaphore, #tpu.memory_space<semaphore_mem>>) attributes {dimension_semantics = [#tpu.dimension_semantics<core_parallel>, #tpu.dimension_semantics<subcore_parallel>], iteration_bounds = array<i64: 2, 16>, scalar_prefetch = 0 : i64, scratch_operands = 10 : i64, tpu.core_type = #tpu.core_type<sc_vector_subcore>, window_params = [{transform_indices = #map}, {transform_indices = #map}, {transform_indices = #map1}, {transform_indices = #map1}]} {
    %mul3A = arith.constant 2 : i32
    %mul3A_0 = arith.muli %arg1, %mul3A : i32
    %add3A = arith.addi %mul3A_0, %arg0 : i32
    %eq3A = arith.constant 0 : i32
    %eq3A_1 = arith.cmpi eq, %add3A, %eq3A : i32
    %convert_element_type3A = arith.extui %eq3A_1 : i1 to i32
    %cond3A = arith.constant 0 : i32
    %cond3A_2 = arith.cmpi ne, %convert_element_type3A, %cond3A : i32
    scf.if %cond3A_2 {
      "tpu.region"() ({
        %run_scoped3A = tpu.sem_alloc : memref<!tpu.dma_semaphore, #tpu.memory_space<semaphore_mem>>
        tpu.enqueue_dma source(%arg4 : memref<16xi32, #tpu.memory_space<hbm>>) target(%arg12 : memref<16xi32, #tpu.memory_space<vmem>>) target_semaphore(%run_scoped3A : memref<!tpu.dma_semaphore, #tpu.memory_space<semaphore_mem>>)
        tpu.wait_dma2 semaphore(%run_scoped3A : memref<!tpu.dma_semaphore, #tpu.memory_space<semaphore_mem>>) src(%arg4 : memref<16xi32, #tpu.memory_space<hbm>>) dst(%arg12 : memref<16xi32, #tpu.memory_space<vmem>>)
        tpu.yield
      }) : () -> ()
      %get3A = arith.constant 0 : index
      %get3A_3 = tpu.vector_load %arg12[%get3A] {strides = array<i32>} : memref<16xi32, #tpu.memory_space<vmem>>, vector<16xi32>,
      %iota3A = tpu.iota {dimensions = array<i32: 0>} : vector<16xi32>
      %eq3A_4 = arith.constant 0 : i32
      %eq3A_5 = vector.broadcast %eq3A_4 : i32 to vector<16xi32>
      %eq3A_6 = arith.cmpi eq, %iota3A, %eq3A_5 : vector<16xi32>
      %jit3A = arith.constant 0 : i32
      %broadcast_in_dim3A = vector.broadcast %jit3A : i32 to vector<16xi32>
      %select_n3A = arith.select %eq3A_6, %get3A_3, %broadcast_in_dim3A : vector<16xi1>, vector<16xi32>
      %reduce_sum3A = arith.constant true
      %reduce_sum3A_7 = vector.broadcast %reduce_sum3A : i1 to vector<16xi1>
      %reduce_sum3A_8 = tpu.scan <sum>, %select_n3A masked %reduce_sum3A_7 : vector<16xi32>, vector<16xi1> -> vector<16xi32>
      %reduce_sum3A_9 = vector.extract %reduce_sum3A_8[15] : i32 from vector<16xi32>
      %get3A_10 = arith.constant 0 : index
      %get3A_11 = tpu.vector_load %arg12[%get3A_10] {strides = array<i32>} : memref<16xi32, #tpu.memory_space<vmem>>, vector<16xi32>,
      %iota3A_12 = tpu.iota {dimensions = array<i32: 0>} : vector<16xi32>
      %eq3A_13 = arith.constant 1 : i32
      %eq3A_14 = vector.broadcast %eq3A_13 : i32 to vector<16xi32>
      %eq3A_15 = arith.cmpi eq, %iota3A_12, %eq3A_14 : vector<16xi32>
      %jit3A_16 = arith.constant 0 : i32
      %broadcast_in_dim3A_17 = vector.broadcast %jit3A_16 : i32 to vector<16xi32>
      %select_n3A_18 = arith.select %eq3A_15, %get3A_11, %broadcast_in_dim3A_17 : vector<16xi1>, vector<16xi32>
      %reduce_sum3A_19 = arith.constant true
      %reduce_sum3A_20 = vector.broadcast %reduce_sum3A_19 : i1 to vector<16xi1>
      %reduce_sum3A_21 = tpu.scan <sum>, %select_n3A_18 masked %reduce_sum3A_20 : vector<16xi32>, vector<16xi1> -> vector<16xi32>
      %reduce_sum3A_22 = vector.extract %reduce_sum3A_21[15] : i32 from vector<16xi32>
      %sub3A = arith.constant 131072 : i32
      %sub3A_23 = arith.subi %sub3A, %reduce_sum3A_22 : i32
      %broadcast_in_dim3A_24 = vector.broadcast %reduce_sum3A_9 : i32 to vector<16xi32>
      %broadcast_in_dim3A_25 = arith.constant 1 : i32
      %broadcast_in_dim3A_26 = vector.broadcast %broadcast_in_dim3A_25 : i32 to vector<16xi32>
      %scan3A = arith.constant 0 : i32
      %scan3A_27 = arith.constant 0 : i32
      %scan3A_28 = arith.constant 128 : i32
      %scan3A_29 = arith.addi %scan3A_27, %scan3A_28 : i32
      %scan3A_30 = arith.constant 1 : i32
      %scan3A_31 = scf.for %scan3A_111 = %scan3A_27 to %scan3A_29 step %scan3A_30 iter_args(%scan3A_112 = %scan3A) -> (i32)  : i32 {
        %broadcast_in_dim3A_113 = arith.constant 0 : i32
        %broadcast_in_dim3A_114 = vector.broadcast %broadcast_in_dim3A_113 : i32 to vector<16xi32>
        %mul3A_115 = arith.constant 16 : i32
        %mul3A_116 = arith.muli %scan3A_111, %mul3A_115 : i32
        %swap3A_117 = arith.index_cast %mul3A_116 : i32 to index
        %swap3A_118 = tpu.vector_load %arg6[%swap3A_117] {strides = array<i32>} : memref<2048xi32, #tpu.memory_space<vmem>>, vector<16xi32>,
        tpu.vector_store %arg6[%swap3A_117], %broadcast_in_dim3A_114 {strides = array<i32>} : memref<2048xi32, #tpu.memory_space<vmem>>, vector<16xi32>,
        %scan3A_119 = arith.constant 0 : i32
        scf.yield %scan3A_119 : i32
      }
      %scan3A_32 = arith.constant 128 : i32
      %dma_start3A = arith.constant 0 : i32
      %dma_start3A_33 = arith.constant 0 : i32
      %dma_start3A_34 = tpu.memref_slice %arg3[%dma_start3A, %dma_start3A_33] : memref<32x2048xi32, #tpu.memory_space<hbm>> -> memref<1x2048xi32, #tpu.memory_space<hbm>>
      %dma_start3A_35 = tpu.memref_squeeze %dma_start3A_34 : memref<1x2048xi32, #tpu.memory_space<hbm>> -> memref<2048xi32, #tpu.memory_space<hbm>>
      %dma_start3A_36 = arith.constant 0 : i32
      %dma_start3A_37 = tpu.memref_slice %arg3[%dma_start3A, %dma_start3A_36] : memref<32x2048xi32, #tpu.memory_space<hbm>> -> memref<1x2048xi32, #tpu.memory_space<hbm>>
      %dma_start3A_38 = tpu.memref_squeeze %dma_start3A_37 : memref<1x2048xi32, #tpu.memory_space<hbm>> -> memref<2048xi32, #tpu.memory_space<hbm>>
      tpu.enqueue_dma source(%dma_start3A_38 : memref<2048xi32, #tpu.memory_space<hbm>>) target(%arg7 : memref<2048xi32, #tpu.memory_space<vmem>>) target_semaphore(%arg14 : memref<!tpu.dma_semaphore, #tpu.memory_space<semaphore_mem>>)
      %dma_start3A_39 = arith.constant 1 : i32
      %dma_start3A_40 = arith.constant 0 : i32
      %dma_start3A_41 = tpu.memref_slice %arg3[%dma_start3A_39, %dma_start3A_40] : memref<32x2048xi32, #tpu.memory_space<hbm>> -> memref<1x2048xi32, #tpu.memory_space<hbm>>
      %dma_start3A_42 = tpu.memref_squeeze %dma_start3A_41 : memref<1x2048xi32, #tpu.memory_space<hbm>> -> memref<2048xi32, #tpu.memory_space<hbm>>
      %dma_start3A_43 = arith.constant 0 : i32
      %dma_start3A_44 = tpu.memref_slice %arg3[%dma_start3A_39, %dma_start3A_43] : memref<32x2048xi32, #tpu.memory_space<hbm>> -> memref<1x2048xi32, #tpu.memory_space<hbm>>
      %dma_start3A_45 = tpu.memref_squeeze %dma_start3A_44 : memref<1x2048xi32, #tpu.memory_space<hbm>> -> memref<2048xi32, #tpu.memory_space<hbm>>
      tpu.enqueue_dma source(%dma_start3A_45 : memref<2048xi32, #tpu.memory_space<hbm>>) target(%arg8 : memref<2048xi32, #tpu.memory_space<vmem>>) target_semaphore(%arg15 : memref<!tpu.dma_semaphore, #tpu.memory_space<semaphore_mem>>)
      %scan3A_46 = arith.constant 0 : i32
      %scan3A_47 = arith.constant 0 : i32
      %scan3A_48 = arith.constant 16 : i32
      %scan3A_49 = arith.addi %scan3A_47, %scan3A_48 : i32
      %scan3A_50 = arith.constant 1 : i32
      %scan3A_51 = scf.for %scan3A_111 = %scan3A_47 to %scan3A_49 step %scan3A_50 iter_args(%scan3A_112 = %scan3A_46) -> (i32)  : i32 {
        %mul3A_113 = arith.constant 2 : i32
        %mul3A_114 = arith.muli %scan3A_111, %mul3A_113 : i32
        %dma_wait3A = arith.constant 0 : i32
        %dma_wait3A_115 = tpu.memref_slice %arg3[%mul3A_114, %dma_wait3A] : memref<32x2048xi32, #tpu.memory_space<hbm>> -> memref<1x2048xi32, #tpu.memory_space<hbm>>
        %dma_wait3A_116 = tpu.memref_squeeze %dma_wait3A_115 : memref<1x2048xi32, #tpu.memory_space<hbm>> -> memref<2048xi32, #tpu.memory_space<hbm>>
        %dma_wait3A_117 = arith.constant 0 : i32
        %dma_wait3A_118 = tpu.memref_slice %arg3[%mul3A_114, %dma_wait3A_117] : memref<32x2048xi32, #tpu.memory_space<hbm>> -> memref<1x2048xi32, #tpu.memory_space<hbm>>
        %dma_wait3A_119 = tpu.memref_squeeze %dma_wait3A_118 : memref<1x2048xi32, #tpu.memory_space<hbm>> -> memref<2048xi32, #tpu.memory_space<hbm>>
        tpu.wait_dma2 semaphore(%arg14 : memref<!tpu.dma_semaphore, #tpu.memory_space<semaphore_mem>>) src(%dma_wait3A_119 : memref<2048xi32, #tpu.memory_space<hbm>>) dst(%arg7 : memref<2048xi32, #tpu.memory_space<vmem>>)
        %scan3A_120 = arith.constant 0 : i32
        %scan3A_121 = arith.constant 0 : i32
        %scan3A_122 = arith.constant 32 : i32
        %scan3A_123 = arith.addi %scan3A_121, %scan3A_122 : i32
        %scan3A_124 = arith.constant 1 : i32
        %scan3A_125 = scf.for %scan3A_156 = %scan3A_121 to %scan3A_123 step %scan3A_124 iter_args(%scan3A_157 = %scan3A_120) -> (i32)  : i32 {
          %mul3A_158 = arith.constant 4 : i32
          %mul3A_159 = arith.muli %scan3A_156, %mul3A_158 : i32
          %add3A_160 = arith.constant 0 : i32
          %add3A_161 = arith.addi %mul3A_159, %add3A_160 : i32
          %mul3A_162 = arith.constant 16 : i32
          %mul3A_163 = arith.muli %add3A_161, %mul3A_162 : i32
          %get3A_164 = arith.index_cast %mul3A_163 : i32 to index
          %get3A_165 = tpu.vector_load %arg6[%get3A_164] {strides = array<i32>} : memref<2048xi32, #tpu.memory_space<vmem>>, vector<16xi32>,
          %get3A_166 = arith.index_cast %mul3A_163 : i32 to index
          %get3A_167 = tpu.vector_load %arg7[%get3A_166] {strides = array<i32>} : memref<2048xi32, #tpu.memory_space<vmem>>, vector<16xi32>,
          %add3A_168 = arith.addi %get3A_165, %get3A_167 : vector<16xi32>
          %swap3A_169 = arith.index_cast %mul3A_163 : i32 to index
          %swap3A_170 = tpu.vector_load %arg6[%swap3A_169] {strides = array<i32>} : memref<2048xi32, #tpu.memory_space<vmem>>, vector<16xi32>,
          tpu.vector_store %arg6[%swap3A_169], %add3A_168 {strides = array<i32>} : memref<2048xi32, #tpu.memory_space<vmem>>, vector<16xi32>,
          %mul3A_171 = arith.constant 4 : i32
          %mul3A_172 = arith.muli %scan3A_156, %mul3A_171 : i32
          %add3A_173 = arith.constant 1 : i32
          %add3A_174 = arith.addi %mul3A_172, %add3A_173 : i32
          %mul3A_175 = arith.constant 16 : i32
          %mul3A_176 = arith.muli %add3A_174, %mul3A_175 : i32
          %get3A_177 = arith.index_cast %mul3A_176 : i32 to index
          %get3A_178 = tpu.vector_load %arg6[%get3A_177] {strides = array<i32>} : memref<2048xi32, #tpu.memory_space<vmem>>, vector<16xi32>,
          %get3A_179 = arith.index_cast %mul3A_176 : i32 to index
          %get3A_180 = tpu.vector_load %arg7[%get3A_179] {strides = array<i32>} : memref<2048xi32, #tpu.memory_space<vmem>>, vector<16xi32>,
          %add3A_181 = arith.addi %get3A_178, %get3A_180 : vector<16xi32>
          %swap3A_182 = arith.index_cast %mul3A_176 : i32 to index
          %swap3A_183 = tpu.vector_load %arg6[%swap3A_182] {strides = array<i32>} : memref<2048xi32, #tpu.memory_space<vmem>>, vector<16xi32>,
          tpu.vector_store %arg6[%swap3A_182], %add3A_181 {strides = array<i32>} : memref<2048xi32, #tpu.memory_space<vmem>>, vector<16xi32>,
          %mul3A_184 = arith.constant 4 : i32
          %mul3A_185 = arith.muli %scan3A_156, %mul3A_184 : i32
          %add3A_186 = arith.constant 2 : i32
          %add3A_187 = arith.addi %mul3A_185, %add3A_186 : i32
          %mul3A_188 = arith.constant 16 : i32
          %mul3A_189 = arith.muli %add3A_187, %mul3A_188 : i32
          %get3A_190 = arith.index_cast %mul3A_189 : i32 to index
          %get3A_191 = tpu.vector_load %arg6[%get3A_190] {strides = array<i32>} : memref<2048xi32, #tpu.memory_space<vmem>>, vector<16xi32>,
          %get3A_192 = arith.index_cast %mul3A_189 : i32 to index
          %get3A_193 = tpu.vector_load %arg7[%get3A_192] {strides = array<i32>} : memref<2048xi32, #tpu.memory_space<vmem>>, vector<16xi32>,
          %add3A_194 = arith.addi %get3A_191, %get3A_193 : vector<16xi32>
          %swap3A_195 = arith.index_cast %mul3A_189 : i32 to index
          %swap3A_196 = tpu.vector_load %arg6[%swap3A_195] {strides = array<i32>} : memref<2048xi32, #tpu.memory_space<vmem>>, vector<16xi32>,
          tpu.vector_store %arg6[%swap3A_195], %add3A_194 {strides = array<i32>} : memref<2048xi32, #tpu.memory_space<vmem>>, vector<16xi32>,
          %mul3A_197 = arith.constant 4 : i32
          %mul3A_198 = arith.muli %scan3A_156, %mul3A_197 : i32
          %add3A_199 = arith.constant 3 : i32
          %add3A_200 = arith.addi %mul3A_198, %add3A_199 : i32
          %mul3A_201 = arith.constant 16 : i32
          %mul3A_202 = arith.muli %add3A_200, %mul3A_201 : i32
          %get3A_203 = arith.index_cast %mul3A_202 : i32 to index
          %get3A_204 = tpu.vector_load %arg6[%get3A_203] {strides = array<i32>} : memref<2048xi32, #tpu.memory_space<vmem>>, vector<16xi32>,
          %get3A_205 = arith.index_cast %mul3A_202 : i32 to index
          %get3A_206 = tpu.vector_load %arg7[%get3A_205] {strides = array<i32>} : memref<2048xi32, #tpu.memory_space<vmem>>, vector<16xi32>,
          %add3A_207 = arith.addi %get3A_204, %get3A_206 : vector<16xi32>
          %swap3A_208 = arith.index_cast %mul3A_202 : i32 to index
          %swap3A_209 = tpu.vector_load %arg6[%swap3A_208] {strides = array<i32>} : memref<2048xi32, #tpu.memory_space<vmem>>, vector<16xi32>,
          tpu.vector_store %arg6[%swap3A_208], %add3A_207 {strides = array<i32>} : memref<2048xi32, #tpu.memory_space<vmem>>, vector<16xi32>,
          %scan3A_210 = arith.constant 0 : i32
          scf.yield %scan3A_210 : i32
        }
        %scan3A_126 = arith.constant 32 : i32
        %add3A_127 = arith.constant 2 : i32
        %add3A_128 = arith.addi %mul3A_114, %add3A_127 : i32
        %lt3A = arith.constant 32 : i32
        %lt3A_129 = arith.cmpi slt, %add3A_128, %lt3A : i32
        %convert_element_type3A_130 = arith.extui %lt3A_129 : i1 to i32
        %cond3A_131 = arith.constant 0 : i32
        %cond3A_132 = arith.cmpi ne, %convert_element_type3A_130, %cond3A_131 : i32
        scf.if %cond3A_132 {
          %add3A_156 = arith.constant 2 : i32
          %add3A_157 = arith.addi %mul3A_114, %add3A_156 : i32
          %dma_start3A_158 = arith.constant 0 : i32
          %dma_start3A_159 = tpu.memref_slice %arg3[%add3A_157, %dma_start3A_158] : memref<32x2048xi32, #tpu.memory_space<hbm>> -> memref<1x2048xi32, #tpu.memory_space<hbm>>
          %dma_start3A_160 = tpu.memref_squeeze %dma_start3A_159 : memref<1x2048xi32, #tpu.memory_space<hbm>> -> memref<2048xi32, #tpu.memory_space<hbm>>
          %dma_start3A_161 = arith.constant 0 : i32
          %dma_start3A_162 = tpu.memref_slice %arg3[%add3A_157, %dma_start3A_161] : memref<32x2048xi32, #tpu.memory_space<hbm>> -> memref<1x2048xi32, #tpu.memory_space<hbm>>
          %dma_start3A_163 = tpu.memref_squeeze %dma_start3A_162 : memref<1x2048xi32, #tpu.memory_space<hbm>> -> memref<2048xi32, #tpu.memory_space<hbm>>
          tpu.enqueue_dma source(%dma_start3A_163 : memref<2048xi32, #tpu.memory_space<hbm>>) target(%arg7 : memref<2048xi32, #tpu.memory_space<vmem>>) target_semaphore(%arg14 : memref<!tpu.dma_semaphore, #tpu.memory_space<semaphore_mem>>)
        } else {
        }
        %add3A_133 = arith.constant 1 : i32
        %add3A_134 = arith.addi %mul3A_114, %add3A_133 : i32
        %dma_wait3A_135 = arith.constant 0 : i32
        %dma_wait3A_136 = tpu.memref_slice %arg3[%add3A_134, %dma_wait3A_135] : memref<32x2048xi32, #tpu.memory_space<hbm>> -> memref<1x2048xi32, #tpu.memory_space<hbm>>
        %dma_wait3A_137 = tpu.memref_squeeze %dma_wait3A_136 : memref<1x2048xi32, #tpu.memory_space<hbm>> -> memref<2048xi32, #tpu.memory_space<hbm>>
        %dma_wait3A_138 = arith.constant 0 : i32
        %dma_wait3A_139 = tpu.memref_slice %arg3[%add3A_134, %dma_wait3A_138] : memref<32x2048xi32, #tpu.memory_space<hbm>> -> memref<1x2048xi32, #tpu.memory_space<hbm>>
        %dma_wait3A_140 = tpu.memref_squeeze %dma_wait3A_139 : memref<1x2048xi32, #tpu.memory_space<hbm>> -> memref<2048xi32, #tpu.memory_space<hbm>>
        tpu.wait_dma2 semaphore(%arg15 : memref<!tpu.dma_semaphore, #tpu.memory_space<semaphore_mem>>) src(%dma_wait3A_140 : memref<2048xi32, #tpu.memory_space<hbm>>) dst(%arg8 : memref<2048xi32, #tpu.memory_space<vmem>>)
        %scan3A_141 = arith.constant 0 : i32
        %scan3A_142 = arith.constant 0 : i32
        %scan3A_143 = arith.constant 32 : i32
        %scan3A_144 = arith.addi %scan3A_142, %scan3A_143 : i32
        %scan3A_145 = arith.constant 1 : i32
        %scan3A_146 = scf.for %scan3A_156 = %scan3A_142 to %scan3A_144 step %scan3A_145 iter_args(%scan3A_157 = %scan3A_141) -> (i32)  : i32 {
          %mul3A_158 = arith.constant 4 : i32
          %mul3A_159 = arith.muli %scan3A_156, %mul3A_158 : i32
          %add3A_160 = arith.constant 0 : i32
          %add3A_161 = arith.addi %mul3A_159, %add3A_160 : i32
          %mul3A_162 = arith.constant 16 : i32
          %mul3A_163 = arith.muli %add3A_161, %mul3A_162 : i32
          %get3A_164 = arith.index_cast %mul3A_163 : i32 to index
          %get3A_165 = tpu.vector_load %arg6[%get3A_164] {strides = array<i32>} : memref<2048xi32, #tpu.memory_space<vmem>>, vector<16xi32>,
          %get3A_166 = arith.index_cast %mul3A_163 : i32 to index
          %get3A_167 = tpu.vector_load %arg8[%get3A_166] {strides = array<i32>} : memref<2048xi32, #tpu.memory_space<vmem>>, vector<16xi32>,
          %add3A_168 = arith.addi %get3A_165, %get3A_167 : vector<16xi32>
          %swap3A_169 = arith.index_cast %mul3A_163 : i32 to index
          %swap3A_170 = tpu.vector_load %arg6[%swap3A_169] {strides = array<i32>} : memref<2048xi32, #tpu.memory_space<vmem>>, vector<16xi32>,
          tpu.vector_store %arg6[%swap3A_169], %add3A_168 {strides = array<i32>} : memref<2048xi32, #tpu.memory_space<vmem>>, vector<16xi32>,
          %mul3A_171 = arith.constant 4 : i32
          %mul3A_172 = arith.muli %scan3A_156, %mul3A_171 : i32
          %add3A_173 = arith.constant 1 : i32
          %add3A_174 = arith.addi %mul3A_172, %add3A_173 : i32
          %mul3A_175 = arith.constant 16 : i32
          %mul3A_176 = arith.muli %add3A_174, %mul3A_175 : i32
          %get3A_177 = arith.index_cast %mul3A_176 : i32 to index
          %get3A_178 = tpu.vector_load %arg6[%get3A_177] {strides = array<i32>} : memref<2048xi32, #tpu.memory_space<vmem>>, vector<16xi32>,
          %get3A_179 = arith.index_cast %mul3A_176 : i32 to index
          %get3A_180 = tpu.vector_load %arg8[%get3A_179] {strides = array<i32>} : memref<2048xi32, #tpu.memory_space<vmem>>, vector<16xi32>,
          %add3A_181 = arith.addi %get3A_178, %get3A_180 : vector<16xi32>
          %swap3A_182 = arith.index_cast %mul3A_176 : i32 to index
          %swap3A_183 = tpu.vector_load %arg6[%swap3A_182] {strides = array<i32>} : memref<2048xi32, #tpu.memory_space<vmem>>, vector<16xi32>,
          tpu.vector_store %arg6[%swap3A_182], %add3A_181 {strides = array<i32>} : memref<2048xi32, #tpu.memory_space<vmem>>, vector<16xi32>,
          %mul3A_184 = arith.constant 4 : i32
          %mul3A_185 = arith.muli %scan3A_156, %mul3A_184 : i32
          %add3A_186 = arith.constant 2 : i32
          %add3A_187 = arith.addi %mul3A_185, %add3A_186 : i32
          %mul3A_188 = arith.constant 16 : i32
          %mul3A_189 = arith.muli %add3A_187, %mul3A_188 : i32
          %get3A_190 = arith.index_cast %mul3A_189 : i32 to index
          %get3A_191 = tpu.vector_load %arg6[%get3A_190] {strides = array<i32>} : memref<2048xi32, #tpu.memory_space<vmem>>, vector<16xi32>,
          %get3A_192 = arith.index_cast %mul3A_189 : i32 to index
          %get3A_193 = tpu.vector_load %arg8[%get3A_192] {strides = array<i32>} : memref<2048xi32, #tpu.memory_space<vmem>>, vector<16xi32>,
          %add3A_194 = arith.addi %get3A_191, %get3A_193 : vector<16xi32>
          %swap3A_195 = arith.index_cast %mul3A_189 : i32 to index
          %swap3A_196 = tpu.vector_load %arg6[%swap3A_195] {strides = array<i32>} : memref<2048xi32, #tpu.memory_space<vmem>>, vector<16xi32>,
          tpu.vector_store %arg6[%swap3A_195], %add3A_194 {strides = array<i32>} : memref<2048xi32, #tpu.memory_space<vmem>>, vector<16xi32>,
          %mul3A_197 = arith.constant 4 : i32
          %mul3A_198 = arith.muli %scan3A_156, %mul3A_197 : i32
          %add3A_199 = arith.constant 3 : i32
          %add3A_200 = arith.addi %mul3A_198, %add3A_199 : i32
          %mul3A_201 = arith.constant 16 : i32
          %mul3A_202 = arith.muli %add3A_200, %mul3A_201 : i32
          %get3A_203 = arith.index_cast %mul3A_202 : i32 to index
          %get3A_204 = tpu.vector_load %arg6[%get3A_203] {strides = array<i32>} : memref<2048xi32, #tpu.memory_space<vmem>>, vector<16xi32>,
          %get3A_205 = arith.index_cast %mul3A_202 : i32 to index
          %get3A_206 = tpu.vector_load %arg8[%get3A_205] {strides = array<i32>} : memref<2048xi32, #tpu.memory_space<vmem>>, vector<16xi32>,
          %add3A_207 = arith.addi %get3A_204, %get3A_206 : vector<16xi32>
          %swap3A_208 = arith.index_cast %mul3A_202 : i32 to index
          %swap3A_209 = tpu.vector_load %arg6[%swap3A_208] {strides = array<i32>} : memref<2048xi32, #tpu.memory_space<vmem>>, vector<16xi32>,
          tpu.vector_store %arg6[%swap3A_208], %add3A_207 {strides = array<i32>} : memref<2048xi32, #tpu.memory_space<vmem>>, vector<16xi32>,
          %scan3A_210 = arith.constant 0 : i32
          scf.yield %scan3A_210 : i32
        }
        %scan3A_147 = arith.constant 32 : i32
        %add3A_148 = arith.constant 3 : i32
        %add3A_149 = arith.addi %mul3A_114, %add3A_148 : i32
        %lt3A_150 = arith.constant 32 : i32
        %lt3A_151 = arith.cmpi slt, %add3A_149, %lt3A_150 : i32
        %convert_element_type3A_152 = arith.extui %lt3A_151 : i1 to i32
        %cond3A_153 = arith.constant 0 : i32
        %cond3A_154 = arith.cmpi ne, %convert_element_type3A_152, %cond3A_153 : i32
        scf.if %cond3A_154 {
          %add3A_156 = arith.constant 3 : i32
          %add3A_157 = arith.addi %mul3A_114, %add3A_156 : i32
          %dma_start3A_158 = arith.constant 0 : i32
          %dma_start3A_159 = tpu.memref_slice %arg3[%add3A_157, %dma_start3A_158] : memref<32x2048xi32, #tpu.memory_space<hbm>> -> memref<1x2048xi32, #tpu.memory_space<hbm>>
          %dma_start3A_160 = tpu.memref_squeeze %dma_start3A_159 : memref<1x2048xi32, #tpu.memory_space<hbm>> -> memref<2048xi32, #tpu.memory_space<hbm>>
          %dma_start3A_161 = arith.constant 0 : i32
          %dma_start3A_162 = tpu.memref_slice %arg3[%add3A_157, %dma_start3A_161] : memref<32x2048xi32, #tpu.memory_space<hbm>> -> memref<1x2048xi32, #tpu.memory_space<hbm>>
          %dma_start3A_163 = tpu.memref_squeeze %dma_start3A_162 : memref<1x2048xi32, #tpu.memory_space<hbm>> -> memref<2048xi32, #tpu.memory_space<hbm>>
          tpu.enqueue_dma source(%dma_start3A_163 : memref<2048xi32, #tpu.memory_space<hbm>>) target(%arg8 : memref<2048xi32, #tpu.memory_space<vmem>>) target_semaphore(%arg15 : memref<!tpu.dma_semaphore, #tpu.memory_space<semaphore_mem>>)
        } else {
        }
        %scan3A_155 = arith.constant 0 : i32
        scf.yield %scan3A_155 : i32
      }
      %scan3A_52 = arith.constant 16 : i32
      %iota3A_53 = tpu.iota {dimensions = array<i32: 0>} : vector<16xi32>
      %scan3A_54 = arith.constant 0 : i32
      %scan3A_55 = arith.constant 0 : i32
      %scan3A_56 = arith.constant 0 : i32
      %scan3A_57 = arith.constant 0 : i32
      %scan3A_58 = arith.constant 128 : i32
      %scan3A_59 = arith.addi %scan3A_57, %scan3A_58 : i32
      %scan3A_60 = arith.constant 1 : i32
      %scan3A_61:3 = scf.for %scan3A_111 = %scan3A_57 to %scan3A_59 step %scan3A_60 iter_args(%scan3A_112 = %scan3A_54, %scan3A_113 = %scan3A_55, %scan3A_114 = %scan3A_56) -> (i32, i32, i32)  : i32 {
        %sub3A_115 = arith.constant 127 : i32
        %sub3A_116 = arith.subi %sub3A_115, %scan3A_111 : i32
        %mul3A_117 = arith.constant 16 : i32
        %mul3A_118 = arith.muli %sub3A_116, %mul3A_117 : i32
        %get3A_119 = arith.index_cast %mul3A_118 : i32 to index
        %get3A_120 = tpu.vector_load %arg6[%get3A_119] {strides = array<i32>} : memref<2048xi32, #tpu.memory_space<vmem>>, vector<16xi32>,
        %cumsum3A = arith.constant true
        %cumsum3A_121 = vector.broadcast %cumsum3A : i1 to vector<16xi1>
        %cumsum3A_122 = tpu.scan <sum>, %get3A_120 masked %cumsum3A_121 : vector<16xi32>, vector<16xi1> -> vector<16xi32>
        %reduce_sum3A_123 = arith.constant true
        %reduce_sum3A_124 = vector.broadcast %reduce_sum3A_123 : i1 to vector<16xi1>
        %reduce_sum3A_125 = tpu.scan <sum>, %get3A_120 masked %reduce_sum3A_124 : vector<16xi32>, vector<16xi1> -> vector<16xi32>
        %reduce_sum3A_126 = vector.extract %reduce_sum3A_125[15] : i32 from vector<16xi32>
        %sub3A_127 = vector.broadcast %reduce_sum3A_126 : i32 to vector<16xi32>
        %sub3A_128 = arith.subi %sub3A_127, %cumsum3A_122 : vector<16xi32>
        %add3A_129 = vector.broadcast %scan3A_114 : i32 to vector<16xi32>
        %add3A_130 = arith.addi %add3A_129, %sub3A_128 : vector<16xi32>
        %lt3A = vector.broadcast %sub3A_23 : i32 to vector<16xi32>
        %lt3A_131 = arith.cmpi slt, %add3A_130, %lt3A : vector<16xi32>
        %add3A_132 = arith.addi %add3A_130, %get3A_120 : vector<16xi32>
        %ge3A = vector.broadcast %sub3A_23 : i32 to vector<16xi32>
        %ge3A_133 = arith.cmpi sge, %add3A_132, %ge3A : vector<16xi32>
        %and3A = arith.andi %lt3A_131, %ge3A_133 : vector<16xi1>
        %jit3A_134 = arith.constant 1 : i32
        %jit3A_135 = arith.constant 0 : i32
        %broadcast_in_dim3A_136 = vector.broadcast %jit3A_134 : i32 to vector<16xi32>
        %broadcast_in_dim3A_137 = vector.broadcast %jit3A_135 : i32 to vector<16xi32>
        %select_n3A_138 = arith.select %and3A, %broadcast_in_dim3A_136, %broadcast_in_dim3A_137 : vector<16xi1>, vector<16xi32>
        %reduce_sum3A_139 = arith.constant true
        %reduce_sum3A_140 = vector.broadcast %reduce_sum3A_139 : i1 to vector<16xi1>
        %reduce_sum3A_141 = tpu.scan <sum>, %select_n3A_138 masked %reduce_sum3A_140 : vector<16xi32>, vector<16xi1> -> vector<16xi32>
        %reduce_sum3A_142 = vector.extract %reduce_sum3A_141[15] : i32 from vector<16xi32>
        %jit3A_143 = arith.constant 0 : i32
        %broadcast_in_dim3A_144 = vector.broadcast %jit3A_143 : i32 to vector<16xi32>
        %select_n3A_145 = arith.select %and3A, %iota3A_53, %broadcast_in_dim3A_144 : vector<16xi1>, vector<16xi32>
        %reduce_sum3A_146 = arith.constant true
        %reduce_sum3A_147 = vector.broadcast %reduce_sum3A_146 : i1 to vector<16xi1>
        %reduce_sum3A_148 = tpu.scan <sum>, %select_n3A_145 masked %reduce_sum3A_147 : vector<16xi32>, vector<16xi1> -> vector<16xi32>
        %reduce_sum3A_149 = vector.extract %reduce_sum3A_148[15] : i32 from vector<16xi32>
        %jit3A_150 = arith.constant 0 : i32
        %broadcast_in_dim3A_151 = vector.broadcast %jit3A_150 : i32 to vector<16xi32>
        %select_n3A_152 = arith.select %and3A, %add3A_130, %broadcast_in_dim3A_151 : vector<16xi1>, vector<16xi32>
        %reduce_sum3A_153 = arith.constant true
        %reduce_sum3A_154 = vector.broadcast %reduce_sum3A_153 : i1 to vector<16xi1>
        %reduce_sum3A_155 = tpu.scan <sum>, %select_n3A_152 masked %reduce_sum3A_154 : vector<16xi32>, vector<16xi1> -> vector<16xi32>
        %reduce_sum3A_156 = vector.extract %reduce_sum3A_155[15] : i32 from vector<16xi32>
        %gt3A = arith.constant 0 : i32
        %gt3A_157 = arith.cmpi sgt, %reduce_sum3A_142, %gt3A : i32
        %mul3A_158 = arith.constant 16 : i32
        %mul3A_159 = arith.muli %sub3A_116, %mul3A_158 : i32
        %add3A_160 = arith.addi %mul3A_159, %reduce_sum3A_149 : i32
        %select_n3A_161 = arith.select %gt3A_157, %add3A_160, %scan3A_112 : i32
        %gt3A_162 = arith.constant 0 : i32
        %gt3A_163 = arith.cmpi sgt, %reduce_sum3A_142, %gt3A_162 : i32
        %select_n3A_164 = arith.select %gt3A_163, %reduce_sum3A_156, %scan3A_113 : i32
        %add3A_165 = arith.addi %scan3A_114, %reduce_sum3A_126 : i32
        scf.yield %select_n3A_161, %select_n3A_164, %add3A_165 : i32, i32, i32
      }
      %scan3A_62 = arith.constant 128 : i32
      %sub3A_63 = arith.subi %sub3A_23, %scan3A_61#1 : i32
      %broadcast_in_dim3A_64 = vector.broadcast %scan3A_61#0 : i32 to vector<16xi32>
      %scan3A_65 = arith.constant 0 : i32
      %scan3A_66 = arith.constant 0 : i32
      %scan3A_67 = arith.constant 16 : i32
      %scan3A_68 = arith.addi %scan3A_66, %scan3A_67 : i32
      %scan3A_69 = arith.constant 1 : i32
      %scan3A_70 = scf.for %scan3A_111 = %scan3A_66 to %scan3A_68 step %scan3A_69 iter_args(%scan3A_112 = %scan3A_65) -> (i32)  : i32 {
        %broadcast_in_dim3A_113 = arith.constant 0 : i32
        %broadcast_in_dim3A_114 = vector.broadcast %broadcast_in_dim3A_113 : i32 to vector<16xi32>
        %mul3A_115 = arith.constant 16 : i32
        %mul3A_116 = arith.muli %scan3A_111, %mul3A_115 : i32
        %swap3A_117 = arith.index_cast %mul3A_116 : i32 to index
        %swap3A_118 = tpu.vector_load %arg11[%swap3A_117] {strides = array<i32>} : memref<256xi32, #tpu.memory_space<vmem>>, vector<16xi32>,
        tpu.vector_store %arg11[%swap3A_117], %broadcast_in_dim3A_114 {strides = array<i32>} : memref<256xi32, #tpu.memory_space<vmem>>, vector<16xi32>,
        %scan3A_119 = arith.constant 0 : i32
        scf.yield %scan3A_119 : i32
      }
      %scan3A_71 = arith.constant 16 : i32
      %dma_start3A_72 = arith.constant 0 : i32
      %dma_start3A_73 = arith.constant 0 : i32
      %dma_start3A_74 = tpu.memref_slice %arg2[%dma_start3A_72, %dma_start3A_73] : memref<32x4096xf32, #tpu.memory_space<hbm>> -> memref<1x4096xf32, #tpu.memory_space<hbm>>
      %dma_start3A_75 = tpu.memref_squeeze %dma_start3A_74 : memref<1x4096xf32, #tpu.memory_space<hbm>> -> memref<4096xf32, #tpu.memory_space<hbm>>
      %dma_start3A_76 = arith.constant 0 : i32
      %dma_start3A_77 = tpu.memref_slice %arg2[%dma_start3A_72, %dma_start3A_76] : memref<32x4096xf32, #tpu.memory_space<hbm>> -> memref<1x4096xf32, #tpu.memory_space<hbm>>
      %dma_start3A_78 = tpu.memref_squeeze %dma_start3A_77 : memref<1x4096xf32, #tpu.memory_space<hbm>> -> memref<4096xf32, #tpu.memory_space<hbm>>
      tpu.enqueue_dma source(%dma_start3A_78 : memref<4096xf32, #tpu.memory_space<hbm>>) target(%arg9 : memref<4096xf32, #tpu.memory_space<vmem>>) target_semaphore(%arg14 : memref<!tpu.dma_semaphore, #tpu.memory_space<semaphore_mem>>)
      %dma_start3A_79 = arith.constant 1 : i32
      %dma_start3A_80 = arith.constant 0 : i32
      %dma_start3A_81 = tpu.memref_slice %arg2[%dma_start3A_79, %dma_start3A_80] : memref<32x4096xf32, #tpu.memory_space<hbm>> -> memref<1x4096xf32, #tpu.memory_space<hbm>>
      %dma_start3A_82 = tpu.memref_squeeze %dma_start3A_81 : memref<1x4096xf32, #tpu.memory_space<hbm>> -> memref<4096xf32, #tpu.memory_space<hbm>>
      %dma_start3A_83 = arith.constant 0 : i32
      %dma_start3A_84 = tpu.memref_slice %arg2[%dma_start3A_79, %dma_start3A_83] : memref<32x4096xf32, #tpu.memory_space<hbm>> -> memref<1x4096xf32, #tpu.memory_space<hbm>>
      %dma_start3A_85 = tpu.memref_squeeze %dma_start3A_84 : memref<1x4096xf32, #tpu.memory_space<hbm>> -> memref<4096xf32, #tpu.memory_space<hbm>>
      tpu.enqueue_dma source(%dma_start3A_85 : memref<4096xf32, #tpu.memory_space<hbm>>) target(%arg10 : memref<4096xf32, #tpu.memory_space<vmem>>) target_semaphore(%arg15 : memref<!tpu.dma_semaphore, #tpu.memory_space<semaphore_mem>>)
      %scan3A_86 = arith.constant 0 : i32
      %scan3A_87 = arith.constant 0 : i32
      %scan3A_88 = arith.constant 16 : i32
      %scan3A_89 = arith.addi %scan3A_87, %scan3A_88 : i32
      %scan3A_90 = arith.constant 1 : i32
      %scan3A_91 = scf.for %scan3A_111 = %scan3A_87 to %scan3A_89 step %scan3A_90 iter_args(%scan3A_112 = %scan3A_86) -> (i32)  : i32 {
        %mul3A_113 = arith.constant 2 : i32
        %mul3A_114 = arith.muli %scan3A_111, %mul3A_113 : i32
        %dma_wait3A = arith.constant 0 : i32
        %dma_wait3A_115 = tpu.memref_slice %arg2[%mul3A_114, %dma_wait3A] : memref<32x4096xf32, #tpu.memory_space<hbm>> -> memref<1x4096xf32, #tpu.memory_space<hbm>>
        %dma_wait3A_116 = tpu.memref_squeeze %dma_wait3A_115 : memref<1x4096xf32, #tpu.memory_space<hbm>> -> memref<4096xf32, #tpu.memory_space<hbm>>
        %dma_wait3A_117 = arith.constant 0 : i32
        %dma_wait3A_118 = tpu.memref_slice %arg2[%mul3A_114, %dma_wait3A_117] : memref<32x4096xf32, #tpu.memory_space<hbm>> -> memref<1x4096xf32, #tpu.memory_space<hbm>>
        %dma_wait3A_119 = tpu.memref_squeeze %dma_wait3A_118 : memref<1x4096xf32, #tpu.memory_space<hbm>> -> memref<4096xf32, #tpu.memory_space<hbm>>
        tpu.wait_dma2 semaphore(%arg14 : memref<!tpu.dma_semaphore, #tpu.memory_space<semaphore_mem>>) src(%dma_wait3A_119 : memref<4096xf32, #tpu.memory_space<hbm>>) dst(%arg9 : memref<4096xf32, #tpu.memory_space<vmem>>)
        %scan3A_120 = arith.constant 0 : i32
        %scan3A_121 = arith.constant 0 : i32
        %scan3A_122 = arith.constant 64 : i32
        %scan3A_123 = arith.addi %scan3A_121, %scan3A_122 : i32
        %scan3A_124 = arith.constant 1 : i32
        %scan3A_125 = scf.for %scan3A_156 = %scan3A_121 to %scan3A_123 step %scan3A_124 iter_args(%scan3A_157 = %scan3A_120) -> (i32)  : i32 {
          %mul3A_158 = arith.constant 4 : i32
          %mul3A_159 = arith.muli %scan3A_156, %mul3A_158 : i32
          %add3A_160 = arith.constant 0 : i32
          %add3A_161 = arith.addi %mul3A_159, %add3A_160 : i32
          %mul3A_162 = arith.constant 16 : i32
          %mul3A_163 = arith.muli %add3A_161, %mul3A_162 : i32
          %get3A_164 = arith.index_cast %mul3A_163 : i32 to index
          %get3A_165 = tpu.vector_load %arg9[%get3A_164] {strides = array<i32>} : memref<4096xf32, #tpu.memory_space<vmem>>, vector<16xf32>,
          %bitcast_convert_type3A_166 = tpu.bitcast %get3A_165 : vector<16xf32> -> vector<16xi32>
          %shift_right_arithmetic3A = arith.constant 19 : i32
          %shift_right_arithmetic3A_167 = vector.broadcast %shift_right_arithmetic3A : i32 to vector<16xi32>
          %shift_right_arithmetic3A_168 = arith.shrsi %bitcast_convert_type3A_166, %shift_right_arithmetic3A_167 : vector<16xi32>
          %eq3A_169 = arith.cmpi eq, %shift_right_arithmetic3A_168, %broadcast_in_dim3A_24 : vector<16xi32>
          %shift_right_arithmetic3A_170 = arith.constant 8 : i32
          %shift_right_arithmetic3A_171 = vector.broadcast %shift_right_arithmetic3A_170 : i32 to vector<16xi32>
          %shift_right_arithmetic3A_172 = arith.shrsi %bitcast_convert_type3A_166, %shift_right_arithmetic3A_171 : vector<16xi32>
          %and3A = arith.constant 2047 : i32
          %and3A_173 = vector.broadcast %and3A : i32 to vector<16xi32>
          %and3A_174 = arith.andi %shift_right_arithmetic3A_172, %and3A_173 : vector<16xi32>
          %eq3A_175 = arith.cmpi eq, %and3A_174, %broadcast_in_dim3A_64 : vector<16xi32>
          %and3A_176 = arith.andi %eq3A_169, %eq3A_175 : vector<16xi1>
          %and3A_177 = arith.constant 255 : i32
          %and3A_178 = vector.broadcast %and3A_177 : i32 to vector<16xi32>
          %and3A_179 = arith.andi %bitcast_convert_type3A_166, %and3A_178 : vector<16xi32>
          tpu.vector_store_idx %arg11[%and3A_179], %broadcast_in_dim3A_26 masked %and3A_176 {add = true} : memref<256xi32, #tpu.memory_space<vmem>>[vector<16xi32>], vector<16xi32>, vector<16xi1>
          %mul3A_180 = arith.constant 4 : i32
          %mul3A_181 = arith.muli %scan3A_156, %mul3A_180 : i32
          %add3A_182 = arith.constant 1 : i32
          %add3A_183 = arith.addi %mul3A_181, %add3A_182 : i32
          %mul3A_184 = arith.constant 16 : i32
          %mul3A_185 = arith.muli %add3A_183, %mul3A_184 : i32
          %get3A_186 = arith.index_cast %mul3A_185 : i32 to index
          %get3A_187 = tpu.vector_load %arg9[%get3A_186] {strides = array<i32>} : memref<4096xf32, #tpu.memory_space<vmem>>, vector<16xf32>,
          %bitcast_convert_type3A_188 = tpu.bitcast %get3A_187 : vector<16xf32> -> vector<16xi32>
          %shift_right_arithmetic3A_189 = arith.constant 19 : i32
          %shift_right_arithmetic3A_190 = vector.broadcast %shift_right_arithmetic3A_189 : i32 to vector<16xi32>
          %shift_right_arithmetic3A_191 = arith.shrsi %bitcast_convert_type3A_188, %shift_right_arithmetic3A_190 : vector<16xi32>
          %eq3A_192 = arith.cmpi eq, %shift_right_arithmetic3A_191, %broadcast_in_dim3A_24 : vector<16xi32>
          %shift_right_arithmetic3A_193 = arith.constant 8 : i32
          %shift_right_arithmetic3A_194 = vector.broadcast %shift_right_arithmetic3A_193 : i32 to vector<16xi32>
          %shift_right_arithmetic3A_195 = arith.shrsi %bitcast_convert_type3A_188, %shift_right_arithmetic3A_194 : vector<16xi32>
          %and3A_196 = arith.constant 2047 : i32
          %and3A_197 = vector.broadcast %and3A_196 : i32 to vector<16xi32>
          %and3A_198 = arith.andi %shift_right_arithmetic3A_195, %and3A_197 : vector<16xi32>
          %eq3A_199 = arith.cmpi eq, %and3A_198, %broadcast_in_dim3A_64 : vector<16xi32>
          %and3A_200 = arith.andi %eq3A_192, %eq3A_199 : vector<16xi1>
          %and3A_201 = arith.constant 255 : i32
          %and3A_202 = vector.broadcast %and3A_201 : i32 to vector<16xi32>
          %and3A_203 = arith.andi %bitcast_convert_type3A_188, %and3A_202 : vector<16xi32>
          tpu.vector_store_idx %arg11[%and3A_203], %broadcast_in_dim3A_26 masked %and3A_200 {add = true} : memref<256xi32, #tpu.memory_space<vmem>>[vector<16xi32>], vector<16xi32>, vector<16xi1>
          %mul3A_204 = arith.constant 4 : i32
          %mul3A_205 = arith.muli %scan3A_156, %mul3A_204 : i32
          %add3A_206 = arith.constant 2 : i32
          %add3A_207 = arith.addi %mul3A_205, %add3A_206 : i32
          %mul3A_208 = arith.constant 16 : i32
          %mul3A_209 = arith.muli %add3A_207, %mul3A_208 : i32
          %get3A_210 = arith.index_cast %mul3A_209 : i32 to index
          %get3A_211 = tpu.vector_load %arg9[%get3A_210] {strides = array<i32>} : memref<4096xf32, #tpu.memory_space<vmem>>, vector<16xf32>,
          %bitcast_convert_type3A_212 = tpu.bitcast %get3A_211 : vector<16xf32> -> vector<16xi32>
          %shift_right_arithmetic3A_213 = arith.constant 19 : i32
          %shift_right_arithmetic3A_214 = vector.broadcast %shift_right_arithmetic3A_213 : i32 to vector<16xi32>
          %shift_right_arithmetic3A_215 = arith.shrsi %bitcast_convert_type3A_212, %shift_right_arithmetic3A_214 : vector<16xi32>
          %eq3A_216 = arith.cmpi eq, %shift_right_arithmetic3A_215, %broadcast_in_dim3A_24 : vector<16xi32>
          %shift_right_arithmetic3A_217 = arith.constant 8 : i32
          %shift_right_arithmetic3A_218 = vector.broadcast %shift_right_arithmetic3A_217 : i32 to vector<16xi32>
          %shift_right_arithmetic3A_219 = arith.shrsi %bitcast_convert_type3A_212, %shift_right_arithmetic3A_218 : vector<16xi32>
          %and3A_220 = arith.constant 2047 : i32
          %and3A_221 = vector.broadcast %and3A_220 : i32 to vector<16xi32>
          %and3A_222 = arith.andi %shift_right_arithmetic3A_219, %and3A_221 : vector<16xi32>
          %eq3A_223 = arith.cmpi eq, %and3A_222, %broadcast_in_dim3A_64 : vector<16xi32>
          %and3A_224 = arith.andi %eq3A_216, %eq3A_223 : vector<16xi1>
          %and3A_225 = arith.constant 255 : i32
          %and3A_226 = vector.broadcast %and3A_225 : i32 to vector<16xi32>
          %and3A_227 = arith.andi %bitcast_convert_type3A_212, %and3A_226 : vector<16xi32>
          tpu.vector_store_idx %arg11[%and3A_227], %broadcast_in_dim3A_26 masked %and3A_224 {add = true} : memref<256xi32, #tpu.memory_space<vmem>>[vector<16xi32>], vector<16xi32>, vector<16xi1>
          %mul3A_228 = arith.constant 4 : i32
          %mul3A_229 = arith.muli %scan3A_156, %mul3A_228 : i32
          %add3A_230 = arith.constant 3 : i32
          %add3A_231 = arith.addi %mul3A_229, %add3A_230 : i32
          %mul3A_232 = arith.constant 16 : i32
          %mul3A_233 = arith.muli %add3A_231, %mul3A_232 : i32
          %get3A_234 = arith.index_cast %mul3A_233 : i32 to index
          %get3A_235 = tpu.vector_load %arg9[%get3A_234] {strides = array<i32>} : memref<4096xf32, #tpu.memory_space<vmem>>, vector<16xf32>,
          %bitcast_convert_type3A_236 = tpu.bitcast %get3A_235 : vector<16xf32> -> vector<16xi32>
          %shift_right_arithmetic3A_237 = arith.constant 19 : i32
          %shift_right_arithmetic3A_238 = vector.broadcast %shift_right_arithmetic3A_237 : i32 to vector<16xi32>
          %shift_right_arithmetic3A_239 = arith.shrsi %bitcast_convert_type3A_236, %shift_right_arithmetic3A_238 : vector<16xi32>
          %eq3A_240 = arith.cmpi eq, %shift_right_arithmetic3A_239, %broadcast_in_dim3A_24 : vector<16xi32>
          %shift_right_arithmetic3A_241 = arith.constant 8 : i32
          %shift_right_arithmetic3A_242 = vector.broadcast %shift_right_arithmetic3A_241 : i32 to vector<16xi32>
          %shift_right_arithmetic3A_243 = arith.shrsi %bitcast_convert_type3A_236, %shift_right_arithmetic3A_242 : vector<16xi32>
          %and3A_244 = arith.constant 2047 : i32
          %and3A_245 = vector.broadcast %and3A_244 : i32 to vector<16xi32>
          %and3A_246 = arith.andi %shift_right_arithmetic3A_243, %and3A_245 : vector<16xi32>
          %eq3A_247 = arith.cmpi eq, %and3A_246, %broadcast_in_dim3A_64 : vector<16xi32>
          %and3A_248 = arith.andi %eq3A_240, %eq3A_247 : vector<16xi1>
          %and3A_249 = arith.constant 255 : i32
          %and3A_250 = vector.broadcast %and3A_249 : i32 to vector<16xi32>
          %and3A_251 = arith.andi %bitcast_convert_type3A_236, %and3A_250 : vector<16xi32>
          tpu.vector_store_idx %arg11[%and3A_251], %broadcast_in_dim3A_26 masked %and3A_248 {add = true} : memref<256xi32, #tpu.memory_space<vmem>>[vector<16xi32>], vector<16xi32>, vector<16xi1>
          %scan3A_252 = arith.constant 0 : i32
          scf.yield %scan3A_252 : i32
        }
        %scan3A_126 = arith.constant 64 : i32
        %add3A_127 = arith.constant 2 : i32
        %add3A_128 = arith.addi %mul3A_114, %add3A_127 : i32
        %lt3A = arith.constant 32 : i32
        %lt3A_129 = arith.cmpi slt, %add3A_128, %lt3A : i32
        %convert_element_type3A_130 = arith.extui %lt3A_129 : i1 to i32
        %cond3A_131 = arith.constant 0 : i32
        %cond3A_132 = arith.cmpi ne, %convert_element_type3A_130, %cond3A_131 : i32
        scf.if %cond3A_132 {
          %add3A_156 = arith.constant 2 : i32
          %add3A_157 = arith.addi %mul3A_114, %add3A_156 : i32
          %dma_start3A_158 = arith.constant 0 : i32
          %dma_start3A_159 = tpu.memref_slice %arg2[%add3A_157, %dma_start3A_158] : memref<32x4096xf32, #tpu.memory_space<hbm>> -> memref<1x4096xf32, #tpu.memory_space<hbm>>
          %dma_start3A_160 = tpu.memref_squeeze %dma_start3A_159 : memref<1x4096xf32, #tpu.memory_space<hbm>> -> memref<4096xf32, #tpu.memory_space<hbm>>
          %dma_start3A_161 = arith.constant 0 : i32
          %dma_start3A_162 = tpu.memref_slice %arg2[%add3A_157, %dma_start3A_161] : memref<32x4096xf32, #tpu.memory_space<hbm>> -> memref<1x4096xf32, #tpu.memory_space<hbm>>
          %dma_start3A_163 = tpu.memref_squeeze %dma_start3A_162 : memref<1x4096xf32, #tpu.memory_space<hbm>> -> memref<4096xf32, #tpu.memory_space<hbm>>
          tpu.enqueue_dma source(%dma_start3A_163 : memref<4096xf32, #tpu.memory_space<hbm>>) target(%arg9 : memref<4096xf32, #tpu.memory_space<vmem>>) target_semaphore(%arg14 : memref<!tpu.dma_semaphore, #tpu.memory_space<semaphore_mem>>)
        } else {
        }
        %add3A_133 = arith.constant 1 : i32
        %add3A_134 = arith.addi %mul3A_114, %add3A_133 : i32
        %dma_wait3A_135 = arith.constant 0 : i32
        %dma_wait3A_136 = tpu.memref_slice %arg2[%add3A_134, %dma_wait3A_135] : memref<32x4096xf32, #tpu.memory_space<hbm>> -> memref<1x4096xf32, #tpu.memory_space<hbm>>
        %dma_wait3A_137 = tpu.memref_squeeze %dma_wait3A_136 : memref<1x4096xf32, #tpu.memory_space<hbm>> -> memref<4096xf32, #tpu.memory_space<hbm>>
        %dma_wait3A_138 = arith.constant 0 : i32
        %dma_wait3A_139 = tpu.memref_slice %arg2[%add3A_134, %dma_wait3A_138] : memref<32x4096xf32, #tpu.memory_space<hbm>> -> memref<1x4096xf32, #tpu.memory_space<hbm>>
        %dma_wait3A_140 = tpu.memref_squeeze %dma_wait3A_139 : memref<1x4096xf32, #tpu.memory_space<hbm>> -> memref<4096xf32, #tpu.memory_space<hbm>>
        tpu.wait_dma2 semaphore(%arg15 : memref<!tpu.dma_semaphore, #tpu.memory_space<semaphore_mem>>) src(%dma_wait3A_140 : memref<4096xf32, #tpu.memory_space<hbm>>) dst(%arg10 : memref<4096xf32, #tpu.memory_space<vmem>>)
        %scan3A_141 = arith.constant 0 : i32
        %scan3A_142 = arith.constant 0 : i32
        %scan3A_143 = arith.constant 64 : i32
        %scan3A_144 = arith.addi %scan3A_142, %scan3A_143 : i32
        %scan3A_145 = arith.constant 1 : i32
        %scan3A_146 = scf.for %scan3A_156 = %scan3A_142 to %scan3A_144 step %scan3A_145 iter_args(%scan3A_157 = %scan3A_141) -> (i32)  : i32 {
          %mul3A_158 = arith.constant 4 : i32
          %mul3A_159 = arith.muli %scan3A_156, %mul3A_158 : i32
          %add3A_160 = arith.constant 0 : i32
          %add3A_161 = arith.addi %mul3A_159, %add3A_160 : i32
          %mul3A_162 = arith.constant 16 : i32
          %mul3A_163 = arith.muli %add3A_161, %mul3A_162 : i32
          %get3A_164 = arith.index_cast %mul3A_163 : i32 to index
          %get3A_165 = tpu.vector_load %arg10[%get3A_164] {strides = array<i32>} : memref<4096xf32, #tpu.memory_space<vmem>>, vector<16xf32>,
          %bitcast_convert_type3A_166 = tpu.bitcast %get3A_165 : vector<16xf32> -> vector<16xi32>
          %shift_right_arithmetic3A = arith.constant 19 : i32
          %shift_right_arithmetic3A_167 = vector.broadcast %shift_right_arithmetic3A : i32 to vector<16xi32>
          %shift_right_arithmetic3A_168 = arith.shrsi %bitcast_convert_type3A_166, %shift_right_arithmetic3A_167 : vector<16xi32>
          %eq3A_169 = arith.cmpi eq, %shift_right_arithmetic3A_168, %broadcast_in_dim3A_24 : vector<16xi32>
          %shift_right_arithmetic3A_170 = arith.constant 8 : i32
          %shift_right_arithmetic3A_171 = vector.broadcast %shift_right_arithmetic3A_170 : i32 to vector<16xi32>
          %shift_right_arithmetic3A_172 = arith.shrsi %bitcast_convert_type3A_166, %shift_right_arithmetic3A_171 : vector<16xi32>
          %and3A = arith.constant 2047 : i32
          %and3A_173 = vector.broadcast %and3A : i32 to vector<16xi32>
          %and3A_174 = arith.andi %shift_right_arithmetic3A_172, %and3A_173 : vector<16xi32>
          %eq3A_175 = arith.cmpi eq, %and3A_174, %broadcast_in_dim3A_64 : vector<16xi32>
          %and3A_176 = arith.andi %eq3A_169, %eq3A_175 : vector<16xi1>
          %and3A_177 = arith.constant 255 : i32
          %and3A_178 = vector.broadcast %and3A_177 : i32 to vector<16xi32>
          %and3A_179 = arith.andi %bitcast_convert_type3A_166, %and3A_178 : vector<16xi32>
          tpu.vector_store_idx %arg11[%and3A_179], %broadcast_in_dim3A_26 masked %and3A_176 {add = true} : memref<256xi32, #tpu.memory_space<vmem>>[vector<16xi32>], vector<16xi32>, vector<16xi1>
          %mul3A_180 = arith.constant 4 : i32
          %mul3A_181 = arith.muli %scan3A_156, %mul3A_180 : i32
          %add3A_182 = arith.constant 1 : i32
          %add3A_183 = arith.addi %mul3A_181, %add3A_182 : i32
          %mul3A_184 = arith.constant 16 : i32
          %mul3A_185 = arith.muli %add3A_183, %mul3A_184 : i32
          %get3A_186 = arith.index_cast %mul3A_185 : i32 to index
          %get3A_187 = tpu.vector_load %arg10[%get3A_186] {strides = array<i32>} : memref<4096xf32, #tpu.memory_space<vmem>>, vector<16xf32>,
          %bitcast_convert_type3A_188 = tpu.bitcast %get3A_187 : vector<16xf32> -> vector<16xi32>
          %shift_right_arithmetic3A_189 = arith.constant 19 : i32
          %shift_right_arithmetic3A_190 = vector.broadcast %shift_right_arithmetic3A_189 : i32 to vector<16xi32>
          %shift_right_arithmetic3A_191 = arith.shrsi %bitcast_convert_type3A_188, %shift_right_arithmetic3A_190 : vector<16xi32>
          %eq3A_192 = arith.cmpi eq, %shift_right_arithmetic3A_191, %broadcast_in_dim3A_24 : vector<16xi32>
          %shift_right_arithmetic3A_193 = arith.constant 8 : i32
          %shift_right_arithmetic3A_194 = vector.broadcast %shift_right_arithmetic3A_193 : i32 to vector<16xi32>
          %shift_right_arithmetic3A_195 = arith.shrsi %bitcast_convert_type3A_188, %shift_right_arithmetic3A_194 : vector<16xi32>
          %and3A_196 = arith.constant 2047 : i32
          %and3A_197 = vector.broadcast %and3A_196 : i32 to vector<16xi32>
          %and3A_198 = arith.andi %shift_right_arithmetic3A_195, %and3A_197 : vector<16xi32>
          %eq3A_199 = arith.cmpi eq, %and3A_198, %broadcast_in_dim3A_64 : vector<16xi32>
          %and3A_200 = arith.andi %eq3A_192, %eq3A_199 : vector<16xi1>
          %and3A_201 = arith.constant 255 : i32
          %and3A_202 = vector.broadcast %and3A_201 : i32 to vector<16xi32>
          %and3A_203 = arith.andi %bitcast_convert_type3A_188, %and3A_202 : vector<16xi32>
          tpu.vector_store_idx %arg11[%and3A_203], %broadcast_in_dim3A_26 masked %and3A_200 {add = true} : memref<256xi32, #tpu.memory_space<vmem>>[vector<16xi32>], vector<16xi32>, vector<16xi1>
          %mul3A_204 = arith.constant 4 : i32
          %mul3A_205 = arith.muli %scan3A_156, %mul3A_204 : i32
          %add3A_206 = arith.constant 2 : i32
          %add3A_207 = arith.addi %mul3A_205, %add3A_206 : i32
          %mul3A_208 = arith.constant 16 : i32
          %mul3A_209 = arith.muli %add3A_207, %mul3A_208 : i32
          %get3A_210 = arith.index_cast %mul3A_209 : i32 to index
          %get3A_211 = tpu.vector_load %arg10[%get3A_210] {strides = array<i32>} : memref<4096xf32, #tpu.memory_space<vmem>>, vector<16xf32>,
          %bitcast_convert_type3A_212 = tpu.bitcast %get3A_211 : vector<16xf32> -> vector<16xi32>
          %shift_right_arithmetic3A_213 = arith.constant 19 : i32
          %shift_right_arithmetic3A_214 = vector.broadcast %shift_right_arithmetic3A_213 : i32 to vector<16xi32>
          %shift_right_arithmetic3A_215 = arith.shrsi %bitcast_convert_type3A_212, %shift_right_arithmetic3A_214 : vector<16xi32>
          %eq3A_216 = arith.cmpi eq, %shift_right_arithmetic3A_215, %broadcast_in_dim3A_24 : vector<16xi32>
          %shift_right_arithmetic3A_217 = arith.constant 8 : i32
          %shift_right_arithmetic3A_218 = vector.broadcast %shift_right_arithmetic3A_217 : i32 to vector<16xi32>
          %shift_right_arithmetic3A_219 = arith.shrsi %bitcast_convert_type3A_212, %shift_right_arithmetic3A_218 : vector<16xi32>
          %and3A_220 = arith.constant 2047 : i32
          %and3A_221 = vector.broadcast %and3A_220 : i32 to vector<16xi32>
          %and3A_222 = arith.andi %shift_right_arithmetic3A_219, %and3A_221 : vector<16xi32>
          %eq3A_223 = arith.cmpi eq, %and3A_222, %broadcast_in_dim3A_64 : vector<16xi32>
          %and3A_224 = arith.andi %eq3A_216, %eq3A_223 : vector<16xi1>
          %and3A_225 = arith.constant 255 : i32
          %and3A_226 = vector.broadcast %and3A_225 : i32 to vector<16xi32>
          %and3A_227 = arith.andi %bitcast_convert_type3A_212, %and3A_226 : vector<16xi32>
          tpu.vector_store_idx %arg11[%and3A_227], %broadcast_in_dim3A_26 masked %and3A_224 {add = true} : memref<256xi32, #tpu.memory_space<vmem>>[vector<16xi32>], vector<16xi32>, vector<16xi1>
          %mul3A_228 = arith.constant 4 : i32
          %mul3A_229 = arith.muli %scan3A_156, %mul3A_228 : i32
          %add3A_230 = arith.constant 3 : i32
          %add3A_231 = arith.addi %mul3A_229, %add3A_230 : i32
          %mul3A_232 = arith.constant 16 : i32
          %mul3A_233 = arith.muli %add3A_231, %mul3A_232 : i32
          %get3A_234 = arith.index_cast %mul3A_233 : i32 to index
          %get3A_235 = tpu.vector_load %arg10[%get3A_234] {strides = array<i32>} : memref<4096xf32, #tpu.memory_space<vmem>>, vector<16xf32>,
          %bitcast_convert_type3A_236 = tpu.bitcast %get3A_235 : vector<16xf32> -> vector<16xi32>
          %shift_right_arithmetic3A_237 = arith.constant 19 : i32
          %shift_right_arithmetic3A_238 = vector.broadcast %shift_right_arithmetic3A_237 : i32 to vector<16xi32>
          %shift_right_arithmetic3A_239 = arith.shrsi %bitcast_convert_type3A_236, %shift_right_arithmetic3A_238 : vector<16xi32>
          %eq3A_240 = arith.cmpi eq, %shift_right_arithmetic3A_239, %broadcast_in_dim3A_24 : vector<16xi32>
          %shift_right_arithmetic3A_241 = arith.constant 8 : i32
          %shift_right_arithmetic3A_242 = vector.broadcast %shift_right_arithmetic3A_241 : i32 to vector<16xi32>
          %shift_right_arithmetic3A_243 = arith.shrsi %bitcast_convert_type3A_236, %shift_right_arithmetic3A_242 : vector<16xi32>
          %and3A_244 = arith.constant 2047 : i32
          %and3A_245 = vector.broadcast %and3A_244 : i32 to vector<16xi32>
          %and3A_246 = arith.andi %shift_right_arithmetic3A_243, %and3A_245 : vector<16xi32>
          %eq3A_247 = arith.cmpi eq, %and3A_246, %broadcast_in_dim3A_64 : vector<16xi32>
          %and3A_248 = arith.andi %eq3A_240, %eq3A_247 : vector<16xi1>
          %and3A_249 = arith.constant 255 : i32
          %and3A_250 = vector.broadcast %and3A_249 : i32 to vector<16xi32>
          %and3A_251 = arith.andi %bitcast_convert_type3A_236, %and3A_250 : vector<16xi32>
          tpu.vector_store_idx %arg11[%and3A_251], %broadcast_in_dim3A_26 masked %and3A_248 {add = true} : memref<256xi32, #tpu.memory_space<vmem>>[vector<16xi32>], vector<16xi32>, vector<16xi1>
          %scan3A_252 = arith.constant 0 : i32
          scf.yield %scan3A_252 : i32
        }
        %scan3A_147 = arith.constant 64 : i32
        %add3A_148 = arith.constant 3 : i32
        %add3A_149 = arith.addi %mul3A_114, %add3A_148 : i32
        %lt3A_150 = arith.constant 32 : i32
        %lt3A_151 = arith.cmpi slt, %add3A_149, %lt3A_150 : i32
        %convert_element_type3A_152 = arith.extui %lt3A_151 : i1 to i32
        %cond3A_153 = arith.constant 0 : i32
        %cond3A_154 = arith.cmpi ne, %convert_element_type3A_152, %cond3A_153 : i32
        scf.if %cond3A_154 {
          %add3A_156 = arith.constant 3 : i32
          %add3A_157 = arith.addi %mul3A_114, %add3A_156 : i32
          %dma_start3A_158 = arith.constant 0 : i32
          %dma_start3A_159 = tpu.memref_slice %arg2[%add3A_157, %dma_start3A_158] : memref<32x4096xf32, #tpu.memory_space<hbm>> -> memref<1x4096xf32, #tpu.memory_space<hbm>>
          %dma_start3A_160 = tpu.memref_squeeze %dma_start3A_159 : memref<1x4096xf32, #tpu.memory_space<hbm>> -> memref<4096xf32, #tpu.memory_space<hbm>>
          %dma_start3A_161 = arith.constant 0 : i32
          %dma_start3A_162 = tpu.memref_slice %arg2[%add3A_157, %dma_start3A_161] : memref<32x4096xf32, #tpu.memory_space<hbm>> -> memref<1x4096xf32, #tpu.memory_space<hbm>>
          %dma_start3A_163 = tpu.memref_squeeze %dma_start3A_162 : memref<1x4096xf32, #tpu.memory_space<hbm>> -> memref<4096xf32, #tpu.memory_space<hbm>>
          tpu.enqueue_dma source(%dma_start3A_163 : memref<4096xf32, #tpu.memory_space<hbm>>) target(%arg10 : memref<4096xf32, #tpu.memory_space<vmem>>) target_semaphore(%arg15 : memref<!tpu.dma_semaphore, #tpu.memory_space<semaphore_mem>>)
        } else {
        }
        %scan3A_155 = arith.constant 0 : i32
        scf.yield %scan3A_155 : i32
      }
      %scan3A_92 = arith.constant 16 : i32
      %iota3A_93 = tpu.iota {dimensions = array<i32: 0>} : vector<16xi32>
      %scan3A_94 = arith.constant 0 : i32
      %scan3A_95 = arith.constant 0 : i32
      %scan3A_96 = arith.constant 0 : i32
      %scan3A_97 = arith.constant 0 : i32
      %scan3A_98 = arith.constant 16 : i32
      %scan3A_99 = arith.addi %scan3A_97, %scan3A_98 : i32
      %scan3A_100 = arith.constant 1 : i32
      %scan3A_101:3 = scf.for %scan3A_111 = %scan3A_97 to %scan3A_99 step %scan3A_100 iter_args(%scan3A_112 = %scan3A_94, %scan3A_113 = %scan3A_95, %scan3A_114 = %scan3A_96) -> (i32, i32, i32)  : i32 {
        %sub3A_115 = arith.constant 15 : i32
        %sub3A_116 = arith.subi %sub3A_115, %scan3A_111 : i32
        %mul3A_117 = arith.constant 16 : i32
        %mul3A_118 = arith.muli %sub3A_116, %mul3A_117 : i32
        %get3A_119 = arith.index_cast %mul3A_118 : i32 to index
        %get3A_120 = tpu.vector_load %arg11[%get3A_119] {strides = array<i32>} : memref<256xi32, #tpu.memory_space<vmem>>, vector<16xi32>,
        %cumsum3A = arith.constant true
        %cumsum3A_121 = vector.broadcast %cumsum3A : i1 to vector<16xi1>
        %cumsum3A_122 = tpu.scan <sum>, %get3A_120 masked %cumsum3A_121 : vector<16xi32>, vector<16xi1> -> vector<16xi32>
        %reduce_sum3A_123 = arith.constant true
        %reduce_sum3A_124 = vector.broadcast %reduce_sum3A_123 : i1 to vector<16xi1>
        %reduce_sum3A_125 = tpu.scan <sum>, %get3A_120 masked %reduce_sum3A_124 : vector<16xi32>, vector<16xi1> -> vector<16xi32>
        %reduce_sum3A_126 = vector.extract %reduce_sum3A_125[15] : i32 from vector<16xi32>
        %sub3A_127 = vector.broadcast %reduce_sum3A_126 : i32 to vector<16xi32>
        %sub3A_128 = arith.subi %sub3A_127, %cumsum3A_122 : vector<16xi32>
        %add3A_129 = vector.broadcast %scan3A_114 : i32 to vector<16xi32>
        %add3A_130 = arith.addi %add3A_129, %sub3A_128 : vector<16xi32>
        %lt3A = vector.broadcast %sub3A_63 : i32 to vector<16xi32>
        %lt3A_131 = arith.cmpi slt, %add3A_130, %lt3A : vector<16xi32>
        %add3A_132 = arith.addi %add3A_130, %get3A_120 : vector<16xi32>
        %ge3A = vector.broadcast %sub3A_63 : i32 to vector<16xi32>
        %ge3A_133 = arith.cmpi sge, %add3A_132, %ge3A : vector<16xi32>
        %and3A = arith.andi %lt3A_131, %ge3A_133 : vector<16xi1>
        %jit3A_134 = arith.constant 1 : i32
        %jit3A_135 = arith.constant 0 : i32
        %broadcast_in_dim3A_136 = vector.broadcast %jit3A_134 : i32 to vector<16xi32>
        %broadcast_in_dim3A_137 = vector.broadcast %jit3A_135 : i32 to vector<16xi32>
        %select_n3A_138 = arith.select %and3A, %broadcast_in_dim3A_136, %broadcast_in_dim3A_137 : vector<16xi1>, vector<16xi32>
        %reduce_sum3A_139 = arith.constant true
        %reduce_sum3A_140 = vector.broadcast %reduce_sum3A_139 : i1 to vector<16xi1>
        %reduce_sum3A_141 = tpu.scan <sum>, %select_n3A_138 masked %reduce_sum3A_140 : vector<16xi32>, vector<16xi1> -> vector<16xi32>
        %reduce_sum3A_142 = vector.extract %reduce_sum3A_141[15] : i32 from vector<16xi32>
        %jit3A_143 = arith.constant 0 : i32
        %broadcast_in_dim3A_144 = vector.broadcast %jit3A_143 : i32 to vector<16xi32>
        %select_n3A_145 = arith.select %and3A, %iota3A_93, %broadcast_in_dim3A_144 : vector<16xi1>, vector<16xi32>
        %reduce_sum3A_146 = arith.constant true
        %reduce_sum3A_147 = vector.broadcast %reduce_sum3A_146 : i1 to vector<16xi1>
        %reduce_sum3A_148 = tpu.scan <sum>, %select_n3A_145 masked %reduce_sum3A_147 : vector<16xi32>, vector<16xi1> -> vector<16xi32>
        %reduce_sum3A_149 = vector.extract %reduce_sum3A_148[15] : i32 from vector<16xi32>
        %jit3A_150 = arith.constant 0 : i32
        %broadcast_in_dim3A_151 = vector.broadcast %jit3A_150 : i32 to vector<16xi32>
        %select_n3A_152 = arith.select %and3A, %add3A_130, %broadcast_in_dim3A_151 : vector<16xi1>, vector<16xi32>
        %reduce_sum3A_153 = arith.constant true
        %reduce_sum3A_154 = vector.broadcast %reduce_sum3A_153 : i1 to vector<16xi1>
        %reduce_sum3A_155 = tpu.scan <sum>, %select_n3A_152 masked %reduce_sum3A_154 : vector<16xi32>, vector<16xi1> -> vector<16xi32>
        %reduce_sum3A_156 = vector.extract %reduce_sum3A_155[15] : i32 from vector<16xi32>
        %gt3A = arith.constant 0 : i32
        %gt3A_157 = arith.cmpi sgt, %reduce_sum3A_142, %gt3A : i32
        %mul3A_158 = arith.constant 16 : i32
        %mul3A_159 = arith.muli %sub3A_116, %mul3A_158 : i32
        %add3A_160 = arith.addi %mul3A_159, %reduce_sum3A_149 : i32
        %select_n3A_161 = arith.select %gt3A_157, %add3A_160, %scan3A_112 : i32
        %gt3A_162 = arith.constant 0 : i32
        %gt3A_163 = arith.cmpi sgt, %reduce_sum3A_142, %gt3A_162 : i32
        %select_n3A_164 = arith.select %gt3A_163, %reduce_sum3A_156, %scan3A_113 : i32
        %add3A_165 = arith.addi %scan3A_114, %reduce_sum3A_126 : i32
        scf.yield %select_n3A_161, %select_n3A_164, %add3A_165 : i32, i32, i32
      }
      %scan3A_102 = arith.constant 16 : i32
      %mul3A_103 = arith.constant 524288 : i32
      %mul3A_104 = arith.muli %reduce_sum3A_9, %mul3A_103 : i32
      %mul3A_105 = arith.constant 256 : i32
      %mul3A_106 = arith.muli %scan3A_61#0, %mul3A_105 : i32
      %add3A_107 = arith.addi %mul3A_104, %mul3A_106 : i32
      %add3A_108 = arith.addi %add3A_107, %scan3A_101#0 : i32
      %broadcast_in_dim3A_109 = vector.broadcast %add3A_108 : i32 to vector<16xi32>
      %bitcast_convert_type3A = tpu.bitcast %broadcast_in_dim3A_109 : vector<16xi32> -> vector<16xf32>
      %swap3A = arith.constant 0 : index
      %swap3A_110 = tpu.vector_load %arg13[%swap3A] {strides = array<i32>} : memref<16xf32, #tpu.memory_space<vmem>>, vector<16xf32>,
      tpu.vector_store %arg13[%swap3A], %bitcast_convert_type3A {strides = array<i32>} : memref<16xf32, #tpu.memory_space<vmem>>, vector<16xf32>,
      "tpu.region"() ({
        %run_scoped3A = tpu.sem_alloc : memref<!tpu.dma_semaphore, #tpu.memory_space<semaphore_mem>>
        tpu.enqueue_dma source(%arg13 : memref<16xf32, #tpu.memory_space<vmem>>) target(%arg5 : memref<16xf32, #tpu.memory_space<hbm>>) target_semaphore(%run_scoped3A : memref<!tpu.dma_semaphore, #tpu.memory_space<semaphore_mem>>)
        tpu.wait_dma2 semaphore(%run_scoped3A : memref<!tpu.dma_semaphore, #tpu.memory_space<semaphore_mem>>) src(%arg13 : memref<16xf32, #tpu.memory_space<vmem>>) dst(%arg5 : memref<16xf32, #tpu.memory_space<hbm>>)
        tpu.yield
      }) : () -> ()
    } else {
    }
    return
  }
}

#map = affine_map<(d0, d1) -> (0, 0)>
#map1 = affine_map<(d0, d1) -> (0)>
module attributes {stable_mosaic.version = 14 : i64} {
  func.func @filter_kernel(%arg0: i32, %arg1: i32, %arg2: memref<32x32768xf32, #tpu.memory_space<hbm>>, %arg3: memref<16xi32, #tpu.memory_space<hbm>>, %arg4: memref<32x4096xf32, #tpu.memory_space<hbm>>, %arg5: memref<32x2048xi32, #tpu.memory_space<hbm>>, %arg6: memref<32768xf32, #tpu.memory_space<vmem>>, %arg7: memref<4096xf32, #tpu.memory_space<vmem>>, %arg8: memref<2048xi32, #tpu.memory_space<vmem>>, %arg9: memref<16xi32, #tpu.memory_space<vmem>>) attributes {dimension_semantics = [#tpu.dimension_semantics<core_parallel>, #tpu.dimension_semantics<subcore_parallel>], iteration_bounds = array<i64: 2, 16>, scalar_prefetch = 0 : i64, scratch_operands = 4 : i64, tpu.core_type = #tpu.core_type<sc_vector_subcore>, window_params = [{transform_indices = #map}, {transform_indices = #map1}, {transform_indices = #map}, {transform_indices = #map}]} {
    %mul3A = arith.constant 2 : i32
    %mul3A_0 = arith.muli %arg1, %mul3A : i32
    %add3A = arith.addi %mul3A_0, %arg0 : i32
    "tpu.region"() ({
      %run_scoped3A = tpu.sem_alloc : memref<!tpu.dma_semaphore, #tpu.memory_space<semaphore_mem>>
      %dma_start3A = arith.constant 0 : i32
      %dma_start3A_42 = tpu.memref_slice %arg2[%add3A, %dma_start3A] : memref<32x32768xf32, #tpu.memory_space<hbm>> -> memref<1x32768xf32, #tpu.memory_space<hbm>>
      %dma_start3A_43 = tpu.memref_squeeze %dma_start3A_42 : memref<1x32768xf32, #tpu.memory_space<hbm>> -> memref<32768xf32, #tpu.memory_space<hbm>>
      %dma_start3A_44 = arith.constant 0 : i32
      %dma_start3A_45 = tpu.memref_slice %arg2[%add3A, %dma_start3A_44] : memref<32x32768xf32, #tpu.memory_space<hbm>> -> memref<1x32768xf32, #tpu.memory_space<hbm>>
      %dma_start3A_46 = tpu.memref_squeeze %dma_start3A_45 : memref<1x32768xf32, #tpu.memory_space<hbm>> -> memref<32768xf32, #tpu.memory_space<hbm>>
      tpu.enqueue_dma source(%dma_start3A_46 : memref<32768xf32, #tpu.memory_space<hbm>>) target(%arg6 : memref<32768xf32, #tpu.memory_space<vmem>>) target_semaphore(%run_scoped3A : memref<!tpu.dma_semaphore, #tpu.memory_space<semaphore_mem>>)
      %dma_wait3A = arith.constant 0 : i32
      %dma_wait3A_47 = tpu.memref_slice %arg2[%add3A, %dma_wait3A] : memref<32x32768xf32, #tpu.memory_space<hbm>> -> memref<1x32768xf32, #tpu.memory_space<hbm>>
      %dma_wait3A_48 = tpu.memref_squeeze %dma_wait3A_47 : memref<1x32768xf32, #tpu.memory_space<hbm>> -> memref<32768xf32, #tpu.memory_space<hbm>>
      %dma_wait3A_49 = arith.constant 0 : i32
      %dma_wait3A_50 = tpu.memref_slice %arg2[%add3A, %dma_wait3A_49] : memref<32x32768xf32, #tpu.memory_space<hbm>> -> memref<1x32768xf32, #tpu.memory_space<hbm>>
      %dma_wait3A_51 = tpu.memref_squeeze %dma_wait3A_50 : memref<1x32768xf32, #tpu.memory_space<hbm>> -> memref<32768xf32, #tpu.memory_space<hbm>>
      tpu.wait_dma2 semaphore(%run_scoped3A : memref<!tpu.dma_semaphore, #tpu.memory_space<semaphore_mem>>) src(%dma_wait3A_51 : memref<32768xf32, #tpu.memory_space<hbm>>) dst(%arg6 : memref<32768xf32, #tpu.memory_space<vmem>>)
      tpu.yield
    }) : () -> ()
    "tpu.region"() ({
      %run_scoped3A = tpu.sem_alloc : memref<!tpu.dma_semaphore, #tpu.memory_space<semaphore_mem>>
      tpu.enqueue_dma source(%arg3 : memref<16xi32, #tpu.memory_space<hbm>>) target(%arg9 : memref<16xi32, #tpu.memory_space<vmem>>) target_semaphore(%run_scoped3A : memref<!tpu.dma_semaphore, #tpu.memory_space<semaphore_mem>>)
      tpu.wait_dma2 semaphore(%run_scoped3A : memref<!tpu.dma_semaphore, #tpu.memory_space<semaphore_mem>>) src(%arg3 : memref<16xi32, #tpu.memory_space<hbm>>) dst(%arg9 : memref<16xi32, #tpu.memory_space<vmem>>)
      tpu.yield
    }) : () -> ()
    %get3A = arith.constant 0 : index
    %get3A_1 = tpu.vector_load %arg9[%get3A] {strides = array<i32>} : memref<16xi32, #tpu.memory_space<vmem>>, vector<16xi32>,
    %iota3A = tpu.iota {dimensions = array<i32: 0>} : vector<16xi32>
    %eq3A = arith.constant 0 : i32
    %eq3A_2 = vector.broadcast %eq3A : i32 to vector<16xi32>
    %eq3A_3 = arith.cmpi eq, %iota3A, %eq3A_2 : vector<16xi32>
    %jit3A = arith.constant 0 : i32
    %broadcast_in_dim3A = vector.broadcast %jit3A : i32 to vector<16xi32>
    %select_n3A = arith.select %eq3A_3, %get3A_1, %broadcast_in_dim3A : vector<16xi1>, vector<16xi32>
    %reduce_sum3A = arith.constant true
    %reduce_sum3A_4 = vector.broadcast %reduce_sum3A : i1 to vector<16xi1>
    %reduce_sum3A_5 = tpu.scan <sum>, %select_n3A masked %reduce_sum3A_4 : vector<16xi32>, vector<16xi1> -> vector<16xi32>
    %reduce_sum3A_6 = vector.extract %reduce_sum3A_5[15] : i32 from vector<16xi32>
    %broadcast_in_dim3A_7 = vector.broadcast %reduce_sum3A_6 : i32 to vector<16xi32>
    %iota3A_8 = tpu.iota {dimensions = array<i32: 0>} : vector<16xi32>
    %mul3A_9 = arith.constant 256 : i32
    %mul3A_10 = vector.broadcast %mul3A_9 : i32 to vector<16xi32>
    %mul3A_11 = arith.muli %iota3A_8, %mul3A_10 : vector<16xi32>
    %broadcast_in_dim3A_12 = arith.constant 1 : i32
    %broadcast_in_dim3A_13 = vector.broadcast %broadcast_in_dim3A_12 : i32 to vector<16xi32>
    %scan3A = arith.constant 0 : i32
    %scan3A_14 = arith.constant 0 : i32
    %scan3A_15 = arith.constant 256 : i32
    %scan3A_16 = arith.addi %scan3A_14, %scan3A_15 : i32
    %scan3A_17 = arith.constant 1 : i32
    %scan3A_18 = scf.for %scan3A_42 = %scan3A_14 to %scan3A_16 step %scan3A_17 iter_args(%scan3A_43 = %scan3A) -> (i32)  : i32 {
      %broadcast_in_dim3A_44 = arith.constant 0.000000e+00 : f32
      %broadcast_in_dim3A_45 = vector.broadcast %broadcast_in_dim3A_44 : f32 to vector<16xf32>
      %mul3A_46 = arith.constant 16 : i32
      %mul3A_47 = arith.muli %scan3A_42, %mul3A_46 : i32
      %swap3A = arith.index_cast %mul3A_47 : i32 to index
      %swap3A_48 = tpu.vector_load %arg7[%swap3A] {strides = array<i32>} : memref<4096xf32, #tpu.memory_space<vmem>>, vector<16xf32>,
      tpu.vector_store %arg7[%swap3A], %broadcast_in_dim3A_45 {strides = array<i32>} : memref<4096xf32, #tpu.memory_space<vmem>>, vector<16xf32>,
      %scan3A_49 = arith.constant 0 : i32
      scf.yield %scan3A_49 : i32
    }
    %scan3A_19 = arith.constant 256 : i32
    %broadcast_in_dim3A_20 = arith.constant 0 : i32
    %broadcast_in_dim3A_21 = vector.broadcast %broadcast_in_dim3A_20 : i32 to vector<16xi32>
    %scan3A_22 = arith.constant 0 : i32
    %scan3A_23 = arith.constant 512 : i32
    %scan3A_24 = arith.addi %scan3A_22, %scan3A_23 : i32
    %scan3A_25 = arith.constant 1 : i32
    %scan3A_26 = scf.for %scan3A_42 = %scan3A_22 to %scan3A_24 step %scan3A_25 iter_args(%scan3A_43 = %broadcast_in_dim3A_21) -> (vector<16xi32>)  : i32 {
      %mul3A_44 = arith.constant 4 : i32
      %mul3A_45 = arith.muli %scan3A_42, %mul3A_44 : i32
      %add3A_46 = arith.constant 0 : i32
      %add3A_47 = arith.addi %mul3A_45, %add3A_46 : i32
      %mul3A_48 = arith.constant 16 : i32
      %mul3A_49 = arith.muli %add3A_47, %mul3A_48 : i32
      %get3A_50 = arith.index_cast %mul3A_49 : i32 to index
      %get3A_51 = tpu.vector_load %arg6[%get3A_50] {strides = array<i32>} : memref<32768xf32, #tpu.memory_space<vmem>>, vector<16xf32>,
      %bitcast_convert_type3A = tpu.bitcast %get3A_51 : vector<16xf32> -> vector<16xi32>
      %shift_right_arithmetic3A = arith.constant 19 : i32
      %shift_right_arithmetic3A_52 = vector.broadcast %shift_right_arithmetic3A : i32 to vector<16xi32>
      %shift_right_arithmetic3A_53 = arith.shrsi %bitcast_convert_type3A, %shift_right_arithmetic3A_52 : vector<16xi32>
      %eq3A_54 = arith.cmpi eq, %shift_right_arithmetic3A_53, %broadcast_in_dim3A_7 : vector<16xi32>
      %jit3A_55 = arith.constant 1 : i32
      %jit3A_56 = arith.constant 0 : i32
      %broadcast_in_dim3A_57 = vector.broadcast %jit3A_55 : i32 to vector<16xi32>
      %broadcast_in_dim3A_58 = vector.broadcast %jit3A_56 : i32 to vector<16xi32>
      %select_n3A_59 = arith.select %eq3A_54, %broadcast_in_dim3A_57, %broadcast_in_dim3A_58 : vector<16xi1>, vector<16xi32>
      %min3A = arith.constant 255 : i32
      %min3A_60 = vector.broadcast %min3A : i32 to vector<16xi32>
      %min3A_61 = arith.minsi %scan3A_43, %min3A_60 : vector<16xi32>
      %add3A_62 = arith.addi %mul3A_11, %min3A_61 : vector<16xi32>
      tpu.vector_store_idx %arg7[%add3A_62], %get3A_51 masked %eq3A_54 : memref<4096xf32, #tpu.memory_space<vmem>>[vector<16xi32>], vector<16xf32>, vector<16xi1>
      %add3A_63 = arith.addi %scan3A_43, %select_n3A_59 : vector<16xi32>
      %mul3A_64 = arith.constant 4 : i32
      %mul3A_65 = arith.muli %scan3A_42, %mul3A_64 : i32
      %add3A_66 = arith.constant 1 : i32
      %add3A_67 = arith.addi %mul3A_65, %add3A_66 : i32
      %mul3A_68 = arith.constant 16 : i32
      %mul3A_69 = arith.muli %add3A_67, %mul3A_68 : i32
      %get3A_70 = arith.index_cast %mul3A_69 : i32 to index
      %get3A_71 = tpu.vector_load %arg6[%get3A_70] {strides = array<i32>} : memref<32768xf32, #tpu.memory_space<vmem>>, vector<16xf32>,
      %bitcast_convert_type3A_72 = tpu.bitcast %get3A_71 : vector<16xf32> -> vector<16xi32>
      %shift_right_arithmetic3A_73 = arith.constant 19 : i32
      %shift_right_arithmetic3A_74 = vector.broadcast %shift_right_arithmetic3A_73 : i32 to vector<16xi32>
      %shift_right_arithmetic3A_75 = arith.shrsi %bitcast_convert_type3A_72, %shift_right_arithmetic3A_74 : vector<16xi32>
      %eq3A_76 = arith.cmpi eq, %shift_right_arithmetic3A_75, %broadcast_in_dim3A_7 : vector<16xi32>
      %jit3A_77 = arith.constant 1 : i32
      %jit3A_78 = arith.constant 0 : i32
      %broadcast_in_dim3A_79 = vector.broadcast %jit3A_77 : i32 to vector<16xi32>
      %broadcast_in_dim3A_80 = vector.broadcast %jit3A_78 : i32 to vector<16xi32>
      %select_n3A_81 = arith.select %eq3A_76, %broadcast_in_dim3A_79, %broadcast_in_dim3A_80 : vector<16xi1>, vector<16xi32>
      %min3A_82 = arith.constant 255 : i32
      %min3A_83 = vector.broadcast %min3A_82 : i32 to vector<16xi32>
      %min3A_84 = arith.minsi %add3A_63, %min3A_83 : vector<16xi32>
      %add3A_85 = arith.addi %mul3A_11, %min3A_84 : vector<16xi32>
      tpu.vector_store_idx %arg7[%add3A_85], %get3A_71 masked %eq3A_76 : memref<4096xf32, #tpu.memory_space<vmem>>[vector<16xi32>], vector<16xf32>, vector<16xi1>
      %add3A_86 = arith.addi %add3A_63, %select_n3A_81 : vector<16xi32>
      %mul3A_87 = arith.constant 4 : i32
      %mul3A_88 = arith.muli %scan3A_42, %mul3A_87 : i32
      %add3A_89 = arith.constant 2 : i32
      %add3A_90 = arith.addi %mul3A_88, %add3A_89 : i32
      %mul3A_91 = arith.constant 16 : i32
      %mul3A_92 = arith.muli %add3A_90, %mul3A_91 : i32
      %get3A_93 = arith.index_cast %mul3A_92 : i32 to index
      %get3A_94 = tpu.vector_load %arg6[%get3A_93] {strides = array<i32>} : memref<32768xf32, #tpu.memory_space<vmem>>, vector<16xf32>,
      %bitcast_convert_type3A_95 = tpu.bitcast %get3A_94 : vector<16xf32> -> vector<16xi32>
      %shift_right_arithmetic3A_96 = arith.constant 19 : i32
      %shift_right_arithmetic3A_97 = vector.broadcast %shift_right_arithmetic3A_96 : i32 to vector<16xi32>
      %shift_right_arithmetic3A_98 = arith.shrsi %bitcast_convert_type3A_95, %shift_right_arithmetic3A_97 : vector<16xi32>
      %eq3A_99 = arith.cmpi eq, %shift_right_arithmetic3A_98, %broadcast_in_dim3A_7 : vector<16xi32>
      %jit3A_100 = arith.constant 1 : i32
      %jit3A_101 = arith.constant 0 : i32
      %broadcast_in_dim3A_102 = vector.broadcast %jit3A_100 : i32 to vector<16xi32>
      %broadcast_in_dim3A_103 = vector.broadcast %jit3A_101 : i32 to vector<16xi32>
      %select_n3A_104 = arith.select %eq3A_99, %broadcast_in_dim3A_102, %broadcast_in_dim3A_103 : vector<16xi1>, vector<16xi32>
      %min3A_105 = arith.constant 255 : i32
      %min3A_106 = vector.broadcast %min3A_105 : i32 to vector<16xi32>
      %min3A_107 = arith.minsi %add3A_86, %min3A_106 : vector<16xi32>
      %add3A_108 = arith.addi %mul3A_11, %min3A_107 : vector<16xi32>
      tpu.vector_store_idx %arg7[%add3A_108], %get3A_94 masked %eq3A_99 : memref<4096xf32, #tpu.memory_space<vmem>>[vector<16xi32>], vector<16xf32>, vector<16xi1>
      %add3A_109 = arith.addi %add3A_86, %select_n3A_104 : vector<16xi32>
      %mul3A_110 = arith.constant 4 : i32
      %mul3A_111 = arith.muli %scan3A_42, %mul3A_110 : i32
      %add3A_112 = arith.constant 3 : i32
      %add3A_113 = arith.addi %mul3A_111, %add3A_112 : i32
      %mul3A_114 = arith.constant 16 : i32
      %mul3A_115 = arith.muli %add3A_113, %mul3A_114 : i32
      %get3A_116 = arith.index_cast %mul3A_115 : i32 to index
      %get3A_117 = tpu.vector_load %arg6[%get3A_116] {strides = array<i32>} : memref<32768xf32, #tpu.memory_space<vmem>>, vector<16xf32>,
      %bitcast_convert_type3A_118 = tpu.bitcast %get3A_117 : vector<16xf32> -> vector<16xi32>
      %shift_right_arithmetic3A_119 = arith.constant 19 : i32
      %shift_right_arithmetic3A_120 = vector.broadcast %shift_right_arithmetic3A_119 : i32 to vector<16xi32>
      %shift_right_arithmetic3A_121 = arith.shrsi %bitcast_convert_type3A_118, %shift_right_arithmetic3A_120 : vector<16xi32>
      %eq3A_122 = arith.cmpi eq, %shift_right_arithmetic3A_121, %broadcast_in_dim3A_7 : vector<16xi32>
      %jit3A_123 = arith.constant 1 : i32
      %jit3A_124 = arith.constant 0 : i32
      %broadcast_in_dim3A_125 = vector.broadcast %jit3A_123 : i32 to vector<16xi32>
      %broadcast_in_dim3A_126 = vector.broadcast %jit3A_124 : i32 to vector<16xi32>
      %select_n3A_127 = arith.select %eq3A_122, %broadcast_in_dim3A_125, %broadcast_in_dim3A_126 : vector<16xi1>, vector<16xi32>
      %min3A_128 = arith.constant 255 : i32
      %min3A_129 = vector.broadcast %min3A_128 : i32 to vector<16xi32>
      %min3A_130 = arith.minsi %add3A_109, %min3A_129 : vector<16xi32>
      %add3A_131 = arith.addi %mul3A_11, %min3A_130 : vector<16xi32>
      tpu.vector_store_idx %arg7[%add3A_131], %get3A_117 masked %eq3A_122 : memref<4096xf32, #tpu.memory_space<vmem>>[vector<16xi32>], vector<16xf32>, vector<16xi1>
      %add3A_132 = arith.addi %add3A_109, %select_n3A_127 : vector<16xi32>
      scf.yield %add3A_132 : vector<16xi32>
    }
    %scan3A_27 = arith.constant 512 : i32
    %scan3A_28 = arith.constant 0 : i32
    %scan3A_29 = arith.constant 0 : i32
    %scan3A_30 = arith.constant 128 : i32
    %scan3A_31 = arith.addi %scan3A_29, %scan3A_30 : i32
    %scan3A_32 = arith.constant 1 : i32
    %scan3A_33 = scf.for %scan3A_42 = %scan3A_29 to %scan3A_31 step %scan3A_32 iter_args(%scan3A_43 = %scan3A_28) -> (i32)  : i32 {
      %broadcast_in_dim3A_44 = arith.constant 0 : i32
      %broadcast_in_dim3A_45 = vector.broadcast %broadcast_in_dim3A_44 : i32 to vector<16xi32>
      %mul3A_46 = arith.constant 16 : i32
      %mul3A_47 = arith.muli %scan3A_42, %mul3A_46 : i32
      %swap3A = arith.index_cast %mul3A_47 : i32 to index
      %swap3A_48 = tpu.vector_load %arg8[%swap3A] {strides = array<i32>} : memref<2048xi32, #tpu.memory_space<vmem>>, vector<16xi32>,
      tpu.vector_store %arg8[%swap3A], %broadcast_in_dim3A_45 {strides = array<i32>} : memref<2048xi32, #tpu.memory_space<vmem>>, vector<16xi32>,
      %scan3A_49 = arith.constant 0 : i32
      scf.yield %scan3A_49 : i32
    }
    %scan3A_34 = arith.constant 128 : i32
    %scan3A_35 = arith.constant 0 : i32
    %scan3A_36 = arith.constant 0 : i32
    %scan3A_37 = arith.constant 256 : i32
    %scan3A_38 = arith.addi %scan3A_36, %scan3A_37 : i32
    %scan3A_39 = arith.constant 1 : i32
    %scan3A_40 = scf.for %scan3A_42 = %scan3A_36 to %scan3A_38 step %scan3A_39 iter_args(%scan3A_43 = %scan3A_35) -> (i32)  : i32 {
      %mul3A_44 = arith.constant 16 : i32
      %mul3A_45 = arith.muli %scan3A_42, %mul3A_44 : i32
      %get3A_46 = arith.index_cast %mul3A_45 : i32 to index
      %get3A_47 = tpu.vector_load %arg7[%get3A_46] {strides = array<i32>} : memref<4096xf32, #tpu.memory_space<vmem>>, vector<16xf32>,
      %bitcast_convert_type3A = tpu.bitcast %get3A_47 : vector<16xf32> -> vector<16xi32>
      %shift_right_arithmetic3A = arith.constant 19 : i32
      %shift_right_arithmetic3A_48 = vector.broadcast %shift_right_arithmetic3A : i32 to vector<16xi32>
      %shift_right_arithmetic3A_49 = arith.shrsi %bitcast_convert_type3A, %shift_right_arithmetic3A_48 : vector<16xi32>
      %eq3A_50 = arith.cmpi eq, %shift_right_arithmetic3A_49, %broadcast_in_dim3A_7 : vector<16xi32>
      %shift_right_arithmetic3A_51 = arith.constant 8 : i32
      %shift_right_arithmetic3A_52 = vector.broadcast %shift_right_arithmetic3A_51 : i32 to vector<16xi32>
      %shift_right_arithmetic3A_53 = arith.shrsi %bitcast_convert_type3A, %shift_right_arithmetic3A_52 : vector<16xi32>
      %and3A = arith.constant 2047 : i32
      %and3A_54 = vector.broadcast %and3A : i32 to vector<16xi32>
      %and3A_55 = arith.andi %shift_right_arithmetic3A_53, %and3A_54 : vector<16xi32>
      tpu.vector_store_idx %arg8[%and3A_55], %broadcast_in_dim3A_13 masked %eq3A_50 {add = true} : memref<2048xi32, #tpu.memory_space<vmem>>[vector<16xi32>], vector<16xi32>, vector<16xi1>
      %scan3A_56 = arith.constant 0 : i32
      scf.yield %scan3A_56 : i32
    }
    %scan3A_41 = arith.constant 256 : i32
    "tpu.region"() ({
      %run_scoped3A = tpu.sem_alloc : memref<!tpu.dma_semaphore, #tpu.memory_space<semaphore_mem>>
      %dma_start3A = arith.constant 0 : i32
      %dma_start3A_42 = tpu.memref_slice %arg4[%add3A, %dma_start3A] : memref<32x4096xf32, #tpu.memory_space<hbm>> -> memref<1x4096xf32, #tpu.memory_space<hbm>>
      %dma_start3A_43 = tpu.memref_squeeze %dma_start3A_42 : memref<1x4096xf32, #tpu.memory_space<hbm>> -> memref<4096xf32, #tpu.memory_space<hbm>>
      %dma_start3A_44 = arith.constant 0 : i32
      %dma_start3A_45 = tpu.memref_slice %arg4[%add3A, %dma_start3A_44] : memref<32x4096xf32, #tpu.memory_space<hbm>> -> memref<1x4096xf32, #tpu.memory_space<hbm>>
      %dma_start3A_46 = tpu.memref_squeeze %dma_start3A_45 : memref<1x4096xf32, #tpu.memory_space<hbm>> -> memref<4096xf32, #tpu.memory_space<hbm>>
      tpu.enqueue_dma source(%arg7 : memref<4096xf32, #tpu.memory_space<vmem>>) target(%dma_start3A_46 : memref<4096xf32, #tpu.memory_space<hbm>>) target_semaphore(%run_scoped3A : memref<!tpu.dma_semaphore, #tpu.memory_space<semaphore_mem>>)
      %dma_wait3A = arith.constant 0 : i32
      %dma_wait3A_47 = tpu.memref_slice %arg4[%add3A, %dma_wait3A] : memref<32x4096xf32, #tpu.memory_space<hbm>> -> memref<1x4096xf32, #tpu.memory_space<hbm>>
      %dma_wait3A_48 = tpu.memref_squeeze %dma_wait3A_47 : memref<1x4096xf32, #tpu.memory_space<hbm>> -> memref<4096xf32, #tpu.memory_space<hbm>>
      %dma_wait3A_49 = arith.constant 0 : i32
      %dma_wait3A_50 = tpu.memref_slice %arg4[%add3A, %dma_wait3A_49] : memref<32x4096xf32, #tpu.memory_space<hbm>> -> memref<1x4096xf32, #tpu.memory_space<hbm>>
      %dma_wait3A_51 = tpu.memref_squeeze %dma_wait3A_50 : memref<1x4096xf32, #tpu.memory_space<hbm>> -> memref<4096xf32, #tpu.memory_space<hbm>>
      tpu.wait_dma2 semaphore(%run_scoped3A : memref<!tpu.dma_semaphore, #tpu.memory_space<semaphore_mem>>) src(%arg7 : memref<4096xf32, #tpu.memory_space<vmem>>) dst(%dma_wait3A_51 : memref<4096xf32, #tpu.memory_space<hbm>>)
      tpu.yield
    }) : () -> ()
    "tpu.region"() ({
      %run_scoped3A = tpu.sem_alloc : memref<!tpu.dma_semaphore, #tpu.memory_space<semaphore_mem>>
      %dma_start3A = arith.constant 0 : i32
      %dma_start3A_42 = tpu.memref_slice %arg5[%add3A, %dma_start3A] : memref<32x2048xi32, #tpu.memory_space<hbm>> -> memref<1x2048xi32, #tpu.memory_space<hbm>>
      %dma_start3A_43 = tpu.memref_squeeze %dma_start3A_42 : memref<1x2048xi32, #tpu.memory_space<hbm>> -> memref<2048xi32, #tpu.memory_space<hbm>>
      %dma_start3A_44 = arith.constant 0 : i32
      %dma_start3A_45 = tpu.memref_slice %arg5[%add3A, %dma_start3A_44] : memref<32x2048xi32, #tpu.memory_space<hbm>> -> memref<1x2048xi32, #tpu.memory_space<hbm>>
      %dma_start3A_46 = tpu.memref_squeeze %dma_start3A_45 : memref<1x2048xi32, #tpu.memory_space<hbm>> -> memref<2048xi32, #tpu.memory_space<hbm>>
      tpu.enqueue_dma source(%arg8 : memref<2048xi32, #tpu.memory_space<vmem>>) target(%dma_start3A_46 : memref<2048xi32, #tpu.memory_space<hbm>>) target_semaphore(%run_scoped3A : memref<!tpu.dma_semaphore, #tpu.memory_space<semaphore_mem>>)
      %dma_wait3A = arith.constant 0 : i32
      %dma_wait3A_47 = tpu.memref_slice %arg5[%add3A, %dma_wait3A] : memref<32x2048xi32, #tpu.memory_space<hbm>> -> memref<1x2048xi32, #tpu.memory_space<hbm>>
      %dma_wait3A_48 = tpu.memref_squeeze %dma_wait3A_47 : memref<1x2048xi32, #tpu.memory_space<hbm>> -> memref<2048xi32, #tpu.memory_space<hbm>>
      %dma_wait3A_49 = arith.constant 0 : i32
      %dma_wait3A_50 = tpu.memref_slice %arg5[%add3A, %dma_wait3A_49] : memref<32x2048xi32, #tpu.memory_space<hbm>> -> memref<1x2048xi32, #tpu.memory_space<hbm>>
      %dma_wait3A_51 = tpu.memref_squeeze %dma_wait3A_50 : memref<1x2048xi32, #tpu.memory_space<hbm>> -> memref<2048xi32, #tpu.memory_space<hbm>>
      tpu.wait_dma2 semaphore(%run_scoped3A : memref<!tpu.dma_semaphore, #tpu.memory_space<semaphore_mem>>) src(%arg8 : memref<2048xi32, #tpu.memory_space<vmem>>) dst(%dma_wait3A_51 : memref<2048xi32, #tpu.memory_space<hbm>>)
      tpu.yield
    }) : () -> ()
    return
  }
}

module attributes {stable_mosaic.version = 14 : i64} {
  func.func @_encode_body(%arg0: i32, %arg1: memref<2048x768xf32, #tpu.memory_space<vmem>>, %arg2: memref<768x1024xf32, #tpu.memory_space<vmem>>, %arg3: memref<1x1024xf32, #tpu.memory_space<vmem>>, %arg4: memref<2048x1024xf32, #tpu.memory_space<vmem>>) attributes {dimension_semantics = [#tpu.dimension_semantics<arbitrary>], iteration_bounds = array<i64: 30>, scalar_prefetch = 0 : i64, scratch_operands = 0 : i64, tpu.core_type = #tpu.core_type<tc>, window_params = [{pipeline_mode = #tpu.pipeline_mode<synchronous>, transform_indices = @transform_0, window_bounds = array<i64: 2048, 768>}, {transform_indices = @transform_1, window_bounds = array<i64: 768, 1024>}, {transform_indices = @transform_2, window_bounds = array<i64: 1, 1024>}, {transform_indices = @transform_3, window_bounds = array<i64: 2048, 1024>}]} {
    %get3A = arith.constant 0 : index
    %get3A_0 = arith.constant 0 : index
    %get3A_1 = vector.load %arg1[%get3A, %get3A_0] : memref<2048x768xf32, #tpu.memory_space<vmem>>, vector<2048x768xf32>
    %get3A_2 = arith.constant 0 : index
    %get3A_3 = arith.constant 0 : index
    %get3A_4 = vector.load %arg2[%get3A_2, %get3A_3] : memref<768x1024xf32, #tpu.memory_space<vmem>>, vector<768x1024xf32>
    %dot_general3A = arith.constant dense<0.000000e+00> : vector<2048x1024xf32>
    %dot_general3A_5 = tpu.matmul %get3A_1, %get3A_4, %dot_general3A {dimension_numbers = #tpu.dot_dimension_numbers<[1], [0], [0], [1], [0, 0, 1, 1], [], []>, transpose_lhs_hint = false} : vector<2048x768xf32>, vector<768x1024xf32>, vector<2048x1024xf32> -> vector<2048x1024xf32>
    %get3A_6 = arith.constant 0 : index
    %get3A_7 = arith.constant 0 : index
    %get3A_8 = vector.load %arg3[%get3A_6, %get3A_7] : memref<1x1024xf32, #tpu.memory_space<vmem>>, vector<1x1024xf32>
    %add3A = vector.broadcast %get3A_8 : vector<1x1024xf32> to vector<2048x1024xf32>
    %add3A_9 = arith.addf %dot_general3A_5, %add3A : vector<2048x1024xf32>
    %max3A = arith.constant 0.000000e+00 : f32
    %max3A_10 = vector.broadcast %max3A : f32 to vector<2048x1024xf32>
    %max3A_11 = arith.maximumf %add3A_9, %max3A_10 : vector<2048x1024xf32>
    %swap3A = arith.constant 0 : index
    %swap3A_12 = arith.constant 0 : index
    %swap3A_13 = vector.load %arg4[%swap3A, %swap3A_12] : memref<2048x1024xf32, #tpu.memory_space<vmem>>, vector<2048x1024xf32>
    tpu.vector_store %arg4[%swap3A, %swap3A_12], %max3A_11 {strides = array<i32>} : memref<2048x1024xf32, #tpu.memory_space<vmem>>, vector<2048x1024xf32>,
    return
  }
  func.func @transform_0(%arg0: i32) -> (i32, i32) {
    %c0_i32 = arith.constant 0 : i32
    %c0_i32_0 = arith.constant 0 : i32
    %c0_i32_1 = arith.constant 0 : i32
    return %c0_i32, %c0_i32_0 : i32, i32
  }
  func.func @transform_1(%arg0: i32) -> (i32, i32) {
    %c0_i32 = arith.constant 0 : i32
    %c0_i32_0 = arith.constant 0 : i32
    return %c0_i32, %arg0 : i32, i32
  }
  func.func @transform_2(%arg0: i32) -> (i32, i32) {
    %c0_i32 = arith.constant 0 : i32
    %c0_i32_0 = arith.constant 0 : i32
    return %c0_i32, %arg0 : i32, i32
  }
  func.func @transform_3(%arg0: i32) -> (i32, i32) {
    %c0_i32 = arith.constant 0 : i32
    %c0_i32_0 = arith.constant 0 : i32
    return %c0_i32, %arg0 : i32, i32
  }
}

module attributes {stable_mosaic.version = 14 : i64} {
  func.func @_decode_body(%arg0: i32, %arg1: i32, %arg2: memref<1xf32, #tpu.memory_space<smem>>, %arg3: memref<2048x512xf32, #tpu.memory_space<vmem>>, %arg4: memref<512x768xf32, #tpu.memory_space<vmem>>, %arg5: memref<1x768xf32, #tpu.memory_space<vmem>>, %arg6: memref<2048x768xf32, #tpu.memory_space<vmem>>) attributes {dimension_semantics = [#tpu.dimension_semantics<arbitrary>, #tpu.dimension_semantics<arbitrary>], iteration_bounds = array<i64: 1, 60>, scalar_prefetch = 0 : i64, scratch_operands = 0 : i64, tpu.core_type = #tpu.core_type<tc>, window_params = [{transform_indices = @transform_0, window_bounds = array<i64: 1>}, {transform_indices = @transform_1, window_bounds = array<i64: 2048, 512>}, {transform_indices = @transform_2, window_bounds = array<i64: 512, 768>}, {pipeline_mode = #tpu.pipeline_mode<synchronous>, transform_indices = @transform_3, window_bounds = array<i64: 1, 768>}, {transform_indices = @transform_4, window_bounds = array<i64: 2048, 768>}]} {
    %get3A = arith.constant 0 : index
    %get3A_0 = memref.load %arg2[%get3A] : memref<1xf32, #tpu.memory_space<smem>>
    %get3A_1 = arith.constant 0 : index
    %get3A_2 = arith.constant 0 : index
    %get3A_3 = vector.load %arg3[%get3A_1, %get3A_2] : memref<2048x512xf32, #tpu.memory_space<vmem>>, vector<2048x512xf32>
    %ge3A = vector.broadcast %get3A_0 : f32 to vector<2048x512xf32>
    %ge3A_4 = arith.cmpf oge, %get3A_3, %ge3A : vector<2048x512xf32>
    %jit3A = arith.constant 0.000000e+00 : f32
    %broadcast_in_dim3A = vector.broadcast %jit3A : f32 to vector<2048x512xf32>
    %select_n3A = arith.select %ge3A_4, %get3A_3, %broadcast_in_dim3A : vector<2048x512xi1>, vector<2048x512xf32>
    %get3A_5 = arith.constant 0 : index
    %get3A_6 = arith.constant 0 : index
    %get3A_7 = vector.load %arg4[%get3A_5, %get3A_6] : memref<512x768xf32, #tpu.memory_space<vmem>>, vector<512x768xf32>
    %dot_general3A = arith.constant dense<0.000000e+00> : vector<2048x768xf32>
    %dot_general3A_8 = tpu.matmul %select_n3A, %get3A_7, %dot_general3A {dimension_numbers = #tpu.dot_dimension_numbers<[1], [0], [0], [1], [0, 0, 1, 1], [], []>, transpose_lhs_hint = false} : vector<2048x512xf32>, vector<512x768xf32>, vector<2048x768xf32> -> vector<2048x768xf32>
    %eq3A = arith.constant 0 : i32
    %eq3A_9 = arith.cmpi eq, %arg1, %eq3A : i32
    %convert_element_type3A = arith.extui %eq3A_9 : i1 to i32
    %cond3A = arith.constant 0 : i32
    %cond3A_10 = arith.cmpi ne, %convert_element_type3A, %cond3A : i32
    scf.if %cond3A_10 {
      %get3A_15 = arith.constant 0 : index
      %get3A_16 = arith.constant 0 : index
      %get3A_17 = vector.load %arg5[%get3A_15, %get3A_16] : memref<1x768xf32, #tpu.memory_space<vmem>>, vector<1x768xf32>
      %add3A = vector.broadcast %get3A_17 : vector<1x768xf32> to vector<2048x768xf32>
      %add3A_18 = arith.addf %dot_general3A_8, %add3A : vector<2048x768xf32>
      %swap3A = arith.constant 0 : index
      %swap3A_19 = arith.constant 0 : index
      %swap3A_20 = vector.load %arg6[%swap3A, %swap3A_19] : memref<2048x768xf32, #tpu.memory_space<vmem>>, vector<2048x768xf32>
      tpu.vector_store %arg6[%swap3A, %swap3A_19], %add3A_18 {strides = array<i32>} : memref<2048x768xf32, #tpu.memory_space<vmem>>, vector<2048x768xf32>,
    } else {
    }
    %gt3A = arith.constant 0 : i32
    %gt3A_11 = arith.cmpi sgt, %arg1, %gt3A : i32
    %convert_element_type3A_12 = arith.extui %gt3A_11 : i1 to i32
    %cond3A_13 = arith.constant 0 : i32
    %cond3A_14 = arith.cmpi ne, %convert_element_type3A_12, %cond3A_13 : i32
    scf.if %cond3A_14 {
      %get3A_15 = arith.constant 0 : index
      %get3A_16 = arith.constant 0 : index
      %get3A_17 = vector.load %arg6[%get3A_15, %get3A_16] : memref<2048x768xf32, #tpu.memory_space<vmem>>, vector<2048x768xf32>
      %add3A = arith.addf %get3A_17, %dot_general3A_8 : vector<2048x768xf32>
      %swap3A = arith.constant 0 : index
      %swap3A_18 = arith.constant 0 : index
      %swap3A_19 = vector.load %arg6[%swap3A, %swap3A_18] : memref<2048x768xf32, #tpu.memory_space<vmem>>, vector<2048x768xf32>
      tpu.vector_store %arg6[%swap3A, %swap3A_18], %add3A {strides = array<i32>} : memref<2048x768xf32, #tpu.memory_space<vmem>>, vector<2048x768xf32>,
    } else {
    }
    return
  }
  func.func @transform_0(%arg0: i32, %arg1: i32) -> i32 {
    %c0_i32 = arith.constant 0 : i32
    %c0_i32_0 = arith.constant 0 : i32
    return %c0_i32 : i32
  }
  func.func @transform_1(%arg0: i32, %arg1: i32) -> (i32, i32) {
    %c0_i32 = arith.constant 0 : i32
    return %arg0, %arg1 : i32, i32
  }
  func.func @transform_2(%arg0: i32, %arg1: i32) -> (i32, i32) {
    %c0_i32 = arith.constant 0 : i32
    %c0_i32_0 = arith.constant 0 : i32
    return %arg1, %c0_i32 : i32, i32
  }
  func.func @transform_3(%arg0: i32, %arg1: i32) -> (i32, i32) {
    %c0_i32 = arith.constant 0 : i32
    %c0_i32_0 = arith.constant 0 : i32
    %c0_i32_1 = arith.constant 0 : i32
    return %c0_i32, %c0_i32_0 : i32, i32
  }
  func.func @transform_4(%arg0: i32, %arg1: i32) -> (i32, i32) {
    %c0_i32 = arith.constant 0 : i32
    %c0_i32_0 = arith.constant 0 : i32
    return %arg0, %c0_i32 : i32, i32
  }
}

</mosaic_0001>

<sc_bundles>
// kernel: kernel.11.cloned.1.call-start
scs
__scs_entry_jumppad:
0x0: {  	(pc) =	sbr.rel $0x88, $3  }
0x1: {  	(tag) =	ssettag $0x0;
	lr =	simm.s32 $0x1  }
0x2: {  	[smem:$0x3F9C] =	sst lr;
	_ =	strace $0xD0000000  }
0x3: {  	_ = 	snop  }
0x4: {  	_ = 	snop  }
0x5: {  	_ = 	snop  }
0x6: {  	_ = 	snop  }
0x7: {  	_ = 	snop  }
__scs_overlays_trampoline_lowered:
0x8: {  	[smem:$0x3FAB] =	sst s0  }
0x9: {  	[smem:$0x3FAC] =	sst s1  }
0xa: {  	[smem:$0x3FAD] =	sst s2  }
0xb: {  	[smem:$0x3FAE] =	sst s3  }
0xc: {  	[smem:$0x3FAF] =	sst s4  }
0xd: {  	[smem:$0x3FB0] =	sst s5  }
0xe: {  	[smem:$0x3FB1] =	sst s6  }
0xf: {  	[smem:$0x3FB2] =	sst s7  }
0x10: {  	[smem:$0x3FB3] =	sst s8  }
0x11: {  	[smem:$0x3FB4] =	sst s9;
	s0 =	simm.s32 @!p0 $0x0  }
0x12: {  	s1 =	sld [smem:$0x3F9A];
	s0 =	simm.s32 @p0 $0x1  }
0x13: {  	[smem:$0x3FB5] =	sst s0;
	s0 =	simm.s32 @!p1 $0x0  }
0x14: {  	s2 =	sld [smem:$0x3F99];
	s0 =	simm.s32 @p1 $0x1  }
0x15: {  	[smem:$0x3FB6] =	sst s0;
	s0 =	simm.s32 @!p2 $0x0  }
0x16: {  	s3 =	sld [smem:$0x3FDB];
	s0 =	simm.s32 @p2 $0x1  }
0x17: {  	s4 =	simm.s32 $0x1BF5;
	[smem:$0x3FB8] =	sst s0  }
0x18: {  	s0 =	sld [smem:$0x3F9B];
	_ =	swait.ge [sflag:s4], $0x0  }
0x19: {  	s7 =	sld [smem:$0x3F9C]  }
0x1a: {  	s8 =	sadd.s32 $0xFFFFE003, lr  }
0x1b: {  	s9 =	sadd.s32 $0xFFFFFEF7, lr;
	s5 =	simm.s32 $0xFFFFFFFF;
	p2 =	slt.u32 s8, $0xFFFFF086  }
0x1c: {  	p1 =	slt.u32 s9, $0xF7A;
	s5 =	simm.s32 @!p2 $0x0  }
0x1d: {  	s5 =	simm.s32 @p1 $0x1;
	p0 =	seq.s32 s7, s2  }
0x1e: {  	s7 =	smul.u32 @!p0 $0xF7A, s2;
	p2 =	seq.s32 @!p0 s5, $0x0  }
0x1f: {  	s9 =	smul.u32 $0xF7A, s1;
	s8 =	simm.s32 @!p0 $0x1BF5;
	p2 =	por !p2, p0  }
0x20: {  	[sflag:s8] =	ssyncset.s32 @!p0 $0xFFFFF086;
	s6 =	sadd.s32 @!p0 s3, s7;
	s7 =	simm.s32 @!p0 $0x108  }
0x21: {  	s3 =	sadd.s32 s3, s9;
	s6 =	sadd.s32 @!p0 $0x88, s6;
	s7 =	simm.s32 @p2 $0x1082  }
0x22: {  	[simem:s7], [sflag:s8] =	dma.local @!p0 [hbm:s6], $0xF7A  }
0x23: {  	s9 =	sor.u32 $0xD0000000, s2;
	s6 =	simm.s32 $0x108;
	_ =	swait.ge @!p0 [sflag:s8], $0x0  }
0x24: {  	s3 =	sadd.s32 $0x88, s3;
	s6 =	simm.s32 @!p1 $0x1082;
	[sflag:s4] =	ssyncset.s32 $0xFFFFF086  }
0x25: {  	[simem:s6], [sflag:s4] =	dma.local [hbm:s3], $0xF7A  }
0x26: {  	[smem:$0x3F9C] =	sst s1;
	(tag) =	ssettag s2;
	_ =	strace s9  }
0x27: {  	s1 =	sld [smem:$0x3FAC]  }
0x28: {  	s2 =	sld [smem:$0x3FAD]  }
0x29: {  	s4 =	sld [smem:$0x3FAF]  }
0x2a: {  	p0 =	seq.s32 s5, $0x0;
	s5 =	sld [smem:$0x3FB0]  }
0x2b: {  	s6 =	sld [smem:$0x3FB1]  }
0x2c: {  	s7 =	sld [smem:$0x3FB2]  }
0x2d: {  	s3 =	simm.s32 $0x108;
	s8 =	sld [smem:$0x3FB3]  }
0x2e: {  	s3 =	simm.s32 @!p0 $0x1082;
	s9 =	sld [smem:$0x3FB4]  }
0x2f: {  	lr =	sadd.s32 s0, s3;
	s0 =	sld [smem:$0x3FAB]  }
0x30: {  	s3 =	sld [smem:$0x3FAE]  }
0x31: {  	[smem:$0x3FB7] =	sst s10  }
0x32: {  	s10 =	sld [smem:$0x3FB5];
	_ =	sdelay $0x3  }
0x33: {  	p0 =	seq.s32 s10, $0x1;
	s10 =	sld [smem:$0x3FB7];
	_ =	sdelay $0x3  }
0x34: {  	[smem:$0x3FB7] =	sst s10  }
0x35: {  	s10 =	sld [smem:$0x3FB6];
	_ =	sdelay $0x3  }
0x36: {  	p1 =	seq.s32 s10, $0x1;
	s10 =	sld [smem:$0x3FB7];
	_ =	sdelay $0x3  }
0x37: {  	[smem:$0x3FB7] =	sst s10  }
0x38: {  	s10 =	sld [smem:$0x3FB8]  }
0x39: {  	_ = 	snop;
	(pc) =	sbr.ind lr, $3  }
0x3a: {  	_ = 	snop  }
0x3b: {  	_ = 	snop  }
0x3c: {  	p2 =	seq.s32 s10, $0x1;
	s10 =	sld [smem:$0x3FB7]  }
0x3d: {  	_ =	shalt  }
0x3e: {  	_ =	shalt  }
0x3f: {  	_ =	shalt  }
0x40: {  	_ =	shalt  }
0x41: {  	_ =	shalt  }
0x42: {  	_ =	shalt  }
0x43: {  	_ =	shalt  }
0x44: {  	_ =	shalt  }
0x45: {  	_ =	shalt  }
0x46: {  	_ =	shalt  }
0x47: {  	_ =	shalt  }
0x48: {  	_ =	shalt  }
0x49: {  	_ =	shalt  }
0x4a: {  	_ =	shalt  }
0x4b: {  	_ =	shalt  }
0x4c: {  	_ =	shalt  }
0x4d: {  	_ =	shalt  }
0x4e: {  	_ =	shalt  }
0x4f: {  	_ =	shalt  }
0x50: {  	_ =	shalt  }
0x51: {  	_ =	shalt  }
0x52: {  	_ =	shalt  }
0x53: {  	_ =	shalt  }
0x54: {  	_ =	shalt  }
0x55: {  	_ =	shalt  }
0x56: {  	_ =	shalt  }
0x57: {  	_ =	shalt  }
0x58: {  	_ =	shalt  }
0x59: {  	_ =	shalt  }
0x5a: {  	_ =	shalt  }
0x5b: {  	_ =	shalt  }
0x5c: {  	_ =	shalt  }
0x5d: {  	_ =	shalt  }
0x5e: {  	_ =	shalt  }
0x5f: {  	_ =	shalt  }
0x60: {  	_ =	shalt  }
0x61: {  	_ =	shalt  }
0x62: {  	_ =	shalt  }
0x63: {  	_ =	shalt  }
0x64: {  	_ =	shalt  }
0x65: {  	_ =	shalt  }
0x66: {  	_ =	shalt  }
0x67: {  	_ =	shalt  }
0x68: {  	_ =	shalt  }
0x69: {  	_ =	shalt  }
0x6a: {  	_ =	shalt  }
0x6b: {  	_ =	shalt  }
0x6c: {  	_ =	shalt  }
0x6d: {  	_ =	shalt  }
0x6e: {  	_ =	shalt  }
0x6f: {  	_ =	shalt  }
0x70: {  	_ =	shalt  }
0x71: {  	_ =	shalt  }
0x72: {  	_ =	shalt  }
0x73: {  	_ =	shalt  }
0x74: {  	_ =	shalt  }
0x75: {  	_ =	shalt  }
0x76: {  	_ =	shalt  }
0x77: {  	_ =	shalt  }
0x78: {  	_ =	shalt  }
0x79: {  	_ =	shalt  }
0x7a: {  	_ =	shalt  }
0x7b: {  	_ =	shalt  }
0x7c: {  	_ =	shalt  }
0x7d: {  	_ =	shalt  }
0x7e: {  	_ =	shalt  }
0x7f: {  	_ =	shalt  }
0x80: {  	_ =	shalt  }
0x81: {  	_ =	shalt  }
0x82: {  	_ =	shalt  }
0x83: {  	_ =	shalt  }
0x84: {  	_ =	shalt  }
0x85: {  	_ =	shalt  }
0x86: {  	_ =	shalt  }
0x87: {  	_ =	shalt  }
.Lfunc_end0:
.L_simem_size_0:
called_computation.1_lowered:
.L_overlay_start_0:
0x88: {  	s2 =	sld [smem:$0x3FD9]  }
0x89: {  	s3 =	sld [smem:$0x3FFE];
	_ =	sdelay $0x1  }
0x8a: {  	s1 =	srdreg.scid  }
0x8b: {  	s0 =	sand.u32 $0x1, s1  }
0x8c: {  	s16 =	sshll.u32 s0, $0xA;
	s2 =	sadd.s32 s3, s2  }
0x8d: {  	s2 =	sadd.s32 s2, s16  }
0x8e: {  	[smem:$0x3FC3] =	sst s2  }
0x8f: {  	_ = 	snop  }
0x90: {  	(tm) =	ssettm $0x1  }
0x91: {  	s17 =	sld [smem:$0x3FFB];
	_ =	sdelay $0x3  }
0x92: {  	_ =	strace s17  }
0x93: {  	s2 =	sld [smem:$0x3FFC];
	_ =	sdelay $0x3  }
0x94: {  	_ =	strace s2  }
0x95: {  	s2 =	sld [smem:$0x3FFD];
	_ =	sdelay $0x3  }
0x96: {  	_ =	strace s2  }
0x97: {  	_ =	strace $0x8FFFFFFF  }
0x98: {  	s18 =	sld [smem:$0x3FDB];
	_ =	sdelay $0x1  }
0x99: {  	s19 =	simm.s32 $_scs_section_size  }
0x9a: {  	s4 =	simm.s32 $_size__tile_overlayer_lowered;
	s5 =	simm.s32 $_tile_overlayer_lowered  }
0x9b: {  	s22 =	simm.s32 $0x1BFF;
	s21 =	sshll.u32 s5, $0x1;
	s2 =	sadd.s32 s19, s18  }
0x9c: {  	s6 =	simm.s32 $0x0;
	s20 =	sshll.u32 s4, $0x1;
	s4 =	sadd.s32 s21, s2  }
0x9d: {  	[timem:s6], [sflag:s22] =	dma.local [hbm:s4], s20  }
0x9e: {  	_ =	swait.ge [sflag:s22], s20  }
0x9f: {  	s3 =	ssub.s32 $0x0, s20;
	[sflag:s22] =	ssyncset.done $0x0  }
0xa0: {  	[sflag:s22] =	ssyncadd.s32 s3;
	_ =	sdelay $0x1  }
0xa1: {  	s23 =	simm.s32 $0x1B8B  }
0xa2: {  	_ =	swait.ge [sflag:s23], $0x1  }
0xa3: {  	[sflag:s23] =	ssyncset.done $0x0  }
0xa4: {  	s25 =	simm.s32 $0x1B8E;
	s24 =	sld [smem:$0x3FFE];
	[sflag:s23] =	ssyncadd.s32 $0xFFFFFFFF  }
0xa5: {  	s26 =	simm.s32 $execute0_lowered;
	[smem:$0x3FD2] =	sst s25  }
0xa6: {  	s4 =	sshll.u32 s26, $0x1;
	_ =	strace $0x80000049;
	[dreg:$0x1] =	wrdreg $0xFFFFFFFF  }
0xa7: {  	s28 =	simm.s32 $_size_execute0_lowered;
	s2 =	sadd.s32 s2, s4;
	[dreg:$0x0] =	wrdreg $0x0  }
0xa8: {  	s4 =	sshll.u32 s28, $0x1;
	[dreg:$0x2] =	wrdreg s2  }
0xa9: {  	[dreg:$0x3] =	wrdreg s4  }
0xaa: {  	[dreg:$0x4] =	wrdreg $0xC0  }
0xab: {  	_ =	task [dreg:s6], $0x5FFFF  }
0xac: {  	[dreg:$0x1] =	wrdreg $0xFFFFFFFF  }
0xad: {  	[dreg:$0x0] =	wrdreg $0x60  }
0xae: {  	[dreg:$0x2] =	wrdreg s24  }
0xaf: {  	[dreg:$0x3] =	wrdreg $0x9  }
0xb0: {  	_ =	task.clear_ibuf [dreg:s6], $0x4FFFF;
	_ =	strace $0x90000049  }
0xb1: {  	s29 =	simm.s32 $0x9;
	_ =	strace $0x8000004B  }
0xb2: {  	_ =	swait.ge [sflag:s29], $0x1  }
0xb3: {  	[sflag:s29] =	ssyncadd.s32 $0xFFFFFFFF  }
0xb4: {  	_ =	strace $0x9000004B  }
0xb5: {  	_ =	sfence  }
0xb6: {  	s30 =	sld [smem:$0x0];
	_ =	sdelay $0x2  }
0xb7: {  	s31 =	sshll.u32 s1, $0xD;
	s1 =	sshrl.u32 s1, $0x2  }
0xb8: {  	s3 =	sand.u32 $0x4000, s31;
	s1 =	sadd.s32 s1, s30  }
0xb9: {  	s0 =	sor.u32 s3, s0;
	s1 =	sshll.u32 s1, $0x11  }
0xba: {  	s0 =	sor.u32 s1, s0  }
0xbb: {  	s0 =	sadd.s32 $0x8F2B, s0  }
0xbc: {  	[sflag:s0] =	ssyncadd.remote.s32 $0x1  }
0xbd: {  	_ =	sfence.sel $0xFFFF  }
0xbe: {  	[dreg:$0x0] =	wrdreg $0xFFFFFFFF;
	(pc) =	sbr.abs _section_cstart, $3  }
0xbf: {  	[dreg:$0x1] =	wrdreg $0xFFFFFFFF  }
0xc0: {  	_ =	task.clear_ibuf [dreg:s6], $0x2FFFF;
	_ =	strace $0x9FFFFFFF  }
0xc1: {  	(tm) =	ssettm $0x7FFFFFFF  }
tec
execute0_lowered:
.L_overlay_start_1:
0x0: {  	(tag) =	ssettag $0x1  }
0x1: {  	s1 =	srdreg.scid  }
0x2: {  	s2 =	stileid.u32;
	s1 =	sand.u32 $0x1, s1  }
0x3: {  	s3 =	sshll.u32 s2, $0x1;
	s4 =	ssub.s32 $0x0, s1  }
0x4: {  	p0 =	sne.s32 s3, s4  }
.Ltmp0:
0x5: {  	_ = 	snop;
	(pc) =	sbr.rel @p0 .LBB2_13-.Ltmp0, $4  }
0x6: {  	_ = 	snop  }
0x7: {  	s5 =	simm.s32 $0x0  }
0x8: {  	[smem:$0x7FF] =	sst s5  }
0x9: {  	s0 =	rddreg [dreg:$0x0];
	_ =	strace $0x8000004A  }
0xa: {  	s1 =	ssub.s32 $0x2, s1;
	s3 =	sadd.s32 $0x782000, s0;
	s31 =	sadd.s32 $0x786000, s0  }
0xb: {  	s7 =	simm.s32 $0x80;
	s8 =	simm.s32 $0x400;
	s10 =	simm.s32 $0x2000  }
0xc: {  	s11 =	simm.s32 $0x1;
	s12 =	simm.s32 $0x2;
	s4 =	sshrl.u32 s1, $0x1  }
0xd: {  	v0 =	vimm.s32 $0x0;
	s14 =	simm.s32 $0x3;
	s15 =	simm.s32 $0x0;
	s1 =	ssub.s32 s1, s4  }
0xe: {  	v1 =	vlaneseq.u32;
	vm0 =	vcmask $0x300;
	vm1 =	vcmask $0x704;
	[dreg:$0x2] =	wrdreg s31;
	s5 =	sadd.s32 $0x10, s3;
	s6 =	smax.u32 s1, $0x1  }
.LBB2_2:
0xf: {  	s0 =	simm.s32 $0x40;
	s1 =	simm.s32 $0x0  }
.LBB2_3:
0x10: {  	p0 =	sne.s32 s0, $0x3FC0;
	[tilespmem:s1+$0x0] =	vst v0;
	s1 =	smov.u32 s0;
	s0 =	sadd.s32 $0x40, s0  }
.Ltmp1:
0x11: {  	(pc) =	sbr.rel @p0 .LBB2_3-.Ltmp1, $2  }
0x12: {  	_ =	sdelay $0x2  }
0x13: {  	s1 =	sshra.s32 s1, $0x2  }
0x14: {  	[tilespmem:s1+$0x0] =	vst v0;
	s0 =	simm.s32 $0x1000  }
0x15: {  	[tilespmem:s0], [sflag:$0x1] =	stream.strided.gather [hbm4b:s3+s7], $0x1000, s8, s7, $0x38;
	[tilespmem:$0x3080] =	vst v63  }
0x16: {  	s16 =	simm.s32 $0x0  }
0x17: {  	[tilespmem:s10], [sflag:$0x2] =	stream.strided.gather [hbm4b:s5+s7], $0x1000, s8, s7, $0x38;
	[tilespmem:$0x3080] =	vst v63  }
.LBB2_5:
0x18: {  	_ =	swait.ge [sflag:s11], $0x1000  }
0x19: {  	[sflag:s11] =	ssyncset.done $0x0  }
0x1a: {  	s1 =	simm.s32 $0x0;
	[sflag:s11] =	ssyncadd.s32 $0xFFFFF000  }
0x1b: {  	v8 =	vld [tilespmem:s1+$0x1000]  }
0x1c: {  	v7 =	vld [tilespmem:s1+$0x1010]  }
0x1d: {  	v3 =	vld [tilespmem:s1+$0x1020]  }
0x1e: {  	v2 =	vld [tilespmem:s1+$0x1030]  }
0x1f: {  	v6 =	vld [tilespmem:s1+$0x0]  }
0x20: {  	v5 =	vld [tilespmem:s1+$0x10]  }
0x21: {  	s0 =	simm.s32 $0x100;
	v4 =	vld [tilespmem:s1+$0x20]  }
.LBB2_6:
0x22: {  	s9 =	sshra.s32 s0, $0x2;
	p0 =	sne.s32 s0, $0x3F00;
	v9 =	vld [tilespmem:s1+$0x30];
	v10 =	vmov v3  }
0x23: {  	v11 =	vld [tilespmem:s9+$0x1000];
	v12 =	vmov v2  }
0x24: {  	v13 =	vld [tilespmem:s9+$0x1010];
	v2 =	vadd.s32 v6, v8  }
.Ltmp2:
0x25: {  	v3 =	vld [tilespmem:s9+$0x1020];
	[tilespmem:s1+$0x0] =	vst v2;
	v5 =	vadd.s32 v5, v7;
	(pc) =	sbr.rel @p0 .LBB2_6-.Ltmp2, $4  }
0x26: {  	v2 =	vld [tilespmem:s9+$0x1030];
	[tilespmem:s1+$0x10] =	vst v5;
	v4 =	vadd.s32 v4, v10  }
0x27: {  	v6 =	vld [tilespmem:s9+$0x0];
	[tilespmem:s1+$0x20] =	vst v4;
	v4 =	vadd.s32 v9, v12  }
0x28: {  	v5 =	vld [tilespmem:s9+$0x10];
	[tilespmem:s1+$0x30] =	vst v4;
	v8 =	vmov v11;
	s1 =	smov.u32 s9  }
0x29: {  	s0 =	sadd.s32 $0x100, s0;
	v4 =	vld [tilespmem:s1+$0x20];
	v7 =	vmov v13  }
0x2a: {  	v9 =	vld [tilespmem:s1+$0x30]  }
0x2b: {  	s0 =	sshll.u32 s16, $0x1;
	p0 =	seq.s32 s16, $0xF  }
0x2c: {  	s9 =	sadd.s32 @!p0 $0x2, s0;
	v6 =	vadd.s32 v6, v8  }
0x2d: {  	s17 =	sshll.u32 @!p0 s9, $0x4;
	[tilespmem:s1+$0x0] =	vst v6;
	v5 =	vadd.s32 v5, v7  }
0x2e: {  	s9 =	sshll.u32 @!p0 s9, $0x9;
	s17 =	sand.u32 @!p0 $0x60, s17;
	[tilespmem:s1+$0x10] =	vst v5;
	v3 =	vadd.s32 v4, v3  }
0x2f: {  	s18 =	simm.s32 @!p0 $0x1000;
	s9 =	sand.u32 @!p0 $0x7000, s9;
	s17 =	sadd.s32 @!p0 s3, s17;
	[tilespmem:s1+$0x20] =	vst v3;
	v2 =	vadd.s32 v9, v2  }
0x30: {  	s9 =	sadd.s32 @!p0 s9, s17;
	s17 =	simm.s32 @!p0 $0x400;
	[tilespmem:s1+$0x30] =	vst v2;
	s1 =	simm.s32 @!p0 $0x80  }
0x31: {  	[tilespmem:s18], [sflag:$0x1] =	stream.strided.gather @!p0 [hbm4b:s9+s1], $0x1000, s17, s1, $0x38;
	[tilespmem:$0x3080] =	vst v63  }
0x32: {  	_ =	swait.ge [sflag:s12], $0x1000  }
0x33: {  	[sflag:s12] =	ssyncset.done $0x0  }
0x34: {  	s1 =	simm.s32 $0x0;
	[sflag:s12] =	ssyncadd.s32 $0xFFFFF000  }
0x35: {  	v7 =	vld [tilespmem:s1+$0x2000]  }
0x36: {  	v8 =	vld [tilespmem:s1+$0x2010]  }
0x37: {  	v2 =	vld [tilespmem:s1+$0x2020]  }
0x38: {  	v3 =	vld [tilespmem:s1+$0x2030]  }
0x39: {  	v6 =	vld [tilespmem:s1+$0x0]  }
0x3a: {  	v4 =	vld [tilespmem:s1+$0x10]  }
0x3b: {  	s9 =	simm.s32 $0x100;
	v5 =	vld [tilespmem:s1+$0x20]  }
.LBB2_8:
0x3c: {  	s17 =	sshra.s32 s9, $0x2;
	p1 =	sne.s32 s9, $0x3F00;
	v9 =	vld [tilespmem:s1+$0x30];
	v10 =	vmov v2  }
0x3d: {  	v11 =	vld [tilespmem:s17+$0x2000];
	v12 =	vmov v3  }
0x3e: {  	v13 =	vld [tilespmem:s17+$0x2010];
	v3 =	vadd.s32 v6, v7  }
.Ltmp3:
0x3f: {  	v2 =	vld [tilespmem:s17+$0x2020];
	[tilespmem:s1+$0x0] =	vst v3;
	v4 =	vadd.s32 v4, v8;
	(pc) =	sbr.rel @p1 .LBB2_8-.Ltmp3, $4  }
0x40: {  	v3 =	vld [tilespmem:s17+$0x2030];
	[tilespmem:s1+$0x10] =	vst v4;
	v4 =	vadd.s32 v5, v10  }
0x41: {  	v6 =	vld [tilespmem:s17+$0x0];
	[tilespmem:s1+$0x20] =	vst v4;
	v5 =	vadd.s32 v9, v12  }
0x42: {  	v4 =	vld [tilespmem:s17+$0x10];
	[tilespmem:s1+$0x30] =	vst v5;
	v7 =	vmov v11;
	s1 =	smov.u32 s17  }
0x43: {  	s9 =	sadd.s32 $0x100, s9;
	v5 =	vld [tilespmem:s1+$0x20];
	v8 =	vmov v13  }
0x44: {  	v9 =	vld [tilespmem:s1+$0x30];
	_ =	sdelay $0x1  }
.Ltmp4:
0x45: {  	v6 =	vadd.s32 v6, v7;
	(pc) =	sbr.rel @p0 .LBB2_10-.Ltmp4, $4  }
0x46: {  	[tilespmem:s1+$0x0] =	vst v6;
	v4 =	vadd.s32 v4, v8  }
0x47: {  	[tilespmem:s1+$0x10] =	vst v4;
	v2 =	vadd.s32 v5, v2  }
0x48: {  	[tilespmem:s1+$0x20] =	vst v2;
	v2 =	vadd.s32 v9, v3  }
0x49: {  	[tilespmem:s1+$0x30] =	vst v2  }
0x4a: {  	s0 =	sadd.s32 $0x3, s0  }
.Ltmp5:
0x4b: {  	s1 =	sshll.u32 s0, $0x4;
	(pc) =	sbr.rel .LBB2_5-.Ltmp5, $4  }
0x4c: {  	s0 =	sshll.u32 s0, $0x9;
	s1 =	sand.u32 $0x70, s1  }
0x4d: {  	s0 =	sand.u32 $0x7000, s0;
	s1 =	sadd.s32 s3, s1  }
0x4e: {  	s16 =	sadd.s32 $0x1, s16;
	s0 =	sadd.s32 s0, s1  }
0x4f: {  	[tilespmem:s10], [sflag:$0x2] =	stream.strided.gather [hbm4b:s0+s7], $0x1000, s8, s7, $0x38;
	[tilespmem:$0x3080] =	vst v63  }
.LBB2_10:
0x50: {  	s18 =	simm.s32 $0xFF0  }
0x51: {  	v2 =	vld [tilespmem:s18+$0x0];
	_ =	sdelay $0x3  }
0x52: {  	s19 =	simm.s32 $0xFE0  }
0x53: {  	v4 =	vld [tilespmem:s19+$0x0];
	(xrf0) =	vadd.scan.msk.s32 $0xffff, v2;
	_ =	sdelay $0x4  }
0x54: {  	s20 =	simm.s32 $0xFD0;
	(xrf0) =	vadd.scan.msk.s32 $0xffff, v4  }
0x55: {  	v5 =	vld [tilespmem:s20+$0x0];
	v3, _, _ =	vpop (xrf0)  }
0x56: {  	(v2sf) =	vpush v3, $0xF;
	_ =	sdelay $0x2  }
0x57: {  	v6 =	vbroadcast v3, $0xF  }
0x58: {  	(xrf0) =	vadd.scan.msk.s32 $0xffff, v5;
	v7, _, _ =	vpop (xrf0)  }
0x59: {  	s16 =	simm.s32 $0x0;
	(v2sf) =	vpush v7, $0xF;
	v3 =	vsub.s32 v6, v3  }
0x5a: {  	s17 =	simm.s32 $0xFC0;
	v3 =	vadd.s32 s16, v3  }
0x5b: {  	v6 =	vld [tilespmem:s17+$0x0];
	v2 =	vadd.s32 v2, v3;
	_ =	sdelay $0x2  }
0x5c: {  	vm2 =	vlt.s32 v3, $0x20000;
	vm3 =	vgt.s32 v2, $0x1FFFF;
	v2, _, _ =	vpop (xrf0)  }
0x5d: {  	vm2 =	vmand vm2, vm3;
	(v2sf) =	vpush v2, $0xF  }
0x5e: {  	(xrf0) =	vadd.scan.msk.s32 $0xffff, v6;
	v8 =	vsel vm2, $0x1, v0  }
0x5f: {  	v3 =	vnsel vm2, $0x0, v3;
	(xrf0) =	vadd.scan.msk.s32 $0xffff, v8  }
0x60: {  	(xrf0) =	vadd.scan.msk.s32 $0xffff, v3;
	v3 =	vbroadcast v7, $0xF  }
0x61: {  	s0 =	spop (v2sf)  }
0x62: {  	s21 =	simm.s32 $0xFB0;
	v7 =	vsub.s32 v3, v7;
	s0 =	sadd.s32 $0x0, s0  }
0x63: {  	v3 =	vld [tilespmem:s21+$0x0];
	v7 =	vadd.s32 s0, v7  }
0x64: {  	v8, _, _ =	vpop (xrf0);
	v4 =	vadd.s32 v4, v7  }
0x65: {  	v56 =	vnsel vm2, $0x0, v1;
	v10 =	vbroadcast v2, $0xF;
	(v2sf) =	vpush v8, $0xF;
	v9, _, _ =	vpop (xrf0)  }
0x66: {  	s22 =	simm.s32 $0xFA0;
	(v2sf) =	vpush v9, $0xF;
	s1 =	spop (v2sf);
	vm2 =	vlt.s32 v7, $0x20000;
	vm3 =	vgt.s32 v4, $0x1FFFF  }
0x67: {  	v10 =	vsub.s32 v10, v2;
	v2 =	vld [tilespmem:s22+$0x0];
	s0 =	sadd.s32 s0, s1;
	vm2 =	vmand vm2, vm3;
	v4, _, _ =	vpop (xrf0);
	(xrf0) =	vadd.scan.msk.s32 $0xffff, v56  }
0x68: {  	v57 =	vadd.s32 s0, v10;
	(v2sf) =	vpush v4, $0xF;
	(xrf0) =	vadd.scan.msk.s32 $0xffff, v3;
	v4 =	vsel vm2, $0x1, v0  }
0x69: {  	v7 =	vnsel vm2, $0x0, v7;
	(xrf0) =	vadd.scan.msk.s32 $0xffff, v4;
	v4 =	vadd.s32 v5, v57  }
0x6a: {  	v5 =	vnsel vm2, $0x0, v1;
	vm2 =	vlt.s32 v57, $0x20000;
	(xrf0) =	vadd.scan.msk.s32 $0xffff, v7;
	vm3 =	vgt.s32 v4, $0x1FFFF  }
0x6b: {  	v4 =	vbroadcast v8, $0xF;
	(xrf0) =	vadd.scan.msk.s32 $0xffff, v5;
	vm2 =	vmand vm2, vm3  }
0x6c: {  	s31 =	spop (v2sf);
	(xrf0) =	vadd.scan.msk.s32 $0xffff, v2;
	v5 =	vsel vm2, $0x1, v0  }
0x6d: {  	s1 =	sadd.s32 s0, s31;
	v9 =	vnsel vm2, $0x0, v57;
	v4 =	vsub.s32 v4, v8;
	v8 =	vnsel vm2, $0x0, v1;
	v7, _, _ =	vpop (xrf0);
	(xrf0) =	vadd.scan.msk.s32 $0xffff, v5  }
0x6e: {  	v4 =	vadd.s32 s1, v4;
	(v2sf) =	vpush v7, $0xF;
	v7, _, _ =	vpop (xrf0);
	(xrf0) =	vadd.scan.msk.s32 $0xffff, v9  }
0x6f: {  	v6 =	vadd.s32 v6, v4;
	(v2sf) =	vpush v7, $0xF;
	v58, _, _ =	vpop (xrf0);
	(xrf0) =	vadd.scan.msk.s32 $0xffff, v8  }
0x70: {  	v8, _, _ =	vpop (xrf0);
	(v2sf) =	vpush v58, $0xF  }
0x71: {  	v59, _, _ =	vpop (xrf0);
	(v2sf) =	vpush v8, $0xF  }
0x72: {  	vm3 =	vgt.s32 v6, $0x1FFFF;
	(v2sf) =	vpush v59, $0xF;
	v6, _, _ =	vpop (xrf0)  }
0x73: {  	(v2sf) =	vpush v6, $0xF;
	v61, _, _ =	vpop (xrf0)  }
0x74: {  	s23 =	simm.s32 $0xF90;
	s9 =	spop (v2sf);
	(v2sf) =	vpush v61, $0xF;
	v62, _, _ =	vpop (xrf0)  }
0x75: {  	v5 =	vld [tilespmem:s23+$0x0];
	s24 =	spop (v2sf);
	v63, _, _ =	vpop (xrf0);
	(v2sf) =	vpush v62, $0xF  }
0x76: {  	(v2sf) =	vpush v63, $0xF;
	_ =	sdelay $0x1  }
0x77: {  	vm2 =	vlt.s32 v4, $0x20000  }
0x78: {  	vm2 =	vmand vm2, vm3  }
0x79: {  	v8 =	vbroadcast v7, $0xF;
	v60 =	vsel vm2, $0x1, v0;
	(xrf0) =	vadd.scan.msk.s32 $0xffff, v5  }
0x7a: {  	s28 =	simm.s32 $0xF80;
	v4 =	vnsel vm2, $0x0, v4;
	v11 =	vbroadcast v6, $0xF;
	(xrf0) =	vadd.scan.msk.s32 $0xffff, v60  }
0x7b: {  	s25 =	simm.s32 $0xF80;
	s0 =	simm.s32 $0xF70;
	s29 =	sadd.s32 s1, s9;
	v7 =	vsub.s32 v8, v7;
	v8 =	vnsel vm2, $0x0, v1;
	(xrf0) =	vadd.scan.msk.s32 $0xffff, v4  }
0x7c: {  	p0 =	sgt.s32 s24, $0x0;
	s24 =	simm.s32 $0x0;
	v4 =	vld [tilespmem:s28+$0x0];
	v7 =	vadd.s32 s29, v7;
	v6 =	vsub.s32 v11, v6;
	(xrf0) =	vadd.scan.msk.s32 $0xffff, v8;
	s26 =	spop (v2sf)  }
.LBB2_11:
0x7d: {  	p1 =	sne.s32 s0, $0x0  }
0x7e: {  	v9 =	vadd.s32 v3, v7;
	s16 =	smov.u32 @p0 s26;
	s1 =	spop (v2sf);
	v3 =	vmov v2;
	v2 =	vmov v5;
	s9 =	smov.u32 s0  }
0x7f: {  	s0 =	sadd.s32 $0xFFFFFFF0, s0;
	vm2 =	vlt.s32 v7, $0x20000;
	vm3 =	vgt.s32 v9, $0x1FFFF;
	s1 =	sadd.s32 s18, s1;
	s18 =	smov.u32 s19  }
.Ltmp6:
0x80: {  	s19 =	smov.u32 s20;
	v8, _, _ =	vpop (xrf0);
	vm2 =	vmand vm2, vm3;
	s24 =	smov.u32 @p0 s1;
	(pc) =	sbr.rel @p1 .LBB2_11-.Ltmp6, $4  }
0x81: {  	s20 =	smov.u32 s17;
	s17 =	smov.u32 s21;
	s21 =	smov.u32 s22;
	(xrf0) =	vadd.scan.msk.s32 $0xffff, v4;
	(v2sf) =	vpush v8, $0xF;
	v12 =	vsel vm2, $0x1, v0;
	v9 =	vnsel vm2, $0x0, v1;
	v10, _, _ =	vpop (xrf0)  }
0x82: {  	s28 =	sadd.s32 $0xFFFFFFF0, s28;
	s22 =	smov.u32 s23;
	v11 =	vbroadcast v8, $0xF;
	v7 =	vnsel vm2, $0x0, v7;
	s1 =	spop (v2sf);
	(xrf0) =	vadd.scan.msk.s32 $0xffff, v12;
	(v2sf) =	vpush v10, $0xF;
	v5, _, _ =	vpop (xrf0)  }
0x83: {  	s23 =	smov.u32 s25;
	s29 =	sadd.s32 s29, s1;
	(xrf0) =	vadd.scan.msk.s32 $0xffff, v7;
	v10, _, _ =	vpop (xrf0);
	(v2sf) =	vpush v5, $0xF;
	s1 =	spop (v2sf);
	v5 =	vmov v4;
	v4 =	vld [tilespmem:s28+$0x0]  }
0x84: {  	s25 =	smov.u32 s9;
	v7 =	vadd.s32 s29, v6;
	v6 =	vsub.s32 v11, v8;
	(xrf0) =	vadd.scan.msk.s32 $0xffff, v9;
	(v2sf) =	vpush v10, $0xF;
	p0 =	sgt.s32 s1, $0x0;
	s26 =	spop (v2sf)  }
0x85: {  	_ =	sdelay $0x1  }
0x86: {  	v8, _, _ =	vpop (xrf0)  }
0x87: {  	(v2sf) =	vpush v8, $0xF;
	_ =	sdelay $0x5  }
0x88: {  	s28 =	spop (v2sf)  }
0x89: {  	v3 =	vadd.s32 v3, v7;
	s0 =	spop (v2sf);
	(xrf0) =	vadd.scan.msk.s32 $0xffff, v4  }
0x8a: {  	vm2 =	vlt.s32 v7, $0x20000;
	vm3 =	vgt.s32 v3, $0x1FFFF;
	s30 =	spop (v2sf);
	s1 =	sadd.s32 s29, s0  }
0x8b: {  	vm2 =	vmand vm2, vm3;
	s31 =	spop (v2sf);
	v6 =	vadd.s32 s1, v6  }
0x8c: {  	v3 =	vsel vm2, $0x1, v0;
	v10, _, _ =	vpop (xrf0);
	s29 =	spop (v2sf);
	v2 =	vadd.s32 v2, v6  }
0x8d: {  	v9 =	vnsel vm2, $0x0, v1;
	v11 =	vbroadcast v8, $0xF;
	(v2sf) =	vpush v10, $0xF;
	v52, _, _ =	vpop (xrf0);
	s9 =	spop (v2sf)  }
0x8e: {  	v51 =	vnsel vm2, $0x0, v7;
	vm2 =	vlt.s32 v6, $0x20000;
	(v2sf) =	vpush v52, $0xF;
	v53, _, _ =	vpop (xrf0);
	s0 =	spop (v2sf)  }
0x8f: {  	(xrf0) =	vadd.scan.msk.s32 $0xffff, v3;
	v8 =	vsub.s32 v11, v8;
	vm3 =	vgt.s32 v2, $0x1FFFF;
	(v2sf) =	vpush v53, $0xF;
	v2, _, _ =	vpop (xrf0);
	s13 =	sadd.s32 s1, s9;
	s1 =	spop (v2sf)  }
0x90: {  	(xrf0) =	vadd.scan.msk.s32 $0xffff, v51;
	vm2 =	vmand vm2, vm3;
	v3 =	vbroadcast v2, $0xF;
	v54 =	vadd.s32 s13, v8;
	s9 =	spop (v2sf)  }
0x91: {  	(xrf0) =	vadd.scan.msk.s32 $0xffff, v9;
	v55 =	vsel vm2, $0x1, v0;
	v6 =	vnsel vm2, $0x0, v6;
	v5 =	vadd.s32 v5, v54;
	s2 =	spop (v2sf)  }
0x92: {  	(xrf0) =	vadd.scan.msk.s32 $0xffff, v55;
	v3 =	vsub.s32 v3, v2;
	vm3 =	vlt.s32 v54, $0x20000;
	vm4 =	vgt.s32 v5, $0x1FFFF;
	s2 =	sadd.s32 s13, s2  }
0x93: {  	v56 =	vnsel vm2, $0x0, v1;
	(xrf0) =	vadd.scan.msk.s32 $0xffff, v6;
	vm2 =	vmand vm3, vm4;
	v3 =	vadd.s32 s2, v3  }
0x94: {  	(v2sf) =	vpush v2, $0xF;
	(xrf0) =	vadd.scan.msk.s32 $0xffff, v56;
	v2 =	vsel vm2, $0x1, v0;
	v57 =	vadd.s32 v4, v3  }
0x95: {  	v58, _, _ =	vpop (xrf0);
	v59 =	vnsel vm2, $0x0, v54;
	(xrf0) =	vadd.scan.msk.s32 $0xffff, v2;
	vm3 =	vlt.s32 v3, $0x20000;
	vm15 =	vgt.s32 v57, $0x1FFFF  }
0x96: {  	v60, _, _ =	vpop (xrf0);
	v2 =	vnsel vm2, $0x0, v1;
	(xrf0) =	vadd.scan.msk.s32 $0xffff, v59;
	vm2 =	vmand vm3, vm15  }
0x97: {  	(v2sf) =	vpush v58, $0xF;
	v61, _, _ =	vpop (xrf0);
	(xrf0) =	vadd.scan.msk.s32 $0xffff, v2;
	v2 =	vsel vm2, $0x1, v0  }
0x98: {  	(v2sf) =	vpush v60, $0xF;
	v3 =	vnsel vm2, $0x0, v3  }
0x99: {  	(v2sf) =	vpush v61, $0xF;
	v62, _, _ =	vpop (xrf0);
	(xrf0) =	vadd.scan.msk.s32 $0xffff, v2  }
0x9a: {  	(v2sf) =	vpush v62, $0xF;
	v63 =	vnsel vm2, $0x0, v1;
	v2, _, _ =	vpop (xrf0);
	(xrf0) =	vadd.scan.msk.s32 $0xffff, v3  }
0x9b: {  	v3, _, _ =	vpop (xrf0);
	(v2sf) =	vpush v2, $0xF;
	(xrf0) =	vadd.scan.msk.s32 $0xffff, v63  }
0x9c: {  	v2, _, _ =	vpop (xrf0);
	(v2sf) =	vpush v3, $0xF  }
0x9d: {  	v3, _, _ =	vpop (xrf0);
	(v2sf) =	vpush v2, $0xF  }
0x9e: {  	v2, _, _ =	vpop (xrf0);
	(v2sf) =	vpush v3, $0xF  }
0x9f: {  	(v2sf) =	vpush v2, $0xF;
	v2, _, _ =	vpop (xrf0)  }
0xa0: {  	(v2sf) =	vpush v2, $0xF;
	v2, _, _ =	vpop (xrf0)  }
0xa1: {  	v3, _, _ =	vpop (xrf0);
	(v2sf) =	vpush v2, $0xF  }
0xa2: {  	s2 =	spop (v2sf);
	(v2sf) =	vpush v3, $0xF  }
0xa3: {  	s13 =	spop (v2sf)  }
0xa4: {  	s4 =	spop (v2sf)  }
0xa5: {  	s16 =	smov.u32 @p0 s26;
	s18 =	sadd.s32 s18, s28;
	s28 =	spop (v2sf)  }
0xa6: {  	s24 =	smov.u32 @p0 s18;
	p0 =	sgt.s32 s30, $0x0;
	s28 =	spop (v2sf)  }
0xa7: {  	s16 =	smov.u32 @p0 s31;
	s19 =	sadd.s32 s19, s29;
	s26 =	spop (v2sf)  }
0xa8: {  	s24 =	smov.u32 @p0 s19;
	p0 =	sgt.s32 s0, $0x0;
	s30 =	spop (v2sf)  }
0xa9: {  	s16 =	smov.u32 @p0 s1;
	s1 =	sadd.s32 s20, s9;
	s31 =	spop (v2sf)  }
0xaa: {  	s24 =	smov.u32 @p0 s1;
	s1 =	spop (v2sf)  }
0xab: {  	p0 =	sgt.s32 s2, $0x0;
	s2 =	sadd.s32 s17, s4;
	s19 =	spop (v2sf)  }
0xac: {  	s16 =	smov.u32 @p0 s13;
	s24 =	smov.u32 @p0 s2;
	s20 =	spop (v2sf)  }
0xad: {  	p0 =	sgt.s32 s28, $0x0;
	s0 =	sadd.s32 s21, s30;
	s13 =	spop (v2sf)  }
0xae: {  	s16 =	smov.u32 @p0 s26;
	s24 =	smov.u32 @p0 s0;
	s21 =	spop (v2sf)  }
0xaf: {  	p0 =	sgt.s32 s31, $0x0;
	s4 =	sadd.s32 s22, s19;
	s26 =	spop (v2sf)  }
0xb0: {  	s24 =	smov.u32 @p0 s4;
	s4 =	spop (v2sf)  }
0xb1: {  	p1 =	sgt.s32 s20, $0x0;
	s0 =	sadd.s32 s23, s21;
	s28 =	spop (v2sf)  }
0xb2: {  	s24 =	smov.u32 @p1 s0;
	p2 =	sgt.s32 s26, $0x0;
	s0 =	sadd.s32 s25, s28  }
0xb3: {  	s16 =	smov.u32 @p0 s1;
	s24 =	smov.u32 @p2 s0  }
0xb4: {  	s16 =	smov.u32 @p1 s13;
	v2 =	vmov s24  }
0xb5: {  	s15 =	sadd.s32 $0x1, s15;
	s16 =	smov.u32 @p2 s4;
	v2 =	vnsel vm0, $0x0, v2  }
0xb6: {  	s29 =	simm.s32 $0x0;
	p0 =	sne.s32 s15, s6;
	v2 =	vsel vm1, s16, v2  }
.Ltmp7:
0xb7: {  	s30 =	rddreg [dreg:$0x2];
	s31 =	simm.s32 $0x3000;
	[tilespmem:$0x3000] =	vst v2;
	(pc) =	sbr.rel @p0 .LBB2_2-.Ltmp7, $4  }
0xb8: {  	[hbm4b:s30+s29] =	stream.linear.scatter [tilespmem:s31], [sflag:$0x3], $0x80, $0x38;
	[tilespmem:$0x3080] =	vst v63  }
0xb9: {  	_ =	swait.ge [sflag:s14], $0x80  }
0xba: {  	[sflag:s14] =	ssyncset.done $0x0  }
0xbb: {  	[sflag:s14] =	ssyncadd.s32 $0xFFFFFF80  }
.LBB2_13:
0xbc: {  	_ =	sfence.sel $0x180000  }
0xbd: {  	[bflag:$0x0] =	sbarrier.arrive $0xFFFF  }
0xbe: {  	_ =	strace $0x9000004A  }
0xbf: {  	s0 =	stileid.u32;
	[bflag:$0x2] =	sbarrier.arrive $0xFFFF  }
0xc0: {  	p0 =	sne.s32 s0, $0x0;
	s0 =	rddreg [dreg:$0x1]  }
0xc1: {  	s0 =	sadd.s32 @!p0 $0x100000, s0  }
0xc2: {  	[sflag:s0] =	ssyncadd.tile.s32 @!p0 $0x1;
	_ =	shalt  }
.Lfunc_end2:
_tile_overlayer_lowered:
.L_overlay_start_2:
0xc3: {  	(tag) =	ssettag $0x2  }
0xc4: {  	s0 =	rddreg [dreg:$0x0];
	s2 =	stileid.u32  }
0xc5: {  	s1 =	rddreg [dreg:$0x1];
	p0 =	sne.s32 s2, $0x0  }
0xc6: {  	s3 =	rddreg [dreg:$0x2];
	[bflag:$0x3] =	sbarrier.arrive $0xFFFF;
	s2 =	simm.s32 @!p0 $0x1C03  }
0xc7: {  	[timem:s3], [sflag:s2] =	dma.local @!p0 [hbm:s0], s1  }
0xc8: {  	s0 =	simm.s32 @!p0 $0x3  }
0xc9: {  	_ =	swait.ge @!p0 [sflag:s0], s1  }
0xca: {  	s1 =	ssub.s32 @!p0 $0x0, s1;
	[sflag:s0] =	ssyncset.done @!p0 $0x0  }
0xcb: {  	[sflag:s0] =	ssyncadd.s32 @!p0 s1  }
0xcc: {  	[bflag:$0x3] =	sbarrier.arrive $0xFFFF  }
0xcd: {  	_ =	shalt  }

// kernel: kernel.14.cloned.1.call-start
scs
__scs_entry_jumppad:
0x0: {  	(pc) =	sbr.rel $0x88, $3  }
0x1: {  	(tag) =	ssettag $0x0;
	lr =	simm.s32 $0x1  }
0x2: {  	[smem:$0x3F9C] =	sst lr;
	_ =	strace $0xD0000000  }
0x3: {  	_ = 	snop  }
0x4: {  	_ = 	snop  }
0x5: {  	_ = 	snop  }
0x6: {  	_ = 	snop  }
0x7: {  	_ = 	snop  }
__scs_overlays_trampoline_lowered:
0x8: {  	[smem:$0x3FAB] =	sst s0  }
0x9: {  	[smem:$0x3FAC] =	sst s1  }
0xa: {  	[smem:$0x3FAD] =	sst s2  }
0xb: {  	[smem:$0x3FAE] =	sst s3  }
0xc: {  	[smem:$0x3FAF] =	sst s4  }
0xd: {  	[smem:$0x3FB0] =	sst s5  }
0xe: {  	[smem:$0x3FB1] =	sst s6  }
0xf: {  	[smem:$0x3FB2] =	sst s7  }
0x10: {  	[smem:$0x3FB3] =	sst s8  }
0x11: {  	[smem:$0x3FB4] =	sst s9;
	s0 =	simm.s32 @!p0 $0x0  }
0x12: {  	s1 =	sld [smem:$0x3F9A];
	s0 =	simm.s32 @p0 $0x1  }
0x13: {  	[smem:$0x3FB5] =	sst s0;
	s0 =	simm.s32 @!p1 $0x0  }
0x14: {  	s2 =	sld [smem:$0x3F99];
	s0 =	simm.s32 @p1 $0x1  }
0x15: {  	[smem:$0x3FB6] =	sst s0;
	s0 =	simm.s32 @!p2 $0x0  }
0x16: {  	s3 =	sld [smem:$0x3FDB];
	s0 =	simm.s32 @p2 $0x1  }
0x17: {  	s4 =	simm.s32 $0x1BF5;
	[smem:$0x3FB8] =	sst s0  }
0x18: {  	s0 =	sld [smem:$0x3F9B];
	_ =	swait.ge [sflag:s4], $0x0  }
0x19: {  	s7 =	sld [smem:$0x3F9C]  }
0x1a: {  	s8 =	sadd.s32 $0xFFFFE003, lr  }
0x1b: {  	s9 =	sadd.s32 $0xFFFFFEF7, lr;
	s5 =	simm.s32 $0xFFFFFFFF;
	p2 =	slt.u32 s8, $0xFFFFF086  }
0x1c: {  	p1 =	slt.u32 s9, $0xF7A;
	s5 =	simm.s32 @!p2 $0x0  }
0x1d: {  	s5 =	simm.s32 @p1 $0x1;
	p0 =	seq.s32 s7, s2  }
0x1e: {  	s7 =	smul.u32 @!p0 $0xF7A, s2;
	p2 =	seq.s32 @!p0 s5, $0x0  }
0x1f: {  	s9 =	smul.u32 $0xF7A, s1;
	s8 =	simm.s32 @!p0 $0x1BF5;
	p2 =	por !p2, p0  }
0x20: {  	[sflag:s8] =	ssyncset.s32 @!p0 $0xFFFFF086;
	s6 =	sadd.s32 @!p0 s3, s7;
	s7 =	simm.s32 @!p0 $0x108  }
0x21: {  	s3 =	sadd.s32 s3, s9;
	s6 =	sadd.s32 @!p0 $0x88, s6;
	s7 =	simm.s32 @p2 $0x1082  }
0x22: {  	[simem:s7], [sflag:s8] =	dma.local @!p0 [hbm:s6], $0xF7A  }
0x23: {  	s9 =	sor.u32 $0xD0000000, s2;
	s6 =	simm.s32 $0x108;
	_ =	swait.ge @!p0 [sflag:s8], $0x0  }
0x24: {  	s3 =	sadd.s32 $0x88, s3;
	s6 =	simm.s32 @!p1 $0x1082;
	[sflag:s4] =	ssyncset.s32 $0xFFFFF086  }
0x25: {  	[simem:s6], [sflag:s4] =	dma.local [hbm:s3], $0xF7A  }
0x26: {  	[smem:$0x3F9C] =	sst s1;
	(tag) =	ssettag s2;
	_ =	strace s9  }
0x27: {  	s1 =	sld [smem:$0x3FAC]  }
0x28: {  	s2 =	sld [smem:$0x3FAD]  }
0x29: {  	s4 =	sld [smem:$0x3FAF]  }
0x2a: {  	p0 =	seq.s32 s5, $0x0;
	s5 =	sld [smem:$0x3FB0]  }
0x2b: {  	s6 =	sld [smem:$0x3FB1]  }
0x2c: {  	s7 =	sld [smem:$0x3FB2]  }
0x2d: {  	s3 =	simm.s32 $0x108;
	s8 =	sld [smem:$0x3FB3]  }
0x2e: {  	s3 =	simm.s32 @!p0 $0x1082;
	s9 =	sld [smem:$0x3FB4]  }
0x2f: {  	lr =	sadd.s32 s0, s3;
	s0 =	sld [smem:$0x3FAB]  }
0x30: {  	s3 =	sld [smem:$0x3FAE]  }
0x31: {  	[smem:$0x3FB7] =	sst s10  }
0x32: {  	s10 =	sld [smem:$0x3FB5];
	_ =	sdelay $0x3  }
0x33: {  	p0 =	seq.s32 s10, $0x1;
	s10 =	sld [smem:$0x3FB7];
	_ =	sdelay $0x3  }
0x34: {  	[smem:$0x3FB7] =	sst s10  }
0x35: {  	s10 =	sld [smem:$0x3FB6];
	_ =	sdelay $0x3  }
0x36: {  	p1 =	seq.s32 s10, $0x1;
	s10 =	sld [smem:$0x3FB7];
	_ =	sdelay $0x3  }
0x37: {  	[smem:$0x3FB7] =	sst s10  }
0x38: {  	s10 =	sld [smem:$0x3FB8]  }
0x39: {  	_ = 	snop;
	(pc) =	sbr.ind lr, $3  }
0x3a: {  	_ = 	snop  }
0x3b: {  	_ = 	snop  }
0x3c: {  	p2 =	seq.s32 s10, $0x1;
	s10 =	sld [smem:$0x3FB7]  }
0x3d: {  	_ =	shalt  }
0x3e: {  	_ =	shalt  }
0x3f: {  	_ =	shalt  }
0x40: {  	_ =	shalt  }
0x41: {  	_ =	shalt  }
0x42: {  	_ =	shalt  }
0x43: {  	_ =	shalt  }
0x44: {  	_ =	shalt  }
0x45: {  	_ =	shalt  }
0x46: {  	_ =	shalt  }
0x47: {  	_ =	shalt  }
0x48: {  	_ =	shalt  }
0x49: {  	_ =	shalt  }
0x4a: {  	_ =	shalt  }
0x4b: {  	_ =	shalt  }
0x4c: {  	_ =	shalt  }
0x4d: {  	_ =	shalt  }
0x4e: {  	_ =	shalt  }
0x4f: {  	_ =	shalt  }
0x50: {  	_ =	shalt  }
0x51: {  	_ =	shalt  }
0x52: {  	_ =	shalt  }
0x53: {  	_ =	shalt  }
0x54: {  	_ =	shalt  }
0x55: {  	_ =	shalt  }
0x56: {  	_ =	shalt  }
0x57: {  	_ =	shalt  }
0x58: {  	_ =	shalt  }
0x59: {  	_ =	shalt  }
0x5a: {  	_ =	shalt  }
0x5b: {  	_ =	shalt  }
0x5c: {  	_ =	shalt  }
0x5d: {  	_ =	shalt  }
0x5e: {  	_ =	shalt  }
0x5f: {  	_ =	shalt  }
0x60: {  	_ =	shalt  }
0x61: {  	_ =	shalt  }
0x62: {  	_ =	shalt  }
0x63: {  	_ =	shalt  }
0x64: {  	_ =	shalt  }
0x65: {  	_ =	shalt  }
0x66: {  	_ =	shalt  }
0x67: {  	_ =	shalt  }
0x68: {  	_ =	shalt  }
0x69: {  	_ =	shalt  }
0x6a: {  	_ =	shalt  }
0x6b: {  	_ =	shalt  }
0x6c: {  	_ =	shalt  }
0x6d: {  	_ =	shalt  }
0x6e: {  	_ =	shalt  }
0x6f: {  	_ =	shalt  }
0x70: {  	_ =	shalt  }
0x71: {  	_ =	shalt  }
0x72: {  	_ =	shalt  }
0x73: {  	_ =	shalt  }
0x74: {  	_ =	shalt  }
0x75: {  	_ =	shalt  }
0x76: {  	_ =	shalt  }
0x77: {  	_ =	shalt  }
0x78: {  	_ =	shalt  }
0x79: {  	_ =	shalt  }
0x7a: {  	_ =	shalt  }
0x7b: {  	_ =	shalt  }
0x7c: {  	_ =	shalt  }
0x7d: {  	_ =	shalt  }
0x7e: {  	_ =	shalt  }
0x7f: {  	_ =	shalt  }
0x80: {  	_ =	shalt  }
0x81: {  	_ =	shalt  }
0x82: {  	_ =	shalt  }
0x83: {  	_ =	shalt  }
0x84: {  	_ =	shalt  }
0x85: {  	_ =	shalt  }
0x86: {  	_ =	shalt  }
0x87: {  	_ =	shalt  }
.Lfunc_end0:
.L_simem_size_0:
called_computation.2_lowered:
.L_overlay_start_0:
0x88: {  	s2 =	sld [smem:$0x3FD9]  }
0x89: {  	s3 =	sld [smem:$0x3FFE];
	_ =	sdelay $0x1  }
0x8a: {  	s1 =	srdreg.scid  }
0x8b: {  	s0 =	sand.u32 $0x1, s1  }
0x8c: {  	s17 =	sshll.u32 s0, $0xA;
	s2 =	sadd.s32 s3, s2  }
0x8d: {  	s2 =	sadd.s32 s2, s17  }
0x8e: {  	[smem:$0x3FC3] =	sst s2  }
0x8f: {  	_ = 	snop  }
0x90: {  	s2 =	sld [smem:$0x3FD0];
	(tm) =	ssettm $0x1  }
0x91: {  	s18 =	sld [smem:$0x3FFB];
	_ =	sdelay $0x3  }
0x92: {  	_ =	strace s18  }
0x93: {  	s3 =	sld [smem:$0x3FFC];
	_ =	sdelay $0x3  }
0x94: {  	_ =	strace s3  }
0x95: {  	s3 =	sld [smem:$0x3FFD];
	_ =	sdelay $0x3  }
0x96: {  	_ =	strace s3  }
0x97: {  	_ =	strace $0x8FFFFFFF  }
0x98: {  	s19 =	sld [smem:$0x3FDB];
	_ =	sdelay $0x1  }
0x99: {  	s4 =	simm.s32 $_scs_section_size  }
0x9a: {  	s5 =	simm.s32 $_size__tile_overlayer_lowered;
	s6 =	simm.s32 $_tile_overlayer_lowered  }
0x9b: {  	s22 =	simm.s32 $0x1BFF;
	s21 =	sshll.u32 s6, $0x1;
	s3 =	sadd.s32 s4, s19  }
0x9c: {  	s7 =	simm.s32 $0x0;
	s20 =	sshll.u32 s5, $0x1;
	s5 =	sadd.s32 s21, s3  }
0x9d: {  	[timem:s7], [sflag:s22] =	dma.local [hbm:s5], s20  }
0x9e: {  	_ =	swait.ge [sflag:s22], s20  }
0x9f: {  	s4 =	ssub.s32 $0x0, s20;
	[sflag:s22] =	ssyncset.done $0x0  }
0xa0: {  	[sflag:s22] =	ssyncadd.s32 s4;
	_ =	sdelay $0x1  }
0xa1: {  	s23 =	simm.s32 $0x1B8B  }
0xa2: {  	_ =	swait.ge [sflag:s23], $0x1  }
0xa3: {  	[sflag:s23] =	ssyncset.done $0x0  }
0xa4: {  	s25 =	simm.s32 $0x1B8E;
	s24 =	sld [smem:$0x3FFE];
	[sflag:s23] =	ssyncadd.s32 $0xFFFFFFFF  }
0xa5: {  	s26 =	simm.s32 $execute0_lowered;
	[smem:$0x3FD2] =	sst s25  }
0xa6: {  	s5 =	sshll.u32 s26, $0x1;
	_ =	strace $0x8000004C;
	[dreg:$0x1] =	wrdreg $0xFFFFFFFF  }
0xa7: {  	s28 =	simm.s32 $_size_execute0_lowered;
	s3 =	sadd.s32 s3, s5;
	[dreg:$0x0] =	wrdreg $0x0  }
0xa8: {  	s5 =	sshll.u32 s28, $0x1;
	[dreg:$0x2] =	wrdreg s3  }
0xa9: {  	[dreg:$0x3] =	wrdreg s5  }
0xaa: {  	[dreg:$0x4] =	wrdreg $0xC0  }
0xab: {  	_ =	task [dreg:s7], $0x5FFFF  }
0xac: {  	[dreg:$0x1] =	wrdreg $0xFFFFFFFF  }
0xad: {  	[dreg:$0x0] =	wrdreg $0x60  }
0xae: {  	[dreg:$0x2] =	wrdreg s2  }
0xaf: {  	[dreg:$0x3] =	wrdreg s24  }
0xb0: {  	[dreg:$0x4] =	wrdreg $0x9  }
0xb1: {  	_ =	task.clear_ibuf [dreg:s7], $0x5FFFF;
	_ =	strace $0x9000004C  }
0xb2: {  	s29 =	simm.s32 $0x9;
	_ =	strace $0x8000004E  }
0xb3: {  	_ =	swait.ge [sflag:s29], $0x1  }
0xb4: {  	[sflag:s29] =	ssyncadd.s32 $0xFFFFFFFF  }
0xb5: {  	_ =	strace $0x9000004E  }
0xb6: {  	_ =	sfence  }
0xb7: {  	s30 =	sld [smem:$0x0];
	_ =	sdelay $0x2  }
0xb8: {  	s31 =	sshll.u32 s1, $0xD;
	s1 =	sshrl.u32 s1, $0x2  }
0xb9: {  	s3 =	sand.u32 $0x4000, s31;
	s1 =	sadd.s32 s1, s30  }
0xba: {  	s0 =	sor.u32 s3, s0;
	s1 =	sshll.u32 s1, $0x11  }
0xbb: {  	s0 =	sor.u32 s1, s0  }
0xbc: {  	s0 =	sadd.s32 $0x8F2B, s0  }
0xbd: {  	[sflag:s0] =	ssyncadd.remote.s32 $0x1  }
0xbe: {  	_ =	sfence.sel $0xFFFF  }
0xbf: {  	[dreg:$0x0] =	wrdreg $0xFFFFFFFF;
	(pc) =	sbr.abs _section_cstart, $3  }
0xc0: {  	[dreg:$0x1] =	wrdreg $0xFFFFFFFF  }
0xc1: {  	_ =	task.clear_ibuf [dreg:s7], $0x2FFFF;
	_ =	strace $0x9FFFFFFF  }
0xc2: {  	(tm) =	ssettm $0x7FFFFFFF  }
0xc3: {  	_ =	shalt  }
tec
execute0_lowered:
.L_overlay_start_1:
0x0: {  	(tag) =	ssettag $0x1  }
0x1: {  	s4 =	rddreg [dreg:$0x0]  }
0x2: {  	s5 =	rddreg [dreg:$0x1]  }
0x3: {  	s0 =	rddreg [dreg:$0x2];
	s3 =	srdreg.scid  }
0x4: {  	s1 =	stileid.u32;
	s2 =	simm.s32 $0x0;
	s11 =	simm.s32 $0x9800  }
0x5: {  	s12 =	simm.s32 $0x8000;
	s13 =	simm.s32 $0x9000;
	s14 =	simm.s32 $0x0  }
0x6: {  	s6 =	sand.u32 $0x1, s3;
	s26 =	sshll.u32 s1, $0x8;
	s7 =	sshrl.u32 s1, $0x2  }
0x7: {  	[smem:$0x7FF] =	sst s2;
	s8 =	sshll.u32 s6, $0x7;
	s3 =	sand.u32 $0x300, s26  }
0x8: {  	s28 =	sshll.u32 s7, $0xF;
	_ =	strace $0x8000004D;
	s10 =	sshll.u32 s7, $0xE  }
0x9: {  	s7 =	sshll.u32 s7, $0x12;
	s6 =	ssub.s32 $0x2, s6;
	s8 =	sor.u32 s8, s3  }
0xa: {  	s3 =	sadd.s32 $0x786000, s5;
	s30 =	sshrl.u32 s6, $0x1;
	s9 =	sor.u32 s28, s8  }
0xb: {  	s10 =	sor.u32 s10, s8;
	s7 =	sor.u32 s7, s8;
	s31 =	ssub.s32 s6, s30  }
0xc: {  	s8 =	simm.s32 $0x80;
	s9 =	sshrl.u32 s9, $0x3;
	s10 =	sshrl.u32 s10, $0x3  }
0xd: {  	s7 =	sshrl.u32 s7, $0x3;
	s9 =	sadd.s32 s9, s5;
	s29 =	sadd.s32 s10, s5  }
0xe: {  	v0 =	vimm.f32 $0.0e+00;
	vm0 =	vmmov $0x1;
	v2 =	vlaneseq.u32;
	s4 =	sadd.s32 s4, s7;
	s7 =	smax.u32 s31, $0x1;
	s10 =	simm.s32 $0x1  }
0xf: {  	v1 =	vimm.s32 $0x0;
	v3 =	vimm.s32 $0x1;
	v2 =	vmul.u32 $0x100, v2;
	s5 =	sadd.s32 $0x782000, s9;
	s6 =	sadd.s32 $0x786200, s29;
	s9 =	simm.s32 $0x400  }
.LBB2_1:
0x10: {  	[tilespmem:s2], [sflag:$0x1] =	stream.strided.gather [hbm4b:s4+s8], $0x8000, s9, s8, $0x38;
	[tilespmem:$0x9880] =	vst v63  }
0x11: {  	_ =	swait.ge [sflag:s10], $0x8000  }
0x12: {  	[sflag:s10] =	ssyncset.done $0x0  }
0x13: {  	[sflag:s10] =	ssyncadd.s32 $0xFFFF8000  }
0x14: {  	[tilespmem:s11], [sflag:$0x1] =	stream.linear.gather [hbm4b:s3+s2], $0x80, $0x38;
	[tilespmem:$0x9880] =	vst v63  }
0x15: {  	_ =	swait.ge [sflag:s10], $0x80  }
0x16: {  	[sflag:s10] =	ssyncset.done $0x0  }
0x17: {  	[sflag:s10] =	ssyncadd.s32 $0xFFFFFF80  }
0x18: {  	s15 =	simm.s32 $0x40;
	s16 =	simm.s32 $0x0;
	v4 =	vld [tilespmem:$0x9800]  }
.LBB2_2:
0x19: {  	p0 =	sne.s32 s15, $0x3FC0;
	[tilespmem:s16+$0x8000] =	vst v0;
	s16 =	smov.u32 s15;
	s15 =	sadd.s32 $0x40, s15  }
.Ltmp0:
0x1a: {  	(pc) =	sbr.rel @p0 .LBB2_2-.Ltmp0, $2  }
0x1b: {  	_ =	sdelay $0x2  }
0x1c: {  	s16 =	sshra.s32 s16, $0x2  }
0x1d: {  	v4 =	vnsel vm0, $0x0, v4  }
0x1e: {  	(xrf0) =	vadd.scan.msk.s32 $0xffff, v4;
	_ =	sdelay $0x5  }
0x1f: {  	v4, _, _ =	vpop (xrf0)  }
0x20: {  	[tilespmem:s16+$0x8000] =	vst v0;
	v5 =	vimm.s32 $0x0;
	s15 =	simm.s32 $0x0;
	s16 =	simm.s32 $0x0;
	v4 =	vbroadcast v4, $0xF  }
.LBB2_4:
0x21: {  	s17 =	sshra.s32 s16, $0x2  }
0x22: {  	v6 =	vld [tilespmem:s17+$0x0];
	_ =	sdelay $0x4  }
0x23: {  	vm1 =	vlt.s32 v5, $0xFF;
	v7 =	vshra.s32 v6, $0x13  }
0x24: {  	vm2 =	veq.s32 v7, v4;
	v7 =	vnsel vm1, $0xFF, v5  }
0x25: {  	v7 =	vadd.s32 v2, v7;
	_ =	sdelay $0x4  }
0x26: {  	[tilespmem:v7+s12+$0x0] =	vst.idx.msk vm2, v6  }
0x27: {  	v6 =	vld [tilespmem:s17+$0x10];
	_ =	sdelay $0x2  }
0x28: {  	v7 =	vsel vm2, $0x1, v1  }
0x29: {  	v5 =	vadd.s32 v7, v5  }
0x2a: {  	vm1 =	vlt.s32 v5, $0xFF;
	v7 =	vshra.s32 v6, $0x13  }
0x2b: {  	vm2 =	veq.s32 v7, v4;
	v7 =	vnsel vm1, $0xFF, v5  }
0x2c: {  	v7 =	vadd.s32 v2, v7;
	_ =	sdelay $0x4  }
0x2d: {  	[tilespmem:v7+s12+$0x0] =	vst.idx.msk vm2, v6  }
0x2e: {  	v6 =	vld [tilespmem:s17+$0x20];
	_ =	sdelay $0x2  }
0x2f: {  	v7 =	vsel vm2, $0x1, v1  }
0x30: {  	v5 =	vadd.s32 v7, v5  }
0x31: {  	vm1 =	vlt.s32 v5, $0xFF;
	v7 =	vshra.s32 v6, $0x13  }
0x32: {  	vm2 =	veq.s32 v7, v4;
	v7 =	vnsel vm1, $0xFF, v5  }
0x33: {  	v7 =	vadd.s32 v2, v7;
	_ =	sdelay $0x4  }
0x34: {  	[tilespmem:v7+s12+$0x0] =	vst.idx.msk vm2, v6  }
0x35: {  	v6 =	vld [tilespmem:s17+$0x30];
	_ =	sdelay $0x2  }
0x36: {  	v7 =	vsel vm2, $0x1, v1  }
0x37: {  	v5 =	vadd.s32 v7, v5  }
0x38: {  	vm1 =	vlt.s32 v5, $0xFF;
	v7 =	vshra.s32 v6, $0x13  }
0x39: {  	vm2 =	veq.s32 v7, v4;
	v7 =	vnsel vm1, $0xFF, v5  }
0x3a: {  	p0 =	sne.s32 s16, $0x1FF00;
	v7 =	vadd.s32 v2, v7  }
.Ltmp1:
0x3b: {  	_ = 	snop;
	(pc) =	sbr.rel @p0 .LBB2_4-.Ltmp1, $3  }
0x3c: {  	_ =	sdelay $0x1  }
0x3d: {  	v8 =	vsel vm2, $0x1, v1  }
0x3e: {  	s16 =	sadd.s32 $0x100, s16;
	v5 =	vadd.s32 v8, v5;
	[tilespmem:v7+s12+$0x0] =	vst.idx.msk vm2, v6  }
.LBB2_5:
0x3f: {  	p0 =	sne.s32 s15, $0x1FC0  }
.Ltmp2:
0x40: {  	_ = 	snop;
	(pc) =	sbr.rel @p0 .LBB2_5-.Ltmp2, $3  }
0x41: {  	_ =	sdelay $0x1  }
0x42: {  	s16 =	sshra.s32 s15, $0x2  }
0x43: {  	s15 =	sadd.s32 $0x40, s15;
	[tilespmem:s16+$0x9000] =	vst v1  }
0x44: {  	s16 =	simm.s32 $0x0;
	s15 =	simm.s32 $0x40  }
.LBB2_7:
0x45: {  	p0 =	sne.s32 s15, $0x3FC0;
	v5 =	vld [tilespmem:s16+$0x8000];
	_ =	sdelay $0x4  }
0x46: {  	v6 =	vshra.s32 v5, $0x13  }
0x47: {  	v5 =	vshrl.u32 v5, $0x8;
	vm1 =	veq.s32 v6, v4  }
0x48: {  	v5 =	vand.u32 $0x7FF, v5  }
.Ltmp3:
0x49: {  	(pc) =	sbr.rel @p0 .LBB2_7-.Ltmp3, $2  }
0x4a: {  	_ =	sdelay $0x2  }
0x4b: {  	s16 =	sshra.s32 s15, $0x2;
	s15 =	sadd.s32 $0x40, s15;
	[tilespmem:v5+s13+$0x0] =	vst.idx.add.s32.msk vm1, v3  }
0x4c: {  	v5 =	vld [tilespmem:s16+$0x8000];
	_ =	sdelay $0x4  }
0x4d: {  	v6 =	vshra.s32 v5, $0x13  }
0x4e: {  	vm1 =	veq.s32 v6, v4;
	v4 =	vshrl.u32 v5, $0x8  }
0x4f: {  	v4 =	vand.u32 $0x7FF, v4;
	_ =	sdelay $0x4  }
0x50: {  	[tilespmem:v4+s13+$0x0] =	vst.idx.add.s32.msk vm1, v3  }
0x51: {  	[hbm4b:s5+s8] =	stream.strided.scatter [tilespmem:s12], [sflag:$0x1], $0x1000, s9, s8, $0x38;
	[tilespmem:$0x9880] =	vst v63  }
0x52: {  	s14 =	sadd.s32 $0x1, s14;
	_ =	swait.ge [sflag:s10], $0x1000  }
0x53: {  	p0 =	sne.s32 s14, s7;
	[sflag:s10] =	ssyncset.done $0x0  }
.Ltmp4:
0x54: {  	[sflag:s10] =	ssyncadd.s32 $0xFFFFF000;
	(pc) =	sbr.rel @p0 .LBB2_1-.Ltmp4, $4  }
0x55: {  	[hbm4b:s6+s8] =	stream.strided.scatter [tilespmem:s13], [sflag:$0x1], $0x800, s9, s8, $0x38;
	[tilespmem:$0x9880] =	vst v63  }
0x56: {  	_ =	swait.ge [sflag:s10], $0x800  }
0x57: {  	[sflag:s10] =	ssyncset.done $0x0  }
0x58: {  	[sflag:s10] =	ssyncadd.s32 $0xFFFFF800  }
0x59: {  	_ =	sfence.sel $0x180000  }
0x5a: {  	[bflag:$0x0] =	sbarrier.arrive $0xFFFF  }
0x5b: {  	p0 =	sne.s32 s1, $0x0;
	_ =	strace $0x9000004D  }
0x5c: {  	s0 =	sadd.s32 @!p0 $0x100000, s0;
	[bflag:$0x2] =	sbarrier.arrive $0xFFFF  }
0x5d: {  	[sflag:s0] =	ssyncadd.tile.s32 @!p0 $0x1;
	_ =	shalt  }
.Lfunc_end2:
_tile_overlayer_lowered:
.L_overlay_start_2:
0x5e: {  	(tag) =	ssettag $0x2  }
0x5f: {  	s0 =	rddreg [dreg:$0x0];
	s2 =	stileid.u32  }
0x60: {  	s1 =	rddreg [dreg:$0x1];
	p0 =	sne.s32 s2, $0x0  }
0x61: {  	s3 =	rddreg [dreg:$0x2];
	[bflag:$0x3] =	sbarrier.arrive $0xFFFF;
	s2 =	simm.s32 @!p0 $0x1C01  }
0x62: {  	[timem:s3], [sflag:s2] =	dma.local @!p0 [hbm:s0], s1  }
0x63: {  	s0 =	simm.s32 @!p0 $0x1  }
0x64: {  	_ =	swait.ge @!p0 [sflag:s0], s1  }
0x65: {  	s1 =	ssub.s32 @!p0 $0x0, s1;
	[sflag:s0] =	ssyncset.done @!p0 $0x0  }
0x66: {  	[sflag:s0] =	ssyncadd.s32 @!p0 s1  }
0x67: {  	[bflag:$0x3] =	sbarrier.arrive $0xFFFF  }
0x68: {  	_ =	shalt  }

// kernel: kernel.17.cloned.1.call-start
scs
__scs_entry_jumppad:
0x0: {  	(pc) =	sbr.rel $0x88, $3  }
0x1: {  	(tag) =	ssettag $0x0;
	lr =	simm.s32 $0x1  }
0x2: {  	[smem:$0x3F9C] =	sst lr;
	_ =	strace $0xD0000000  }
0x3: {  	_ = 	snop  }
0x4: {  	_ = 	snop  }
0x5: {  	_ = 	snop  }
0x6: {  	_ = 	snop  }
0x7: {  	_ = 	snop  }
__scs_overlays_trampoline_lowered:
0x8: {  	[smem:$0x3FAB] =	sst s0  }
0x9: {  	[smem:$0x3FAC] =	sst s1  }
0xa: {  	[smem:$0x3FAD] =	sst s2  }
0xb: {  	[smem:$0x3FAE] =	sst s3  }
0xc: {  	[smem:$0x3FAF] =	sst s4  }
0xd: {  	[smem:$0x3FB0] =	sst s5  }
0xe: {  	[smem:$0x3FB1] =	sst s6  }
0xf: {  	[smem:$0x3FB2] =	sst s7  }
0x10: {  	[smem:$0x3FB3] =	sst s8  }
0x11: {  	[smem:$0x3FB4] =	sst s9;
	s0 =	simm.s32 @!p0 $0x0  }
0x12: {  	s1 =	sld [smem:$0x3F9A];
	s0 =	simm.s32 @p0 $0x1  }
0x13: {  	[smem:$0x3FB5] =	sst s0;
	s0 =	simm.s32 @!p1 $0x0  }
0x14: {  	s2 =	sld [smem:$0x3F99];
	s0 =	simm.s32 @p1 $0x1  }
0x15: {  	[smem:$0x3FB6] =	sst s0;
	s0 =	simm.s32 @!p2 $0x0  }
0x16: {  	s3 =	sld [smem:$0x3FDB];
	s0 =	simm.s32 @p2 $0x1  }
0x17: {  	s4 =	simm.s32 $0x1BF5;
	[smem:$0x3FB8] =	sst s0  }
0x18: {  	s0 =	sld [smem:$0x3F9B];
	_ =	swait.ge [sflag:s4], $0x0  }
0x19: {  	s7 =	sld [smem:$0x3F9C]  }
0x1a: {  	s8 =	sadd.s32 $0xFFFFE003, lr  }
0x1b: {  	s9 =	sadd.s32 $0xFFFFFEF7, lr;
	s5 =	simm.s32 $0xFFFFFFFF;
	p2 =	slt.u32 s8, $0xFFFFF086  }
0x1c: {  	p1 =	slt.u32 s9, $0xF7A;
	s5 =	simm.s32 @!p2 $0x0  }
0x1d: {  	s5 =	simm.s32 @p1 $0x1;
	p0 =	seq.s32 s7, s2  }
0x1e: {  	s7 =	smul.u32 @!p0 $0xF7A, s2;
	p2 =	seq.s32 @!p0 s5, $0x0  }
0x1f: {  	s9 =	smul.u32 $0xF7A, s1;
	s8 =	simm.s32 @!p0 $0x1BF5;
	p2 =	por !p2, p0  }
0x20: {  	[sflag:s8] =	ssyncset.s32 @!p0 $0xFFFFF086;
	s6 =	sadd.s32 @!p0 s3, s7;
	s7 =	simm.s32 @!p0 $0x108  }
0x21: {  	s3 =	sadd.s32 s3, s9;
	s6 =	sadd.s32 @!p0 $0x88, s6;
	s7 =	simm.s32 @p2 $0x1082  }
0x22: {  	[simem:s7], [sflag:s8] =	dma.local @!p0 [hbm:s6], $0xF7A  }
0x23: {  	s9 =	sor.u32 $0xD0000000, s2;
	s6 =	simm.s32 $0x108;
	_ =	swait.ge @!p0 [sflag:s8], $0x0  }
0x24: {  	s3 =	sadd.s32 $0x88, s3;
	s6 =	simm.s32 @!p1 $0x1082;
	[sflag:s4] =	ssyncset.s32 $0xFFFFF086  }
0x25: {  	[simem:s6], [sflag:s4] =	dma.local [hbm:s3], $0xF7A  }
0x26: {  	[smem:$0x3F9C] =	sst s1;
	(tag) =	ssettag s2;
	_ =	strace s9  }
0x27: {  	s1 =	sld [smem:$0x3FAC]  }
0x28: {  	s2 =	sld [smem:$0x3FAD]  }
0x29: {  	s4 =	sld [smem:$0x3FAF]  }
0x2a: {  	p0 =	seq.s32 s5, $0x0;
	s5 =	sld [smem:$0x3FB0]  }
0x2b: {  	s6 =	sld [smem:$0x3FB1]  }
0x2c: {  	s7 =	sld [smem:$0x3FB2]  }
0x2d: {  	s3 =	simm.s32 $0x108;
	s8 =	sld [smem:$0x3FB3]  }
0x2e: {  	s3 =	simm.s32 @!p0 $0x1082;
	s9 =	sld [smem:$0x3FB4]  }
0x2f: {  	lr =	sadd.s32 s0, s3;
	s0 =	sld [smem:$0x3FAB]  }
0x30: {  	s3 =	sld [smem:$0x3FAE]  }
0x31: {  	[smem:$0x3FB7] =	sst s10  }
0x32: {  	s10 =	sld [smem:$0x3FB5];
	_ =	sdelay $0x3  }
0x33: {  	p0 =	seq.s32 s10, $0x1;
	s10 =	sld [smem:$0x3FB7];
	_ =	sdelay $0x3  }
0x34: {  	[smem:$0x3FB7] =	sst s10  }
0x35: {  	s10 =	sld [smem:$0x3FB6];
	_ =	sdelay $0x3  }
0x36: {  	p1 =	seq.s32 s10, $0x1;
	s10 =	sld [smem:$0x3FB7];
	_ =	sdelay $0x3  }
0x37: {  	[smem:$0x3FB7] =	sst s10  }
0x38: {  	s10 =	sld [smem:$0x3FB8]  }
0x39: {  	_ = 	snop;
	(pc) =	sbr.ind lr, $3  }
0x3a: {  	_ = 	snop  }
0x3b: {  	_ = 	snop  }
0x3c: {  	p2 =	seq.s32 s10, $0x1;
	s10 =	sld [smem:$0x3FB7]  }
0x3d: {  	_ =	shalt  }
0x3e: {  	_ =	shalt  }
0x3f: {  	_ =	shalt  }
0x40: {  	_ =	shalt  }
0x41: {  	_ =	shalt  }
0x42: {  	_ =	shalt  }
0x43: {  	_ =	shalt  }
0x44: {  	_ =	shalt  }
0x45: {  	_ =	shalt  }
0x46: {  	_ =	shalt  }
0x47: {  	_ =	shalt  }
0x48: {  	_ =	shalt  }
0x49: {  	_ =	shalt  }
0x4a: {  	_ =	shalt  }
0x4b: {  	_ =	shalt  }
0x4c: {  	_ =	shalt  }
0x4d: {  	_ =	shalt  }
0x4e: {  	_ =	shalt  }
0x4f: {  	_ =	shalt  }
0x50: {  	_ =	shalt  }
0x51: {  	_ =	shalt  }
0x52: {  	_ =	shalt  }
0x53: {  	_ =	shalt  }
0x54: {  	_ =	shalt  }
0x55: {  	_ =	shalt  }
0x56: {  	_ =	shalt  }
0x57: {  	_ =	shalt  }
0x58: {  	_ =	shalt  }
0x59: {  	_ =	shalt  }
0x5a: {  	_ =	shalt  }
0x5b: {  	_ =	shalt  }
0x5c: {  	_ =	shalt  }
0x5d: {  	_ =	shalt  }
0x5e: {  	_ =	shalt  }
0x5f: {  	_ =	shalt  }
0x60: {  	_ =	shalt  }
0x61: {  	_ =	shalt  }
0x62: {  	_ =	shalt  }
0x63: {  	_ =	shalt  }
0x64: {  	_ =	shalt  }
0x65: {  	_ =	shalt  }
0x66: {  	_ =	shalt  }
0x67: {  	_ =	shalt  }
0x68: {  	_ =	shalt  }
0x69: {  	_ =	shalt  }
0x6a: {  	_ =	shalt  }
0x6b: {  	_ =	shalt  }
0x6c: {  	_ =	shalt  }
0x6d: {  	_ =	shalt  }
0x6e: {  	_ =	shalt  }
0x6f: {  	_ =	shalt  }
0x70: {  	_ =	shalt  }
0x71: {  	_ =	shalt  }
0x72: {  	_ =	shalt  }
0x73: {  	_ =	shalt  }
0x74: {  	_ =	shalt  }
0x75: {  	_ =	shalt  }
0x76: {  	_ =	shalt  }
0x77: {  	_ =	shalt  }
0x78: {  	_ =	shalt  }
0x79: {  	_ =	shalt  }
0x7a: {  	_ =	shalt  }
0x7b: {  	_ =	shalt  }
0x7c: {  	_ =	shalt  }
0x7d: {  	_ =	shalt  }
0x7e: {  	_ =	shalt  }
0x7f: {  	_ =	shalt  }
0x80: {  	_ =	shalt  }
0x81: {  	_ =	shalt  }
0x82: {  	_ =	shalt  }
0x83: {  	_ =	shalt  }
0x84: {  	_ =	shalt  }
0x85: {  	_ =	shalt  }
0x86: {  	_ =	shalt  }
0x87: {  	_ =	shalt  }
.Lfunc_end0:
.L_simem_size_0:
called_computation.3_lowered:
.L_overlay_start_0:
0x88: {  	s2 =	sld [smem:$0x3FD9]  }
0x89: {  	s3 =	sld [smem:$0x3FFE];
	_ =	sdelay $0x1  }
0x8a: {  	s1 =	srdreg.scid  }
0x8b: {  	s0 =	sand.u32 $0x1, s1  }
0x8c: {  	s17 =	sshll.u32 s0, $0xA;
	s2 =	sadd.s32 s3, s2  }
0x8d: {  	s2 =	sadd.s32 s2, s17  }
0x8e: {  	[smem:$0x3FC3] =	sst s2  }
0x8f: {  	_ = 	snop  }
0x90: {  	s2 =	sld [smem:$0x3FD0];
	(tm) =	ssettm $0x1  }
0x91: {  	s18 =	sld [smem:$0x3FFB];
	_ =	sdelay $0x3  }
0x92: {  	_ =	strace s18  }
0x93: {  	s3 =	sld [smem:$0x3FFC];
	_ =	sdelay $0x3  }
0x94: {  	_ =	strace s3  }
0x95: {  	s3 =	sld [smem:$0x3FFD];
	_ =	sdelay $0x3  }
0x96: {  	_ =	strace s3  }
0x97: {  	_ =	strace $0x8FFFFFFF  }
0x98: {  	s19 =	sld [smem:$0x3FDB];
	_ =	sdelay $0x1  }
0x99: {  	s4 =	simm.s32 $_scs_section_size  }
0x9a: {  	s5 =	simm.s32 $_size__tile_overlayer_lowered;
	s6 =	simm.s32 $_tile_overlayer_lowered  }
0x9b: {  	s22 =	simm.s32 $0x1BFF;
	s21 =	sshll.u32 s6, $0x1;
	s3 =	sadd.s32 s4, s19  }
0x9c: {  	s7 =	simm.s32 $0x0;
	s20 =	sshll.u32 s5, $0x1;
	s5 =	sadd.s32 s21, s3  }
0x9d: {  	[timem:s7], [sflag:s22] =	dma.local [hbm:s5], s20  }
0x9e: {  	_ =	swait.ge [sflag:s22], s20  }
0x9f: {  	s4 =	ssub.s32 $0x0, s20;
	[sflag:s22] =	ssyncset.done $0x0  }
0xa0: {  	[sflag:s22] =	ssyncadd.s32 s4;
	_ =	sdelay $0x1  }
0xa1: {  	s23 =	simm.s32 $0x1B8B  }
0xa2: {  	_ =	swait.ge [sflag:s23], $0x1  }
0xa3: {  	[sflag:s23] =	ssyncset.done $0x0  }
0xa4: {  	s25 =	simm.s32 $0x1B8E;
	s24 =	sld [smem:$0x3FFE];
	[sflag:s23] =	ssyncadd.s32 $0xFFFFFFFF  }
0xa5: {  	s26 =	simm.s32 $execute0_lowered;
	[smem:$0x3FD2] =	sst s25  }
0xa6: {  	s5 =	sshll.u32 s26, $0x1;
	_ =	strace $0x8000004F;
	[dreg:$0x1] =	wrdreg $0xFFFFFFFF  }
0xa7: {  	s28 =	simm.s32 $_size_execute0_lowered;
	s3 =	sadd.s32 s3, s5;
	[dreg:$0x0] =	wrdreg $0x0  }
0xa8: {  	s5 =	sshll.u32 s28, $0x1;
	[dreg:$0x2] =	wrdreg s3  }
0xa9: {  	[dreg:$0x3] =	wrdreg s5  }
0xaa: {  	[dreg:$0x4] =	wrdreg $0xC0  }
0xab: {  	_ =	task [dreg:s7], $0x5FFFF  }
0xac: {  	[dreg:$0x1] =	wrdreg $0xFFFFFFFF  }
0xad: {  	[dreg:$0x0] =	wrdreg $0x60  }
0xae: {  	[dreg:$0x2] =	wrdreg s24  }
0xaf: {  	[dreg:$0x3] =	wrdreg s2  }
0xb0: {  	[dreg:$0x4] =	wrdreg $0x9  }
0xb1: {  	_ =	task.clear_ibuf [dreg:s7], $0x5FFFF;
	_ =	strace $0x9000004F  }
0xb2: {  	s29 =	simm.s32 $0x9;
	_ =	strace $0x80000051  }
0xb3: {  	_ =	swait.ge [sflag:s29], $0x1  }
0xb4: {  	[sflag:s29] =	ssyncadd.s32 $0xFFFFFFFF  }
0xb5: {  	_ =	strace $0x90000051  }
0xb6: {  	_ =	sfence  }
0xb7: {  	s30 =	sld [smem:$0x0];
	_ =	sdelay $0x2  }
0xb8: {  	s31 =	sshll.u32 s1, $0xD;
	s1 =	sshrl.u32 s1, $0x2  }
0xb9: {  	s3 =	sand.u32 $0x4000, s31;
	s1 =	sadd.s32 s1, s30  }
0xba: {  	s0 =	sor.u32 s3, s0;
	s1 =	sshll.u32 s1, $0x11  }
0xbb: {  	s0 =	sor.u32 s1, s0  }
0xbc: {  	s0 =	sadd.s32 $0x8F2B, s0  }
0xbd: {  	[sflag:s0] =	ssyncadd.remote.s32 $0x1  }
0xbe: {  	_ =	sfence.sel $0xFFFF  }
0xbf: {  	[dreg:$0x0] =	wrdreg $0xFFFFFFFF;
	(pc) =	sbr.abs _section_cstart, $3  }
0xc0: {  	[dreg:$0x1] =	wrdreg $0xFFFFFFFF  }
0xc1: {  	_ =	task.clear_ibuf [dreg:s7], $0x2FFFF;
	_ =	strace $0x9FFFFFFF  }
0xc2: {  	(tm) =	ssettm $0x7FFFFFFF  }
0xc3: {  	_ =	shalt  }
tec
execute0_lowered:
.L_overlay_start_1:
0x0: {  	(tag) =	ssettag $0x1  }
0x1: {  	s1 =	srdreg.scid  }
0x2: {  	s2 =	stileid.u32;
	s1 =	sand.u32 $0x1, s1  }
0x3: {  	s2 =	sshll.u32 s2, $0x1;
	s3 =	ssub.s32 $0x0, s1  }
0x4: {  	p0 =	sne.s32 s2, s3  }
.Ltmp0:
0x5: {  	_ = 	snop;
	(pc) =	sbr.rel @p0 .LBB2_23-.Ltmp0, $4  }
0x6: {  	_ = 	snop  }
0x7: {  	s4 =	simm.s32 $0x0  }
0x8: {  	[smem:$0x7FF] =	sst s4  }
0x9: {  	s0 =	rddreg [dreg:$0x0];
	_ =	strace $0x80000050  }
0xa: {  	s1 =	ssub.s32 $0x2, s1  }
0xb: {  	s4 =	sadd.s32 $0x782000, s0;
	s5 =	sadd.s32 $0x786200, s0;
	s3 =	sadd.s32 $0x786000, s0  }
0xc: {  	s29 =	sadd.s32 $0x786210, s0;
	s30 =	sadd.s32 $0x782010, s0;
	s12 =	simm.s32 $0x80  }
0xd: {  	s13 =	simm.s32 $0x400;
	s15 =	simm.s32 $0x1000;
	s16 =	simm.s32 $0x1  }
0xe: {  	s17 =	simm.s32 $0x2;
	s2 =	sshrl.u32 s1, $0x1;
	[dreg:$0x3] =	wrdreg s3  }
0xf: {  	s19 =	simm.s32 $0x2800;
	[dreg:$0x4] =	wrdreg s29;
	s1 =	ssub.s32 s1, s2  }
0x10: {  	v0 =	vimm.s32 $0x0;
	vm0 =	vcmask $0x308;
	s20 =	simm.s32 $0x3800;
	[dreg:$0x5] =	wrdreg s30;
	s31 =	smax.u32 s1, $0x1  }
0x11: {  	v1 =	vlaneseq.u32;
	vm1 =	vmmov $0x1;
	v2 =	vimm.s32 $0x1;
	s22 =	simm.s32 $0x0;
	s3 =	simm.s32 $0x3;
	[dreg:$0x6] =	wrdreg s31  }
.LBB2_2:
0x12: {  	s0 =	simm.s32 $0x0;
	s1 =	rddreg [dreg:$0x3];
	s2 =	simm.s32 $0x3900  }
0x13: {  	[tilespmem:s2], [sflag:$0x3] =	stream.linear.gather [hbm4b:s1+s0], $0x80, $0x38;
	[tilespmem:$0x3A00] =	vst v63  }
0x14: {  	_ =	swait.ge [sflag:s3], $0x80  }
0x15: {  	[sflag:s3] =	ssyncset.done $0x0  }
0x16: {  	[sflag:s3] =	ssyncadd.s32 $0xFFFFFF80  }
0x17: {  	s0 =	simm.s32 $0x40;
	s1 =	simm.s32 $0x0;
	v3 =	vld [tilespmem:$0x3900]  }
.LBB2_3:
0x18: {  	p0 =	sne.s32 s0, $0x1FC0;
	[tilespmem:s1+$0x0] =	vst v0;
	s1 =	smov.u32 s0;
	s0 =	sadd.s32 $0x40, s0  }
.Ltmp1:
0x19: {  	(pc) =	sbr.rel @p0 .LBB2_3-.Ltmp1, $2  }
0x1a: {  	_ =	sdelay $0x2  }
0x1b: {  	s1 =	sshra.s32 s1, $0x2  }
0x1c: {  	[tilespmem:s1+$0x0] =	vst v0;
	s0 =	simm.s32 $0x800  }
0x1d: {  	[tilespmem:s0], [sflag:$0x1] =	stream.strided.gather [hbm4b:s5+s12], $0x800, s13, s12, $0x38;
	[tilespmem:$0x3A00] =	vst v63  }
0x1e: {  	s31 =	rddreg [dreg:$0x4];
	s0 =	simm.s32 $0x0  }
0x1f: {  	[tilespmem:s15], [sflag:$0x2] =	stream.strided.gather [hbm4b:s31+s12], $0x800, s13, s12, $0x38;
	[tilespmem:$0x3A00] =	vst v63  }
.LBB2_5:
0x20: {  	_ =	swait.ge [sflag:s16], $0x800  }
0x21: {  	[sflag:s16] =	ssyncset.done $0x0  }
0x22: {  	s2 =	simm.s32 $0x0;
	[sflag:s16] =	ssyncadd.s32 $0xFFFFF800  }
0x23: {  	v10 =	vld [tilespmem:s2+$0x800]  }
0x24: {  	v9 =	vld [tilespmem:s2+$0x810]  }
0x25: {  	v5 =	vld [tilespmem:s2+$0x820]  }
0x26: {  	v4 =	vld [tilespmem:s2+$0x830]  }
0x27: {  	v8 =	vld [tilespmem:s2+$0x0]  }
0x28: {  	v7 =	vld [tilespmem:s2+$0x10]  }
0x29: {  	s1 =	simm.s32 $0x100;
	v6 =	vld [tilespmem:s2+$0x20]  }
.LBB2_6:
0x2a: {  	s3 =	sshra.s32 s1, $0x2;
	p0 =	sne.s32 s1, $0x1F00;
	v11 =	vld [tilespmem:s2+$0x30];
	v12 =	vmov v5  }
0x2b: {  	v13 =	vld [tilespmem:s3+$0x800];
	v14 =	vmov v4  }
0x2c: {  	v15 =	vld [tilespmem:s3+$0x810];
	v4 =	vadd.s32 v8, v10  }
.Ltmp2:
0x2d: {  	v5 =	vld [tilespmem:s3+$0x820];
	[tilespmem:s2+$0x0] =	vst v4;
	v7 =	vadd.s32 v7, v9;
	(pc) =	sbr.rel @p0 .LBB2_6-.Ltmp2, $4  }
0x2e: {  	v4 =	vld [tilespmem:s3+$0x830];
	[tilespmem:s2+$0x10] =	vst v7;
	v6 =	vadd.s32 v6, v12  }
0x2f: {  	v8 =	vld [tilespmem:s3+$0x0];
	[tilespmem:s2+$0x20] =	vst v6;
	v6 =	vadd.s32 v11, v14  }
0x30: {  	v7 =	vld [tilespmem:s3+$0x10];
	[tilespmem:s2+$0x30] =	vst v6;
	v10 =	vmov v13;
	s2 =	smov.u32 s3  }
0x31: {  	s1 =	sadd.s32 $0x100, s1;
	v6 =	vld [tilespmem:s2+$0x20];
	v9 =	vmov v15  }
0x32: {  	v11 =	vld [tilespmem:s2+$0x30]  }
0x33: {  	s1 =	sshll.u32 s0, $0x1;
	p0 =	seq.s32 s0, $0xF  }
0x34: {  	s3 =	sadd.s32 @!p0 $0x2, s1;
	v8 =	vadd.s32 v8, v10  }
0x35: {  	s6 =	sshll.u32 @!p0 s3, $0x4;
	[tilespmem:s2+$0x0] =	vst v8;
	v7 =	vadd.s32 v7, v9  }
0x36: {  	s3 =	sshll.u32 @!p0 s3, $0x8;
	s6 =	sand.u32 @!p0 $0x60, s6;
	[tilespmem:s2+$0x10] =	vst v7;
	v5 =	vadd.s32 v6, v5  }
0x37: {  	s7 =	simm.s32 @!p0 $0x800;
	s3 =	sand.u32 @!p0 $0x3800, s3;
	s6 =	sadd.s32 @!p0 s5, s6;
	[tilespmem:s2+$0x20] =	vst v5;
	v4 =	vadd.s32 v11, v4  }
0x38: {  	s3 =	sadd.s32 @!p0 s3, s6;
	s6 =	simm.s32 @!p0 $0x400;
	[tilespmem:s2+$0x30] =	vst v4;
	s2 =	simm.s32 @!p0 $0x80  }
0x39: {  	[tilespmem:s7], [sflag:$0x1] =	stream.strided.gather @!p0 [hbm4b:s3+s2], $0x800, s6, s2, $0x38;
	[tilespmem:$0x3A00] =	vst v63  }
0x3a: {  	_ =	swait.ge [sflag:s17], $0x800  }
0x3b: {  	[sflag:s17] =	ssyncset.done $0x0  }
0x3c: {  	s2 =	simm.s32 $0x0;
	[sflag:s17] =	ssyncadd.s32 $0xFFFFF800  }
0x3d: {  	v9 =	vld [tilespmem:s2+$0x1000]  }
0x3e: {  	v10 =	vld [tilespmem:s2+$0x1010]  }
0x3f: {  	v4 =	vld [tilespmem:s2+$0x1020]  }
0x40: {  	v5 =	vld [tilespmem:s2+$0x1030]  }
0x41: {  	v8 =	vld [tilespmem:s2+$0x0]  }
0x42: {  	v6 =	vld [tilespmem:s2+$0x10]  }
0x43: {  	s3 =	simm.s32 $0x100;
	v7 =	vld [tilespmem:s2+$0x20]  }
.LBB2_8:
0x44: {  	s6 =	sshra.s32 s3, $0x2;
	p1 =	sne.s32 s3, $0x1F00;
	v11 =	vld [tilespmem:s2+$0x30];
	v12 =	vmov v4  }
0x45: {  	v13 =	vld [tilespmem:s6+$0x1000];
	v14 =	vmov v5  }
0x46: {  	v15 =	vld [tilespmem:s6+$0x1010];
	v5 =	vadd.s32 v8, v9  }
.Ltmp3:
0x47: {  	v4 =	vld [tilespmem:s6+$0x1020];
	[tilespmem:s2+$0x0] =	vst v5;
	v6 =	vadd.s32 v6, v10;
	(pc) =	sbr.rel @p1 .LBB2_8-.Ltmp3, $4  }
0x48: {  	v5 =	vld [tilespmem:s6+$0x1030];
	[tilespmem:s2+$0x10] =	vst v6;
	v6 =	vadd.s32 v7, v12  }
0x49: {  	v8 =	vld [tilespmem:s6+$0x0];
	[tilespmem:s2+$0x20] =	vst v6;
	v7 =	vadd.s32 v11, v14  }
0x4a: {  	v6 =	vld [tilespmem:s6+$0x10];
	[tilespmem:s2+$0x30] =	vst v7;
	v9 =	vmov v13;
	s2 =	smov.u32 s6  }
0x4b: {  	s3 =	sadd.s32 $0x100, s3;
	v7 =	vld [tilespmem:s2+$0x20];
	v10 =	vmov v15  }
0x4c: {  	v11 =	vld [tilespmem:s2+$0x30];
	_ =	sdelay $0x1  }
.Ltmp4:
0x4d: {  	v8 =	vadd.s32 v8, v9;
	(pc) =	sbr.rel @p0 .LBB2_11-.Ltmp4, $4  }
0x4e: {  	[tilespmem:s2+$0x0] =	vst v8;
	v6 =	vadd.s32 v6, v10  }
0x4f: {  	[tilespmem:s2+$0x10] =	vst v6;
	v4 =	vadd.s32 v7, v4  }
0x50: {  	[tilespmem:s2+$0x20] =	vst v4;
	v4 =	vadd.s32 v11, v5  }
0x51: {  	[tilespmem:s2+$0x30] =	vst v4  }
0x52: {  	s1 =	sadd.s32 $0x3, s1  }
.Ltmp5:
0x53: {  	s2 =	sshll.u32 s1, $0x4;
	(pc) =	sbr.rel .LBB2_5-.Ltmp5, $4  }
0x54: {  	s1 =	sshll.u32 s1, $0x8;
	s2 =	sand.u32 $0x70, s2  }
0x55: {  	s1 =	sand.u32 $0x3800, s1;
	s2 =	sadd.s32 s5, s2  }
0x56: {  	s0 =	sadd.s32 $0x1, s0;
	s1 =	sadd.s32 s1, s2  }
0x57: {  	[tilespmem:s15], [sflag:$0x2] =	stream.strided.gather [hbm4b:s1+s12], $0x800, s13, s12, $0x38;
	[tilespmem:$0x3A00] =	vst v63  }
.LBB2_11:
0x58: {  	v4 =	vsel vm0, $0x0, v3  }
0x59: {  	(xrf0) =	vadd.scan.msk.s32 $0xffff, v4;
	_ =	sdelay $0x1  }
0x5a: {  	s29 =	simm.s32 $0x7F0  }
0x5b: {  	v5 =	vld [tilespmem:s29+$0x0];
	_ =	sdelay $0x2  }
0x5c: {  	v4, _, _ =	vpop (xrf0)  }
0x5d: {  	s30 =	simm.s32 $0x7E0;
	(v2sf) =	vpush v4, $0xF  }
0x5e: {  	v7 =	vld [tilespmem:s30+$0x0];
	(xrf0) =	vadd.scan.msk.s32 $0xffff, v5;
	_ =	sdelay $0x4  }
0x5f: {  	s28 =	simm.s32 $0x7D0;
	(xrf0) =	vadd.scan.msk.s32 $0xffff, v7  }
0x60: {  	v8 =	vld [tilespmem:s28+$0x0];
	v6, _, _ =	vpop (xrf0)  }
0x61: {  	(v2sf) =	vpush v6, $0xF;
	_ =	sdelay $0x2  }
0x62: {  	v9 =	vbroadcast v6, $0xF  }
0x63: {  	(xrf0) =	vadd.scan.msk.s32 $0xffff, v8;
	v10, _, _ =	vpop (xrf0)  }
0x64: {  	s25 =	simm.s32 $0x0;
	(v2sf) =	vpush v10, $0xF;
	v6 =	vsub.s32 v9, v6  }
0x65: {  	s26 =	simm.s32 $0x7C0;
	v6 =	vadd.s32 s25, v6  }
0x66: {  	v9 =	vld [tilespmem:s26+$0x0];
	v5 =	vadd.s32 v5, v6;
	s0 =	spop (v2sf)  }
0x67: {  	s0 =	ssub.s32 $0x20000, s0  }
0x68: {  	v4 =	vmov s0  }
0x69: {  	vm2 =	vlt.s32 v6, v4;
	vm3 =	vge.s32 v5, v4;
	v5, _, _ =	vpop (xrf0)  }
0x6a: {  	vm2 =	vmand vm2, vm3;
	(v2sf) =	vpush v5, $0xF  }
0x6b: {  	(xrf0) =	vadd.scan.msk.s32 $0xffff, v9;
	v11 =	vsel vm2, $0x1, v0  }
0x6c: {  	v6 =	vnsel vm2, $0x0, v6;
	(xrf0) =	vadd.scan.msk.s32 $0xffff, v11  }
0x6d: {  	(xrf0) =	vadd.scan.msk.s32 $0xffff, v6;
	v6 =	vbroadcast v10, $0xF  }
0x6e: {  	s24 =	spop (v2sf)  }
0x6f: {  	s31 =	simm.s32 $0x7B0;
	s1 =	sadd.s32 $0x0, s24;
	v10 =	vsub.s32 v6, v10  }
0x70: {  	v6 =	vld [tilespmem:s31+$0x0];
	v10 =	vadd.s32 s1, v10  }
0x71: {  	v11, _, _ =	vpop (xrf0);
	v7 =	vadd.s32 v7, v10  }
0x72: {  	v13 =	vbroadcast v5, $0xF;
	v56 =	vnsel vm2, $0x0, v1;
	(v2sf) =	vpush v11, $0xF;
	v12, _, _ =	vpop (xrf0)  }
0x73: {  	[dreg:$0x7] =	wrdreg s0;
	s0 =	simm.s32 $0x7A0;
	s2 =	spop (v2sf);
	vm2 =	vlt.s32 v10, v4;
	vm3 =	vge.s32 v7, v4;
	(v2sf) =	vpush v12, $0xF  }
0x74: {  	v13 =	vsub.s32 v13, v5;
	v5 =	vld [tilespmem:s0+$0x0];
	s2 =	sadd.s32 s1, s2;
	vm2 =	vmand vm2, vm3;
	v7, _, _ =	vpop (xrf0);
	(xrf0) =	vadd.scan.msk.s32 $0xffff, v56  }
0x75: {  	v57 =	vadd.s32 s2, v13;
	(v2sf) =	vpush v7, $0xF;
	(xrf0) =	vadd.scan.msk.s32 $0xffff, v6;
	v7 =	vsel vm2, $0x1, v0  }
0x76: {  	v10 =	vnsel vm2, $0x0, v10;
	(xrf0) =	vadd.scan.msk.s32 $0xffff, v7;
	v7 =	vadd.s32 v8, v57  }
0x77: {  	v8 =	vnsel vm2, $0x0, v1;
	vm2 =	vlt.s32 v57, v4;
	(xrf0) =	vadd.scan.msk.s32 $0xffff, v10;
	vm3 =	vge.s32 v7, v4  }
0x78: {  	v7 =	vbroadcast v11, $0xF;
	(xrf0) =	vadd.scan.msk.s32 $0xffff, v8;
	vm2 =	vmand vm2, vm3  }
0x79: {  	(xrf0) =	vadd.scan.msk.s32 $0xffff, v5;
	v8 =	vsel vm2, $0x1, v0;
	s3 =	spop (v2sf)  }
0x7a: {  	v12 =	vnsel vm2, $0x0, v57;
	v7 =	vsub.s32 v7, v11;
	v11 =	vnsel vm2, $0x0, v1;
	v10, _, _ =	vpop (xrf0);
	(xrf0) =	vadd.scan.msk.s32 $0xffff, v8;
	s3 =	sadd.s32 s2, s3  }
0x7b: {  	(v2sf) =	vpush v10, $0xF;
	v10, _, _ =	vpop (xrf0);
	(xrf0) =	vadd.scan.msk.s32 $0xffff, v12;
	v7 =	vadd.s32 s3, v7  }
0x7c: {  	(v2sf) =	vpush v10, $0xF;
	v58, _, _ =	vpop (xrf0);
	(xrf0) =	vadd.scan.msk.s32 $0xffff, v11;
	v9 =	vadd.s32 v9, v7  }
0x7d: {  	v11, _, _ =	vpop (xrf0);
	(v2sf) =	vpush v58, $0xF  }
0x7e: {  	v59, _, _ =	vpop (xrf0);
	(v2sf) =	vpush v11, $0xF  }
0x7f: {  	vm3 =	vge.s32 v9, v4;
	(v2sf) =	vpush v59, $0xF;
	v9, _, _ =	vpop (xrf0)  }
0x80: {  	(v2sf) =	vpush v9, $0xF;
	v61, _, _ =	vpop (xrf0)  }
0x81: {  	s1 =	simm.s32 $0x790;
	s7 =	spop (v2sf);
	(v2sf) =	vpush v61, $0xF;
	v62, _, _ =	vpop (xrf0)  }
0x82: {  	v8 =	vld [tilespmem:s1+$0x0];
	s8 =	spop (v2sf);
	v63, _, _ =	vpop (xrf0);
	(v2sf) =	vpush v62, $0xF  }
0x83: {  	(v2sf) =	vpush v63, $0xF;
	_ =	sdelay $0x1  }
0x84: {  	vm2 =	vlt.s32 v7, v4  }
0x85: {  	vm2 =	vmand vm2, vm3  }
0x86: {  	v11 =	vbroadcast v10, $0xF;
	(xrf0) =	vadd.scan.msk.s32 $0xffff, v8;
	v60 =	vsel vm2, $0x1, v0  }
0x87: {  	s6 =	simm.s32 $0x770;
	v7 =	vnsel vm2, $0x0, v7;
	v14 =	vbroadcast v9, $0xF;
	(xrf0) =	vadd.scan.msk.s32 $0xffff, v60  }
0x88: {  	s23 =	simm.s32 $0x0;
	s2 =	simm.s32 $0x780;
	s3 =	sadd.s32 s3, s7;
	v10 =	vsub.s32 v11, v10;
	v11 =	vnsel vm2, $0x0, v1;
	(xrf0) =	vadd.scan.msk.s32 $0xffff, v7  }
0x89: {  	s10 =	simm.s32 $0x780;
	v7 =	vld [tilespmem:s2+$0x0];
	v10 =	vadd.s32 s3, v10;
	v9 =	vsub.s32 v14, v9;
	(xrf0) =	vadd.scan.msk.s32 $0xffff, v11;
	p0 =	sgt.s32 s8, $0x0;
	s14 =	spop (v2sf)  }
.LBB2_12:
0x8a: {  	p1 =	sne.s32 s6, $0x0  }
0x8b: {  	v12 =	vadd.s32 v6, v10;
	s25 =	smov.u32 @p0 s14;
	s7 =	spop (v2sf);
	v6 =	vmov v5;
	v5 =	vmov v8;
	s8 =	smov.u32 s6  }
0x8c: {  	s6 =	sadd.s32 $0xFFFFFFF0, s6;
	vm2 =	vlt.s32 v10, v4;
	vm3 =	vge.s32 v12, v4;
	s7 =	sadd.s32 s29, s7;
	s29 =	smov.u32 s30  }
.Ltmp6:
0x8d: {  	s30 =	smov.u32 s28;
	v11, _, _ =	vpop (xrf0);
	vm2 =	vmand vm2, vm3;
	s23 =	smov.u32 @p0 s7;
	(pc) =	sbr.rel @p1 .LBB2_12-.Ltmp6, $4  }
0x8e: {  	s28 =	smov.u32 s26;
	s26 =	smov.u32 s31;
	s31 =	smov.u32 s0;
	(xrf0) =	vadd.scan.msk.s32 $0xffff, v7;
	(v2sf) =	vpush v11, $0xF;
	v15 =	vsel vm2, $0x1, v0;
	v12 =	vnsel vm2, $0x0, v1;
	v13, _, _ =	vpop (xrf0)  }
0x8f: {  	s2 =	sadd.s32 $0xFFFFFFF0, s2;
	s0 =	smov.u32 s1;
	v14 =	vbroadcast v11, $0xF;
	v10 =	vnsel vm2, $0x0, v10;
	s7 =	spop (v2sf);
	(xrf0) =	vadd.scan.msk.s32 $0xffff, v15;
	(v2sf) =	vpush v13, $0xF;
	v8, _, _ =	vpop (xrf0)  }
0x90: {  	s1 =	smov.u32 s10;
	s3 =	sadd.s32 s3, s7;
	(xrf0) =	vadd.scan.msk.s32 $0xffff, v10;
	v13, _, _ =	vpop (xrf0);
	(v2sf) =	vpush v8, $0xF;
	s7 =	spop (v2sf);
	v8 =	vmov v7;
	v7 =	vld [tilespmem:s2+$0x0]  }
0x91: {  	s10 =	smov.u32 s8;
	v10 =	vadd.s32 s3, v9;
	v9 =	vsub.s32 v14, v11;
	(xrf0) =	vadd.scan.msk.s32 $0xffff, v12;
	(v2sf) =	vpush v13, $0xF;
	p0 =	sgt.s32 s7, $0x0;
	s14 =	spop (v2sf)  }
0x92: {  	_ =	sdelay $0x1  }
0x93: {  	v11, _, _ =	vpop (xrf0)  }
0x94: {  	(v2sf) =	vpush v11, $0xF;
	_ =	sdelay $0x5  }
0x95: {  	s2 =	spop (v2sf);
	v6 =	vadd.s32 v6, v10  }
0x96: {  	vm2 =	vlt.s32 v10, v4;
	s6 =	spop (v2sf);
	vm3 =	vge.s32 v6, v4;
	(xrf0) =	vadd.scan.msk.s32 $0xffff, v7  }
0x97: {  	s21 =	spop (v2sf);
	vm2 =	vmand vm2, vm3;
	s7 =	sadd.s32 s3, s6  }
0x98: {  	s18 =	spop (v2sf);
	v6 =	vsel vm2, $0x1, v0;
	v9 =	vadd.s32 s7, v9  }
0x99: {  	v12 =	vnsel vm2, $0x0, v1;
	v13, _, _ =	vpop (xrf0);
	v14 =	vbroadcast v11, $0xF;
	s3 =	spop (v2sf);
	v5 =	vadd.s32 v5, v9  }
0x9a: {  	v56 =	vnsel vm2, $0x0, v10;
	(v2sf) =	vpush v13, $0xF;
	v57, _, _ =	vpop (xrf0);
	vm2 =	vlt.s32 v9, v4;
	s8 =	spop (v2sf)  }
0x9b: {  	(v2sf) =	vpush v57, $0xF;
	v58, _, _ =	vpop (xrf0);
	v11 =	vsub.s32 v14, v11;
	vm3 =	vge.s32 v5, v4;
	s6 =	spop (v2sf);
	s9 =	sadd.s32 s7, s8  }
0x9c: {  	(xrf0) =	vadd.scan.msk.s32 $0xffff, v6;
	(v2sf) =	vpush v58, $0xF;
	vm2 =	vmand vm2, vm3;
	v5, _, _ =	vpop (xrf0);
	s7 =	spop (v2sf);
	v59 =	vadd.s32 s9, v11  }
0x9d: {  	(xrf0) =	vadd.scan.msk.s32 $0xffff, v56;
	v60 =	vsel vm2, $0x1, v0;
	v6 =	vbroadcast v5, $0xF;
	s8 =	spop (v2sf);
	v8 =	vadd.s32 v8, v59  }
0x9e: {  	(xrf0) =	vadd.scan.msk.s32 $0xffff, v12;
	v9 =	vnsel vm2, $0x0, v9;
	vm3 =	vlt.s32 v59, v4;
	vm4 =	vge.s32 v8, v4;
	s11 =	spop (v2sf)  }
0x9f: {  	v61 =	vnsel vm2, $0x0, v1;
	(xrf0) =	vadd.scan.msk.s32 $0xffff, v60;
	v6 =	vsub.s32 v6, v5;
	vm2 =	vmand vm3, vm4;
	s9 =	sadd.s32 s9, s11  }
0xa0: {  	(xrf0) =	vadd.scan.msk.s32 $0xffff, v9;
	(v2sf) =	vpush v5, $0xF;
	v5 =	vsel vm2, $0x1, v0;
	v6 =	vadd.s32 s9, v6  }
0xa1: {  	(xrf0) =	vadd.scan.msk.s32 $0xffff, v61;
	v7 =	vadd.s32 v7, v6  }
0xa2: {  	v62, _, _ =	vpop (xrf0);
	v63 =	vnsel vm2, $0x0, v59;
	(xrf0) =	vadd.scan.msk.s32 $0xffff, v5;
	vm3 =	vlt.s32 v6, v4;
	vm15 =	vge.s32 v7, v4  }
0xa3: {  	(v2sf) =	vpush v62, $0xF;
	v5, _, _ =	vpop (xrf0);
	(xrf0) =	vadd.scan.msk.s32 $0xffff, v63;
	v4 =	vnsel vm2, $0x0, v1;
	vm2 =	vmand vm3, vm15  }
0xa4: {  	(v2sf) =	vpush v5, $0xF;
	v7, _, _ =	vpop (xrf0);
	(xrf0) =	vadd.scan.msk.s32 $0xffff, v4;
	v4 =	vsel vm2, $0x1, v0  }
0xa5: {  	v6 =	vnsel vm2, $0x0, v6;
	(v2sf) =	vpush v7, $0xF;
	v5, _, _ =	vpop (xrf0)  }
0xa6: {  	[tilespmem:$0x3800] =	vst v0;
	(v2sf) =	vpush v5, $0xF  }
0xa7: {  	[tilespmem:$0x3810] =	vst v0;
	(xrf0) =	vadd.scan.msk.s32 $0xffff, v4;
	v4, _, _ =	vpop (xrf0)  }
0xa8: {  	[tilespmem:$0x3820] =	vst v0;
	v5 =	vnsel vm2, $0x0, v1;
	(xrf0) =	vadd.scan.msk.s32 $0xffff, v6;
	v6, _, _ =	vpop (xrf0);
	(v2sf) =	vpush v4, $0xF  }
0xa9: {  	[tilespmem:$0x3830] =	vst v0;
	(xrf0) =	vadd.scan.msk.s32 $0xffff, v5;
	(v2sf) =	vpush v6, $0xF  }
0xaa: {  	[tilespmem:$0x3840] =	vst v0;
	v4, _, _ =	vpop (xrf0)  }
0xab: {  	[tilespmem:$0x3850] =	vst v0;
	v5, _, _ =	vpop (xrf0);
	(v2sf) =	vpush v4, $0xF  }
0xac: {  	[tilespmem:$0x3860] =	vst v0;
	v4, _, _ =	vpop (xrf0);
	(v2sf) =	vpush v5, $0xF  }
0xad: {  	[tilespmem:$0x3870] =	vst v0;
	(v2sf) =	vpush v4, $0xF;
	v4, _, _ =	vpop (xrf0)  }
0xae: {  	[tilespmem:$0x3880] =	vst v0;
	s9 =	spop (v2sf);
	(v2sf) =	vpush v4, $0xF;
	v4, _, _ =	vpop (xrf0)  }
0xaf: {  	[tilespmem:$0x3890] =	vst v0;
	s11 =	spop (v2sf);
	v5, _, _ =	vpop (xrf0);
	(v2sf) =	vpush v4, $0xF  }
0xb0: {  	[tilespmem:$0x38A0] =	vst v0;
	s2 =	sadd.s32 s29, s2;
	s24 =	spop (v2sf);
	(v2sf) =	vpush v5, $0xF  }
0xb1: {  	s25 =	smov.u32 @p0 s14;
	[tilespmem:$0x38B0] =	vst v0;
	s23 =	smov.u32 @p0 s2;
	s29 =	spop (v2sf)  }
0xb2: {  	[tilespmem:$0x38C0] =	vst v0;
	p0 =	sgt.s32 s21, $0x0;
	s3 =	sadd.s32 s30, s3;
	s29 =	spop (v2sf)  }
0xb3: {  	[tilespmem:$0x38D0] =	vst v0;
	s25 =	smov.u32 @p0 s18;
	s23 =	smov.u32 @p0 s3;
	s14 =	spop (v2sf)  }
0xb4: {  	[tilespmem:$0x38E0] =	vst v0;
	p0 =	sgt.s32 s6, $0x0;
	s6 =	sadd.s32 s28, s8;
	s30 =	spop (v2sf)  }
0xb5: {  	[tilespmem:$0x38F0] =	vst v0;
	s18 =	spop (v2sf);
	s3 =	sadd.s32 s31, s30;
	s30 =	simm.s32 $0x1800  }
0xb6: {  	[tilespmem:s30], [sflag:$0x1] =	stream.strided.gather [hbm4b:s4+s12], $0x1000, s13, s12, $0x38;
	[tilespmem:$0x3A00] =	vst v63  }
0xb7: {  	s25 =	smov.u32 @p0 s7;
	s23 =	smov.u32 @p0 s6;
	s6 =	spop (v2sf)  }
0xb8: {  	p0 =	sgt.s32 s9, $0x0;
	s31 =	rddreg [dreg:$0x5];
	s21 =	spop (v2sf)  }
0xb9: {  	[tilespmem:s19], [sflag:$0x2] =	stream.strided.gather [hbm4b:s31+s12], $0x1000, s13, s12, $0x38;
	[tilespmem:$0x3A00] =	vst v63  }
0xba: {  	v3 =	vnsel vm1, $0x0, v3;
	s25 =	smov.u32 @p0 s11;
	s8 =	sadd.s32 s26, s24;
	s24 =	spop (v2sf)  }
0xbb: {  	s23 =	smov.u32 @p0 s8;
	p0 =	sgt.s32 s29, $0x0;
	(xrf0) =	vadd.scan.msk.s32 $0xffff, v3;
	s8 =	spop (v2sf)  }
0xbc: {  	s25 =	smov.u32 @p0 s14;
	s23 =	smov.u32 @p0 s3;
	s26 =	spop (v2sf)  }
0xbd: {  	p0 =	sgt.s32 s18, $0x0;
	s0 =	sadd.s32 s0, s21;
	s28 =	spop (v2sf)  }
0xbe: {  	s25 =	smov.u32 @p0 s6;
	s23 =	smov.u32 @p0 s0;
	s0 =	spop (v2sf)  }
0xbf: {  	p0 =	sgt.s32 s24, $0x0;
	s1 =	sadd.s32 s1, s26;
	s29 =	spop (v2sf)  }
0xc0: {  	s23 =	smov.u32 @p0 s1;
	p1 =	sgt.s32 s28, $0x0;
	s1 =	sadd.s32 s10, s29  }
0xc1: {  	v3, _, _ =	vpop (xrf0);
	s25 =	smov.u32 @p0 s8;
	s23 =	smov.u32 @p1 s1  }
0xc2: {  	v4 =	vbroadcast v3, $0xF;
	s25 =	smov.u32 @p1 s0;
	s0 =	simm.s32 $0x0;
	v5 =	vmov s23  }
.LBB2_14:
0xc3: {  	_ =	swait.ge [sflag:s16], $0x1000  }
0xc4: {  	[sflag:s16] =	ssyncset.done $0x0  }
0xc5: {  	s1 =	simm.s32 $0x0;
	[sflag:s16] =	ssyncadd.s32 $0xFFFFF000  }
.LBB2_15:
0xc6: {  	s2 =	sshra.s32 s1, $0x2  }
0xc7: {  	v6 =	vld [tilespmem:s2+$0x1800];
	_ =	sdelay $0x4  }
0xc8: {  	v7 =	vshrl.u32 v6, $0x8  }
0xc9: {  	v8 =	vshra.s32 v6, $0x13;
	v7 =	vand.u32 $0x7FF, v7  }
0xca: {  	vm2 =	veq.s32 v8, v4;
	vm3 =	veq.s32 v7, v5  }
0xcb: {  	vm2 =	vmand vm2, vm3  }
0xcc: {  	v6 =	vand.u32 $0xFF, v6;
	_ =	sdelay $0x4  }
0xcd: {  	[tilespmem:v6+s20+$0x0] =	vst.idx.add.s32.msk vm2, v2  }
0xce: {  	v6 =	vld [tilespmem:s2+$0x1810];
	_ =	sdelay $0x4  }
0xcf: {  	v7 =	vshrl.u32 v6, $0x8  }
0xd0: {  	v61 =	vshra.s32 v6, $0x13;
	v7 =	vand.u32 $0x7FF, v7  }
0xd1: {  	vm2 =	veq.s32 v61, v4;
	vm3 =	veq.s32 v7, v5  }
0xd2: {  	vm2 =	vmand vm2, vm3  }
0xd3: {  	v6 =	vand.u32 $0xFF, v6;
	_ =	sdelay $0x4  }
0xd4: {  	[tilespmem:v6+s20+$0x0] =	vst.idx.add.s32.msk vm2, v2  }
0xd5: {  	v6 =	vld [tilespmem:s2+$0x1820];
	_ =	sdelay $0x4  }
0xd6: {  	v7 =	vshrl.u32 v6, $0x8  }
0xd7: {  	v62 =	vshra.s32 v6, $0x13;
	v7 =	vand.u32 $0x7FF, v7  }
0xd8: {  	vm2 =	veq.s32 v62, v4;
	vm3 =	veq.s32 v7, v5  }
0xd9: {  	vm2 =	vmand vm2, vm3  }
0xda: {  	v6 =	vand.u32 $0xFF, v6;
	_ =	sdelay $0x4  }
0xdb: {  	[tilespmem:v6+s20+$0x0] =	vst.idx.add.s32.msk vm2, v2  }
0xdc: {  	v6 =	vld [tilespmem:s2+$0x1830];
	_ =	sdelay $0x4  }
0xdd: {  	v7 =	vshrl.u32 v6, $0x8  }
0xde: {  	v63 =	vshra.s32 v6, $0x13;
	v7 =	vand.u32 $0x7FF, v7  }
0xdf: {  	vm2 =	veq.s32 v63, v4;
	vm3 =	veq.s32 v7, v5  }
0xe0: {  	vm2 =	vmand vm2, vm3  }
0xe1: {  	p0 =	sne.s32 s1, $0x3F00;
	v6 =	vand.u32 $0xFF, v6  }
.Ltmp7:
0xe2: {  	_ = 	snop;
	(pc) =	sbr.rel @p0 .LBB2_15-.Ltmp7, $2  }
0xe3: {  	_ =	sdelay $0x2  }
0xe4: {  	s1 =	sadd.s32 $0x100, s1;
	[tilespmem:v6+s20+$0x0] =	vst.idx.add.s32.msk vm2, v2  }
0xe5: {  	s1 =	sshll.u32 s0, $0x1;
	p0 =	seq.s32 s0, $0xF  }
0xe6: {  	s2 =	sadd.s32 @!p0 $0x2, s1  }
0xe7: {  	s3 =	sshll.u32 @!p0 s2, $0x4  }
0xe8: {  	s2 =	sshll.u32 @!p0 s2, $0x9;
	s3 =	sand.u32 @!p0 $0x60, s3  }
0xe9: {  	s6 =	simm.s32 @!p0 $0x400;
	s2 =	sand.u32 @!p0 $0x7000, s2;
	s3 =	sadd.s32 @!p0 s4, s3  }
0xea: {  	s7 =	simm.s32 @!p0 $0x1800;
	s2 =	sadd.s32 @!p0 s2, s3;
	s3 =	simm.s32 @!p0 $0x80  }
0xeb: {  	[tilespmem:s7], [sflag:$0x1] =	stream.strided.gather @!p0 [hbm4b:s2+s3], $0x1000, s6, s3, $0x38;
	[tilespmem:$0x3A00] =	vst v63  }
0xec: {  	_ =	swait.ge [sflag:s17], $0x1000  }
0xed: {  	[sflag:s17] =	ssyncset.done $0x0  }
0xee: {  	s2 =	simm.s32 $0x0;
	[sflag:s17] =	ssyncadd.s32 $0xFFFFF000  }
.LBB2_17:
0xef: {  	s3 =	sshra.s32 s2, $0x2  }
0xf0: {  	v6 =	vld [tilespmem:s3+$0x2800];
	_ =	sdelay $0x4  }
0xf1: {  	v7 =	vshrl.u32 v6, $0x8  }
0xf2: {  	v8 =	vshra.s32 v6, $0x13;
	v7 =	vand.u32 $0x7FF, v7  }
0xf3: {  	vm2 =	veq.s32 v8, v4;
	vm3 =	veq.s32 v7, v5  }
0xf4: {  	vm2 =	vmand vm2, vm3  }
0xf5: {  	v6 =	vand.u32 $0xFF, v6;
	_ =	sdelay $0x4  }
0xf6: {  	[tilespmem:v6+s20+$0x0] =	vst.idx.add.s32.msk vm2, v2  }
0xf7: {  	v6 =	vld [tilespmem:s3+$0x2810];
	_ =	sdelay $0x4  }
0xf8: {  	v7 =	vshrl.u32 v6, $0x8  }
0xf9: {  	v61 =	vshra.s32 v6, $0x13;
	v7 =	vand.u32 $0x7FF, v7  }
0xfa: {  	vm2 =	veq.s32 v61, v4;
	vm3 =	veq.s32 v7, v5  }
0xfb: {  	vm2 =	vmand vm2, vm3  }
0xfc: {  	v6 =	vand.u32 $0xFF, v6;
	_ =	sdelay $0x4  }
0xfd: {  	[tilespmem:v6+s20+$0x0] =	vst.idx.add.s32.msk vm2, v2  }
0xfe: {  	v6 =	vld [tilespmem:s3+$0x2820];
	_ =	sdelay $0x4  }
0xff: {  	v7 =	vshrl.u32 v6, $0x8  }
0x100: {  	v62 =	vshra.s32 v6, $0x13;
	v7 =	vand.u32 $0x7FF, v7  }
0x101: {  	vm2 =	veq.s32 v62, v4;
	vm3 =	veq.s32 v7, v5  }
0x102: {  	vm2 =	vmand vm2, vm3  }
0x103: {  	v6 =	vand.u32 $0xFF, v6;
	_ =	sdelay $0x4  }
0x104: {  	[tilespmem:v6+s20+$0x0] =	vst.idx.add.s32.msk vm2, v2  }
0x105: {  	v6 =	vld [tilespmem:s3+$0x2830];
	_ =	sdelay $0x4  }
0x106: {  	v7 =	vshrl.u32 v6, $0x8  }
0x107: {  	v63 =	vshra.s32 v6, $0x13;
	v7 =	vand.u32 $0x7FF, v7  }
0x108: {  	vm2 =	veq.s32 v63, v4;
	vm3 =	veq.s32 v7, v5  }
0x109: {  	vm2 =	vmand vm2, vm3  }
0x10a: {  	p1 =	sne.s32 s2, $0x3F00;
	v6 =	vand.u32 $0xFF, v6  }
.Ltmp8:
0x10b: {  	_ = 	snop;
	(pc) =	sbr.rel @p1 .LBB2_17-.Ltmp8, $2  }
0x10c: {  	_ =	sdelay $0x2  }
0x10d: {  	s2 =	sadd.s32 $0x100, s2;
	[tilespmem:v6+s20+$0x0] =	vst.idx.add.s32.msk vm2, v2  }
.Ltmp9:
0x10e: {  	(pc) =	sbr.rel @p0 .LBB2_20-.Ltmp9, $1  }
0x10f: {  	_ =	sdelay $0x3  }
0x110: {  	s1 =	sadd.s32 $0x3, s1  }
.Ltmp10:
0x111: {  	s2 =	sshll.u32 s1, $0x4;
	(pc) =	sbr.rel .LBB2_14-.Ltmp10, $4  }
0x112: {  	s1 =	sshll.u32 s1, $0x9;
	s2 =	sand.u32 $0x70, s2  }
0x113: {  	s1 =	sand.u32 $0x7000, s1;
	s2 =	sadd.s32 s4, s2  }
0x114: {  	s0 =	sadd.s32 $0x1, s0;
	s1 =	sadd.s32 s1, s2  }
0x115: {  	[tilespmem:s19], [sflag:$0x2] =	stream.strided.gather [hbm4b:s1+s12], $0x1000, s13, s12, $0x38;
	[tilespmem:$0x3A00] =	vst v63  }
.LBB2_20:
0x116: {  	s1 =	simm.s32 $0x38F0  }
0x117: {  	v5 =	vld [tilespmem:s1+$0x0];
	_ =	sdelay $0x1  }
0x118: {  	s7 =	simm.s32 $0x38E0  }
0x119: {  	v7 =	vld [tilespmem:s7+$0x0];
	_ =	sdelay $0x1  }
0x11a: {  	(xrf0) =	vadd.scan.msk.s32 $0xffff, v5;
	_ =	sdelay $0x2  }
0x11b: {  	(xrf0) =	vadd.scan.msk.s32 $0xffff, v7;
	_ =	sdelay $0x1  }
0x11c: {  	s8 =	simm.s32 $0x38D0  }
0x11d: {  	v8 =	vld [tilespmem:s8+$0x0];
	v6, _, _ =	vpop (xrf0)  }
0x11e: {  	(v2sf) =	vpush v6, $0xF;
	_ =	sdelay $0x1  }
0x11f: {  	v9, _, _ =	vpop (xrf0)  }
0x120: {  	(v2sf) =	vpush v9, $0xF  }
0x121: {  	s9 =	simm.s32 $0x38C0;
	(xrf0) =	vadd.scan.msk.s32 $0xffff, v8  }
0x122: {  	v10 =	vld [tilespmem:s9+$0x0]  }
0x123: {  	v11 =	vbroadcast v6, $0xF;
	_ =	sdelay $0x1  }
0x124: {  	s0 =	rddreg [dreg:$0x7];
	s24 =	simm.s32 $0x0;
	v6 =	vsub.s32 v11, v6  }
0x125: {  	s0 =	ssub.s32 s0, s25;
	v6 =	vadd.s32 s24, v6  }
0x126: {  	v4 =	vmov s0;
	(xrf0) =	vadd.scan.msk.s32 $0xffff, v10;
	v12, _, _ =	vpop (xrf0);
	v5 =	vadd.s32 v5, v6  }
0x127: {  	s10 =	simm.s32 $0x38B0;
	(v2sf) =	vpush v12, $0xF;
	vm2 =	vlt.s32 v6, v4;
	vm3 =	vge.s32 v5, v4  }
0x128: {  	v11 =	vld [tilespmem:s10+$0x0];
	vm2 =	vmand vm2, vm3  }
0x129: {  	v5 =	vsel vm2, $0x1, v0  }
0x12a: {  	(xrf0) =	vadd.scan.msk.s32 $0xffff, v5;
	v5 =	vbroadcast v9, $0xF  }
0x12b: {  	s11 =	spop (v2sf)  }
0x12c: {  	v13, _, _ =	vpop (xrf0);
	v6 =	vbroadcast v12, $0xF;
	v5 =	vsub.s32 v5, v9;
	s1 =	sadd.s32 $0x0, s11  }
0x12d: {  	s2 =	simm.s32 $0x38A0;
	(v2sf) =	vpush v13, $0xF;
	(xrf0) =	vadd.scan.msk.s32 $0xffff, v11;
	v5 =	vadd.s32 s1, v5  }
0x12e: {  	v9 =	vsub.s32 v6, v12;
	v6 =	vld [tilespmem:s2+$0x0];
	s14 =	spop (v2sf);
	v7 =	vadd.s32 v7, v5  }
0x12f: {  	v12 =	vnsel vm2, $0x0, v1;
	s1 =	sadd.s32 s1, s14;
	vm2 =	vlt.s32 v5, v4;
	vm3 =	vge.s32 v7, v4  }
0x130: {  	v9 =	vadd.s32 s1, v9;
	vm2 =	vmand vm2, vm3  }
0x131: {  	(xrf0) =	vadd.scan.msk.s32 $0xffff, v12;
	v8 =	vadd.s32 v8, v9;
	v12 =	vsel vm2, $0x1, v0  }
0x132: {  	s18 =	simm.s32 $0x3890;
	v5, _, _ =	vpop (xrf0);
	vm3 =	vlt.s32 v9, v4;
	vm4 =	vge.s32 v8, v4;
	(xrf0) =	vadd.scan.msk.s32 $0xffff, v12  }
0x133: {  	v7, _, _ =	vpop (xrf0);
	(v2sf) =	vpush v5, $0xF;
	v5 =	vld [tilespmem:s18+$0x0];
	v8 =	vnsel vm2, $0x0, v1;
	vm2 =	vmand vm3, vm4;
	(xrf0) =	vadd.scan.msk.s32 $0xffff, v6  }
0x134: {  	(xrf0) =	vadd.scan.msk.s32 $0xffff, v8;
	v8 =	vsel vm2, $0x1, v0  }
0x135: {  	v9 =	vbroadcast v13, $0xF  }
0x136: {  	s21 =	spop (v2sf)  }
0x137: {  	s1 =	sadd.s32 s1, s21;
	(v2sf) =	vpush v7, $0xF;
	v9 =	vsub.s32 v9, v13;
	v13 =	vnsel vm2, $0x0, v1;
	(xrf0) =	vadd.scan.msk.s32 $0xffff, v8;
	v8, _, _ =	vpop (xrf0)  }
0x138: {  	v9 =	vadd.s32 s1, v9;
	(xrf0) =	vadd.scan.msk.s32 $0xffff, v5;
	(v2sf) =	vpush v8, $0xF;
	v8, _, _ =	vpop (xrf0)  }
0x139: {  	(xrf0) =	vadd.scan.msk.s32 $0xffff, v13;
	(v2sf) =	vpush v8, $0xF;
	v8 =	vadd.s32 v10, v9  }
0x13a: {  	vm2 =	vlt.s32 v9, v4;
	v13, _, _ =	vpop (xrf0);
	vm3 =	vge.s32 v8, v4  }
0x13b: {  	(v2sf) =	vpush v13, $0xF;
	v10, _, _ =	vpop (xrf0);
	vm2 =	vmand vm2, vm3  }
0x13c: {  	s26 =	spop (v2sf);
	(v2sf) =	vpush v10, $0xF;
	v10 =	vsel vm2, $0x1, v0  }
0x13d: {  	v9, _, _ =	vpop (xrf0)  }
0x13e: {  	v12 =	vbroadcast v7, $0xF;
	v15, _, _ =	vpop (xrf0);
	(v2sf) =	vpush v9, $0xF  }
0x13f: {  	s25 =	simm.s32 $0x3880;
	(xrf0) =	vadd.scan.msk.s32 $0xffff, v10;
	(v2sf) =	vpush v15, $0xF;
	v10, _, _ =	vpop (xrf0)  }
0x140: {  	v12 =	vsub.s32 v12, v7;
	v7 =	vld [tilespmem:s25+$0x0];
	(v2sf) =	vpush v10, $0xF;
	_ =	sdelay $0x1  }
0x141: {  	s14 =	sadd.s32 s1, s26  }
0x142: {  	v12 =	vadd.s32 s14, v12  }
0x143: {  	s31 =	simm.s32 $0xE0;
	s29 =	simm.s32 $0xD0;
	v11 =	vadd.s32 v11, v12;
	v8 =	vbroadcast v13, $0xF  }
0x144: {  	s28 =	simm.s32 $0xC0;
	s30 =	simm.s32 $0xB0;
	s2 =	simm.s32 $0x3870;
	vm3 =	vge.s32 v11, v4;
	v14 =	vnsel vm2, $0x0, v1;
	(xrf0) =	vadd.scan.msk.s32 $0xffff, v7  }
0x145: {  	s3 =	simm.s32 $0x60;
	s0 =	simm.s32 $0xF0;
	s10 =	simm.s32 $0x70;
	vm2 =	vlt.s32 v12, v4;
	v11 =	vsub.s32 v8, v13;
	v8 =	vld [tilespmem:s2+$0x0];
	v9 =	vbroadcast v15, $0xF;
	(xrf0) =	vadd.scan.msk.s32 $0xffff, v14  }
0x146: {  	s26 =	simm.s32 $0x90;
	s1 =	simm.s32 $0x80;
	vm2 =	vmand vm2, vm3;
	s6 =	spop (v2sf)  }
0x147: {  	s25 =	simm.s32 $0xA0;
	v12 =	vsel vm2, $0x1, v0;
	v9 =	vsub.s32 v9, v15;
	v10 =	vnsel vm2, $0x0, v1;
	s8 =	spop (v2sf);
	p0 =	sgt.s32 s6, $0x0  }
.LBB2_21:
0x148: {  	p1 =	sne.s32 s3, $0x0;
	s14 =	sadd.s32 s14, s8;
	s6 =	spop (v2sf)  }
0x149: {  	(xrf0) =	vadd.scan.msk.s32 $0xffff, v12;
	v12, _, _ =	vpop (xrf0);
	s7 =	smov.u32 s1;
	s1 =	smov.u32 s10;
	s10 =	smov.u32 s3  }
.Ltmp11:
0x14a: {  	s2 =	sadd.s32 $0xFFFFFFF0, s2;
	(xrf0) =	vadd.scan.msk.s32 $0xffff, v8;
	v13, _, _ =	vpop (xrf0);
	v11 =	vadd.s32 s14, v11;
	(v2sf) =	vpush v12, $0xF;
	s0 =	sadd.s32 s0, s6;
	v12 =	vmov v8;
	(pc) =	sbr.rel @p1 .LBB2_21-.Ltmp11, $4  }
0x14b: {  	s3 =	sadd.s32 $0xFFFFFFF0, s3;
	v8 =	vld [tilespmem:s2+$0x0];
	v14 =	vbroadcast v13, $0xF;
	(v2sf) =	vpush v13, $0xF;
	v15 =	vadd.s32 v6, v11;
	(xrf0) =	vadd.scan.msk.s32 $0xffff, v10;
	v10, _, _ =	vpop (xrf0);
	s24 =	smov.u32 @p0 s0;
	s0 =	smov.u32 s31  }
0x14c: {  	vm2 =	vlt.s32 v11, v4;
	v6 =	vmovc v5;
	v5 =	vmovc v7;
	s31 =	smov.u32 s29;
	s29 =	smov.u32 s28;
	s28 =	smov.u32 s30;
	vm3 =	vge.s32 v15, v4;
	(v2sf) =	vpush v10, $0xF  }
0x14d: {  	v7 =	vmovc v12;
	s30 =	smov.u32 s25;
	s25 =	smov.u32 s26;
	vm2 =	vmand vm2, vm3;
	s6 =	spop (v2sf);
	v11 =	vmov v9;
	v9 =	vsub.s32 v14, v13  }
0x14e: {  	s26 =	smov.u32 s7;
	v12 =	vsel vm2, $0x1, v0;
	v10 =	vnsel vm2, $0x0, v1;
	s8 =	spop (v2sf);
	p0 =	sgt.s32 s6, $0x0  }
0x14f: {  	v13, _, _ =	vpop (xrf0)  }
0x150: {  	v14, _, _ =	vpop (xrf0);
	(v2sf) =	vpush v13, $0xF  }
0x151: {  	(v2sf) =	vpush v14, $0xF;
	_ =	sdelay $0x5  }
0x152: {  	(xrf0) =	vadd.scan.msk.s32 $0xffff, v12  }
0x153: {  	s7 =	spop (v2sf);
	(xrf0) =	vadd.scan.msk.s32 $0xffff, v8  }
0x154: {  	s14 =	sadd.s32 s14, s8;
	s3 =	spop (v2sf)  }
0x155: {  	v11 =	vadd.s32 s14, v11;
	s9 =	spop (v2sf)  }
0x156: {  	v16 =	vbroadcast v14, $0xF;
	v6 =	vadd.s32 v6, v11;
	s6 =	spop (v2sf)  }
0x157: {  	v41, _, _ =	vpop (xrf0);
	vm2 =	vlt.s32 v11, v4;
	s9 =	sadd.s32 s14, s9;
	vm3 =	vge.s32 v6, v4;
	s2 =	spop (v2sf)  }
0x158: {  	v9 =	vadd.s32 s9, v9;
	v43 =	vsub.s32 v16, v14;
	vm2 =	vmand vm2, vm3;
	v42, _, _ =	vpop (xrf0);
	s11 =	spop (v2sf)  }
0x159: {  	v45 =	vsel vm2, $0x1, v0;
	v5 =	vadd.s32 v5, v9;
	vm3 =	vlt.s32 v9, v4;
	v15, _, _ =	vpop (xrf0);
	s8 =	spop (v2sf)  }
0x15a: {  	v46 =	vnsel vm2, $0x0, v1;
	vm2 =	vge.s32 v5, v4;
	v17 =	vbroadcast v15, $0xF;
	s9 =	sadd.s32 s9, s11;
	s14 =	spop (v2sf)  }
0x15b: {  	(xrf0) =	vadd.scan.msk.s32 $0xffff, v10;
	(v2sf) =	vpush v41, $0xF;
	vm2 =	vmand vm3, vm2;
	v6 =	vadd.s32 s9, v43;
	s21 =	spop (v2sf)  }
0x15c: {  	(xrf0) =	vadd.scan.msk.s32 $0xffff, v45;
	v48 =	vsel vm2, $0x1, v0;
	v44 =	vsub.s32 v17, v15;
	v47 =	vadd.s32 v7, v6;
	s11 =	sadd.s32 s9, s21  }
0x15d: {  	(xrf0) =	vadd.scan.msk.s32 $0xffff, v46;
	vm3 =	vlt.s32 v6, v4;
	vm4 =	vge.s32 v47, v4;
	v11 =	vadd.s32 s11, v44  }
0x15e: {  	v49 =	vnsel vm2, $0x0, v1;
	(xrf0) =	vadd.scan.msk.s32 $0xffff, v48;
	vm2 =	vmand vm3, vm4;
	v50 =	vadd.s32 v8, v11  }
0x15f: {  	(xrf0) =	vadd.scan.msk.s32 $0xffff, v49;
	v51 =	vsel vm2, $0x1, v0;
	vm3 =	vlt.s32 v11, v4;
	vm15 =	vge.s32 v50, v4  }
0x160: {  	(v2sf) =	vpush v42, $0xF;
	v52 =	vnsel vm2, $0x0, v1;
	(xrf0) =	vadd.scan.msk.s32 $0xffff, v51;
	vm2 =	vmand vm3, vm15  }
0x161: {  	(v2sf) =	vpush v15, $0xF;
	v53, _, _ =	vpop (xrf0);
	(xrf0) =	vadd.scan.msk.s32 $0xffff, v52;
	v54 =	vsel vm2, $0x1, v0  }
0x162: {  	(v2sf) =	vpush v53, $0xF;
	v55, _, _ =	vpop (xrf0);
	v56 =	vnsel vm2, $0x0, v1;
	(xrf0) =	vadd.scan.msk.s32 $0xffff, v54  }
0x163: {  	(v2sf) =	vpush v55, $0xF;
	v57, _, _ =	vpop (xrf0);
	(xrf0) =	vadd.scan.msk.s32 $0xffff, v56  }
0x164: {  	(v2sf) =	vpush v57, $0xF;
	v58, _, _ =	vpop (xrf0)  }
0x165: {  	v59, _, _ =	vpop (xrf0);
	(v2sf) =	vpush v58, $0xF  }
0x166: {  	(v2sf) =	vpush v59, $0xF;
	v60, _, _ =	vpop (xrf0)  }
0x167: {  	(v2sf) =	vpush v60, $0xF;
	v61, _, _ =	vpop (xrf0)  }
0x168: {  	(v2sf) =	vpush v61, $0xF;
	v62, _, _ =	vpop (xrf0)  }
0x169: {  	(v2sf) =	vpush v62, $0xF;
	v63, _, _ =	vpop (xrf0)  }
0x16a: {  	(v2sf) =	vpush v63, $0xF  }
0x16b: {  	(v2sf) =	vpush v3, $0xF  }
0x16c: {  	s0 =	sadd.s32 s0, s7  }
0x16d: {  	s24 =	smov.u32 @p0 s0;
	p0 =	sgt.s32 s3, $0x0;
	s3 =	sadd.s32 s31, s6  }
0x16e: {  	s24 =	smov.u32 @p0 s3;
	s11 =	spop (v2sf)  }
0x16f: {  	p0 =	sgt.s32 s2, $0x0;
	s2 =	sadd.s32 s29, s8;
	s18 =	spop (v2sf)  }
0x170: {  	s24 =	smov.u32 @p0 s2;
	s21 =	spop (v2sf)  }
0x171: {  	p0 =	sgt.s32 s14, $0x0;
	s0 =	sadd.s32 s28, s11;
	s3 =	spop (v2sf)  }
0x172: {  	s24 =	smov.u32 @p0 s0;
	s31 =	spop (v2sf)  }
0x173: {  	p0 =	sgt.s32 s18, $0x0;
	s2 =	sadd.s32 s30, s3;
	s7 =	spop (v2sf)  }
0x174: {  	s24 =	smov.u32 @p0 s2;
	s8 =	spop (v2sf)  }
0x175: {  	p0 =	sgt.s32 s31, $0x0;
	s0 =	sadd.s32 s25, s7;
	s9 =	spop (v2sf)  }
0x176: {  	s24 =	smov.u32 @p0 s0;
	s11 =	spop (v2sf)  }
0x177: {  	p0 =	sgt.s32 s8, $0x0;
	s2 =	sadd.s32 s26, s9;
	s14 =	spop (v2sf)  }
0x178: {  	s24 =	smov.u32 @p0 s2;
	s18 =	spop (v2sf)  }
0x179: {  	p0 =	sgt.s32 s11, $0x0;
	s0 =	sadd.s32 s1, s14;
	s21 =	spop (v2sf)  }
0x17a: {  	s26 =	sshll.u32 s23, $0x8;
	s24 =	smov.u32 @p0 s0;
	s25 =	spop (v2sf)  }
0x17b: {  	p0 =	sgt.s32 s18, $0x0;
	s1 =	sadd.s32 s10, s21;
	s0 =	sshll.u32 s25, $0x13  }
0x17c: {  	s24 =	smov.u32 @p0 s1;
	s0 =	sadd.s32 s0, s26  }
0x17d: {  	s0 =	sadd.s32 s24, s0  }
0x17e: {  	v3 =	vmov s0  }
0x17f: {  	v3 =	vbroadcast v3, $0x0  }
0x180: {  	s29 =	simm.s32 $0x0  }
0x181: {  	s28 =	rddreg [dreg:$0x1];
	s30 =	simm.s32 $0x3980;
	s3 =	simm.s32 $0x3;
	[tilespmem:$0x3980] =	vst v3  }
0x182: {  	[hbm4b:s28+s29] =	stream.linear.scatter [tilespmem:s30], [sflag:$0x3], $0x80, $0x38;
	[tilespmem:$0x3A00] =	vst v63  }
0x183: {  	_ =	swait.ge [sflag:s3], $0x80  }
0x184: {  	s22 =	sadd.s32 $0x1, s22;
	s31 =	rddreg [dreg:$0x6]  }
0x185: {  	p0 =	sne.s32 s22, s31  }
.Ltmp12:
0x186: {  	_ = 	snop;
	(pc) =	sbr.rel @p0 .LBB2_2-.Ltmp12, $3  }
0x187: {  	_ =	sdelay $0x1  }
0x188: {  	[sflag:s3] =	ssyncset.done $0x0  }
0x189: {  	[sflag:s3] =	ssyncadd.s32 $0xFFFFFF80  }
.LBB2_23:
0x18a: {  	_ =	sfence.sel $0x180000  }
0x18b: {  	[bflag:$0x0] =	sbarrier.arrive $0xFFFF  }
0x18c: {  	_ =	strace $0x90000050  }
0x18d: {  	s0 =	stileid.u32;
	[bflag:$0x2] =	sbarrier.arrive $0xFFFF  }
0x18e: {  	p0 =	sne.s32 s0, $0x0;
	s0 =	rddreg [dreg:$0x2]  }
0x18f: {  	s0 =	sadd.s32 @!p0 $0x100000, s0  }
0x190: {  	[sflag:s0] =	ssyncadd.tile.s32 @!p0 $0x1;
	_ =	shalt  }
.Lfunc_end2:
_tile_overlayer_lowered:
.L_overlay_start_2:
0x191: {  	(tag) =	ssettag $0x2  }
0x192: {  	s0 =	rddreg [dreg:$0x0];
	s2 =	stileid.u32  }
0x193: {  	s1 =	rddreg [dreg:$0x1];
	p0 =	sne.s32 s2, $0x0  }
0x194: {  	s3 =	rddreg [dreg:$0x2];
	[bflag:$0x3] =	sbarrier.arrive $0xFFFF;
	s2 =	simm.s32 @!p0 $0x1C03  }
0x195: {  	[timem:s3], [sflag:s2] =	dma.local @!p0 [hbm:s0], s1  }
0x196: {  	s0 =	simm.s32 @!p0 $0x3  }
0x197: {  	_ =	swait.ge @!p0 [sflag:s0], s1  }
0x198: {  	s1 =	ssub.s32 @!p0 $0x0, s1;
	[sflag:s0] =	ssyncset.done @!p0 $0x0  }
0x199: {  	[sflag:s0] =	ssyncadd.s32 @!p0 s1  }
0x19a: {  	[bflag:$0x3] =	sbarrier.arrive $0xFFFF  }
0x19b: {  	_ =	shalt  }

// kernel: kernel.8.cloned.1.call-start
scs
__scs_entry_jumppad:
0x0: {  	(pc) =	sbr.rel $0x88, $3  }
0x1: {  	(tag) =	ssettag $0x0;
	lr =	simm.s32 $0x1  }
0x2: {  	[smem:$0x3F9C] =	sst lr;
	_ =	strace $0xD0000000  }
0x3: {  	_ = 	snop  }
0x4: {  	_ = 	snop  }
0x5: {  	_ = 	snop  }
0x6: {  	_ = 	snop  }
0x7: {  	_ = 	snop  }
__scs_overlays_trampoline_lowered:
0x8: {  	[smem:$0x3FAB] =	sst s0  }
0x9: {  	[smem:$0x3FAC] =	sst s1  }
0xa: {  	[smem:$0x3FAD] =	sst s2  }
0xb: {  	[smem:$0x3FAE] =	sst s3  }
0xc: {  	[smem:$0x3FAF] =	sst s4  }
0xd: {  	[smem:$0x3FB0] =	sst s5  }
0xe: {  	[smem:$0x3FB1] =	sst s6  }
0xf: {  	[smem:$0x3FB2] =	sst s7  }
0x10: {  	[smem:$0x3FB3] =	sst s8  }
0x11: {  	[smem:$0x3FB4] =	sst s9;
	s0 =	simm.s32 @!p0 $0x0  }
0x12: {  	s1 =	sld [smem:$0x3F9A];
	s0 =	simm.s32 @p0 $0x1  }
0x13: {  	[smem:$0x3FB5] =	sst s0;
	s0 =	simm.s32 @!p1 $0x0  }
0x14: {  	s2 =	sld [smem:$0x3F99];
	s0 =	simm.s32 @p1 $0x1  }
0x15: {  	[smem:$0x3FB6] =	sst s0;
	s0 =	simm.s32 @!p2 $0x0  }
0x16: {  	s3 =	sld [smem:$0x3FDB];
	s0 =	simm.s32 @p2 $0x1  }
0x17: {  	s4 =	simm.s32 $0x1BF5;
	[smem:$0x3FB8] =	sst s0  }
0x18: {  	s0 =	sld [smem:$0x3F9B];
	_ =	swait.ge [sflag:s4], $0x0  }
0x19: {  	s7 =	sld [smem:$0x3F9C]  }
0x1a: {  	s8 =	sadd.s32 $0xFFFFE003, lr  }
0x1b: {  	s9 =	sadd.s32 $0xFFFFFEF7, lr;
	s5 =	simm.s32 $0xFFFFFFFF;
	p2 =	slt.u32 s8, $0xFFFFF086  }
0x1c: {  	p1 =	slt.u32 s9, $0xF7A;
	s5 =	simm.s32 @!p2 $0x0  }
0x1d: {  	s5 =	simm.s32 @p1 $0x1;
	p0 =	seq.s32 s7, s2  }
0x1e: {  	s7 =	smul.u32 @!p0 $0xF7A, s2;
	p2 =	seq.s32 @!p0 s5, $0x0  }
0x1f: {  	s9 =	smul.u32 $0xF7A, s1;
	s8 =	simm.s32 @!p0 $0x1BF5;
	p2 =	por !p2, p0  }
0x20: {  	[sflag:s8] =	ssyncset.s32 @!p0 $0xFFFFF086;
	s6 =	sadd.s32 @!p0 s3, s7;
	s7 =	simm.s32 @!p0 $0x108  }
0x21: {  	s3 =	sadd.s32 s3, s9;
	s6 =	sadd.s32 @!p0 $0x88, s6;
	s7 =	simm.s32 @p2 $0x1082  }
0x22: {  	[simem:s7], [sflag:s8] =	dma.local @!p0 [hbm:s6], $0xF7A  }
0x23: {  	s9 =	sor.u32 $0xD0000000, s2;
	s6 =	simm.s32 $0x108;
	_ =	swait.ge @!p0 [sflag:s8], $0x0  }
0x24: {  	s3 =	sadd.s32 $0x88, s3;
	s6 =	simm.s32 @!p1 $0x1082;
	[sflag:s4] =	ssyncset.s32 $0xFFFFF086  }
0x25: {  	[simem:s6], [sflag:s4] =	dma.local [hbm:s3], $0xF7A  }
0x26: {  	[smem:$0x3F9C] =	sst s1;
	(tag) =	ssettag s2;
	_ =	strace s9  }
0x27: {  	s1 =	sld [smem:$0x3FAC]  }
0x28: {  	s2 =	sld [smem:$0x3FAD]  }
0x29: {  	s4 =	sld [smem:$0x3FAF]  }
0x2a: {  	p0 =	seq.s32 s5, $0x0;
	s5 =	sld [smem:$0x3FB0]  }
0x2b: {  	s6 =	sld [smem:$0x3FB1]  }
0x2c: {  	s7 =	sld [smem:$0x3FB2]  }
0x2d: {  	s3 =	simm.s32 $0x108;
	s8 =	sld [smem:$0x3FB3]  }
0x2e: {  	s3 =	simm.s32 @!p0 $0x1082;
	s9 =	sld [smem:$0x3FB4]  }
0x2f: {  	lr =	sadd.s32 s0, s3;
	s0 =	sld [smem:$0x3FAB]  }
0x30: {  	s3 =	sld [smem:$0x3FAE]  }
0x31: {  	[smem:$0x3FB7] =	sst s10  }
0x32: {  	s10 =	sld [smem:$0x3FB5];
	_ =	sdelay $0x3  }
0x33: {  	p0 =	seq.s32 s10, $0x1;
	s10 =	sld [smem:$0x3FB7];
	_ =	sdelay $0x3  }
0x34: {  	[smem:$0x3FB7] =	sst s10  }
0x35: {  	s10 =	sld [smem:$0x3FB6];
	_ =	sdelay $0x3  }
0x36: {  	p1 =	seq.s32 s10, $0x1;
	s10 =	sld [smem:$0x3FB7];
	_ =	sdelay $0x3  }
0x37: {  	[smem:$0x3FB7] =	sst s10  }
0x38: {  	s10 =	sld [smem:$0x3FB8]  }
0x39: {  	_ = 	snop;
	(pc) =	sbr.ind lr, $3  }
0x3a: {  	_ = 	snop  }
0x3b: {  	_ = 	snop  }
0x3c: {  	p2 =	seq.s32 s10, $0x1;
	s10 =	sld [smem:$0x3FB7]  }
0x3d: {  	_ =	shalt  }
0x3e: {  	_ =	shalt  }
0x3f: {  	_ =	shalt  }
0x40: {  	_ =	shalt  }
0x41: {  	_ =	shalt  }
0x42: {  	_ =	shalt  }
0x43: {  	_ =	shalt  }
0x44: {  	_ =	shalt  }
0x45: {  	_ =	shalt  }
0x46: {  	_ =	shalt  }
0x47: {  	_ =	shalt  }
0x48: {  	_ =	shalt  }
0x49: {  	_ =	shalt  }
0x4a: {  	_ =	shalt  }
0x4b: {  	_ =	shalt  }
0x4c: {  	_ =	shalt  }
0x4d: {  	_ =	shalt  }
0x4e: {  	_ =	shalt  }
0x4f: {  	_ =	shalt  }
0x50: {  	_ =	shalt  }
0x51: {  	_ =	shalt  }
0x52: {  	_ =	shalt  }
0x53: {  	_ =	shalt  }
0x54: {  	_ =	shalt  }
0x55: {  	_ =	shalt  }
0x56: {  	_ =	shalt  }
0x57: {  	_ =	shalt  }
0x58: {  	_ =	shalt  }
0x59: {  	_ =	shalt  }
0x5a: {  	_ =	shalt  }
0x5b: {  	_ =	shalt  }
0x5c: {  	_ =	shalt  }
0x5d: {  	_ =	shalt  }
0x5e: {  	_ =	shalt  }
0x5f: {  	_ =	shalt  }
0x60: {  	_ =	shalt  }
0x61: {  	_ =	shalt  }
0x62: {  	_ =	shalt  }
0x63: {  	_ =	shalt  }
0x64: {  	_ =	shalt  }
0x65: {  	_ =	shalt  }
0x66: {  	_ =	shalt  }
0x67: {  	_ =	shalt  }
0x68: {  	_ =	shalt  }
0x69: {  	_ =	shalt  }
0x6a: {  	_ =	shalt  }
0x6b: {  	_ =	shalt  }
0x6c: {  	_ =	shalt  }
0x6d: {  	_ =	shalt  }
0x6e: {  	_ =	shalt  }
0x6f: {  	_ =	shalt  }
0x70: {  	_ =	shalt  }
0x71: {  	_ =	shalt  }
0x72: {  	_ =	shalt  }
0x73: {  	_ =	shalt  }
0x74: {  	_ =	shalt  }
0x75: {  	_ =	shalt  }
0x76: {  	_ =	shalt  }
0x77: {  	_ =	shalt  }
0x78: {  	_ =	shalt  }
0x79: {  	_ =	shalt  }
0x7a: {  	_ =	shalt  }
0x7b: {  	_ =	shalt  }
0x7c: {  	_ =	shalt  }
0x7d: {  	_ =	shalt  }
0x7e: {  	_ =	shalt  }
0x7f: {  	_ =	shalt  }
0x80: {  	_ =	shalt  }
0x81: {  	_ =	shalt  }
0x82: {  	_ =	shalt  }
0x83: {  	_ =	shalt  }
0x84: {  	_ =	shalt  }
0x85: {  	_ =	shalt  }
0x86: {  	_ =	shalt  }
0x87: {  	_ =	shalt  }
.Lfunc_end0:
.L_simem_size_0:
called_computation_lowered:
.L_overlay_start_0:
0x88: {  	s2 =	sld [smem:$0x3FD9]  }
0x89: {  	s3 =	sld [smem:$0x3FFE];
	_ =	sdelay $0x1  }
0x8a: {  	s1 =	srdreg.scid  }
0x8b: {  	s0 =	sand.u32 $0x1, s1  }
0x8c: {  	s17 =	sshll.u32 s0, $0xA;
	s2 =	sadd.s32 s3, s2  }
0x8d: {  	s2 =	sadd.s32 s2, s17  }
0x8e: {  	[smem:$0x3FC3] =	sst s2  }
0x8f: {  	_ = 	snop  }
0x90: {  	s2 =	sld [smem:$0x3FD0];
	(tm) =	ssettm $0x1  }
0x91: {  	s18 =	sld [smem:$0x3FFB];
	_ =	sdelay $0x3  }
0x92: {  	_ =	strace s18  }
0x93: {  	s3 =	sld [smem:$0x3FFC];
	_ =	sdelay $0x3  }
0x94: {  	_ =	strace s3  }
0x95: {  	s3 =	sld [smem:$0x3FFD];
	_ =	sdelay $0x3  }
0x96: {  	_ =	strace s3  }
0x97: {  	_ =	strace $0x8FFFFFFF  }
0x98: {  	s19 =	sld [smem:$0x3FDB];
	_ =	sdelay $0x1  }
0x99: {  	s4 =	simm.s32 $_scs_section_size  }
0x9a: {  	s5 =	simm.s32 $_size__tile_overlayer_lowered;
	s6 =	simm.s32 $_tile_overlayer_lowered  }
0x9b: {  	s22 =	simm.s32 $0x1BFF;
	s21 =	sshll.u32 s6, $0x1;
	s3 =	sadd.s32 s4, s19  }
0x9c: {  	s7 =	simm.s32 $0x0;
	s20 =	sshll.u32 s5, $0x1;
	s5 =	sadd.s32 s21, s3  }
0x9d: {  	[timem:s7], [sflag:s22] =	dma.local [hbm:s5], s20  }
0x9e: {  	_ =	swait.ge [sflag:s22], s20  }
0x9f: {  	s4 =	ssub.s32 $0x0, s20;
	[sflag:s22] =	ssyncset.done $0x0  }
0xa0: {  	[sflag:s22] =	ssyncadd.s32 s4;
	_ =	sdelay $0x1  }
0xa1: {  	s23 =	simm.s32 $0x1B8B  }
0xa2: {  	_ =	swait.ge [sflag:s23], $0x1  }
0xa3: {  	[sflag:s23] =	ssyncset.done $0x0  }
0xa4: {  	s25 =	simm.s32 $0x1B8E;
	s24 =	sld [smem:$0x3FFE];
	[sflag:s23] =	ssyncadd.s32 $0xFFFFFFFF  }
0xa5: {  	s26 =	simm.s32 $execute0_lowered;
	[smem:$0x3FD2] =	sst s25  }
0xa6: {  	s5 =	sshll.u32 s26, $0x1;
	_ =	strace $0x80000046;
	[dreg:$0x1] =	wrdreg $0xFFFFFFFF  }
0xa7: {  	s28 =	simm.s32 $_size_execute0_lowered;
	s3 =	sadd.s32 s3, s5;
	[dreg:$0x0] =	wrdreg $0x0  }
0xa8: {  	s5 =	sshll.u32 s28, $0x1;
	[dreg:$0x2] =	wrdreg s3  }
0xa9: {  	[dreg:$0x3] =	wrdreg s5  }
0xaa: {  	[dreg:$0x4] =	wrdreg $0xC0  }
0xab: {  	_ =	task [dreg:s7], $0x5FFFF  }
0xac: {  	[dreg:$0x1] =	wrdreg $0xFFFFFFFF  }
0xad: {  	[dreg:$0x0] =	wrdreg $0x60  }
0xae: {  	[dreg:$0x2] =	wrdreg s24  }
0xaf: {  	[dreg:$0x3] =	wrdreg s2  }
0xb0: {  	[dreg:$0x4] =	wrdreg $0x9  }
0xb1: {  	_ =	task.clear_ibuf [dreg:s7], $0x5FFFF;
	_ =	strace $0x90000046  }
0xb2: {  	s29 =	simm.s32 $0x9;
	_ =	strace $0x80000048  }
0xb3: {  	_ =	swait.ge [sflag:s29], $0x1  }
0xb4: {  	[sflag:s29] =	ssyncadd.s32 $0xFFFFFFFF  }
0xb5: {  	_ =	strace $0x90000048  }
0xb6: {  	_ =	sfence  }
0xb7: {  	s30 =	sld [smem:$0x0];
	_ =	sdelay $0x2  }
0xb8: {  	s31 =	sshll.u32 s1, $0xD;
	s1 =	sshrl.u32 s1, $0x2  }
0xb9: {  	s3 =	sand.u32 $0x4000, s31;
	s1 =	sadd.s32 s1, s30  }
0xba: {  	s0 =	sor.u32 s3, s0;
	s1 =	sshll.u32 s1, $0x11  }
0xbb: {  	s0 =	sor.u32 s1, s0  }
0xbc: {  	s0 =	sadd.s32 $0x8F2B, s0  }
0xbd: {  	[sflag:s0] =	ssyncadd.remote.s32 $0x1  }
0xbe: {  	_ =	sfence.sel $0xFFFF  }
0xbf: {  	[dreg:$0x0] =	wrdreg $0xFFFFFFFF;
	(pc) =	sbr.abs _section_cstart, $3  }
0xc0: {  	[dreg:$0x1] =	wrdreg $0xFFFFFFFF  }
0xc1: {  	_ =	task.clear_ibuf [dreg:s7], $0x2FFFF;
	_ =	strace $0x9FFFFFFF  }
0xc2: {  	(tm) =	ssettm $0x7FFFFFFF  }
0xc3: {  	_ =	shalt  }
tec
execute0_lowered:
.L_overlay_start_1:
0x0: {  	(tag) =	ssettag $0x1  }
0x1: {  	s0 =	rddreg [dreg:$0x0];
	s1 =	srdreg.scid  }
0x2: {  	s3 =	stileid.u32;
	s6 =	rddreg [dreg:$0x1];
	s11 =	simm.s32 $0x10000  }
0x3: {  	s12 =	simm.s32 $0x4000;
	s13 =	simm.s32 $0x1;
	s14 =	simm.s32 $0x8000  }
0x4: {  	s15 =	simm.s32 $0x2;
	s18 =	simm.s32 $0x0;
	s1 =	sand.u32 $0x1, s1  }
0x5: {  	s2 =	sshll.u32 s3, $0x1;
	s4 =	sshrl.u32 s3, $0x2;
	s3 =	sadd.s32 $0x2000, s0  }
0x6: {  	s5 =	sor.u32 s1, s2;
	s2 =	simm.s32 $0x0;
	s8 =	sshll.u32 s4, $0xF  }
0x7: {  	s1 =	ssub.s32 $0x2, s1;
	s10 =	sshll.u32 s4, $0x12;
	s29 =	sshll.u32 s5, $0x7  }
0x8: {  	[smem:$0x7FF] =	sst s2;
	s9 =	smul.u32 $0x3C000, s5;
	s30 =	sshrl.u32 s1, $0x1  }
0x9: {  	s5 =	sshll.u32 s5, $0x3;
	s7 =	sand.u32 $0x380, s29;
	_ =	strace $0x80000047  }
0xa: {  	s8 =	sor.u32 s8, s7;
	s4 =	sadd.s32 s3, s9;
	s7 =	sor.u32 s10, s7  }
0xb: {  	s8 =	sshrl.u32 s8, $0x3;
	s31 =	sadd.s32 $0x800, s4;
	s7 =	sshrl.u32 s7, $0x3  }
0xc: {  	s0 =	sadd.s32 s8, s0;
	[dreg:$0x3] =	wrdreg s31;
	s6 =	sadd.s32 s6, s7  }
0xd: {  	v0 =	vimm.s32 $0x0;
	v1 =	vimm.s32 $0x1;
	v2 =	vlaneseq.u32;
	s1 =	ssub.s32 s1, s30;
	[dreg:$0x4] =	wrdreg s6;
	s0 =	sadd.s32 $0x782000, s0  }
0xe: {  	v3 =	vimm.f32 $0.0e+00;
	v4 =	vmul.u32 $0x800, v2;
	v5 =	vmul.u32 $0xFFFFF800, v2;
	s9 =	smax.u32 s1, $0x1;
	s10 =	simm.s32 $0x3;
	[dreg:$0x5] =	wrdreg s0  }
.LBB2_1:
0xf: {  	s0 =	simm.s32 $0x0  }
.LBB2_2:
0x10: {  	p0 =	sne.s32 s0, $0x3FC0  }
.Ltmp0:
0x11: {  	_ = 	snop;
	(pc) =	sbr.rel @p0 .LBB2_2-.Ltmp0, $3  }
0x12: {  	_ =	sdelay $0x1  }
0x13: {  	s1 =	sshra.s32 s0, $0x2  }
0x14: {  	s0 =	sadd.s32 $0x40, s0;
	[tilespmem:s1+$0x10000] =	vst v0  }
0x15: {  	s19 =	simm.s32 $0x0  }
.LBB2_4:
0x16: {  	s0 =	sshll.u32 s19, $0x3  }
0x17: {  	s1 =	sand.u32 $0xF8, s0  }
0x18: {  	s1 =	smul.u32 $0x89, s1;
	_ =	sdelay $0x1  }
0x19: {  	s1 =	sshrl.u32 s1, $0xB  }
0x1a: {  	s6 =	smul.u32 $0xF, s1;
	_ =	sdelay $0x1  }
0x1b: {  	s1 =	sadd.s32 s1, s5;
	s0 =	ssub.s32 s0, s6  }
0x1c: {  	s1 =	smul.u32 $0x3C000, s1;
	s0 =	sand.u32 $0xFF, s0  }
0x1d: {  	s0 =	sshll.u32 s0, $0xE  }
0x1e: {  	s0 =	sadd.s32 s0, s1  }
0x1f: {  	s0 =	sshrl.u32 s0, $0x3  }
0x20: {  	s0 =	sadd.s32 s3, s0  }
0x21: {  	[tilespmem:s2], [sflag:$0x3] =	stream.linear.gather [hbm4b:s0+s2], $0x4000, $0x38;
	[tilespmem:$0x11000] =	vst v63  }
0x22: {  	_ =	swait.ge [sflag:s10], $0x4000  }
0x23: {  	[sflag:s10] =	ssyncset.done $0x0  }
0x24: {  	s20 =	simm.s32 $0xFFFFF000;
	[sflag:s10] =	ssyncadd.s32 $0xFFFFC000  }
.LBB2_5:
0x25: {  	s21 =	sshra.s32 s20, $0x2  }
0x26: {  	v6 =	vld [tilespmem:s21+$0x400];
	_ =	sdelay $0x4  }
0x27: {  	vm0 =	vgt.f32 v6, $0.0e+00  }
0x28: {  	v6 =	vshra.s32 v6, $0x13;
	_ =	sdelay $0x4  }
0x29: {  	[tilespmem:v6+s11+$0x0] =	vst.idx.add.s32.msk vm0, v1  }
0x2a: {  	v6 =	vld [tilespmem:s21+$0x440];
	_ =	sdelay $0x4  }
0x2b: {  	vm9 =	vgt.f32 v6, $0.0e+00  }
0x2c: {  	v6 =	vshra.s32 v6, $0x13;
	_ =	sdelay $0x4  }
0x2d: {  	[tilespmem:v6+s11+$0x0] =	vst.idx.add.s32.msk vm9, v1  }
0x2e: {  	v6 =	vld [tilespmem:s21+$0x800];
	_ =	sdelay $0x4  }
0x2f: {  	vm10 =	vgt.f32 v6, $0.0e+00  }
0x30: {  	v6 =	vshra.s32 v6, $0x13;
	_ =	sdelay $0x4  }
0x31: {  	[tilespmem:v6+s11+$0x0] =	vst.idx.add.s32.msk vm10, v1  }
0x32: {  	v6 =	vld [tilespmem:s21+$0x840];
	_ =	sdelay $0x4  }
0x33: {  	vm11 =	vgt.f32 v6, $0.0e+00  }
0x34: {  	v6 =	vshra.s32 v6, $0x13;
	_ =	sdelay $0x4  }
0x35: {  	[tilespmem:v6+s11+$0x0] =	vst.idx.add.s32.msk vm11, v1  }
0x36: {  	v6 =	vld [tilespmem:s21+$0xC00];
	_ =	sdelay $0x4  }
0x37: {  	vm12 =	vgt.f32 v6, $0.0e+00  }
0x38: {  	v6 =	vshra.s32 v6, $0x13;
	_ =	sdelay $0x4  }
0x39: {  	[tilespmem:v6+s11+$0x0] =	vst.idx.add.s32.msk vm12, v1  }
0x3a: {  	v6 =	vld [tilespmem:s21+$0xC40];
	_ =	sdelay $0x4  }
0x3b: {  	vm13 =	vgt.f32 v6, $0.0e+00  }
0x3c: {  	v6 =	vshra.s32 v6, $0x13;
	_ =	sdelay $0x4  }
0x3d: {  	[tilespmem:v6+s11+$0x0] =	vst.idx.add.s32.msk vm13, v1  }
0x3e: {  	v6 =	vld [tilespmem:s21+$0x1000];
	_ =	sdelay $0x4  }
0x3f: {  	vm14 =	vgt.f32 v6, $0.0e+00  }
0x40: {  	v6 =	vshra.s32 v6, $0x13;
	_ =	sdelay $0x4  }
0x41: {  	[tilespmem:v6+s11+$0x0] =	vst.idx.add.s32.msk vm14, v1  }
0x42: {  	v6 =	vld [tilespmem:s21+$0x1040];
	_ =	sdelay $0x4  }
0x43: {  	vm15 =	vgt.f32 v6, $0.0e+00  }
0x44: {  	v6 =	vshra.s32 v6, $0x13;
	_ =	sdelay $0x4  }
0x45: {  	[tilespmem:v6+s11+$0x0] =	vst.idx.add.s32.msk vm15, v1  }
0x46: {  	v6 =	vld [tilespmem:s21+$0x1400];
	_ =	sdelay $0x4  }
0x47: {  	vm4 =	vgt.f32 v6, $0.0e+00  }
0x48: {  	v6 =	vshra.s32 v6, $0x13;
	_ =	sdelay $0x4  }
0x49: {  	[tilespmem:v6+s11+$0x0] =	vst.idx.add.s32.msk vm4, v1  }
0x4a: {  	v6 =	vld [tilespmem:s21+$0x1440];
	_ =	sdelay $0x4  }
0x4b: {  	vm5 =	vgt.f32 v6, $0.0e+00  }
0x4c: {  	v6 =	vshra.s32 v6, $0x13;
	_ =	sdelay $0x4  }
0x4d: {  	[tilespmem:v6+s11+$0x0] =	vst.idx.add.s32.msk vm5, v1  }
0x4e: {  	v6 =	vld [tilespmem:s21+$0x1800];
	_ =	sdelay $0x4  }
0x4f: {  	vm6 =	vgt.f32 v6, $0.0e+00  }
0x50: {  	v6 =	vshra.s32 v6, $0x13;
	_ =	sdelay $0x4  }
0x51: {  	[tilespmem:v6+s11+$0x0] =	vst.idx.add.s32.msk vm6, v1  }
0x52: {  	v6 =	vld [tilespmem:s21+$0x1840];
	_ =	sdelay $0x4  }
0x53: {  	vm7 =	vgt.f32 v6, $0.0e+00  }
0x54: {  	v6 =	vshra.s32 v6, $0x13;
	_ =	sdelay $0x4  }
0x55: {  	[tilespmem:v6+s11+$0x0] =	vst.idx.add.s32.msk vm7, v1  }
0x56: {  	v6 =	vld [tilespmem:s21+$0x1C00];
	_ =	sdelay $0x4  }
0x57: {  	vm8 =	vgt.f32 v6, $0.0e+00  }
0x58: {  	v6 =	vshra.s32 v6, $0x13;
	_ =	sdelay $0x4  }
0x59: {  	[tilespmem:v6+s11+$0x0] =	vst.idx.add.s32.msk vm8, v1  }
0x5a: {  	v6 =	vld [tilespmem:s21+$0x1C40];
	_ =	sdelay $0x4  }
0x5b: {  	vm9 =	vgt.f32 v6, $0.0e+00  }
0x5c: {  	v6 =	vshra.s32 v6, $0x13;
	_ =	sdelay $0x4  }
0x5d: {  	[tilespmem:v6+s11+$0x0] =	vst.idx.add.s32.msk vm9, v1  }
0x5e: {  	v6 =	vld [tilespmem:s21+$0x2000];
	_ =	sdelay $0x4  }
0x5f: {  	vm10 =	vgt.f32 v6, $0.0e+00  }
0x60: {  	v6 =	vshra.s32 v6, $0x13;
	_ =	sdelay $0x4  }
0x61: {  	[tilespmem:v6+s11+$0x0] =	vst.idx.add.s32.msk vm10, v1  }
0x62: {  	v6 =	vld [tilespmem:s21+$0x2040];
	_ =	sdelay $0x4  }
0x63: {  	vm11 =	vgt.f32 v6, $0.0e+00  }
0x64: {  	v6 =	vshra.s32 v6, $0x13;
	_ =	sdelay $0x4  }
0x65: {  	[tilespmem:v6+s11+$0x0] =	vst.idx.add.s32.msk vm11, v1  }
0x66: {  	v6 =	vld [tilespmem:s21+$0x2400];
	_ =	sdelay $0x4  }
0x67: {  	vm12 =	vgt.f32 v6, $0.0e+00  }
0x68: {  	v6 =	vshra.s32 v6, $0x13;
	_ =	sdelay $0x4  }
0x69: {  	[tilespmem:v6+s11+$0x0] =	vst.idx.add.s32.msk vm12, v1  }
0x6a: {  	v6 =	vld [tilespmem:s21+$0x2440];
	_ =	sdelay $0x4  }
0x6b: {  	vm13 =	vgt.f32 v6, $0.0e+00  }
0x6c: {  	v6 =	vshra.s32 v6, $0x13;
	_ =	sdelay $0x4  }
0x6d: {  	[tilespmem:v6+s11+$0x0] =	vst.idx.add.s32.msk vm13, v1  }
0x6e: {  	v6 =	vld [tilespmem:s21+$0x2800];
	_ =	sdelay $0x4  }
0x6f: {  	vm14 =	vgt.f32 v6, $0.0e+00  }
0x70: {  	v6 =	vshra.s32 v6, $0x13;
	_ =	sdelay $0x4  }
0x71: {  	[tilespmem:v6+s11+$0x0] =	vst.idx.add.s32.msk vm14, v1  }
0x72: {  	v6 =	vld [tilespmem:s21+$0x2840];
	_ =	sdelay $0x4  }
0x73: {  	vm15 =	vgt.f32 v6, $0.0e+00  }
0x74: {  	v6 =	vshra.s32 v6, $0x13;
	_ =	sdelay $0x4  }
0x75: {  	[tilespmem:v6+s11+$0x0] =	vst.idx.add.s32.msk vm15, v1  }
0x76: {  	v6 =	vld [tilespmem:s21+$0x2C00];
	_ =	sdelay $0x4  }
0x77: {  	vm4 =	vgt.f32 v6, $0.0e+00  }
0x78: {  	v6 =	vshra.s32 v6, $0x13;
	_ =	sdelay $0x4  }
0x79: {  	[tilespmem:v6+s11+$0x0] =	vst.idx.add.s32.msk vm4, v1  }
0x7a: {  	v6 =	vld [tilespmem:s21+$0x2C40];
	_ =	sdelay $0x4  }
0x7b: {  	vm5 =	vgt.f32 v6, $0.0e+00  }
0x7c: {  	v6 =	vshra.s32 v6, $0x13;
	_ =	sdelay $0x4  }
0x7d: {  	[tilespmem:v6+s11+$0x0] =	vst.idx.add.s32.msk vm5, v1  }
0x7e: {  	v6 =	vld [tilespmem:s21+$0x3000];
	_ =	sdelay $0x4  }
0x7f: {  	vm6 =	vgt.f32 v6, $0.0e+00  }
0x80: {  	v6 =	vshra.s32 v6, $0x13;
	_ =	sdelay $0x4  }
0x81: {  	[tilespmem:v6+s11+$0x0] =	vst.idx.add.s32.msk vm6, v1  }
0x82: {  	v6 =	vld [tilespmem:s21+$0x3040];
	_ =	sdelay $0x4  }
0x83: {  	vm7 =	vgt.f32 v6, $0.0e+00  }
0x84: {  	v6 =	vshra.s32 v6, $0x13;
	_ =	sdelay $0x4  }
0x85: {  	[tilespmem:v6+s11+$0x0] =	vst.idx.add.s32.msk vm7, v1  }
0x86: {  	v6 =	vld [tilespmem:s21+$0x3400];
	_ =	sdelay $0x4  }
0x87: {  	vm8 =	vgt.f32 v6, $0.0e+00  }
0x88: {  	v6 =	vshra.s32 v6, $0x13;
	_ =	sdelay $0x4  }
0x89: {  	[tilespmem:v6+s11+$0x0] =	vst.idx.add.s32.msk vm8, v1  }
0x8a: {  	v6 =	vld [tilespmem:s21+$0x3440];
	_ =	sdelay $0x4  }
0x8b: {  	vm9 =	vgt.f32 v6, $0.0e+00  }
0x8c: {  	v6 =	vshra.s32 v6, $0x13;
	_ =	sdelay $0x4  }
0x8d: {  	[tilespmem:v6+s11+$0x0] =	vst.idx.add.s32.msk vm9, v1  }
0x8e: {  	v6 =	vld [tilespmem:s21+$0x3800];
	_ =	sdelay $0x4  }
0x8f: {  	vm10 =	vgt.f32 v6, $0.0e+00  }
0x90: {  	v6 =	vshra.s32 v6, $0x13;
	_ =	sdelay $0x4  }
0x91: {  	[tilespmem:v6+s11+$0x0] =	vst.idx.add.s32.msk vm10, v1  }
0x92: {  	v6 =	vld [tilespmem:s21+$0x3840];
	_ =	sdelay $0x4  }
0x93: {  	vm11 =	vgt.f32 v6, $0.0e+00  }
0x94: {  	v6 =	vshra.s32 v6, $0x13;
	_ =	sdelay $0x4  }
0x95: {  	[tilespmem:v6+s11+$0x0] =	vst.idx.add.s32.msk vm11, v1  }
0x96: {  	v6 =	vld [tilespmem:s21+$0x3C00];
	_ =	sdelay $0x4  }
0x97: {  	vm12 =	vgt.f32 v6, $0.0e+00  }
0x98: {  	v6 =	vshra.s32 v6, $0x13;
	_ =	sdelay $0x4  }
0x99: {  	[tilespmem:v6+s11+$0x0] =	vst.idx.add.s32.msk vm12, v1  }
0x9a: {  	v6 =	vld [tilespmem:s21+$0x3C40];
	_ =	sdelay $0x4  }
0x9b: {  	vm13 =	vgt.f32 v6, $0.0e+00  }
0x9c: {  	v6 =	vshra.s32 v6, $0x13;
	_ =	sdelay $0x4  }
0x9d: {  	[tilespmem:v6+s11+$0x0] =	vst.idx.add.s32.msk vm13, v1  }
0x9e: {  	v6 =	vld [tilespmem:s21+$0x4000];
	_ =	sdelay $0x4  }
0x9f: {  	vm14 =	vgt.f32 v6, $0.0e+00  }
0xa0: {  	v6 =	vshra.s32 v6, $0x13;
	_ =	sdelay $0x4  }
0xa1: {  	[tilespmem:v6+s11+$0x0] =	vst.idx.add.s32.msk vm14, v1  }
0xa2: {  	v6 =	vld [tilespmem:s21+$0x4040];
	_ =	sdelay $0x4  }
0xa3: {  	vm15 =	vgt.f32 v6, $0.0e+00  }
0xa4: {  	p0 =	sne.s32 s20, $0xFFFFFE00;
	v6 =	vshra.s32 v6, $0x13  }
.Ltmp1:
0xa5: {  	_ = 	snop;
	(pc) =	sbr.rel @p0 .LBB2_5-.Ltmp1, $2  }
0xa6: {  	_ =	sdelay $0x2  }
0xa7: {  	s20 =	sadd.s32 $0x200, s20;
	[tilespmem:v6+s11+$0x0] =	vst.idx.add.s32.msk vm15, v1  }
0xa8: {  	s19 =	sadd.s32 $0x1, s19  }
0xa9: {  	p0 =	sne.s32 s19, $0xF  }
.Ltmp2:
0xaa: {  	_ = 	snop;
	(pc) =	sbr.rel @p0 .LBB2_4-.Ltmp2, $1  }
0xab: {  	_ =	sdelay $0x3  }
0xac: {  	s0 =	simm.s32 $0x10FF0  }
0xad: {  	v6 =	vld [tilespmem:s0+$0x0];
	_ =	sdelay $0x1  }
0xae: {  	s17 =	simm.s32 $0x10FE0  }
0xaf: {  	v7 =	vld [tilespmem:s17+$0x0];
	_ =	sdelay $0x1  }
0xb0: {  	(xrf0) =	vadd.scan.msk.s32 $0xffff, v6;
	_ =	sdelay $0x2  }
0xb1: {  	(xrf0) =	vadd.scan.msk.s32 $0xffff, v7;
	_ =	sdelay $0x2  }
0xb2: {  	v8, _, _ =	vpop (xrf0)  }
0xb3: {  	s19 =	simm.s32 $0x10FD0;
	(v2sf) =	vpush v8, $0xF  }
0xb4: {  	s20 =	simm.s32 $0x10FC0;
	v9 =	vld [tilespmem:s19+$0x0]  }
0xb5: {  	v11 =	vld [tilespmem:s20+$0x0];
	v10, _, _ =	vpop (xrf0)  }
0xb6: {  	(v2sf) =	vpush v10, $0xF;
	_ =	sdelay $0x2  }
0xb7: {  	(xrf0) =	vadd.scan.msk.s32 $0xffff, v9;
	v12 =	vbroadcast v8, $0xF  }
0xb8: {  	(xrf0) =	vadd.scan.msk.s32 $0xffff, v11  }
0xb9: {  	s20 =	simm.s32 $0x0;
	v8 =	vsub.s32 v12, v8  }
0xba: {  	v8 =	vadd.s32 s20, v8  }
0xbb: {  	v6 =	vadd.s32 v6, v8  }
0xbc: {  	s21 =	simm.s32 $0x10FB0;
	vm0 =	vlt.s32 v8, $0x180;
	vm1 =	vgt.s32 v6, $0x17F  }
0xbd: {  	v13, _, _ =	vpop (xrf0);
	v12 =	vld [tilespmem:s21+$0x0];
	vm0 =	vmand vm0, vm1  }
0xbe: {  	(v2sf) =	vpush v13, $0xF;
	v8, _, _ =	vpop (xrf0);
	v6 =	vsel vm0, $0x1, v0  }
0xbf: {  	(v2sf) =	vpush v8, $0xF;
	(xrf0) =	vadd.scan.msk.s32 $0xffff, v6;
	v6 =	vbroadcast v10, $0xF  }
0xc0: {  	s22 =	spop (v2sf)  }
0xc1: {  	v6 =	vsub.s32 v6, v10;
	s0 =	sadd.s32 $0x0, s22  }
0xc2: {  	s1 =	simm.s32 $0x10FA0;
	(xrf0) =	vadd.scan.msk.s32 $0xffff, v12;
	v10 =	vbroadcast v13, $0xF;
	v14 =	vadd.s32 s0, v6  }
0xc3: {  	s23 =	spop (v2sf);
	v6 =	vld [tilespmem:s1+$0x0];
	v7 =	vadd.s32 v7, v14  }
0xc4: {  	v10 =	vsub.s32 v10, v13;
	s0 =	sadd.s32 s0, s23;
	vm8 =	vlt.s32 v14, $0x180;
	vm9 =	vgt.s32 v7, $0x17F  }
0xc5: {  	v13 =	vnsel vm0, $0x0, v2;
	v10 =	vadd.s32 s0, v10;
	vm0 =	vmand vm8, vm9  }
0xc6: {  	s24 =	simm.s32 $0x10F90;
	(xrf0) =	vadd.scan.msk.s32 $0xffff, v13;
	v9 =	vadd.s32 v9, v10;
	v7, _, _ =	vpop (xrf0);
	v13 =	vsel vm0, $0x1, v0  }
0xc7: {  	vm10 =	vlt.s32 v10, $0x180;
	vm2 =	vgt.s32 v9, $0x17F;
	(v2sf) =	vpush v7, $0xF;
	v7 =	vld [tilespmem:s24+$0x0];
	(xrf0) =	vadd.scan.msk.s32 $0xffff, v13  }
0xc8: {  	v9 =	vnsel vm0, $0x0, v2;
	vm11 =	vmand vm10, vm2;
	v14, _, _ =	vpop (xrf0);
	(xrf0) =	vadd.scan.msk.s32 $0xffff, v6  }
0xc9: {  	(xrf0) =	vadd.scan.msk.s32 $0xffff, v9;
	v9 =	vsel vm11, $0x1, v0;
	_ =	sdelay $0x1  }
0xca: {  	v10 =	vbroadcast v8, $0xF;
	(xrf0) =	vadd.scan.msk.s32 $0xffff, v9  }
0xcb: {  	v13 =	vnsel vm11, $0x0, v2;
	(v2sf) =	vpush v14, $0xF;
	(xrf0) =	vadd.scan.msk.s32 $0xffff, v7;
	v9, _, _ =	vpop (xrf0)  }
0xcc: {  	s25 =	spop (v2sf);
	v8 =	vsub.s32 v10, v8;
	v10 =	vbroadcast v14, $0xF;
	(v2sf) =	vpush v9, $0xF;
	v9, _, _ =	vpop (xrf0);
	(xrf0) =	vadd.scan.msk.s32 $0xffff, v13  }
0xcd: {  	s0 =	sadd.s32 s0, s25;
	s31 =	spop (v2sf)  }
0xce: {  	v15 =	vadd.s32 s0, v8;
	s30 =	sadd.s32 s0, s31;
	v10 =	vsub.s32 v10, v14;
	v13, _, _ =	vpop (xrf0);
	(v2sf) =	vpush v9, $0xF  }
0xcf: {  	v10 =	vadd.s32 s30, v10;
	v9 =	vadd.s32 v11, v15;
	(v2sf) =	vpush v13, $0xF;
	v11, _, _ =	vpop (xrf0)  }
0xd0: {  	(v2sf) =	vpush v11, $0xF;
	v11, _, _ =	vpop (xrf0)  }
0xd1: {  	(v2sf) =	vpush v11, $0xF;
	v16, _, _ =	vpop (xrf0)  }
0xd2: {  	s26 =	simm.s32 $0x10F80;
	v12 =	vadd.s32 v12, v10;
	vm14 =	vlt.s32 v10, $0x180;
	(v2sf) =	vpush v16, $0xF;
	v10, _, _ =	vpop (xrf0)  }
0xd3: {  	v8 =	vld [tilespmem:s26+$0x0];
	(v2sf) =	vpush v10, $0xF  }
0xd4: {  	vm12 =	vlt.s32 v15, $0x180;
	vm13 =	vgt.s32 v9, $0x17F  }
0xd5: {  	vm0 =	vmand vm12, vm13  }
0xd6: {  	v14 =	vsel vm0, $0x1, v0  }
0xd7: {  	s29 =	simm.s32 $0xFF0;
	s28 =	simm.s32 $0xFE0;
	v9 =	vbroadcast v13, $0xF;
	(xrf0) =	vadd.scan.msk.s32 $0xffff, v14  }
0xd8: {  	s19 =	simm.s32 $0xF80;
	s21 =	simm.s32 $0xF70;
	s0 =	simm.s32 $0x10F70;
	v15 =	vnsel vm0, $0x0, v2;
	(xrf0) =	vadd.scan.msk.s32 $0xffff, v8  }
0xd9: {  	s22 =	simm.s32 $0xFA0;
	s23 =	simm.s32 $0xF90;
	s1 =	simm.s32 $0xF60;
	vm15 =	vgt.s32 v12, $0x17F;
	v12 =	vsub.s32 v9, v13;
	v9 =	vld [tilespmem:s0+$0x0];
	v11 =	vbroadcast v16, $0xF;
	(xrf0) =	vadd.scan.msk.s32 $0xffff, v15  }
0xda: {  	s25 =	simm.s32 $0xFB0;
	s26 =	simm.s32 $0xFD0;
	vm0 =	vmand vm14, vm15;
	s6 =	spop (v2sf)  }
0xdb: {  	s24 =	simm.s32 $0xFC0;
	v13 =	vsel vm0, $0x1, v0;
	v10 =	vsub.s32 v11, v16;
	v11 =	vnsel vm0, $0x0, v2;
	s16 =	spop (v2sf);
	p0 =	sgt.s32 s6, $0x0  }
.LBB2_8:
0xdc: {  	p1 =	sne.s32 s1, $0x0;
	s30 =	sadd.s32 s30, s16;
	s6 =	spop (v2sf)  }
0xdd: {  	(xrf0) =	vadd.scan.msk.s32 $0xffff, v13;
	v13, _, _ =	vpop (xrf0);
	s31 =	smov.u32 s19;
	s19 =	smov.u32 s21;
	s21 =	smov.u32 s1  }
.Ltmp3:
0xde: {  	s0 =	sadd.s32 $0xFFFFFFF0, s0;
	(xrf0) =	vadd.scan.msk.s32 $0xffff, v9;
	v14, _, _ =	vpop (xrf0);
	v12 =	vadd.s32 s30, v12;
	(v2sf) =	vpush v13, $0xF;
	s6 =	sadd.s32 s29, s6;
	v13 =	vmov v9;
	(pc) =	sbr.rel @p1 .LBB2_8-.Ltmp3, $4  }
0xdf: {  	s1 =	sadd.s32 $0xFFFFFFF0, s1;
	s29 =	smov.u32 s28;
	v9 =	vld [tilespmem:s0+$0x0];
	v15 =	vbroadcast v14, $0xF;
	(v2sf) =	vpush v14, $0xF;
	v16 =	vadd.s32 v6, v12;
	(xrf0) =	vadd.scan.msk.s32 $0xffff, v11;
	v11, _, _ =	vpop (xrf0);
	s20 =	smov.u32 @p0 s6  }
0xe0: {  	s28 =	smov.u32 s26;
	s26 =	smov.u32 s24;
	s24 =	smov.u32 s25;
	vm0 =	vlt.s32 v12, $0x180;
	v6 =	vmovc v7;
	v7 =	vmovc v8;
	vm1 =	vgt.s32 v16, $0x17F;
	(v2sf) =	vpush v11, $0xF  }
0xe1: {  	s25 =	smov.u32 s22;
	s22 =	smov.u32 s23;
	v8 =	vmovc v13;
	vm0 =	vmand vm0, vm1;
	s6 =	spop (v2sf);
	v12 =	vmov v10;
	v10 =	vsub.s32 v15, v14  }
0xe2: {  	s23 =	smov.u32 s31;
	v13 =	vsel vm0, $0x1, v0;
	v11 =	vnsel vm0, $0x0, v2;
	s16 =	spop (v2sf);
	p0 =	sgt.s32 s6, $0x0  }
0xe3: {  	v14, _, _ =	vpop (xrf0)  }
0xe4: {  	v15, _, _ =	vpop (xrf0);
	(v2sf) =	vpush v14, $0xF  }
0xe5: {  	(v2sf) =	vpush v15, $0xF;
	_ =	sdelay $0x5  }
0xe6: {  	(xrf0) =	vadd.scan.msk.s32 $0xffff, v13  }
0xe7: {  	s1 =	spop (v2sf);
	s8 =	sadd.s32 s30, s16;
	(xrf0) =	vadd.scan.msk.s32 $0xffff, v9  }
0xe8: {  	s0 =	spop (v2sf);
	v12 =	vadd.s32 s8, v12  }
0xe9: {  	s7 =	spop (v2sf);
	v6 =	vadd.s32 v6, v12  }
0xea: {  	v16 =	vbroadcast v15, $0xF;
	vm0 =	vlt.s32 v12, $0x180;
	s6 =	spop (v2sf);
	s7 =	sadd.s32 s8, s7;
	vm1 =	vgt.s32 v6, $0x17F  }
0xeb: {  	v60, _, _ =	vpop (xrf0);
	v10 =	vadd.s32 s7, v10;
	vm0 =	vmand vm0, vm1;
	s31 =	spop (v2sf)  }
0xec: {  	v15 =	vsub.s32 v16, v15;
	v6 =	vadd.s32 v7, v10;
	v7 =	vsel vm0, $0x1, v0;
	v61, _, _ =	vpop (xrf0);
	s17 =	spop (v2sf)  }
0xed: {  	(xrf0) =	vadd.scan.msk.s32 $0xffff, v11;
	vm8 =	vlt.s32 v10, $0x180;
	vm2 =	vgt.s32 v6, $0x17F;
	v6 =	vnsel vm0, $0x0, v2;
	v17, _, _ =	vpop (xrf0);
	s30 =	spop (v2sf);
	s7 =	sadd.s32 s7, s17  }
0xee: {  	(xrf0) =	vadd.scan.msk.s32 $0xffff, v7;
	vm9 =	vmand vm8, vm2;
	v18 =	vbroadcast v17, $0xF;
	v15 =	vadd.s32 s7, v15;
	s16 =	spop (v2sf)  }
0xef: {  	(xrf0) =	vadd.scan.msk.s32 $0xffff, v6;
	v6 =	vsel vm9, $0x1, v0;
	v7 =	vadd.s32 v8, v15;
	s17 =	spop (v2sf)  }
0xf0: {  	v62 =	vsub.s32 v18, v17;
	vm10 =	vlt.s32 v15, $0x180;
	vm11 =	vgt.s32 v7, $0x17F;
	s7 =	sadd.s32 s7, s17  }
0xf1: {  	(xrf0) =	vadd.scan.msk.s32 $0xffff, v6;
	v7 =	vnsel vm9, $0x0, v2;
	vm12 =	vmand vm10, vm11;
	v16 =	vadd.s32 s7, v62  }
0xf2: {  	(xrf0) =	vadd.scan.msk.s32 $0xffff, v7;
	v7 =	vsel vm12, $0x1, v0;
	v6 =	vadd.s32 v9, v16  }
0xf3: {  	vm13 =	vlt.s32 v16, $0x180;
	vm14 =	vgt.s32 v6, $0x17F  }
0xf4: {  	(v2sf) =	vpush v60, $0xF;
	(xrf0) =	vadd.scan.msk.s32 $0xffff, v7;
	v6 =	vnsel vm12, $0x0, v2;
	vm15 =	vmand vm13, vm14  }
0xf5: {  	(v2sf) =	vpush v61, $0xF;
	v7, _, _ =	vpop (xrf0);
	(xrf0) =	vadd.scan.msk.s32 $0xffff, v6;
	v6 =	vsel vm15, $0x1, v0  }
0xf6: {  	(v2sf) =	vpush v17, $0xF  }
0xf7: {  	(v2sf) =	vpush v7, $0xF;
	v7, _, _ =	vpop (xrf0);
	v63 =	vnsel vm15, $0x0, v2;
	(xrf0) =	vadd.scan.msk.s32 $0xffff, v6  }
0xf8: {  	(v2sf) =	vpush v7, $0xF;
	v6, _, _ =	vpop (xrf0);
	(xrf0) =	vadd.scan.msk.s32 $0xffff, v63  }
0xf9: {  	v7, _, _ =	vpop (xrf0);
	(v2sf) =	vpush v6, $0xF  }
0xfa: {  	v6, _, _ =	vpop (xrf0);
	(v2sf) =	vpush v7, $0xF  }
0xfb: {  	(v2sf) =	vpush v6, $0xF;
	v6, _, _ =	vpop (xrf0)  }
0xfc: {  	(v2sf) =	vpush v6, $0xF;
	v6, _, _ =	vpop (xrf0)  }
0xfd: {  	(v2sf) =	vpush v6, $0xF;
	v6, _, _ =	vpop (xrf0)  }
0xfe: {  	(v2sf) =	vpush v6, $0xF;
	v6, _, _ =	vpop (xrf0)  }
0xff: {  	(v2sf) =	vpush v6, $0xF;
	_ =	sdelay $0x1  }
0x100: {  	s1 =	sadd.s32 s29, s1  }
0x101: {  	s20 =	smov.u32 @p0 s1;
	p0 =	sgt.s32 s0, $0x0;
	s0 =	sadd.s32 s28, s6  }
0x102: {  	s20 =	smov.u32 @p0 s0;
	s29 =	spop (v2sf)  }
0x103: {  	p0 =	sgt.s32 s31, $0x0;
	s6 =	sadd.s32 s26, s30;
	s31 =	spop (v2sf)  }
0x104: {  	s20 =	smov.u32 @p0 s6;
	s8 =	spop (v2sf)  }
0x105: {  	p0 =	sgt.s32 s16, $0x0;
	s0 =	sadd.s32 s24, s29;
	s16 =	spop (v2sf)  }
0x106: {  	s20 =	smov.u32 @p0 s0;
	s17 =	spop (v2sf)  }
0x107: {  	p0 =	sgt.s32 s31, $0x0;
	s1 =	sadd.s32 s25, s16;
	s24 =	spop (v2sf)  }
0x108: {  	s20 =	smov.u32 @p0 s1;
	s25 =	spop (v2sf)  }
0x109: {  	p0 =	sgt.s32 s17, $0x0;
	s0 =	sadd.s32 s22, s24;
	s26 =	spop (v2sf)  }
0x10a: {  	s20 =	smov.u32 @p0 s0;
	s28 =	spop (v2sf)  }
0x10b: {  	p0 =	sgt.s32 s25, $0x0;
	s1 =	sadd.s32 s23, s26;
	s29 =	spop (v2sf)  }
0x10c: {  	s20 =	smov.u32 @p0 s1;
	s30 =	spop (v2sf)  }
0x10d: {  	p0 =	sgt.s32 s28, $0x0;
	s0 =	sadd.s32 s19, s29;
	s31 =	spop (v2sf)  }
0x10e: {  	s20 =	smov.u32 @p0 s0;
	p0 =	sgt.s32 s30, $0x0;
	s0 =	sadd.s32 s21, s31  }
0x10f: {  	s1 =	simm.s32 $0x0;
	s20 =	smov.u32 @p0 s0;
	s0 =	simm.s32 $0x40  }
.LBB2_10:
0x110: {  	p0 =	sne.s32 s0, $0x1FFC0;
	[tilespmem:s1+$0x8000] =	vst v3;
	s1 =	smov.u32 s0;
	s0 =	sadd.s32 $0x40, s0  }
.Ltmp4:
0x111: {  	(pc) =	sbr.rel @p0 .LBB2_10-.Ltmp4, $2  }
0x112: {  	_ =	sdelay $0x2  }
0x113: {  	s1 =	sshra.s32 s1, $0x2  }
0x114: {  	[tilespmem:s1+$0x8000] =	vst v3;
	s19 =	simm.s32 $0x0;
	s0 =	sshll.u32 s20, $0x13  }
0x115: {  	[tilespmem:s19], [sflag:$0x1] =	stream.linear.gather [hbm4b:s4+s19], $0x4000, $0x38;
	[tilespmem:$0x11000] =	vst v63  }
0x116: {  	s31 =	rddreg [dreg:$0x3];
	v6 =	vmov s0  }
0x117: {  	v8 =	vimm.s32 $0x0;
	v6 =	vbroadcast v6, $0x0;
	[tilespmem:s12], [sflag:$0x2] =	stream.linear.gather [hbm4b:s31+s19], $0x4000, $0x38;
	[tilespmem:$0x11000] =	vst v63  }
.LBB2_12:
0x118: {  	_ =	swait.ge [sflag:s13], $0x4000  }
0x119: {  	[sflag:s13] =	ssyncset.done $0x0  }
0x11a: {  	s20 =	simm.s32 $0x40;
	s21 =	simm.s32 $0x0;
	[sflag:s13] =	ssyncadd.s32 $0xFFFFC000  }
.LBB2_13:
0x11b: {  	v7 =	vmov s20;
	_ =	sdelay $0x3  }
0x11c: {  	s0 =	simm.s32 $0x0  }
0x11d: {  	v16 =	vld.idx.msk [tilespmem:v7+s0+$0xFFFFFFC0 ss:$0x1], $0xffff  }
0x11e: {  	v17 =	vld.idx.msk [tilespmem:v7+s0+$0xFFFFFFD0 ss:$0x1], $0xffff  }
0x11f: {  	v20 =	vld.idx.msk [tilespmem:v7+s0+$0xFFFFFFE0 ss:$0x1], $0xffff  }
0x120: {  	v11 =	vld.idx.msk [tilespmem:v7+s0+$0xFFFFFFF0 ss:$0x1], $0xffff  }
0x121: {  	vm0 =	vlt.s32 v8, $0x7F7;
	v9 =	vld.idx.msk [tilespmem:v7+s0+$0x0 ss:$0x1], $0xffff  }
0x122: {  	v19 =	vnsel vm0, $0x7F7, v8;
	v10 =	vld.idx.msk [tilespmem:v7+s0+$0x10 ss:$0x1], $0xffff;
	vm3 =	vge.f32 v16, v6  }
0x123: {  	v18 =	vadd.s32 v4, v19;
	v12 =	vld.idx.msk [tilespmem:v7+s0+$0x20 ss:$0x1], $0xffff;
	vm5 =	vge.f32 v17, v6;
	v14 =	vsel vm3, $0x1, v0  }
0x124: {  	v13 =	vld.idx.msk [tilespmem:v7+s0+$0x30 ss:$0x1], $0xffff;
	vm6 =	vge.f32 v20, v6;
	v15 =	vsel vm5, $0x1, v0;
	v21 =	vadd.s32 v14, v18  }
0x125: {  	vm0 =	vge.f32 v11, v6;
	v14 =	vsel vm6, $0x1, v0;
	v22 =	vadd.s32 v15, v21  }
0x126: {  	vm1 =	vge.f32 v9, v6;
	v15 =	vsel vm0, $0x1, v0;
	v14 =	vadd.s32 v14, v22  }
0x127: {  	vm2 =	vge.f32 v10, v6;
	v23 =	vsel vm1, $0x1, v0;
	v15 =	vadd.s32 v15, v14  }
0x128: {  	[tilespmem:v18+s14+$0x0] =	vst.idx.msk vm3, v16;
	v18 =	vsel vm2, $0x1, v0;
	vm3 =	vge.f32 v12, v6;
	v16 =	vadd.s32 v23, v15  }
0x129: {  	vm4 =	vge.f32 v13, v6;
	v63 =	vsel vm3, $0x1, v0;
	[tilespmem:v21+s14+$0x0] =	vst.idx.msk vm5, v17;
	v18 =	vadd.s32 v18, v16  }
0x12a: {  	s22 =	simm.s32 $0x1000;
	v8 =	vsub.s32 v8, v19;
	s0 =	simm.s32 $0x2000;
	v19 =	vsel vm4, $0x1, v0;
	[tilespmem:v22+s14+$0x0] =	vst.idx.msk vm6, v20;
	v17 =	vadd.s32 v63, v18  }
.LBB2_14:
0x12b: {  	p0 =	sne.s32 s0, $0xF000  }
0x12c: {  	s1 =	sshra.s32 s22, $0x2;
	[tilespmem:v14+s14+$0x0] =	vst.idx.msk vm0, v11;
	s22 =	smov.u32 s0;
	s0 =	sadd.s32 $0x1000, s0  }
0x12d: {  	v8 =	vadd.s32 v19, v8;
	[tilespmem:v15+s14+$0x0] =	vst.idx.msk vm1, v9  }
0x12e: {  	v8 =	vadd.s32 v17, v8;
	[tilespmem:v16+s14+$0x0] =	vst.idx.msk vm2, v10  }
0x12f: {  	v8 =	vadd.s32 v5, v8;
	[tilespmem:v18+s14+$0x0] =	vst.idx.msk vm3, v12  }
0x130: {  	vm0 =	vlt.s32 v8, $0x7F7;
	[tilespmem:v17+s14+$0x0] =	vst.idx.msk vm4, v13  }
0x131: {  	v14 =	vnsel vm0, $0x7F7, v8;
	v16 =	vld.idx.msk [tilespmem:v7+s1+$0xFFFFFFC0 ss:$0x1], $0xffff  }
0x132: {  	v8 =	vsub.s32 v8, v14;
	v17 =	vld.idx.msk [tilespmem:v7+s1+$0xFFFFFFD0 ss:$0x1], $0xffff  }
0x133: {  	v20 =	vld.idx.msk [tilespmem:v7+s1+$0xFFFFFFE0 ss:$0x1], $0xffff  }
0x134: {  	v11 =	vld.idx.msk [tilespmem:v7+s1+$0xFFFFFFF0 ss:$0x1], $0xffff  }
0x135: {  	v9 =	vld.idx.msk [tilespmem:v7+s1+$0x0 ss:$0x1], $0xffff  }
0x136: {  	v10 =	vld.idx.msk [tilespmem:v7+s1+$0x10 ss:$0x1], $0xffff  }
0x137: {  	vm4 =	vge.f32 v16, v6;
	v12 =	vld.idx.msk [tilespmem:v7+s1+$0x20 ss:$0x1], $0xffff  }
0x138: {  	v18 =	vadd.s32 v4, v14;
	v15 =	vsel vm4, $0x1, v0;
	vm5 =	vge.f32 v17, v6;
	v13 =	vld.idx.msk [tilespmem:v7+s1+$0x30 ss:$0x1], $0xffff  }
0x139: {  	v14 =	vsel vm5, $0x1, v0;
	vm6 =	vge.f32 v20, v6;
	v19 =	vadd.s32 v15, v18  }
0x13a: {  	v15 =	vsel vm6, $0x1, v0;
	vm0 =	vge.f32 v11, v6;
	v21 =	vadd.s32 v14, v19  }
.Ltmp5:
0x13b: {  	v22 =	vsel vm0, $0x1, v0;
	vm1 =	vge.f32 v9, v6;
	v14 =	vadd.s32 v15, v21;
	(pc) =	sbr.rel @p0 .LBB2_14-.Ltmp5, $4  }
0x13c: {  	v23 =	vsel vm1, $0x1, v0;
	vm2 =	vge.f32 v10, v6;
	v15 =	vadd.s32 v22, v14  }
0x13d: {  	v22 =	vsel vm2, $0x1, v0;
	vm3 =	vge.f32 v12, v6;
	[tilespmem:v18+s14+$0x0] =	vst.idx.msk vm4, v16;
	v16 =	vadd.s32 v23, v15  }
0x13e: {  	v23 =	vsel vm3, $0x1, v0;
	vm4 =	vge.f32 v13, v6;
	[tilespmem:v19+s14+$0x0] =	vst.idx.msk vm5, v17;
	v18 =	vadd.s32 v22, v16  }
0x13f: {  	v19 =	vsel vm4, $0x1, v0;
	[tilespmem:v21+s14+$0x0] =	vst.idx.msk vm6, v20;
	v17 =	vadd.s32 v23, v18  }
0x140: {  	_ =	sdelay $0x4  }
0x141: {  	[tilespmem:v14+s14+$0x0] =	vst.idx.msk vm0, v11  }
0x142: {  	[tilespmem:v15+s14+$0x0] =	vst.idx.msk vm1, v9  }
0x143: {  	[tilespmem:v16+s14+$0x0] =	vst.idx.msk vm2, v10  }
0x144: {  	[tilespmem:v18+s14+$0x0] =	vst.idx.msk vm3, v12  }
0x145: {  	s0 =	sshra.s32 s22, $0x2;
	[tilespmem:v17+s14+$0x0] =	vst.idx.msk vm4, v13  }
0x146: {  	v9 =	vld.idx.msk [tilespmem:v7+s0+$0xFFFFFFC0 ss:$0x1], $0xffff  }
0x147: {  	v8 =	vadd.s32 v19, v8;
	v10 =	vld.idx.msk [tilespmem:v7+s0+$0xFFFFFFD0 ss:$0x1], $0xffff  }
0x148: {  	v8 =	vadd.s32 v17, v8;
	v11 =	vld.idx.msk [tilespmem:v7+s0+$0xFFFFFFE0 ss:$0x1], $0xffff  }
0x149: {  	v8 =	vadd.s32 v5, v8;
	v12 =	vld.idx.msk [tilespmem:v7+s0+$0xFFFFFFF0 ss:$0x1], $0xffff  }
0x14a: {  	vm9 =	vlt.s32 v8, $0x7F7;
	v13 =	vld.idx.msk [tilespmem:v7+s0+$0x0 ss:$0x1], $0xffff  }
0x14b: {  	v58 =	vnsel vm9, $0x7F7, v8;
	v15 =	vld.idx.msk [tilespmem:v7+s0+$0x10 ss:$0x1], $0xffff;
	vm10 =	vge.f32 v9, v6  }
0x14c: {  	v16 =	vld.idx.msk [tilespmem:v7+s0+$0x20 ss:$0x1], $0xffff;
	v60 =	vadd.s32 v4, v58;
	vm11 =	vge.f32 v10, v6;
	v59 =	vsel vm10, $0x1, v0  }
0x14d: {  	v7 =	vld.idx.msk [tilespmem:v7+s0+$0x30 ss:$0x1], $0xffff;
	vm12 =	vge.f32 v11, v6;
	v61 =	vsel vm11, $0x1, v0;
	v17 =	vadd.s32 v59, v60  }
0x14e: {  	vm13 =	vge.f32 v12, v6;
	v20 =	vsel vm12, $0x1, v0;
	v19 =	vadd.s32 v61, v17  }
0x14f: {  	vm14 =	vge.f32 v13, v6;
	v21 =	vsel vm13, $0x1, v0;
	v20 =	vadd.s32 v20, v19  }
0x150: {  	vm5 =	vge.f32 v15, v6;
	v22 =	vsel vm14, $0x1, v0;
	v21 =	vadd.s32 v21, v20  }
0x151: {  	vm15 =	vge.f32 v16, v6;
	[tilespmem:v60+s14+$0x0] =	vst.idx.msk vm10, v9;
	v9 =	vsel vm5, $0x1, v0;
	v62 =	vadd.s32 v22, v21  }
0x152: {  	s21 =	sadd.s32 $0x1, s21;
	vm6 =	vge.f32 v7, v6;
	v63 =	vsel vm15, $0x1, v0;
	[tilespmem:v17+s14+$0x0] =	vst.idx.msk vm11, v10;
	v9 =	vadd.s32 v9, v62  }
0x153: {  	p0 =	sne.s32 s21, $0x8;
	[tilespmem:v19+s14+$0x0] =	vst.idx.msk vm12, v11;
	v10 =	vadd.s32 v63, v9  }
.Ltmp6:
0x154: {  	[tilespmem:v20+s14+$0x0] =	vst.idx.msk vm13, v12;
	(pc) =	sbr.rel @p0 .LBB2_13-.Ltmp6, $4  }
0x155: {  	v8 =	vsub.s32 v8, v58;
	v11 =	vsel vm6, $0x1, v0;
	[tilespmem:v21+s14+$0x0] =	vst.idx.msk vm14, v13  }
0x156: {  	v8 =	vadd.s32 v11, v8;
	[tilespmem:v62+s14+$0x0] =	vst.idx.msk vm5, v15  }
0x157: {  	v8 =	vadd.s32 v10, v8;
	[tilespmem:v9+s14+$0x0] =	vst.idx.msk vm15, v16  }
0x158: {  	s20 =	sadd.s32 $0x80, s20;
	v8 =	vadd.s32 v5, v8;
	[tilespmem:v10+s14+$0x0] =	vst.idx.msk vm6, v7  }
0x159: {  	s20 =	sshll.u32 s19, $0x1;
	p0 =	seq.s32 s19, $0x3B  }
0x15a: {  	s0 =	sadd.s32 @!p0 $0x2, s20  }
0x15b: {  	s1 =	smulhi.u32 @!p0 $0x88888889, s0;
	_ =	sdelay $0x1  }
0x15c: {  	s1 =	sshrl.u32 @!p0 s1, $0x3  }
0x15d: {  	s6 =	smul.u32 @!p0 $0xF, s1  }
0x15e: {  	s1 =	sadd.s32 @!p0 s5, s1  }
0x15f: {  	s1 =	smul.u32 @!p0 $0x3C000, s1;
	s0 =	ssub.s32 @!p0 s0, s6  }
0x160: {  	s0 =	sshll.u32 @!p0 s0, $0xE  }
0x161: {  	s0 =	sadd.s32 @!p0 s0, s1  }
0x162: {  	s0 =	sshrl.u32 @!p0 s0, $0x3  }
0x163: {  	s1 =	simm.s32 @!p0 $0x0;
	s0 =	sadd.s32 @!p0 s3, s0  }
0x164: {  	[tilespmem:s1], [sflag:$0x1] =	stream.linear.gather @!p0 [hbm4b:s0+s1], $0x4000, $0x38;
	[tilespmem:$0x11000] =	vst v63  }
0x165: {  	_ =	swait.ge [sflag:s15], $0x4000  }
0x166: {  	[sflag:s15] =	ssyncset.done $0x0  }
0x167: {  	s21 =	simm.s32 $0x0;
	s22 =	simm.s32 $0x4040;
	[sflag:s15] =	ssyncadd.s32 $0xFFFFC000  }
.LBB2_17:
0x168: {  	v7 =	vmov s22;
	_ =	sdelay $0x3  }
0x169: {  	s0 =	simm.s32 $0x0  }
0x16a: {  	v16 =	vld.idx.msk [tilespmem:v7+s0+$0xFFFFFFC0 ss:$0x1], $0xffff  }
0x16b: {  	v17 =	vld.idx.msk [tilespmem:v7+s0+$0xFFFFFFD0 ss:$0x1], $0xffff  }
0x16c: {  	v20 =	vld.idx.msk [tilespmem:v7+s0+$0xFFFFFFE0 ss:$0x1], $0xffff  }
0x16d: {  	v11 =	vld.idx.msk [tilespmem:v7+s0+$0xFFFFFFF0 ss:$0x1], $0xffff  }
0x16e: {  	vm0 =	vlt.s32 v8, $0x7F7;
	v9 =	vld.idx.msk [tilespmem:v7+s0+$0x0 ss:$0x1], $0xffff  }
0x16f: {  	v19 =	vnsel vm0, $0x7F7, v8;
	v10 =	vld.idx.msk [tilespmem:v7+s0+$0x10 ss:$0x1], $0xffff;
	vm3 =	vge.f32 v16, v6  }
0x170: {  	v18 =	vadd.s32 v4, v19;
	v12 =	vld.idx.msk [tilespmem:v7+s0+$0x20 ss:$0x1], $0xffff;
	vm5 =	vge.f32 v17, v6;
	v14 =	vsel vm3, $0x1, v0  }
0x171: {  	v13 =	vld.idx.msk [tilespmem:v7+s0+$0x30 ss:$0x1], $0xffff;
	vm6 =	vge.f32 v20, v6;
	v15 =	vsel vm5, $0x1, v0;
	v21 =	vadd.s32 v14, v18  }
0x172: {  	vm0 =	vge.f32 v11, v6;
	v14 =	vsel vm6, $0x1, v0;
	v22 =	vadd.s32 v15, v21  }
0x173: {  	vm1 =	vge.f32 v9, v6;
	v15 =	vsel vm0, $0x1, v0;
	v14 =	vadd.s32 v14, v22  }
0x174: {  	vm2 =	vge.f32 v10, v6;
	v23 =	vsel vm1, $0x1, v0;
	v15 =	vadd.s32 v15, v14  }
0x175: {  	[tilespmem:v18+s14+$0x0] =	vst.idx.msk vm3, v16;
	v18 =	vsel vm2, $0x1, v0;
	vm3 =	vge.f32 v12, v6;
	v16 =	vadd.s32 v23, v15  }
0x176: {  	vm4 =	vge.f32 v13, v6;
	v63 =	vsel vm3, $0x1, v0;
	[tilespmem:v21+s14+$0x0] =	vst.idx.msk vm5, v17;
	v18 =	vadd.s32 v18, v16  }
0x177: {  	s23 =	simm.s32 $0x1000;
	v8 =	vsub.s32 v8, v19;
	s0 =	simm.s32 $0x2000;
	v19 =	vsel vm4, $0x1, v0;
	[tilespmem:v22+s14+$0x0] =	vst.idx.msk vm6, v20;
	v17 =	vadd.s32 v63, v18  }
.LBB2_18:
0x178: {  	p1 =	sne.s32 s0, $0xF000  }
0x179: {  	s1 =	sshra.s32 s23, $0x2;
	[tilespmem:v14+s14+$0x0] =	vst.idx.msk vm0, v11;
	s23 =	smov.u32 s0;
	s0 =	sadd.s32 $0x1000, s0  }
0x17a: {  	v8 =	vadd.s32 v19, v8;
	[tilespmem:v15+s14+$0x0] =	vst.idx.msk vm1, v9  }
0x17b: {  	v8 =	vadd.s32 v17, v8;
	[tilespmem:v16+s14+$0x0] =	vst.idx.msk vm2, v10  }
0x17c: {  	v8 =	vadd.s32 v5, v8;
	[tilespmem:v18+s14+$0x0] =	vst.idx.msk vm3, v12  }
0x17d: {  	vm0 =	vlt.s32 v8, $0x7F7;
	[tilespmem:v17+s14+$0x0] =	vst.idx.msk vm4, v13  }
0x17e: {  	v14 =	vnsel vm0, $0x7F7, v8;
	v16 =	vld.idx.msk [tilespmem:v7+s1+$0xFFFFFFC0 ss:$0x1], $0xffff  }
0x17f: {  	v8 =	vsub.s32 v8, v14;
	v17 =	vld.idx.msk [tilespmem:v7+s1+$0xFFFFFFD0 ss:$0x1], $0xffff  }
0x180: {  	v20 =	vld.idx.msk [tilespmem:v7+s1+$0xFFFFFFE0 ss:$0x1], $0xffff  }
0x181: {  	v11 =	vld.idx.msk [tilespmem:v7+s1+$0xFFFFFFF0 ss:$0x1], $0xffff  }
0x182: {  	v9 =	vld.idx.msk [tilespmem:v7+s1+$0x0 ss:$0x1], $0xffff  }
0x183: {  	v10 =	vld.idx.msk [tilespmem:v7+s1+$0x10 ss:$0x1], $0xffff  }
0x184: {  	vm4 =	vge.f32 v16, v6;
	v12 =	vld.idx.msk [tilespmem:v7+s1+$0x20 ss:$0x1], $0xffff  }
0x185: {  	v18 =	vadd.s32 v4, v14;
	v15 =	vsel vm4, $0x1, v0;
	vm5 =	vge.f32 v17, v6;
	v13 =	vld.idx.msk [tilespmem:v7+s1+$0x30 ss:$0x1], $0xffff  }
0x186: {  	v14 =	vsel vm5, $0x1, v0;
	vm6 =	vge.f32 v20, v6;
	v19 =	vadd.s32 v15, v18  }
0x187: {  	v15 =	vsel vm6, $0x1, v0;
	vm0 =	vge.f32 v11, v6;
	v21 =	vadd.s32 v14, v19  }
.Ltmp7:
0x188: {  	v22 =	vsel vm0, $0x1, v0;
	vm1 =	vge.f32 v9, v6;
	v14 =	vadd.s32 v15, v21;
	(pc) =	sbr.rel @p1 .LBB2_18-.Ltmp7, $4  }
0x189: {  	v23 =	vsel vm1, $0x1, v0;
	vm2 =	vge.f32 v10, v6;
	v15 =	vadd.s32 v22, v14  }
0x18a: {  	v22 =	vsel vm2, $0x1, v0;
	vm3 =	vge.f32 v12, v6;
	[tilespmem:v18+s14+$0x0] =	vst.idx.msk vm4, v16;
	v16 =	vadd.s32 v23, v15  }
0x18b: {  	v23 =	vsel vm3, $0x1, v0;
	vm4 =	vge.f32 v13, v6;
	[tilespmem:v19+s14+$0x0] =	vst.idx.msk vm5, v17;
	v18 =	vadd.s32 v22, v16  }
0x18c: {  	v19 =	vsel vm4, $0x1, v0;
	[tilespmem:v21+s14+$0x0] =	vst.idx.msk vm6, v20;
	v17 =	vadd.s32 v23, v18  }
0x18d: {  	_ =	sdelay $0x4  }
0x18e: {  	[tilespmem:v14+s14+$0x0] =	vst.idx.msk vm0, v11  }
0x18f: {  	[tilespmem:v15+s14+$0x0] =	vst.idx.msk vm1, v9  }
0x190: {  	[tilespmem:v16+s14+$0x0] =	vst.idx.msk vm2, v10  }
0x191: {  	[tilespmem:v18+s14+$0x0] =	vst.idx.msk vm3, v12  }
0x192: {  	s0 =	sshra.s32 s23, $0x2;
	[tilespmem:v17+s14+$0x0] =	vst.idx.msk vm4, v13  }
0x193: {  	v9 =	vld.idx.msk [tilespmem:v7+s0+$0xFFFFFFC0 ss:$0x1], $0xffff  }
0x194: {  	v8 =	vadd.s32 v19, v8;
	v10 =	vld.idx.msk [tilespmem:v7+s0+$0xFFFFFFD0 ss:$0x1], $0xffff  }
0x195: {  	v8 =	vadd.s32 v17, v8;
	v11 =	vld.idx.msk [tilespmem:v7+s0+$0xFFFFFFE0 ss:$0x1], $0xffff  }
0x196: {  	v8 =	vadd.s32 v5, v8;
	v12 =	vld.idx.msk [tilespmem:v7+s0+$0xFFFFFFF0 ss:$0x1], $0xffff  }
0x197: {  	vm9 =	vlt.s32 v8, $0x7F7;
	v13 =	vld.idx.msk [tilespmem:v7+s0+$0x0 ss:$0x1], $0xffff  }
0x198: {  	v58 =	vnsel vm9, $0x7F7, v8;
	v15 =	vld.idx.msk [tilespmem:v7+s0+$0x10 ss:$0x1], $0xffff;
	vm10 =	vge.f32 v9, v6  }
0x199: {  	v16 =	vld.idx.msk [tilespmem:v7+s0+$0x20 ss:$0x1], $0xffff;
	v60 =	vadd.s32 v4, v58;
	vm11 =	vge.f32 v10, v6;
	v59 =	vsel vm10, $0x1, v0  }
0x19a: {  	v7 =	vld.idx.msk [tilespmem:v7+s0+$0x30 ss:$0x1], $0xffff;
	vm12 =	vge.f32 v11, v6;
	v61 =	vsel vm11, $0x1, v0;
	v17 =	vadd.s32 v59, v60  }
0x19b: {  	vm13 =	vge.f32 v12, v6;
	v20 =	vsel vm12, $0x1, v0;
	v19 =	vadd.s32 v61, v17  }
0x19c: {  	vm14 =	vge.f32 v13, v6;
	v21 =	vsel vm13, $0x1, v0;
	v20 =	vadd.s32 v20, v19  }
0x19d: {  	vm5 =	vge.f32 v15, v6;
	v22 =	vsel vm14, $0x1, v0;
	v21 =	vadd.s32 v21, v20  }
0x19e: {  	vm15 =	vge.f32 v16, v6;
	[tilespmem:v60+s14+$0x0] =	vst.idx.msk vm10, v9;
	v9 =	vsel vm5, $0x1, v0;
	v62 =	vadd.s32 v22, v21  }
0x19f: {  	s21 =	sadd.s32 $0x1, s21;
	vm6 =	vge.f32 v7, v6;
	v63 =	vsel vm15, $0x1, v0;
	[tilespmem:v17+s14+$0x0] =	vst.idx.msk vm11, v10;
	v9 =	vadd.s32 v9, v62  }
0x1a0: {  	p1 =	sne.s32 s21, $0x8;
	[tilespmem:v19+s14+$0x0] =	vst.idx.msk vm12, v11;
	v10 =	vadd.s32 v63, v9  }
.Ltmp8:
0x1a1: {  	[tilespmem:v20+s14+$0x0] =	vst.idx.msk vm13, v12;
	(pc) =	sbr.rel @p1 .LBB2_17-.Ltmp8, $4  }
0x1a2: {  	v8 =	vsub.s32 v8, v58;
	v11 =	vsel vm6, $0x1, v0;
	[tilespmem:v21+s14+$0x0] =	vst.idx.msk vm14, v13  }
0x1a3: {  	v8 =	vadd.s32 v11, v8;
	[tilespmem:v62+s14+$0x0] =	vst.idx.msk vm5, v15  }
0x1a4: {  	v8 =	vadd.s32 v10, v8;
	[tilespmem:v9+s14+$0x0] =	vst.idx.msk vm15, v16  }
0x1a5: {  	s22 =	sadd.s32 $0x80, s22;
	v8 =	vadd.s32 v5, v8;
	[tilespmem:v10+s14+$0x0] =	vst.idx.msk vm6, v7  }
.Ltmp9:
0x1a6: {  	(pc) =	sbr.rel @p0 .LBB2_22-.Ltmp9, $2  }
0x1a7: {  	_ =	sdelay $0x2  }
0x1a8: {  	s0 =	simm.s32 $0x0  }
0x1a9: {  	s0 =	sadd.s32 $0x3, s20  }
0x1aa: {  	s1 =	smulhi.u32 $0x88888889, s0;
	_ =	sdelay $0x1  }
0x1ab: {  	s1 =	sshrl.u32 s1, $0x3  }
0x1ac: {  	s6 =	smul.u32 $0xF, s1  }
0x1ad: {  	s1 =	sadd.s32 s5, s1  }
0x1ae: {  	s1 =	smul.u32 $0x3C000, s1;
	s0 =	ssub.s32 s0, s6  }
.Ltmp10:
0x1af: {  	s0 =	sshll.u32 s0, $0xE;
	(pc) =	sbr.rel .LBB2_12-.Ltmp10, $4  }
0x1b0: {  	s0 =	sadd.s32 s0, s1  }
0x1b1: {  	s0 =	sshrl.u32 s0, $0x3  }
0x1b2: {  	s19 =	sadd.s32 $0x1, s19;
	s0 =	sadd.s32 s3, s0  }
0x1b3: {  	[tilespmem:s12], [sflag:$0x2] =	stream.linear.gather [hbm4b:s0+s2], $0x4000, $0x38;
	[tilespmem:$0x11000] =	vst v63  }
.LBB2_22:
0x1b4: {  	s1 =	simm.s32 $0x40;
	s6 =	simm.s32 $0x0  }
.LBB2_23:
0x1b5: {  	p0 =	sne.s32 s1, $0x3FC0;
	[tilespmem:s6+$0x10000] =	vst v0;
	s6 =	smov.u32 s1;
	s1 =	sadd.s32 $0x40, s1  }
.Ltmp11:
0x1b6: {  	(pc) =	sbr.rel @p0 .LBB2_23-.Ltmp11, $2  }
0x1b7: {  	_ =	sdelay $0x2  }
0x1b8: {  	s6 =	sshra.s32 s6, $0x2  }
0x1b9: {  	[tilespmem:s6+$0x10000] =	vst v0  }
.LBB2_25:
0x1ba: {  	s1 =	sshra.s32 s0, $0x2  }
0x1bb: {  	v7 =	vld [tilespmem:s1+$0x8000];
	_ =	sdelay $0x4  }
0x1bc: {  	vm0 =	vge.f32 v7, v6  }
0x1bd: {  	v7 =	vshra.s32 v7, $0x13;
	_ =	sdelay $0x4  }
0x1be: {  	[tilespmem:v7+s11+$0x0] =	vst.idx.add.s32.msk vm0, v1  }
0x1bf: {  	v7 =	vld [tilespmem:s1+$0x8010];
	_ =	sdelay $0x4  }
0x1c0: {  	vm13 =	vge.f32 v7, v6  }
0x1c1: {  	v7 =	vshra.s32 v7, $0x13;
	_ =	sdelay $0x4  }
0x1c2: {  	[tilespmem:v7+s11+$0x0] =	vst.idx.add.s32.msk vm13, v1  }
0x1c3: {  	v7 =	vld [tilespmem:s1+$0x8020];
	_ =	sdelay $0x4  }
0x1c4: {  	vm14 =	vge.f32 v7, v6  }
0x1c5: {  	v7 =	vshra.s32 v7, $0x13;
	_ =	sdelay $0x4  }
0x1c6: {  	[tilespmem:v7+s11+$0x0] =	vst.idx.add.s32.msk vm14, v1  }
0x1c7: {  	v7 =	vld [tilespmem:s1+$0x8030];
	_ =	sdelay $0x4  }
0x1c8: {  	vm15 =	vge.f32 v7, v6  }
0x1c9: {  	p0 =	sne.s32 s0, $0x1FF00;
	v7 =	vshra.s32 v7, $0x13  }
.Ltmp12:
0x1ca: {  	_ = 	snop;
	(pc) =	sbr.rel @p0 .LBB2_25-.Ltmp12, $2  }
0x1cb: {  	_ =	sdelay $0x2  }
0x1cc: {  	s0 =	sadd.s32 $0x100, s0;
	[tilespmem:v7+s11+$0x0] =	vst.idx.add.s32.msk vm15, v1  }
0x1cd: {  	s0 =	rddreg [dreg:$0x4];
	s1 =	simm.s32 $0x80;
	s6 =	simm.s32 $0x400  }
0x1ce: {  	[hbm4b:s0+s1] =	stream.strided.scatter [tilespmem:s14], [sflag:$0x3], $0x8000, s6, s1, $0x38;
	[tilespmem:$0x11000] =	vst v63  }
0x1cf: {  	s18 =	sadd.s32 $0x1, s18;
	_ =	swait.ge [sflag:s10], $0x8000  }
0x1d0: {  	p0 =	sne.s32 s18, s9;
	[sflag:s10] =	ssyncset.done $0x0  }
.Ltmp13:
0x1d1: {  	s31 =	rddreg [dreg:$0x5];
	[sflag:s10] =	ssyncadd.s32 $0xFFFF8000;
	(pc) =	sbr.rel @p0 .LBB2_1-.Ltmp13, $4  }
0x1d2: {  	[hbm4b:s31+s1] =	stream.strided.scatter [tilespmem:s11], [sflag:$0x3], $0x1000, s6, s1, $0x38;
	[tilespmem:$0x11000] =	vst v63  }
0x1d3: {  	_ =	swait.ge [sflag:s10], $0x1000  }
0x1d4: {  	[sflag:s10] =	ssyncset.done $0x0  }
0x1d5: {  	[sflag:s10] =	ssyncadd.s32 $0xFFFFF000  }
0x1d6: {  	_ =	sfence.sel $0x180000  }
0x1d7: {  	[bflag:$0x0] =	sbarrier.arrive $0xFFFF  }
0x1d8: {  	_ =	strace $0x90000047  }
0x1d9: {  	s0 =	stileid.u32;
	[bflag:$0x2] =	sbarrier.arrive $0xFFFF  }
0x1da: {  	p0 =	sne.s32 s0, $0x0;
	s0 =	rddreg [dreg:$0x2]  }
0x1db: {  	s0 =	sadd.s32 @!p0 $0x100000, s0  }
0x1dc: {  	[sflag:s0] =	ssyncadd.tile.s32 @!p0 $0x1;
	_ =	shalt  }
.Lfunc_end2:
_tile_overlayer_lowered:
.L_overlay_start_2:
0x1dd: {  	(tag) =	ssettag $0x2  }
0x1de: {  	s0 =	rddreg [dreg:$0x0];
	s2 =	stileid.u32  }
0x1df: {  	s1 =	rddreg [dreg:$0x1];
	p0 =	sne.s32 s2, $0x0  }
0x1e0: {  	s3 =	rddreg [dreg:$0x2];
	[bflag:$0x3] =	sbarrier.arrive $0xFFFF;
	s2 =	simm.s32 @!p0 $0x1C03  }
0x1e1: {  	[timem:s3], [sflag:s2] =	dma.local @!p0 [hbm:s0], s1  }
0x1e2: {  	s0 =	simm.s32 @!p0 $0x3  }
0x1e3: {  	_ =	swait.ge @!p0 [sflag:s0], s1  }
0x1e4: {  	s1 =	ssub.s32 @!p0 $0x0, s1;
	[sflag:s0] =	ssyncset.done @!p0 $0x0  }
0x1e5: {  	[sflag:s0] =	ssyncadd.s32 @!p0 s1  }
0x1e6: {  	[bflag:$0x3] =	sbarrier.arrive $0xFFFF  }
0x1e7: {  	_ =	shalt  }

</sc_bundles>
